<compile_context>
chip_gen: v7x
topology: tpu7x:2x2x1
jax: 0.10.2.dev20260603
libtpu: 0.0.44.dev20260713+nightly
codegen_flags: <defaults>
</compile_context>

<pallas_src>
import functools

import jax
import jax.numpy as jnp
from jax import lax
from jax.experimental import pallas as pl
from jax.experimental.pallas import tpu as pltpu
from jax.experimental.pallas import tpu_sc as plsc

_N = 10000
_E = 20000
_G = 256
_LAT = 64
_NPAD = 10240
_EPAD = 20480
_GPAD = 512
_NCORE = 2
_NSUB = 16
_NW = _NCORE * _NSUB


def _sc_mesh():
    return plsc.VectorSubcoreMesh(core_axis_name="c", subcore_axis_name="s")


_SC_PARAMS = pltpu.CompilerParams(use_tc_tiling_on_sc=False)


def _sc_gather(table, idx2d, d):
    nrow_idx, cw = idx2d.shape
    ep = nrow_idx * cw
    bpw = ep // _NW
    nch = bpw // cw

    @functools.partial(
        pl.kernel,
        out_type=jax.ShapeDtypeStruct((ep, d), jnp.float32),
        mesh=_sc_mesh(),
        scratch_types=[
            pltpu.VMEM((nch, cw), jnp.int32),
            pltpu.VMEM((bpw, d), jnp.float32),
            pltpu.SemaphoreType.DMA,
        ],
        compiler_params=_SC_PARAMS,
    )
    def k(table_hbm, idx_hbm, out_hbm, idx_v, rows_v, sem):
        wid = lax.axis_index("s") * _NCORE + lax.axis_index("c")
        base = wid * bpw
        pltpu.sync_copy(idx_hbm.at[pl.ds(wid * nch, nch)], idx_v)
        hg = [
            pltpu.async_copy(table_hbm.at[idx_v.at[j]],
                             rows_v.at[pl.ds(j * cw, cw)], sem)
            for j in range(nch)
        ]
        for h in hg:
            h.wait()
        pltpu.sync_copy(rows_v, out_hbm.at[pl.ds(base, bpw)])

    return k(table, idx2d)


def _sc_scatter_add(rows, idx2d, zeros, nrows, d):
    nrow_idx, cw = idx2d.shape
    ep = nrow_idx * cw
    bpw = ep // _NW
    nch = bpw // cw
    rpt = nrows // _NSUB
    zch = zeros.shape[0]
    ndump = rpt // zch

    @functools.partial(
        pl.kernel,
        out_type=jax.ShapeDtypeStruct((_NCORE, nrows, d), jnp.float32),
        mesh=_sc_mesh(),
        scratch_types=[
            pltpu.VMEM((nch, cw), jnp.int32),
            pltpu.VMEM((2, cw, d), jnp.float32),
            pltpu.VMEM_SHARED((nrows, d), jnp.float32),
            pltpu.SemaphoreType.DMA,
            pltpu.SemaphoreType.DMA,
            pltpu.SemaphoreType.DMA,
            pltpu.SemaphoreType.DMA,
            pltpu.SemaphoreType.DMA,
        ],
        compiler_params=_SC_PARAMS,
    )
    def k(rows_hbm, idx_hbm, zeros_hbm, out_hbm, idx_v, buf, shared,
          semz, sl0, sl1, ss0, ss1):
        sl = [sl0, sl1]
        ss = [ss0, ss1]
        cid = lax.axis_index("c")
        sid = lax.axis_index("s")
        wid = sid * _NCORE + cid
        base_row = sid * rpt
        base = wid * bpw

        hl = [None] * nch
        for j in range(min(2, nch)):
            hl[j] = pltpu.async_copy(rows_hbm.at[pl.ds(base + j * cw, cw)],
                                     buf.at[j % 2], sl[j % 2])
        zh = [
            pltpu.async_copy(zeros_hbm,
                             shared.at[pl.ds(base_row + j * zch, zch)], semz)
            for j in range(ndump)
        ]
        zh.append(pltpu.async_copy(idx_hbm.at[pl.ds(wid * nch, nch)], idx_v, semz))
        for h in zh:
            h.wait()
        plsc.subcore_barrier()
        hs = [None] * nch
        for j in range(nch):
            hl[j].wait()
            hs[j] = pltpu.async_copy(buf.at[j % 2], shared.at[idx_v.at[j]],
                                     ss[j % 2], add=True)
            if j + 2 < nch:
                hs[j].wait()
                hs[j] = None
                hl[j + 2] = pltpu.async_copy(
                    rows_hbm.at[pl.ds(base + (j + 2) * cw, cw)],
                    buf.at[j % 2], sl[j % 2])
        for h in hs:
            if h is not None:
                h.wait()
        plsc.subcore_barrier()
        pltpu.sync_copy(shared.at[pl.ds(base_row, rpt)],
                        out_hbm.at[cid, pl.ds(base_row, rpt)])

    return k(rows, idx2d, zeros)


def _tc_prep(degp, x_pad, f_node):

    def body(degp_ref, x_ref, norm_ref, xs_ref):
        deg = degp_ref[0, :, 0:1] + degp_ref[1, :, 0:1]
        norm = jnp.where(deg > 0.0, 1.0 / deg, 0.0)
        norm_ref[...] = norm
        xs_ref[...] = x_ref[...] * norm

    return pl.pallas_call(
        body,
        out_shape=[
            jax.ShapeDtypeStruct((_NPAD, 1), jnp.float32),
            jax.ShapeDtypeStruct((_NPAD, f_node), jnp.float32),
        ],
    )(degp, x_pad)


def _tc_msg(xj, ea, w5, cin, cout):
    blk = 2048

    def body(xj_ref, ea_ref, w5_ref, out_ref):
        xj_b = xj_ref[...]
        ea_b = ea_ref[...]
        parts = [xj_b * ea_b[:, k:k + 1] for k in range(4)]
        parts.append(xj_b)
        x5 = jnp.concatenate(parts, axis=1)
        out_ref[...] = jnp.dot(x5, w5_ref[...], preferred_element_type=jnp.float32)

    return pl.pallas_call(
        body,
        grid=(_EPAD // blk,),
        in_specs=[
            pl.BlockSpec((blk, cin), lambda i: (i, 0)),
            pl.BlockSpec((blk, 4), lambda i: (i, 0)),
            pl.BlockSpec((5 * cin, cout), lambda i: (0, 0)),
        ],
        out_specs=pl.BlockSpec((blk, cout), lambda i: (i, 0)),
        out_shape=jax.ShapeDtypeStruct((_EPAD, cout), jnp.float32),
    )(xj, ea, w5)


def _bn_prelu(pre, g_b, bt_b, a_b):
    rid = lax.broadcasted_iota(jnp.int32, (_NPAD, 1), 0)
    mask = rid < _N
    prem = jnp.where(mask, pre, 0.0)
    m = jnp.sum(prem, axis=0, keepdims=True) * (1.0 / _N)
    cen = pre - m
    var = jnp.sum(jnp.where(mask, cen * cen, 0.0), axis=0, keepdims=True) * (1.0 / _N)
    hn = cen * lax.rsqrt(var + 1e-5) * g_b + bt_b
    return jnp.where(hn >= 0.0, hn, a_b * hn)


def _tc_bn(aggp, h, wr, brb, bb, gb, btb, ab, norm, cin, cout):

    def body(aggp_ref, h_ref, wr_ref, br_ref, b_ref, g_ref, bt_ref, a_ref,
             norm_ref, out_h_ref, out_xs_ref):
        agg = aggp_ref[0] + aggp_ref[1]
        pre = agg + jnp.dot(h_ref[...], wr_ref[...],
                            preferred_element_type=jnp.float32)
        pre = pre + b_ref[...] + br_ref[...]
        hn = _bn_prelu(pre, g_ref[...], bt_ref[...], a_ref[0, 0])
        out_h_ref[...] = hn
        out_xs_ref[...] = hn * norm_ref[...]

    return pl.pallas_call(
        body,
        out_shape=[
            jax.ShapeDtypeStruct((_NPAD, cout), jnp.float32),
            jax.ShapeDtypeStruct((_NPAD, cout), jnp.float32),
        ],
    )(aggp, h, wr, brb, bb, gb, btb, ab, norm)


def _tc_bn3_head(aggp, h, wr, brb, bb, gb, btb, ab, wi, bib, wj, bjb,
                 batch2d, wf, bfb):

    def body(aggp_ref, h_ref, wr_ref, br_ref, b_ref, g_ref, bt_ref, a_ref,
             wi_ref, bi_ref, wj_ref, bj_ref, batch_ref, wf_ref, bf_ref,
             y1_ref, y2_ref):
        agg = aggp_ref[0] + aggp_ref[1]
        pre = agg + jnp.dot(h_ref[...], wr_ref[...],
                            preferred_element_type=jnp.float32)
        pre = pre + b_ref[...] + br_ref[...]
        hn = _bn_prelu(pre, g_ref[...], bt_ref[...], a_ref[0, 0])
        att = jax.nn.sigmoid(
            jnp.dot(hn, wi_ref[...], preferred_element_type=jnp.float32)
            + bi_ref[...])
        nf = jnp.tanh(
            jnp.dot(hn, wj_ref[...], preferred_element_type=jnp.float32)
            + bj_ref[...])
        z = att * nf
        gid = lax.broadcasted_iota(jnp.int32, (_G, _NPAD), 0)
        oh = jnp.where(gid == batch_ref[...], 1.0, 0.0)
        seg = jnp.dot(oh, z, preferred_element_type=jnp.float32)
        pooled = jnp.tanh(seg)
        y = jnp.dot(pooled, wf_ref[...],
                    preferred_element_type=jnp.float32) + bf_ref[...]
        y1_ref[...] = y[:, :_LAT]
        y2_ref[...] = y[:, _LAT:]

    return pl.pallas_call(
        body,
        out_shape=[
            jax.ShapeDtypeStruct((_G, _LAT), jnp.float32),
            jax.ShapeDtypeStruct((_G, _LAT), jnp.float32),
        ],
    )(aggp, h, wr, brb, bb, gb, btb, ab, wi, bib, wj, bjb, batch2d, wf, bfb)


def _w5(We, be, cin, cout):
    t = We.reshape(4, cout, cin).transpose(0, 2, 1).reshape(4 * cin, cout)
    bmat = be.reshape(cout, cin).T
    return jnp.concatenate([t, bmat], axis=0)


def kernel(x, edge_index, edge_attr, batch, We1, be1, b1, Wr1, br1, g1, bt1,
           a1, We2, be2, b2, Wr2, br2, g2, bt2, a2, We3, be3, b3, Wr3, br3,
           g3, bt3, a3, Wi, bi, Wj, bj, Wf, bf):
    f32 = jnp.float32
    pad_e = _EPAD - _E
    pad_n = _NPAD - _N
    src = edge_index[0]
    dst = edge_index[1]
    src_g2 = jnp.concatenate([src, jnp.zeros((pad_e,), jnp.int32)]).reshape(-1, 128)
    src_c = jnp.concatenate([src, jnp.full((pad_e,), _N, jnp.int32)])
    dst_s = jnp.concatenate([dst, jnp.full((pad_e,), _N, jnp.int32)])
    batch_s = jnp.concatenate([batch, jnp.full((pad_n,), _G, jnp.int32)])
    ea_pad = jnp.pad(edge_attr, ((0, pad_e), (0, 0)))
    x_pad = jnp.pad(x, ((0, pad_n), (0, 0)))
    ones_e = jnp.ones((_EPAD, 16), f32)

    def row(v):
        return v.reshape(1, -1)

    degp = _sc_scatter_add(ones_e, src_c.reshape(-1, 128), jnp.zeros((_NPAD // _NSUB, 16), f32), _NPAD, 16)
    norm, xs = _tc_prep(degp, x_pad, x.shape[1])

    h = x_pad
    layers = [
        (32, 32, We1, be1, b1, Wr1, br1, g1, bt1, a1),
        (32, 64, We2, be2, b2, Wr2, br2, g2, bt2, a2),
    ]
    for cin, cout, We, be, b, Wr, br, g, bt, a in layers:
        xj = _sc_gather(xs, src_g2, cin)
        msg = _tc_msg(xj, ea_pad, _w5(We, be, cin, cout), cin, cout)
        aggp = _sc_scatter_add(msg, dst_s.reshape(-1, 128), jnp.zeros((_NPAD // _NSUB, cout), f32), _NPAD, cout)
        h, xs = _tc_bn(aggp, h, Wr, row(br), row(b), row(g), row(bt),
                       a.reshape(1, 1), norm, cin, cout)

    xj = _sc_gather(xs, src_g2, 64)
    msg = _tc_msg(xj, ea_pad, _w5(We3, be3, 64, 128), 64, 128)
    aggp = _sc_scatter_add(msg, dst_s.reshape(-1, 128), jnp.zeros((_NPAD // _NSUB, 128), f32), _NPAD, 128)
    y1, y2 = _tc_bn3_head(aggp, h, Wr3, row(br3), row(b3), row(g3), row(bt3),
                          a3.reshape(1, 1), Wi, row(bi), Wj, row(bj),
                          batch_s.reshape(1, -1), Wf, row(bf))
    return (y1, y2)

# --- scband reference (transcript-rebuilt; emitter-appended) ---
"""Pipeline reference for scband-encoder-44753559224641 (READ-ONLY COPY).

The authoritative reference and input builder live on the scoring server;
editing this copy changes nothing except your own understanding.
"""

import jax, jax.numpy as jnp
import numpy as np

N = 10000
E = 20000
F_NODE = 32
F_EDGE = 4
G = 256
LAT = 64
DIMS = [(32, 32), (32, 64), (64, 128)]


def setup_inputs(seed: int = 0):
    key = jax.random.key(seed)
    ks = jax.random.split(key, 64)
    inp = {}
    inp["x"] = jax.random.normal(ks[0], (N, F_NODE), dtype=jnp.float32)
    inp["edge_index"] = jax.random.randint(ks[1], (2, E), 0, N, dtype=jnp.int32)
    inp["edge_attr"] = jax.random.normal(ks[2], (E, F_EDGE), dtype=jnp.float32)
    inp["batch"] = jnp.sort(jax.random.randint(ks[3], (N,), 0, G, dtype=jnp.int32))
    i = 4
    for l, (cin, cout) in enumerate(DIMS, start=1):
        inp["We%d" % l] = 0.1 * jax.random.normal(ks[i], (F_EDGE, cin * cout), dtype=jnp.float32); i += 1
        inp["be%d" % l] = jnp.zeros((cin * cout,), dtype=jnp.float32)
        inp["b%d" % l] = jnp.zeros((cout,), dtype=jnp.float32)
        inp["Wr%d" % l] = 0.1 * jax.random.normal(ks[i], (cin, cout), dtype=jnp.float32); i += 1
        inp["br%d" % l] = jnp.zeros((cout,), dtype=jnp.float32)
        inp["g%d" % l] = jnp.ones((cout,), dtype=jnp.float32)
        inp["bt%d" % l] = jnp.zeros((cout,), dtype=jnp.float32)
        inp["a%d" % l] = jnp.full((1,), 0.25, dtype=jnp.float32)
    inp["Wi"] = 0.1 * jax.random.normal(ks[10], (128, 128), dtype=jnp.float32)
    inp["bi"] = jnp.zeros((128,), dtype=jnp.float32)
    inp["Wj"] = 0.1 * jax.random.normal(ks[11], (128, 128), dtype=jnp.float32)
    inp["bj"] = jnp.zeros((128,), dtype=jnp.float32)
    inp["Wf"] = 0.1 * jax.random.normal(ks[12], (128, 2 * LAT), dtype=jnp.float32)
    inp["bf"] = jnp.zeros((2 * LAT,), dtype=jnp.float32)
    return inp


def _ecc(x, src, dst, edge_attr, We, be, bias, Wr, br):
    cin, cout = Wr.shape
    theta = (edge_attr @ We + be).reshape(-1, cout, cin)
    deg = jnp.zeros((x.shape[0],), x.dtype).at[src].add(1.0)
    norm = jnp.where(deg > 0, 1.0 / deg, 0.0)
    x_j = jnp.take(x, src, axis=0)
    msg = jnp.einsum('eoi,ei->eo', theta, x_j) * jnp.take(norm, src)[:, None]
    agg = jnp.zeros((x.shape[0], cout), x.dtype).at[dst].add(msg)
    return agg + bias + (x @ Wr + br)


def _bn(x, g, b):
    m = jnp.mean(x, axis=0)
    v = jnp.var(x, axis=0)
    return (x - m) / jnp.sqrt(v + 1e-5) * g + b


def _prelu(x, a):
    return jnp.where(x >= 0, x, a * x)


def reference(x, edge_index, edge_attr, batch, We1, be1, b1, Wr1, br1, g1, bt1, a1, We2, be2, b2, Wr2, br2, g2, bt2, a2, We3, be3, b3, Wr3, br3, g3, bt3, a3, Wi, bi, Wj, bj, Wf, bf):
    src, dst = edge_index[0], edge_index[1]
    h = _prelu(_bn(_ecc(x, src, dst, edge_attr, We1, be1, b1, Wr1, br1), g1, bt1), a1)
    h = _prelu(_bn(_ecc(h, src, dst, edge_attr, We2, be2, b2, Wr2, br2), g2, bt2), a2)
    h = _prelu(_bn(_ecc(h, src, dst, edge_attr, We3, be3, b3, Wr3, br3), g3, bt3), a3)
    att = jax.nn.sigmoid(h @ Wi + bi)
    nf = jnp.tanh(h @ Wj + bj)
    pooled = jnp.tanh(jax.ops.segment_sum(att * nf, batch, num_segments=G))
    y = pooled @ Wf + bf
    return (y[:, :LAT], y[:, LAT:])

if __name__ == "__main__":
    import jax
    _d = setup_inputs()
    print(jax.jit(kernel)(*tuple(_d.values())))

</pallas_src>

<mosaic_0001>
#map = affine_map<(d0, d1) -> (0, 0)>
module attributes {stable_mosaic.version = 14 : i64} {
  func.func @k(%arg0: i32, %arg1: i32, %arg2: memref<10240x32xf32, #tpu.memory_space<hbm>>, %arg3: memref<160x128xi32, #tpu.memory_space<hbm>>, %arg4: memref<20480x32xf32, #tpu.memory_space<hbm>>, %arg5: memref<5x128xi32, #tpu.memory_space<vmem>>, %arg6: memref<640x32xf32, #tpu.memory_space<vmem>>, %arg7: memref<!tpu.dma_semaphore, #tpu.memory_space<semaphore_mem>>) attributes {dimension_semantics = [#tpu.dimension_semantics<core_parallel>, #tpu.dimension_semantics<subcore_parallel>], iteration_bounds = array<i64: 2, 16>, scalar_prefetch = 0 : i64, scratch_operands = 3 : i64, tpu.core_type = #tpu.core_type<sc_vector_subcore>, window_params = [{transform_indices = #map}, {transform_indices = #map}, {transform_indices = #map}]} {
    %mul3A = arith.constant 2 : i32
    %mul3A_0 = arith.muli %arg1, %mul3A : i32
    %add3A = arith.addi %mul3A_0, %arg0 : i32
    %mul3A_1 = arith.constant 640 : i32
    %mul3A_2 = arith.muli %add3A, %mul3A_1 : i32
    %mul3A_3 = arith.constant 5 : i32
    %mul3A_4 = arith.muli %add3A, %mul3A_3 : i32
    "tpu.region"() ({
      %run_scoped3A = tpu.sem_alloc : memref<!tpu.dma_semaphore, #tpu.memory_space<semaphore_mem>>
      %dma_start3A_103 = arith.constant 0 : i32
      %dma_start3A_104 = tpu.memref_slice %arg3[%mul3A_4, %dma_start3A_103] : memref<160x128xi32, #tpu.memory_space<hbm>> -> memref<5x128xi32, #tpu.memory_space<hbm>>
      %dma_start3A_105 = arith.constant 0 : i32
      %dma_start3A_106 = tpu.memref_slice %arg3[%mul3A_4, %dma_start3A_105] : memref<160x128xi32, #tpu.memory_space<hbm>> -> memref<5x128xi32, #tpu.memory_space<hbm>>
      tpu.enqueue_dma source(%dma_start3A_106 : memref<5x128xi32, #tpu.memory_space<hbm>>) target(%arg5 : memref<5x128xi32, #tpu.memory_space<vmem>>) target_semaphore(%run_scoped3A : memref<!tpu.dma_semaphore, #tpu.memory_space<semaphore_mem>>)
      %dma_wait3A_107 = arith.constant 0 : i32
      %dma_wait3A_108 = tpu.memref_slice %arg3[%mul3A_4, %dma_wait3A_107] : memref<160x128xi32, #tpu.memory_space<hbm>> -> memref<5x128xi32, #tpu.memory_space<hbm>>
      %dma_wait3A_109 = arith.constant 0 : i32
      %dma_wait3A_110 = tpu.memref_slice %arg3[%mul3A_4, %dma_wait3A_109] : memref<160x128xi32, #tpu.memory_space<hbm>> -> memref<5x128xi32, #tpu.memory_space<hbm>>
      tpu.wait_dma2 semaphore(%run_scoped3A : memref<!tpu.dma_semaphore, #tpu.memory_space<semaphore_mem>>) src(%dma_wait3A_110 : memref<5x128xi32, #tpu.memory_space<hbm>>) dst(%arg5 : memref<5x128xi32, #tpu.memory_space<vmem>>)
      tpu.yield
    }) : () -> ()
    %dma_start3A = arith.constant 0 : i32
    %dma_start3A_5 = arith.constant 0 : i32
    %dma_start3A_6 = arith.constant 0 : i32
    %dma_start3A_7 = tpu.memref_slice %arg6[%dma_start3A_5, %dma_start3A_6] : memref<640x32xf32, #tpu.memory_space<vmem>> -> memref<128x32xf32, #tpu.memory_space<vmem>>
    %dma_start3A_8 = arith.constant 0 : i32
    %dma_start3A_9 = tpu.memref_slice %arg5[%dma_start3A, %dma_start3A_8] : memref<5x128xi32, #tpu.memory_space<vmem>> -> memref<1x128xi32, #tpu.memory_space<vmem>>
    %dma_start3A_10 = tpu.memref_squeeze %dma_start3A_9 : memref<1x128xi32, #tpu.memory_space<vmem>> -> memref<128xi32, #tpu.memory_space<vmem>>
    %dma_start3A_11 = arith.constant 0 : i32
    %dma_start3A_12 = arith.constant 0 : i32
    %dma_start3A_13 = tpu.memref_slice %arg2[%dma_start3A_11, %dma_start3A_12] : memref<10240x32xf32, #tpu.memory_space<hbm>> -> memref<10240x32xf32, #tpu.memory_space<hbm>>
    tpu.enqueue_indirect_dma source(%dma_start3A_13 : memref<10240x32xf32, #tpu.memory_space<hbm>>) target(%dma_start3A_7 : memref<128x32xf32, #tpu.memory_space<vmem>>) offsets(%dma_start3A_10 : memref<128xi32, #tpu.memory_space<vmem>>) semaphore(%arg7 : memref<!tpu.dma_semaphore, #tpu.memory_space<semaphore_mem>>)
    %dma_start3A_14 = arith.constant 1 : i32
    %dma_start3A_15 = arith.constant 128 : i32
    %dma_start3A_16 = arith.constant 0 : i32
    %dma_start3A_17 = tpu.memref_slice %arg6[%dma_start3A_15, %dma_start3A_16] : memref<640x32xf32, #tpu.memory_space<vmem>> -> memref<128x32xf32, #tpu.memory_space<vmem>>
    %dma_start3A_18 = arith.constant 0 : i32
    %dma_start3A_19 = tpu.memref_slice %arg5[%dma_start3A_14, %dma_start3A_18] : memref<5x128xi32, #tpu.memory_space<vmem>> -> memref<1x128xi32, #tpu.memory_space<vmem>>
    %dma_start3A_20 = tpu.memref_squeeze %dma_start3A_19 : memref<1x128xi32, #tpu.memory_space<vmem>> -> memref<128xi32, #tpu.memory_space<vmem>>
    %dma_start3A_21 = arith.constant 0 : i32
    %dma_start3A_22 = arith.constant 0 : i32
    %dma_start3A_23 = tpu.memref_slice %arg2[%dma_start3A_21, %dma_start3A_22] : memref<10240x32xf32, #tpu.memory_space<hbm>> -> memref<10240x32xf32, #tpu.memory_space<hbm>>
    tpu.enqueue_indirect_dma source(%dma_start3A_23 : memref<10240x32xf32, #tpu.memory_space<hbm>>) target(%dma_start3A_17 : memref<128x32xf32, #tpu.memory_space<vmem>>) offsets(%dma_start3A_20 : memref<128xi32, #tpu.memory_space<vmem>>) semaphore(%arg7 : memref<!tpu.dma_semaphore, #tpu.memory_space<semaphore_mem>>)
    %dma_start3A_24 = arith.constant 2 : i32
    %dma_start3A_25 = arith.constant 256 : i32
    %dma_start3A_26 = arith.constant 0 : i32
    %dma_start3A_27 = tpu.memref_slice %arg6[%dma_start3A_25, %dma_start3A_26] : memref<640x32xf32, #tpu.memory_space<vmem>> -> memref<128x32xf32, #tpu.memory_space<vmem>>
    %dma_start3A_28 = arith.constant 0 : i32
    %dma_start3A_29 = tpu.memref_slice %arg5[%dma_start3A_24, %dma_start3A_28] : memref<5x128xi32, #tpu.memory_space<vmem>> -> memref<1x128xi32, #tpu.memory_space<vmem>>
    %dma_start3A_30 = tpu.memref_squeeze %dma_start3A_29 : memref<1x128xi32, #tpu.memory_space<vmem>> -> memref<128xi32, #tpu.memory_space<vmem>>
    %dma_start3A_31 = arith.constant 0 : i32
    %dma_start3A_32 = arith.constant 0 : i32
    %dma_start3A_33 = tpu.memref_slice %arg2[%dma_start3A_31, %dma_start3A_32] : memref<10240x32xf32, #tpu.memory_space<hbm>> -> memref<10240x32xf32, #tpu.memory_space<hbm>>
    tpu.enqueue_indirect_dma source(%dma_start3A_33 : memref<10240x32xf32, #tpu.memory_space<hbm>>) target(%dma_start3A_27 : memref<128x32xf32, #tpu.memory_space<vmem>>) offsets(%dma_start3A_30 : memref<128xi32, #tpu.memory_space<vmem>>) semaphore(%arg7 : memref<!tpu.dma_semaphore, #tpu.memory_space<semaphore_mem>>)
    %dma_start3A_34 = arith.constant 3 : i32
    %dma_start3A_35 = arith.constant 384 : i32
    %dma_start3A_36 = arith.constant 0 : i32
    %dma_start3A_37 = tpu.memref_slice %arg6[%dma_start3A_35, %dma_start3A_36] : memref<640x32xf32, #tpu.memory_space<vmem>> -> memref<128x32xf32, #tpu.memory_space<vmem>>
    %dma_start3A_38 = arith.constant 0 : i32
    %dma_start3A_39 = tpu.memref_slice %arg5[%dma_start3A_34, %dma_start3A_38] : memref<5x128xi32, #tpu.memory_space<vmem>> -> memref<1x128xi32, #tpu.memory_space<vmem>>
    %dma_start3A_40 = tpu.memref_squeeze %dma_start3A_39 : memref<1x128xi32, #tpu.memory_space<vmem>> -> memref<128xi32, #tpu.memory_space<vmem>>
    %dma_start3A_41 = arith.constant 0 : i32
    %dma_start3A_42 = arith.constant 0 : i32
    %dma_start3A_43 = tpu.memref_slice %arg2[%dma_start3A_41, %dma_start3A_42] : memref<10240x32xf32, #tpu.memory_space<hbm>> -> memref<10240x32xf32, #tpu.memory_space<hbm>>
    tpu.enqueue_indirect_dma source(%dma_start3A_43 : memref<10240x32xf32, #tpu.memory_space<hbm>>) target(%dma_start3A_37 : memref<128x32xf32, #tpu.memory_space<vmem>>) offsets(%dma_start3A_40 : memref<128xi32, #tpu.memory_space<vmem>>) semaphore(%arg7 : memref<!tpu.dma_semaphore, #tpu.memory_space<semaphore_mem>>)
    %dma_start3A_44 = arith.constant 4 : i32
    %dma_start3A_45 = arith.constant 512 : i32
    %dma_start3A_46 = arith.constant 0 : i32
    %dma_start3A_47 = tpu.memref_slice %arg6[%dma_start3A_45, %dma_start3A_46] : memref<640x32xf32, #tpu.memory_space<vmem>> -> memref<128x32xf32, #tpu.memory_space<vmem>>
    %dma_start3A_48 = arith.constant 0 : i32
    %dma_start3A_49 = tpu.memref_slice %arg5[%dma_start3A_44, %dma_start3A_48] : memref<5x128xi32, #tpu.memory_space<vmem>> -> memref<1x128xi32, #tpu.memory_space<vmem>>
    %dma_start3A_50 = tpu.memref_squeeze %dma_start3A_49 : memref<1x128xi32, #tpu.memory_space<vmem>> -> memref<128xi32, #tpu.memory_space<vmem>>
    %dma_start3A_51 = arith.constant 0 : i32
    %dma_start3A_52 = arith.constant 0 : i32
    %dma_start3A_53 = tpu.memref_slice %arg2[%dma_start3A_51, %dma_start3A_52] : memref<10240x32xf32, #tpu.memory_space<hbm>> -> memref<10240x32xf32, #tpu.memory_space<hbm>>
    tpu.enqueue_indirect_dma source(%dma_start3A_53 : memref<10240x32xf32, #tpu.memory_space<hbm>>) target(%dma_start3A_47 : memref<128x32xf32, #tpu.memory_space<vmem>>) offsets(%dma_start3A_50 : memref<128xi32, #tpu.memory_space<vmem>>) semaphore(%arg7 : memref<!tpu.dma_semaphore, #tpu.memory_space<semaphore_mem>>)
    %dma_wait3A = arith.constant 0 : i32
    %dma_wait3A_54 = arith.constant 0 : i32
    %dma_wait3A_55 = arith.constant 0 : i32
    %dma_wait3A_56 = tpu.memref_slice %arg6[%dma_wait3A_54, %dma_wait3A_55] : memref<640x32xf32, #tpu.memory_space<vmem>> -> memref<128x32xf32, #tpu.memory_space<vmem>>
    %dma_wait3A_57 = arith.constant 0 : i32
    %dma_wait3A_58 = tpu.memref_slice %arg5[%dma_wait3A, %dma_wait3A_57] : memref<5x128xi32, #tpu.memory_space<vmem>> -> memref<1x128xi32, #tpu.memory_space<vmem>>
    %dma_wait3A_59 = tpu.memref_squeeze %dma_wait3A_58 : memref<1x128xi32, #tpu.memory_space<vmem>> -> memref<128xi32, #tpu.memory_space<vmem>>
    %dma_wait3A_60 = arith.constant 0 : i32
    %dma_wait3A_61 = arith.constant 0 : i32
    %dma_wait3A_62 = tpu.memref_slice %arg2[%dma_wait3A_60, %dma_wait3A_61] : memref<10240x32xf32, #tpu.memory_space<hbm>> -> memref<10240x32xf32, #tpu.memory_space<hbm>>
    tpu.wait_indirect_dma semaphore(%arg7 : memref<!tpu.dma_semaphore, #tpu.memory_space<semaphore_mem>>) src(%dma_wait3A_62 : memref<10240x32xf32, #tpu.memory_space<hbm>>) dst(%dma_wait3A_56 : memref<128x32xf32, #tpu.memory_space<vmem>>)
    %dma_wait3A_63 = arith.constant 1 : i32
    %dma_wait3A_64 = arith.constant 128 : i32
    %dma_wait3A_65 = arith.constant 0 : i32
    %dma_wait3A_66 = tpu.memref_slice %arg6[%dma_wait3A_64, %dma_wait3A_65] : memref<640x32xf32, #tpu.memory_space<vmem>> -> memref<128x32xf32, #tpu.memory_space<vmem>>
    %dma_wait3A_67 = arith.constant 0 : i32
    %dma_wait3A_68 = tpu.memref_slice %arg5[%dma_wait3A_63, %dma_wait3A_67] : memref<5x128xi32, #tpu.memory_space<vmem>> -> memref<1x128xi32, #tpu.memory_space<vmem>>
    %dma_wait3A_69 = tpu.memref_squeeze %dma_wait3A_68 : memref<1x128xi32, #tpu.memory_space<vmem>> -> memref<128xi32, #tpu.memory_space<vmem>>
    %dma_wait3A_70 = arith.constant 0 : i32
    %dma_wait3A_71 = arith.constant 0 : i32
    %dma_wait3A_72 = tpu.memref_slice %arg2[%dma_wait3A_70, %dma_wait3A_71] : memref<10240x32xf32, #tpu.memory_space<hbm>> -> memref<10240x32xf32, #tpu.memory_space<hbm>>
    tpu.wait_indirect_dma semaphore(%arg7 : memref<!tpu.dma_semaphore, #tpu.memory_space<semaphore_mem>>) src(%dma_wait3A_72 : memref<10240x32xf32, #tpu.memory_space<hbm>>) dst(%dma_wait3A_66 : memref<128x32xf32, #tpu.memory_space<vmem>>)
    %dma_wait3A_73 = arith.constant 2 : i32
    %dma_wait3A_74 = arith.constant 256 : i32
    %dma_wait3A_75 = arith.constant 0 : i32
    %dma_wait3A_76 = tpu.memref_slice %arg6[%dma_wait3A_74, %dma_wait3A_75] : memref<640x32xf32, #tpu.memory_space<vmem>> -> memref<128x32xf32, #tpu.memory_space<vmem>>
    %dma_wait3A_77 = arith.constant 0 : i32
    %dma_wait3A_78 = tpu.memref_slice %arg5[%dma_wait3A_73, %dma_wait3A_77] : memref<5x128xi32, #tpu.memory_space<vmem>> -> memref<1x128xi32, #tpu.memory_space<vmem>>
    %dma_wait3A_79 = tpu.memref_squeeze %dma_wait3A_78 : memref<1x128xi32, #tpu.memory_space<vmem>> -> memref<128xi32, #tpu.memory_space<vmem>>
    %dma_wait3A_80 = arith.constant 0 : i32
    %dma_wait3A_81 = arith.constant 0 : i32
    %dma_wait3A_82 = tpu.memref_slice %arg2[%dma_wait3A_80, %dma_wait3A_81] : memref<10240x32xf32, #tpu.memory_space<hbm>> -> memref<10240x32xf32, #tpu.memory_space<hbm>>
    tpu.wait_indirect_dma semaphore(%arg7 : memref<!tpu.dma_semaphore, #tpu.memory_space<semaphore_mem>>) src(%dma_wait3A_82 : memref<10240x32xf32, #tpu.memory_space<hbm>>) dst(%dma_wait3A_76 : memref<128x32xf32, #tpu.memory_space<vmem>>)
    %dma_wait3A_83 = arith.constant 3 : i32
    %dma_wait3A_84 = arith.constant 384 : i32
    %dma_wait3A_85 = arith.constant 0 : i32
    %dma_wait3A_86 = tpu.memref_slice %arg6[%dma_wait3A_84, %dma_wait3A_85] : memref<640x32xf32, #tpu.memory_space<vmem>> -> memref<128x32xf32, #tpu.memory_space<vmem>>
    %dma_wait3A_87 = arith.constant 0 : i32
    %dma_wait3A_88 = tpu.memref_slice %arg5[%dma_wait3A_83, %dma_wait3A_87] : memref<5x128xi32, #tpu.memory_space<vmem>> -> memref<1x128xi32, #tpu.memory_space<vmem>>
    %dma_wait3A_89 = tpu.memref_squeeze %dma_wait3A_88 : memref<1x128xi32, #tpu.memory_space<vmem>> -> memref<128xi32, #tpu.memory_space<vmem>>
    %dma_wait3A_90 = arith.constant 0 : i32
    %dma_wait3A_91 = arith.constant 0 : i32
    %dma_wait3A_92 = tpu.memref_slice %arg2[%dma_wait3A_90, %dma_wait3A_91] : memref<10240x32xf32, #tpu.memory_space<hbm>> -> memref<10240x32xf32, #tpu.memory_space<hbm>>
    tpu.wait_indirect_dma semaphore(%arg7 : memref<!tpu.dma_semaphore, #tpu.memory_space<semaphore_mem>>) src(%dma_wait3A_92 : memref<10240x32xf32, #tpu.memory_space<hbm>>) dst(%dma_wait3A_86 : memref<128x32xf32, #tpu.memory_space<vmem>>)
    %dma_wait3A_93 = arith.constant 4 : i32
    %dma_wait3A_94 = arith.constant 512 : i32
    %dma_wait3A_95 = arith.constant 0 : i32
    %dma_wait3A_96 = tpu.memref_slice %arg6[%dma_wait3A_94, %dma_wait3A_95] : memref<640x32xf32, #tpu.memory_space<vmem>> -> memref<128x32xf32, #tpu.memory_space<vmem>>
    %dma_wait3A_97 = arith.constant 0 : i32
    %dma_wait3A_98 = tpu.memref_slice %arg5[%dma_wait3A_93, %dma_wait3A_97] : memref<5x128xi32, #tpu.memory_space<vmem>> -> memref<1x128xi32, #tpu.memory_space<vmem>>
    %dma_wait3A_99 = tpu.memref_squeeze %dma_wait3A_98 : memref<1x128xi32, #tpu.memory_space<vmem>> -> memref<128xi32, #tpu.memory_space<vmem>>
    %dma_wait3A_100 = arith.constant 0 : i32
    %dma_wait3A_101 = arith.constant 0 : i32
    %dma_wait3A_102 = tpu.memref_slice %arg2[%dma_wait3A_100, %dma_wait3A_101] : memref<10240x32xf32, #tpu.memory_space<hbm>> -> memref<10240x32xf32, #tpu.memory_space<hbm>>
    tpu.wait_indirect_dma semaphore(%arg7 : memref<!tpu.dma_semaphore, #tpu.memory_space<semaphore_mem>>) src(%dma_wait3A_102 : memref<10240x32xf32, #tpu.memory_space<hbm>>) dst(%dma_wait3A_96 : memref<128x32xf32, #tpu.memory_space<vmem>>)
    "tpu.region"() ({
      %run_scoped3A = tpu.sem_alloc : memref<!tpu.dma_semaphore, #tpu.memory_space<semaphore_mem>>
      %dma_start3A_103 = arith.constant 0 : i32
      %dma_start3A_104 = tpu.memref_slice %arg4[%mul3A_2, %dma_start3A_103] : memref<20480x32xf32, #tpu.memory_space<hbm>> -> memref<640x32xf32, #tpu.memory_space<hbm>>
      %dma_start3A_105 = arith.constant 0 : i32
      %dma_start3A_106 = tpu.memref_slice %arg4[%mul3A_2, %dma_start3A_105] : memref<20480x32xf32, #tpu.memory_space<hbm>> -> memref<640x32xf32, #tpu.memory_space<hbm>>
      tpu.enqueue_dma source(%arg6 : memref<640x32xf32, #tpu.memory_space<vmem>>) target(%dma_start3A_106 : memref<640x32xf32, #tpu.memory_space<hbm>>) target_semaphore(%run_scoped3A : memref<!tpu.dma_semaphore, #tpu.memory_space<semaphore_mem>>)
      %dma_wait3A_107 = arith.constant 0 : i32
      %dma_wait3A_108 = tpu.memref_slice %arg4[%mul3A_2, %dma_wait3A_107] : memref<20480x32xf32, #tpu.memory_space<hbm>> -> memref<640x32xf32, #tpu.memory_space<hbm>>
      %dma_wait3A_109 = arith.constant 0 : i32
      %dma_wait3A_110 = tpu.memref_slice %arg4[%mul3A_2, %dma_wait3A_109] : memref<20480x32xf32, #tpu.memory_space<hbm>> -> memref<640x32xf32, #tpu.memory_space<hbm>>
      tpu.wait_dma2 semaphore(%run_scoped3A : memref<!tpu.dma_semaphore, #tpu.memory_space<semaphore_mem>>) src(%arg6 : memref<640x32xf32, #tpu.memory_space<vmem>>) dst(%dma_wait3A_110 : memref<640x32xf32, #tpu.memory_space<hbm>>)
      tpu.yield
    }) : () -> ()
    return
  }
}

#map = affine_map<(d0, d1) -> (0, 0)>
#map1 = affine_map<(d0, d1) -> (0, 0, 0)>
module attributes {stable_mosaic.version = 14 : i64} {
  func.func @k(%arg0: i32, %arg1: i32, %arg2: memref<20480x16xf32, #tpu.memory_space<hbm>>, %arg3: memref<160x128xi32, #tpu.memory_space<hbm>>, %arg4: memref<640x16xf32, #tpu.memory_space<hbm>>, %arg5: memref<2x10240x16xf32, #tpu.memory_space<hbm>>, %arg6: memref<5x128xi32, #tpu.memory_space<vmem>>, %arg7: memref<2x128x16xf32, #tpu.memory_space<vmem>>, %arg8: memref<10240x16xf32, #tpu.memory_space<vmem_shared>>, %arg9: memref<!tpu.dma_semaphore, #tpu.memory_space<semaphore_mem>>, %arg10: memref<!tpu.dma_semaphore, #tpu.memory_space<semaphore_mem>>, %arg11: memref<!tpu.dma_semaphore, #tpu.memory_space<semaphore_mem>>, %arg12: memref<!tpu.dma_semaphore, #tpu.memory_space<semaphore_mem>>, %arg13: memref<!tpu.dma_semaphore, #tpu.memory_space<semaphore_mem>>) attributes {dimension_semantics = [#tpu.dimension_semantics<core_parallel>, #tpu.dimension_semantics<subcore_parallel>], iteration_bounds = array<i64: 2, 16>, scalar_prefetch = 0 : i64, scratch_operands = 8 : i64, tpu.core_type = #tpu.core_type<sc_vector_subcore>, window_params = [{transform_indices = #map}, {transform_indices = #map}, {transform_indices = #map}, {transform_indices = #map1}]} {
    %mul3A = arith.constant 2 : i32
    %mul3A_0 = arith.muli %arg1, %mul3A : i32
    %add3A = arith.addi %mul3A_0, %arg0 : i32
    %mul3A_1 = arith.constant 640 : i32
    %mul3A_2 = arith.muli %arg1, %mul3A_1 : i32
    %mul3A_3 = arith.constant 640 : i32
    %mul3A_4 = arith.muli %add3A, %mul3A_3 : i32
    %add3A_5 = arith.constant 0 : i32
    %add3A_6 = arith.addi %mul3A_4, %add3A_5 : i32
    %dma_start3A = arith.constant 0 : i32
    %dma_start3A_7 = arith.constant 0 : i32
    %dma_start3A_8 = arith.constant 0 : i32
    %dma_start3A_9 = tpu.memref_slice %arg7[%dma_start3A, %dma_start3A_7, %dma_start3A_8] : memref<2x128x16xf32, #tpu.memory_space<vmem>> -> memref<1x128x16xf32, #tpu.memory_space<vmem>>
    %dma_start3A_10 = tpu.memref_squeeze %dma_start3A_9 : memref<1x128x16xf32, #tpu.memory_space<vmem>> -> memref<128x16xf32, #tpu.memory_space<vmem>>
    %dma_start3A_11 = arith.constant 0 : i32
    %dma_start3A_12 = tpu.memref_slice %arg2[%add3A_6, %dma_start3A_11] : memref<20480x16xf32, #tpu.memory_space<hbm>> -> memref<128x16xf32, #tpu.memory_space<hbm>>
    %dma_start3A_13 = arith.constant 0 : i32
    %dma_start3A_14 = arith.constant 0 : i32
    %dma_start3A_15 = tpu.memref_slice %arg7[%dma_start3A, %dma_start3A_13, %dma_start3A_14] : memref<2x128x16xf32, #tpu.memory_space<vmem>> -> memref<1x128x16xf32, #tpu.memory_space<vmem>>
    %dma_start3A_16 = tpu.memref_squeeze %dma_start3A_15 : memref<1x128x16xf32, #tpu.memory_space<vmem>> -> memref<128x16xf32, #tpu.memory_space<vmem>>
    %dma_start3A_17 = arith.constant 0 : i32
    %dma_start3A_18 = tpu.memref_slice %arg2[%add3A_6, %dma_start3A_17] : memref<20480x16xf32, #tpu.memory_space<hbm>> -> memref<128x16xf32, #tpu.memory_space<hbm>>
    tpu.enqueue_dma source(%dma_start3A_18 : memref<128x16xf32, #tpu.memory_space<hbm>>) target(%dma_start3A_16 : memref<128x16xf32, #tpu.memory_space<vmem>>) target_semaphore(%arg10 : memref<!tpu.dma_semaphore, #tpu.memory_space<semaphore_mem>>)
    %add3A_19 = arith.constant 128 : i32
    %add3A_20 = arith.addi %mul3A_4, %add3A_19 : i32
    %dma_start3A_21 = arith.constant 1 : i32
    %dma_start3A_22 = arith.constant 0 : i32
    %dma_start3A_23 = arith.constant 0 : i32
    %dma_start3A_24 = tpu.memref_slice %arg7[%dma_start3A_21, %dma_start3A_22, %dma_start3A_23] : memref<2x128x16xf32, #tpu.memory_space<vmem>> -> memref<1x128x16xf32, #tpu.memory_space<vmem>>
    %dma_start3A_25 = tpu.memref_squeeze %dma_start3A_24 : memref<1x128x16xf32, #tpu.memory_space<vmem>> -> memref<128x16xf32, #tpu.memory_space<vmem>>
    %dma_start3A_26 = arith.constant 0 : i32
    %dma_start3A_27 = tpu.memref_slice %arg2[%add3A_20, %dma_start3A_26] : memref<20480x16xf32, #tpu.memory_space<hbm>> -> memref<128x16xf32, #tpu.memory_space<hbm>>
    %dma_start3A_28 = arith.constant 0 : i32
    %dma_start3A_29 = arith.constant 0 : i32
    %dma_start3A_30 = tpu.memref_slice %arg7[%dma_start3A_21, %dma_start3A_28, %dma_start3A_29] : memref<2x128x16xf32, #tpu.memory_space<vmem>> -> memref<1x128x16xf32, #tpu.memory_space<vmem>>
    %dma_start3A_31 = tpu.memref_squeeze %dma_start3A_30 : memref<1x128x16xf32, #tpu.memory_space<vmem>> -> memref<128x16xf32, #tpu.memory_space<vmem>>
    %dma_start3A_32 = arith.constant 0 : i32
    %dma_start3A_33 = tpu.memref_slice %arg2[%add3A_20, %dma_start3A_32] : memref<20480x16xf32, #tpu.memory_space<hbm>> -> memref<128x16xf32, #tpu.memory_space<hbm>>
    tpu.enqueue_dma source(%dma_start3A_33 : memref<128x16xf32, #tpu.memory_space<hbm>>) target(%dma_start3A_31 : memref<128x16xf32, #tpu.memory_space<vmem>>) target_semaphore(%arg11 : memref<!tpu.dma_semaphore, #tpu.memory_space<semaphore_mem>>)
    %add3A_34 = arith.constant 0 : i32
    %add3A_35 = arith.addi %mul3A_2, %add3A_34 : i32
    %dma_start3A_36 = arith.constant 0 : i32
    %dma_start3A_37 = tpu.memref_slice %arg8[%add3A_35, %dma_start3A_36] : memref<10240x16xf32, #tpu.memory_space<vmem_shared>> -> memref<640x16xf32, #tpu.memory_space<vmem_shared>>
    tpu.enqueue_dma source(%arg4 : memref<640x16xf32, #tpu.memory_space<hbm>>) target(%dma_start3A_37 : memref<640x16xf32, #tpu.memory_space<vmem_shared>>) target_semaphore(%arg9 : memref<!tpu.dma_semaphore, #tpu.memory_space<semaphore_mem>>)
    %mul3A_38 = arith.constant 5 : i32
    %mul3A_39 = arith.muli %add3A, %mul3A_38 : i32
    %dma_start3A_40 = arith.constant 0 : i32
    %dma_start3A_41 = tpu.memref_slice %arg3[%mul3A_39, %dma_start3A_40] : memref<160x128xi32, #tpu.memory_space<hbm>> -> memref<5x128xi32, #tpu.memory_space<hbm>>
    %dma_start3A_42 = arith.constant 0 : i32
    %dma_start3A_43 = tpu.memref_slice %arg3[%mul3A_39, %dma_start3A_42] : memref<160x128xi32, #tpu.memory_space<hbm>> -> memref<5x128xi32, #tpu.memory_space<hbm>>
    tpu.enqueue_dma source(%dma_start3A_43 : memref<5x128xi32, #tpu.memory_space<hbm>>) target(%arg6 : memref<5x128xi32, #tpu.memory_space<vmem>>) target_semaphore(%arg9 : memref<!tpu.dma_semaphore, #tpu.memory_space<semaphore_mem>>)
    %dma_wait3A = arith.constant 0 : i32
    %dma_wait3A_44 = tpu.memref_slice %arg8[%add3A_35, %dma_wait3A] : memref<10240x16xf32, #tpu.memory_space<vmem_shared>> -> memref<640x16xf32, #tpu.memory_space<vmem_shared>>
    tpu.wait_dma2 semaphore(%arg9 : memref<!tpu.dma_semaphore, #tpu.memory_space<semaphore_mem>>) src(%arg4 : memref<640x16xf32, #tpu.memory_space<hbm>>) dst(%dma_wait3A_44 : memref<640x16xf32, #tpu.memory_space<vmem_shared>>)
    %dma_wait3A_45 = arith.constant 0 : i32
    %dma_wait3A_46 = tpu.memref_slice %arg3[%mul3A_39, %dma_wait3A_45] : memref<160x128xi32, #tpu.memory_space<hbm>> -> memref<5x128xi32, #tpu.memory_space<hbm>>
    %dma_wait3A_47 = arith.constant 0 : i32
    %dma_wait3A_48 = tpu.memref_slice %arg3[%mul3A_39, %dma_wait3A_47] : memref<160x128xi32, #tpu.memory_space<hbm>> -> memref<5x128xi32, #tpu.memory_space<hbm>>
    tpu.wait_dma2 semaphore(%arg9 : memref<!tpu.dma_semaphore, #tpu.memory_space<semaphore_mem>>) src(%dma_wait3A_48 : memref<5x128xi32, #tpu.memory_space<hbm>>) dst(%arg6 : memref<5x128xi32, #tpu.memory_space<vmem>>)
    %barrier3A = arith.constant 0 : index
    tpu.barrier barrier_id(%barrier3A)
    %dma_wait3A_49 = arith.constant 0 : i32
    %dma_wait3A_50 = arith.constant 0 : i32
    %dma_wait3A_51 = arith.constant 0 : i32
    %dma_wait3A_52 = tpu.memref_slice %arg7[%dma_wait3A_49, %dma_wait3A_50, %dma_wait3A_51] : memref<2x128x16xf32, #tpu.memory_space<vmem>> -> memref<1x128x16xf32, #tpu.memory_space<vmem>>
    %dma_wait3A_53 = tpu.memref_squeeze %dma_wait3A_52 : memref<1x128x16xf32, #tpu.memory_space<vmem>> -> memref<128x16xf32, #tpu.memory_space<vmem>>
    %dma_wait3A_54 = arith.constant 0 : i32
    %dma_wait3A_55 = tpu.memref_slice %arg2[%add3A_6, %dma_wait3A_54] : memref<20480x16xf32, #tpu.memory_space<hbm>> -> memref<128x16xf32, #tpu.memory_space<hbm>>
    %dma_wait3A_56 = arith.constant 0 : i32
    %dma_wait3A_57 = arith.constant 0 : i32
    %dma_wait3A_58 = tpu.memref_slice %arg7[%dma_wait3A_49, %dma_wait3A_56, %dma_wait3A_57] : memref<2x128x16xf32, #tpu.memory_space<vmem>> -> memref<1x128x16xf32, #tpu.memory_space<vmem>>
    %dma_wait3A_59 = tpu.memref_squeeze %dma_wait3A_58 : memref<1x128x16xf32, #tpu.memory_space<vmem>> -> memref<128x16xf32, #tpu.memory_space<vmem>>
    %dma_wait3A_60 = arith.constant 0 : i32
    %dma_wait3A_61 = tpu.memref_slice %arg2[%add3A_6, %dma_wait3A_60] : memref<20480x16xf32, #tpu.memory_space<hbm>> -> memref<128x16xf32, #tpu.memory_space<hbm>>
    tpu.wait_dma2 semaphore(%arg10 : memref<!tpu.dma_semaphore, #tpu.memory_space<semaphore_mem>>) src(%dma_wait3A_61 : memref<128x16xf32, #tpu.memory_space<hbm>>) dst(%dma_wait3A_59 : memref<128x16xf32, #tpu.memory_space<vmem>>)
    %dma_start3A_62 = arith.constant 0 : i32
    %dma_start3A_63 = arith.constant 0 : i32
    %dma_start3A_64 = arith.constant 0 : i32
    %dma_start3A_65 = arith.constant 0 : i32
    %dma_start3A_66 = tpu.memref_slice %arg7[%dma_start3A_62, %dma_start3A_64, %dma_start3A_65] : memref<2x128x16xf32, #tpu.memory_space<vmem>> -> memref<1x128x16xf32, #tpu.memory_space<vmem>>
    %dma_start3A_67 = tpu.memref_squeeze %dma_start3A_66 : memref<1x128x16xf32, #tpu.memory_space<vmem>> -> memref<128x16xf32, #tpu.memory_space<vmem>>
    %dma_start3A_68 = arith.constant 0 : i32
    %dma_start3A_69 = tpu.memref_slice %arg6[%dma_start3A_63, %dma_start3A_68] : memref<5x128xi32, #tpu.memory_space<vmem>> -> memref<1x128xi32, #tpu.memory_space<vmem>>
    %dma_start3A_70 = tpu.memref_squeeze %dma_start3A_69 : memref<1x128xi32, #tpu.memory_space<vmem>> -> memref<128xi32, #tpu.memory_space<vmem>>
    %dma_start3A_71 = arith.constant 0 : i32
    %dma_start3A_72 = arith.constant 0 : i32
    %dma_start3A_73 = tpu.memref_slice %arg8[%dma_start3A_71, %dma_start3A_72] : memref<10240x16xf32, #tpu.memory_space<vmem_shared>> -> memref<10240x16xf32, #tpu.memory_space<vmem_shared>>
    tpu.enqueue_indirect_dma source(%dma_start3A_67 : memref<128x16xf32, #tpu.memory_space<vmem>>) target(%dma_start3A_73 : memref<10240x16xf32, #tpu.memory_space<vmem_shared>>) offsets(%dma_start3A_70 : memref<128xi32, #tpu.memory_space<vmem>>) semaphore(%arg12 : memref<!tpu.dma_semaphore, #tpu.memory_space<semaphore_mem>>) {add = true}
    %dma_wait3A_74 = arith.constant 0 : i32
    %dma_wait3A_75 = arith.constant 0 : i32
    %dma_wait3A_76 = arith.constant 0 : i32
    %dma_wait3A_77 = arith.constant 0 : i32
    %dma_wait3A_78 = tpu.memref_slice %arg7[%dma_wait3A_74, %dma_wait3A_76, %dma_wait3A_77] : memref<2x128x16xf32, #tpu.memory_space<vmem>> -> memref<1x128x16xf32, #tpu.memory_space<vmem>>
    %dma_wait3A_79 = tpu.memref_squeeze %dma_wait3A_78 : memref<1x128x16xf32, #tpu.memory_space<vmem>> -> memref<128x16xf32, #tpu.memory_space<vmem>>
    %dma_wait3A_80 = arith.constant 0 : i32
    %dma_wait3A_81 = tpu.memref_slice %arg6[%dma_wait3A_75, %dma_wait3A_80] : memref<5x128xi32, #tpu.memory_space<vmem>> -> memref<1x128xi32, #tpu.memory_space<vmem>>
    %dma_wait3A_82 = tpu.memref_squeeze %dma_wait3A_81 : memref<1x128xi32, #tpu.memory_space<vmem>> -> memref<128xi32, #tpu.memory_space<vmem>>
    %dma_wait3A_83 = arith.constant 0 : i32
    %dma_wait3A_84 = arith.constant 0 : i32
    %dma_wait3A_85 = tpu.memref_slice %arg8[%dma_wait3A_83, %dma_wait3A_84] : memref<10240x16xf32, #tpu.memory_space<vmem_shared>> -> memref<10240x16xf32, #tpu.memory_space<vmem_shared>>
    tpu.wait_indirect_dma semaphore(%arg12 : memref<!tpu.dma_semaphore, #tpu.memory_space<semaphore_mem>>) src(%dma_wait3A_79 : memref<128x16xf32, #tpu.memory_space<vmem>>) dst(%dma_wait3A_85 : memref<10240x16xf32, #tpu.memory_space<vmem_shared>>)
    %add3A_86 = arith.constant 256 : i32
    %add3A_87 = arith.addi %mul3A_4, %add3A_86 : i32
    %dma_start3A_88 = arith.constant 0 : i32
    %dma_start3A_89 = arith.constant 0 : i32
    %dma_start3A_90 = arith.constant 0 : i32
    %dma_start3A_91 = tpu.memref_slice %arg7[%dma_start3A_88, %dma_start3A_89, %dma_start3A_90] : memref<2x128x16xf32, #tpu.memory_space<vmem>> -> memref<1x128x16xf32, #tpu.memory_space<vmem>>
    %dma_start3A_92 = tpu.memref_squeeze %dma_start3A_91 : memref<1x128x16xf32, #tpu.memory_space<vmem>> -> memref<128x16xf32, #tpu.memory_space<vmem>>
    %dma_start3A_93 = arith.constant 0 : i32
    %dma_start3A_94 = tpu.memref_slice %arg2[%add3A_87, %dma_start3A_93] : memref<20480x16xf32, #tpu.memory_space<hbm>> -> memref<128x16xf32, #tpu.memory_space<hbm>>
    %dma_start3A_95 = arith.constant 0 : i32
    %dma_start3A_96 = arith.constant 0 : i32
    %dma_start3A_97 = tpu.memref_slice %arg7[%dma_start3A_88, %dma_start3A_95, %dma_start3A_96] : memref<2x128x16xf32, #tpu.memory_space<vmem>> -> memref<1x128x16xf32, #tpu.memory_space<vmem>>
    %dma_start3A_98 = tpu.memref_squeeze %dma_start3A_97 : memref<1x128x16xf32, #tpu.memory_space<vmem>> -> memref<128x16xf32, #tpu.memory_space<vmem>>
    %dma_start3A_99 = arith.constant 0 : i32
    %dma_start3A_100 = tpu.memref_slice %arg2[%add3A_87, %dma_start3A_99] : memref<20480x16xf32, #tpu.memory_space<hbm>> -> memref<128x16xf32, #tpu.memory_space<hbm>>
    tpu.enqueue_dma source(%dma_start3A_100 : memref<128x16xf32, #tpu.memory_space<hbm>>) target(%dma_start3A_98 : memref<128x16xf32, #tpu.memory_space<vmem>>) target_semaphore(%arg10 : memref<!tpu.dma_semaphore, #tpu.memory_space<semaphore_mem>>)
    %dma_wait3A_101 = arith.constant 1 : i32
    %dma_wait3A_102 = arith.constant 0 : i32
    %dma_wait3A_103 = arith.constant 0 : i32
    %dma_wait3A_104 = tpu.memref_slice %arg7[%dma_wait3A_101, %dma_wait3A_102, %dma_wait3A_103] : memref<2x128x16xf32, #tpu.memory_space<vmem>> -> memref<1x128x16xf32, #tpu.memory_space<vmem>>
    %dma_wait3A_105 = tpu.memref_squeeze %dma_wait3A_104 : memref<1x128x16xf32, #tpu.memory_space<vmem>> -> memref<128x16xf32, #tpu.memory_space<vmem>>
    %dma_wait3A_106 = arith.constant 0 : i32
    %dma_wait3A_107 = tpu.memref_slice %arg2[%add3A_20, %dma_wait3A_106] : memref<20480x16xf32, #tpu.memory_space<hbm>> -> memref<128x16xf32, #tpu.memory_space<hbm>>
    %dma_wait3A_108 = arith.constant 0 : i32
    %dma_wait3A_109 = arith.constant 0 : i32
    %dma_wait3A_110 = tpu.memref_slice %arg7[%dma_wait3A_101, %dma_wait3A_108, %dma_wait3A_109] : memref<2x128x16xf32, #tpu.memory_space<vmem>> -> memref<1x128x16xf32, #tpu.memory_space<vmem>>
    %dma_wait3A_111 = tpu.memref_squeeze %dma_wait3A_110 : memref<1x128x16xf32, #tpu.memory_space<vmem>> -> memref<128x16xf32, #tpu.memory_space<vmem>>
    %dma_wait3A_112 = arith.constant 0 : i32
    %dma_wait3A_113 = tpu.memref_slice %arg2[%add3A_20, %dma_wait3A_112] : memref<20480x16xf32, #tpu.memory_space<hbm>> -> memref<128x16xf32, #tpu.memory_space<hbm>>
    tpu.wait_dma2 semaphore(%arg11 : memref<!tpu.dma_semaphore, #tpu.memory_space<semaphore_mem>>) src(%dma_wait3A_113 : memref<128x16xf32, #tpu.memory_space<hbm>>) dst(%dma_wait3A_111 : memref<128x16xf32, #tpu.memory_space<vmem>>)
    %dma_start3A_114 = arith.constant 1 : i32
    %dma_start3A_115 = arith.constant 1 : i32
    %dma_start3A_116 = arith.constant 0 : i32
    %dma_start3A_117 = arith.constant 0 : i32
    %dma_start3A_118 = tpu.memref_slice %arg7[%dma_start3A_114, %dma_start3A_116, %dma_start3A_117] : memref<2x128x16xf32, #tpu.memory_space<vmem>> -> memref<1x128x16xf32, #tpu.memory_space<vmem>>
    %dma_start3A_119 = tpu.memref_squeeze %dma_start3A_118 : memref<1x128x16xf32, #tpu.memory_space<vmem>> -> memref<128x16xf32, #tpu.memory_space<vmem>>
    %dma_start3A_120 = arith.constant 0 : i32
    %dma_start3A_121 = tpu.memref_slice %arg6[%dma_start3A_115, %dma_start3A_120] : memref<5x128xi32, #tpu.memory_space<vmem>> -> memref<1x128xi32, #tpu.memory_space<vmem>>
    %dma_start3A_122 = tpu.memref_squeeze %dma_start3A_121 : memref<1x128xi32, #tpu.memory_space<vmem>> -> memref<128xi32, #tpu.memory_space<vmem>>
    %dma_start3A_123 = arith.constant 0 : i32
    %dma_start3A_124 = arith.constant 0 : i32
    %dma_start3A_125 = tpu.memref_slice %arg8[%dma_start3A_123, %dma_start3A_124] : memref<10240x16xf32, #tpu.memory_space<vmem_shared>> -> memref<10240x16xf32, #tpu.memory_space<vmem_shared>>
    tpu.enqueue_indirect_dma source(%dma_start3A_119 : memref<128x16xf32, #tpu.memory_space<vmem>>) target(%dma_start3A_125 : memref<10240x16xf32, #tpu.memory_space<vmem_shared>>) offsets(%dma_start3A_122 : memref<128xi32, #tpu.memory_space<vmem>>) semaphore(%arg13 : memref<!tpu.dma_semaphore, #tpu.memory_space<semaphore_mem>>) {add = true}
    %dma_wait3A_126 = arith.constant 1 : i32
    %dma_wait3A_127 = arith.constant 1 : i32
    %dma_wait3A_128 = arith.constant 0 : i32
    %dma_wait3A_129 = arith.constant 0 : i32
    %dma_wait3A_130 = tpu.memref_slice %arg7[%dma_wait3A_126, %dma_wait3A_128, %dma_wait3A_129] : memref<2x128x16xf32, #tpu.memory_space<vmem>> -> memref<1x128x16xf32, #tpu.memory_space<vmem>>
    %dma_wait3A_131 = tpu.memref_squeeze %dma_wait3A_130 : memref<1x128x16xf32, #tpu.memory_space<vmem>> -> memref<128x16xf32, #tpu.memory_space<vmem>>
    %dma_wait3A_132 = arith.constant 0 : i32
    %dma_wait3A_133 = tpu.memref_slice %arg6[%dma_wait3A_127, %dma_wait3A_132] : memref<5x128xi32, #tpu.memory_space<vmem>> -> memref<1x128xi32, #tpu.memory_space<vmem>>
    %dma_wait3A_134 = tpu.memref_squeeze %dma_wait3A_133 : memref<1x128xi32, #tpu.memory_space<vmem>> -> memref<128xi32, #tpu.memory_space<vmem>>
    %dma_wait3A_135 = arith.constant 0 : i32
    %dma_wait3A_136 = arith.constant 0 : i32
    %dma_wait3A_137 = tpu.memref_slice %arg8[%dma_wait3A_135, %dma_wait3A_136] : memref<10240x16xf32, #tpu.memory_space<vmem_shared>> -> memref<10240x16xf32, #tpu.memory_space<vmem_shared>>
    tpu.wait_indirect_dma semaphore(%arg13 : memref<!tpu.dma_semaphore, #tpu.memory_space<semaphore_mem>>) src(%dma_wait3A_131 : memref<128x16xf32, #tpu.memory_space<vmem>>) dst(%dma_wait3A_137 : memref<10240x16xf32, #tpu.memory_space<vmem_shared>>)
    %add3A_138 = arith.constant 384 : i32
    %add3A_139 = arith.addi %mul3A_4, %add3A_138 : i32
    %dma_start3A_140 = arith.constant 1 : i32
    %dma_start3A_141 = arith.constant 0 : i32
    %dma_start3A_142 = arith.constant 0 : i32
    %dma_start3A_143 = tpu.memref_slice %arg7[%dma_start3A_140, %dma_start3A_141, %dma_start3A_142] : memref<2x128x16xf32, #tpu.memory_space<vmem>> -> memref<1x128x16xf32, #tpu.memory_space<vmem>>
    %dma_start3A_144 = tpu.memref_squeeze %dma_start3A_143 : memref<1x128x16xf32, #tpu.memory_space<vmem>> -> memref<128x16xf32, #tpu.memory_space<vmem>>
    %dma_start3A_145 = arith.constant 0 : i32
    %dma_start3A_146 = tpu.memref_slice %arg2[%add3A_139, %dma_start3A_145] : memref<20480x16xf32, #tpu.memory_space<hbm>> -> memref<128x16xf32, #tpu.memory_space<hbm>>
    %dma_start3A_147 = arith.constant 0 : i32
    %dma_start3A_148 = arith.constant 0 : i32
    %dma_start3A_149 = tpu.memref_slice %arg7[%dma_start3A_140, %dma_start3A_147, %dma_start3A_148] : memref<2x128x16xf32, #tpu.memory_space<vmem>> -> memref<1x128x16xf32, #tpu.memory_space<vmem>>
    %dma_start3A_150 = tpu.memref_squeeze %dma_start3A_149 : memref<1x128x16xf32, #tpu.memory_space<vmem>> -> memref<128x16xf32, #tpu.memory_space<vmem>>
    %dma_start3A_151 = arith.constant 0 : i32
    %dma_start3A_152 = tpu.memref_slice %arg2[%add3A_139, %dma_start3A_151] : memref<20480x16xf32, #tpu.memory_space<hbm>> -> memref<128x16xf32, #tpu.memory_space<hbm>>
    tpu.enqueue_dma source(%dma_start3A_152 : memref<128x16xf32, #tpu.memory_space<hbm>>) target(%dma_start3A_150 : memref<128x16xf32, #tpu.memory_space<vmem>>) target_semaphore(%arg11 : memref<!tpu.dma_semaphore, #tpu.memory_space<semaphore_mem>>)
    %dma_wait3A_153 = arith.constant 0 : i32
    %dma_wait3A_154 = arith.constant 0 : i32
    %dma_wait3A_155 = arith.constant 0 : i32
    %dma_wait3A_156 = tpu.memref_slice %arg7[%dma_wait3A_153, %dma_wait3A_154, %dma_wait3A_155] : memref<2x128x16xf32, #tpu.memory_space<vmem>> -> memref<1x128x16xf32, #tpu.memory_space<vmem>>
    %dma_wait3A_157 = tpu.memref_squeeze %dma_wait3A_156 : memref<1x128x16xf32, #tpu.memory_space<vmem>> -> memref<128x16xf32, #tpu.memory_space<vmem>>
    %dma_wait3A_158 = arith.constant 0 : i32
    %dma_wait3A_159 = tpu.memref_slice %arg2[%add3A_87, %dma_wait3A_158] : memref<20480x16xf32, #tpu.memory_space<hbm>> -> memref<128x16xf32, #tpu.memory_space<hbm>>
    %dma_wait3A_160 = arith.constant 0 : i32
    %dma_wait3A_161 = arith.constant 0 : i32
    %dma_wait3A_162 = tpu.memref_slice %arg7[%dma_wait3A_153, %dma_wait3A_160, %dma_wait3A_161] : memref<2x128x16xf32, #tpu.memory_space<vmem>> -> memref<1x128x16xf32, #tpu.memory_space<vmem>>
    %dma_wait3A_163 = tpu.memref_squeeze %dma_wait3A_162 : memref<1x128x16xf32, #tpu.memory_space<vmem>> -> memref<128x16xf32, #tpu.memory_space<vmem>>
    %dma_wait3A_164 = arith.constant 0 : i32
    %dma_wait3A_165 = tpu.memref_slice %arg2[%add3A_87, %dma_wait3A_164] : memref<20480x16xf32, #tpu.memory_space<hbm>> -> memref<128x16xf32, #tpu.memory_space<hbm>>
    tpu.wait_dma2 semaphore(%arg10 : memref<!tpu.dma_semaphore, #tpu.memory_space<semaphore_mem>>) src(%dma_wait3A_165 : memref<128x16xf32, #tpu.memory_space<hbm>>) dst(%dma_wait3A_163 : memref<128x16xf32, #tpu.memory_space<vmem>>)
    %dma_start3A_166 = arith.constant 0 : i32
    %dma_start3A_167 = arith.constant 2 : i32
    %dma_start3A_168 = arith.constant 0 : i32
    %dma_start3A_169 = arith.constant 0 : i32
    %dma_start3A_170 = tpu.memref_slice %arg7[%dma_start3A_166, %dma_start3A_168, %dma_start3A_169] : memref<2x128x16xf32, #tpu.memory_space<vmem>> -> memref<1x128x16xf32, #tpu.memory_space<vmem>>
    %dma_start3A_171 = tpu.memref_squeeze %dma_start3A_170 : memref<1x128x16xf32, #tpu.memory_space<vmem>> -> memref<128x16xf32, #tpu.memory_space<vmem>>
    %dma_start3A_172 = arith.constant 0 : i32
    %dma_start3A_173 = tpu.memref_slice %arg6[%dma_start3A_167, %dma_start3A_172] : memref<5x128xi32, #tpu.memory_space<vmem>> -> memref<1x128xi32, #tpu.memory_space<vmem>>
    %dma_start3A_174 = tpu.memref_squeeze %dma_start3A_173 : memref<1x128xi32, #tpu.memory_space<vmem>> -> memref<128xi32, #tpu.memory_space<vmem>>
    %dma_start3A_175 = arith.constant 0 : i32
    %dma_start3A_176 = arith.constant 0 : i32
    %dma_start3A_177 = tpu.memref_slice %arg8[%dma_start3A_175, %dma_start3A_176] : memref<10240x16xf32, #tpu.memory_space<vmem_shared>> -> memref<10240x16xf32, #tpu.memory_space<vmem_shared>>
    tpu.enqueue_indirect_dma source(%dma_start3A_171 : memref<128x16xf32, #tpu.memory_space<vmem>>) target(%dma_start3A_177 : memref<10240x16xf32, #tpu.memory_space<vmem_shared>>) offsets(%dma_start3A_174 : memref<128xi32, #tpu.memory_space<vmem>>) semaphore(%arg12 : memref<!tpu.dma_semaphore, #tpu.memory_space<semaphore_mem>>) {add = true}
    %dma_wait3A_178 = arith.constant 0 : i32
    %dma_wait3A_179 = arith.constant 2 : i32
    %dma_wait3A_180 = arith.constant 0 : i32
    %dma_wait3A_181 = arith.constant 0 : i32
    %dma_wait3A_182 = tpu.memref_slice %arg7[%dma_wait3A_178, %dma_wait3A_180, %dma_wait3A_181] : memref<2x128x16xf32, #tpu.memory_space<vmem>> -> memref<1x128x16xf32, #tpu.memory_space<vmem>>
    %dma_wait3A_183 = tpu.memref_squeeze %dma_wait3A_182 : memref<1x128x16xf32, #tpu.memory_space<vmem>> -> memref<128x16xf32, #tpu.memory_space<vmem>>
    %dma_wait3A_184 = arith.constant 0 : i32
    %dma_wait3A_185 = tpu.memref_slice %arg6[%dma_wait3A_179, %dma_wait3A_184] : memref<5x128xi32, #tpu.memory_space<vmem>> -> memref<1x128xi32, #tpu.memory_space<vmem>>
    %dma_wait3A_186 = tpu.memref_squeeze %dma_wait3A_185 : memref<1x128xi32, #tpu.memory_space<vmem>> -> memref<128xi32, #tpu.memory_space<vmem>>
    %dma_wait3A_187 = arith.constant 0 : i32
    %dma_wait3A_188 = arith.constant 0 : i32
    %dma_wait3A_189 = tpu.memref_slice %arg8[%dma_wait3A_187, %dma_wait3A_188] : memref<10240x16xf32, #tpu.memory_space<vmem_shared>> -> memref<10240x16xf32, #tpu.memory_space<vmem_shared>>
    tpu.wait_indirect_dma semaphore(%arg12 : memref<!tpu.dma_semaphore, #tpu.memory_space<semaphore_mem>>) src(%dma_wait3A_183 : memref<128x16xf32, #tpu.memory_space<vmem>>) dst(%dma_wait3A_189 : memref<10240x16xf32, #tpu.memory_space<vmem_shared>>)
    %add3A_190 = arith.constant 512 : i32
    %add3A_191 = arith.addi %mul3A_4, %add3A_190 : i32
    %dma_start3A_192 = arith.constant 0 : i32
    %dma_start3A_193 = arith.constant 0 : i32
    %dma_start3A_194 = arith.constant 0 : i32
    %dma_start3A_195 = tpu.memref_slice %arg7[%dma_start3A_192, %dma_start3A_193, %dma_start3A_194] : memref<2x128x16xf32, #tpu.memory_space<vmem>> -> memref<1x128x16xf32, #tpu.memory_space<vmem>>
    %dma_start3A_196 = tpu.memref_squeeze %dma_start3A_195 : memref<1x128x16xf32, #tpu.memory_space<vmem>> -> memref<128x16xf32, #tpu.memory_space<vmem>>
    %dma_start3A_197 = arith.constant 0 : i32
    %dma_start3A_198 = tpu.memref_slice %arg2[%add3A_191, %dma_start3A_197] : memref<20480x16xf32, #tpu.memory_space<hbm>> -> memref<128x16xf32, #tpu.memory_space<hbm>>
    %dma_start3A_199 = arith.constant 0 : i32
    %dma_start3A_200 = arith.constant 0 : i32
    %dma_start3A_201 = tpu.memref_slice %arg7[%dma_start3A_192, %dma_start3A_199, %dma_start3A_200] : memref<2x128x16xf32, #tpu.memory_space<vmem>> -> memref<1x128x16xf32, #tpu.memory_space<vmem>>
    %dma_start3A_202 = tpu.memref_squeeze %dma_start3A_201 : memref<1x128x16xf32, #tpu.memory_space<vmem>> -> memref<128x16xf32, #tpu.memory_space<vmem>>
    %dma_start3A_203 = arith.constant 0 : i32
    %dma_start3A_204 = tpu.memref_slice %arg2[%add3A_191, %dma_start3A_203] : memref<20480x16xf32, #tpu.memory_space<hbm>> -> memref<128x16xf32, #tpu.memory_space<hbm>>
    tpu.enqueue_dma source(%dma_start3A_204 : memref<128x16xf32, #tpu.memory_space<hbm>>) target(%dma_start3A_202 : memref<128x16xf32, #tpu.memory_space<vmem>>) target_semaphore(%arg10 : memref<!tpu.dma_semaphore, #tpu.memory_space<semaphore_mem>>)
    %dma_wait3A_205 = arith.constant 1 : i32
    %dma_wait3A_206 = arith.constant 0 : i32
    %dma_wait3A_207 = arith.constant 0 : i32
    %dma_wait3A_208 = tpu.memref_slice %arg7[%dma_wait3A_205, %dma_wait3A_206, %dma_wait3A_207] : memref<2x128x16xf32, #tpu.memory_space<vmem>> -> memref<1x128x16xf32, #tpu.memory_space<vmem>>
    %dma_wait3A_209 = tpu.memref_squeeze %dma_wait3A_208 : memref<1x128x16xf32, #tpu.memory_space<vmem>> -> memref<128x16xf32, #tpu.memory_space<vmem>>
    %dma_wait3A_210 = arith.constant 0 : i32
    %dma_wait3A_211 = tpu.memref_slice %arg2[%add3A_139, %dma_wait3A_210] : memref<20480x16xf32, #tpu.memory_space<hbm>> -> memref<128x16xf32, #tpu.memory_space<hbm>>
    %dma_wait3A_212 = arith.constant 0 : i32
    %dma_wait3A_213 = arith.constant 0 : i32
    %dma_wait3A_214 = tpu.memref_slice %arg7[%dma_wait3A_205, %dma_wait3A_212, %dma_wait3A_213] : memref<2x128x16xf32, #tpu.memory_space<vmem>> -> memref<1x128x16xf32, #tpu.memory_space<vmem>>
    %dma_wait3A_215 = tpu.memref_squeeze %dma_wait3A_214 : memref<1x128x16xf32, #tpu.memory_space<vmem>> -> memref<128x16xf32, #tpu.memory_space<vmem>>
    %dma_wait3A_216 = arith.constant 0 : i32
    %dma_wait3A_217 = tpu.memref_slice %arg2[%add3A_139, %dma_wait3A_216] : memref<20480x16xf32, #tpu.memory_space<hbm>> -> memref<128x16xf32, #tpu.memory_space<hbm>>
    tpu.wait_dma2 semaphore(%arg11 : memref<!tpu.dma_semaphore, #tpu.memory_space<semaphore_mem>>) src(%dma_wait3A_217 : memref<128x16xf32, #tpu.memory_space<hbm>>) dst(%dma_wait3A_215 : memref<128x16xf32, #tpu.memory_space<vmem>>)
    %dma_start3A_218 = arith.constant 1 : i32
    %dma_start3A_219 = arith.constant 3 : i32
    %dma_start3A_220 = arith.constant 0 : i32
    %dma_start3A_221 = arith.constant 0 : i32
    %dma_start3A_222 = tpu.memref_slice %arg7[%dma_start3A_218, %dma_start3A_220, %dma_start3A_221] : memref<2x128x16xf32, #tpu.memory_space<vmem>> -> memref<1x128x16xf32, #tpu.memory_space<vmem>>
    %dma_start3A_223 = tpu.memref_squeeze %dma_start3A_222 : memref<1x128x16xf32, #tpu.memory_space<vmem>> -> memref<128x16xf32, #tpu.memory_space<vmem>>
    %dma_start3A_224 = arith.constant 0 : i32
    %dma_start3A_225 = tpu.memref_slice %arg6[%dma_start3A_219, %dma_start3A_224] : memref<5x128xi32, #tpu.memory_space<vmem>> -> memref<1x128xi32, #tpu.memory_space<vmem>>
    %dma_start3A_226 = tpu.memref_squeeze %dma_start3A_225 : memref<1x128xi32, #tpu.memory_space<vmem>> -> memref<128xi32, #tpu.memory_space<vmem>>
    %dma_start3A_227 = arith.constant 0 : i32
    %dma_start3A_228 = arith.constant 0 : i32
    %dma_start3A_229 = tpu.memref_slice %arg8[%dma_start3A_227, %dma_start3A_228] : memref<10240x16xf32, #tpu.memory_space<vmem_shared>> -> memref<10240x16xf32, #tpu.memory_space<vmem_shared>>
    tpu.enqueue_indirect_dma source(%dma_start3A_223 : memref<128x16xf32, #tpu.memory_space<vmem>>) target(%dma_start3A_229 : memref<10240x16xf32, #tpu.memory_space<vmem_shared>>) offsets(%dma_start3A_226 : memref<128xi32, #tpu.memory_space<vmem>>) semaphore(%arg13 : memref<!tpu.dma_semaphore, #tpu.memory_space<semaphore_mem>>) {add = true}
    %dma_wait3A_230 = arith.constant 0 : i32
    %dma_wait3A_231 = arith.constant 0 : i32
    %dma_wait3A_232 = arith.constant 0 : i32
    %dma_wait3A_233 = tpu.memref_slice %arg7[%dma_wait3A_230, %dma_wait3A_231, %dma_wait3A_232] : memref<2x128x16xf32, #tpu.memory_space<vmem>> -> memref<1x128x16xf32, #tpu.memory_space<vmem>>
    %dma_wait3A_234 = tpu.memref_squeeze %dma_wait3A_233 : memref<1x128x16xf32, #tpu.memory_space<vmem>> -> memref<128x16xf32, #tpu.memory_space<vmem>>
    %dma_wait3A_235 = arith.constant 0 : i32
    %dma_wait3A_236 = tpu.memref_slice %arg2[%add3A_191, %dma_wait3A_235] : memref<20480x16xf32, #tpu.memory_space<hbm>> -> memref<128x16xf32, #tpu.memory_space<hbm>>
    %dma_wait3A_237 = arith.constant 0 : i32
    %dma_wait3A_238 = arith.constant 0 : i32
    %dma_wait3A_239 = tpu.memref_slice %arg7[%dma_wait3A_230, %dma_wait3A_237, %dma_wait3A_238] : memref<2x128x16xf32, #tpu.memory_space<vmem>> -> memref<1x128x16xf32, #tpu.memory_space<vmem>>
    %dma_wait3A_240 = tpu.memref_squeeze %dma_wait3A_239 : memref<1x128x16xf32, #tpu.memory_space<vmem>> -> memref<128x16xf32, #tpu.memory_space<vmem>>
    %dma_wait3A_241 = arith.constant 0 : i32
    %dma_wait3A_242 = tpu.memref_slice %arg2[%add3A_191, %dma_wait3A_241] : memref<20480x16xf32, #tpu.memory_space<hbm>> -> memref<128x16xf32, #tpu.memory_space<hbm>>
    tpu.wait_dma2 semaphore(%arg10 : memref<!tpu.dma_semaphore, #tpu.memory_space<semaphore_mem>>) src(%dma_wait3A_242 : memref<128x16xf32, #tpu.memory_space<hbm>>) dst(%dma_wait3A_240 : memref<128x16xf32, #tpu.memory_space<vmem>>)
    %dma_start3A_243 = arith.constant 0 : i32
    %dma_start3A_244 = arith.constant 4 : i32
    %dma_start3A_245 = arith.constant 0 : i32
    %dma_start3A_246 = arith.constant 0 : i32
    %dma_start3A_247 = tpu.memref_slice %arg7[%dma_start3A_243, %dma_start3A_245, %dma_start3A_246] : memref<2x128x16xf32, #tpu.memory_space<vmem>> -> memref<1x128x16xf32, #tpu.memory_space<vmem>>
    %dma_start3A_248 = tpu.memref_squeeze %dma_start3A_247 : memref<1x128x16xf32, #tpu.memory_space<vmem>> -> memref<128x16xf32, #tpu.memory_space<vmem>>
    %dma_start3A_249 = arith.constant 0 : i32
    %dma_start3A_250 = tpu.memref_slice %arg6[%dma_start3A_244, %dma_start3A_249] : memref<5x128xi32, #tpu.memory_space<vmem>> -> memref<1x128xi32, #tpu.memory_space<vmem>>
    %dma_start3A_251 = tpu.memref_squeeze %dma_start3A_250 : memref<1x128xi32, #tpu.memory_space<vmem>> -> memref<128xi32, #tpu.memory_space<vmem>>
    %dma_start3A_252 = arith.constant 0 : i32
    %dma_start3A_253 = arith.constant 0 : i32
    %dma_start3A_254 = tpu.memref_slice %arg8[%dma_start3A_252, %dma_start3A_253] : memref<10240x16xf32, #tpu.memory_space<vmem_shared>> -> memref<10240x16xf32, #tpu.memory_space<vmem_shared>>
    tpu.enqueue_indirect_dma source(%dma_start3A_248 : memref<128x16xf32, #tpu.memory_space<vmem>>) target(%dma_start3A_254 : memref<10240x16xf32, #tpu.memory_space<vmem_shared>>) offsets(%dma_start3A_251 : memref<128xi32, #tpu.memory_space<vmem>>) semaphore(%arg12 : memref<!tpu.dma_semaphore, #tpu.memory_space<semaphore_mem>>) {add = true}
    %dma_wait3A_255 = arith.constant 1 : i32
    %dma_wait3A_256 = arith.constant 3 : i32
    %dma_wait3A_257 = arith.constant 0 : i32
    %dma_wait3A_258 = arith.constant 0 : i32
    %dma_wait3A_259 = tpu.memref_slice %arg7[%dma_wait3A_255, %dma_wait3A_257, %dma_wait3A_258] : memref<2x128x16xf32, #tpu.memory_space<vmem>> -> memref<1x128x16xf32, #tpu.memory_space<vmem>>
    %dma_wait3A_260 = tpu.memref_squeeze %dma_wait3A_259 : memref<1x128x16xf32, #tpu.memory_space<vmem>> -> memref<128x16xf32, #tpu.memory_space<vmem>>
    %dma_wait3A_261 = arith.constant 0 : i32
    %dma_wait3A_262 = tpu.memref_slice %arg6[%dma_wait3A_256, %dma_wait3A_261] : memref<5x128xi32, #tpu.memory_space<vmem>> -> memref<1x128xi32, #tpu.memory_space<vmem>>
    %dma_wait3A_263 = tpu.memref_squeeze %dma_wait3A_262 : memref<1x128xi32, #tpu.memory_space<vmem>> -> memref<128xi32, #tpu.memory_space<vmem>>
    %dma_wait3A_264 = arith.constant 0 : i32
    %dma_wait3A_265 = arith.constant 0 : i32
    %dma_wait3A_266 = tpu.memref_slice %arg8[%dma_wait3A_264, %dma_wait3A_265] : memref<10240x16xf32, #tpu.memory_space<vmem_shared>> -> memref<10240x16xf32, #tpu.memory_space<vmem_shared>>
    tpu.wait_indirect_dma semaphore(%arg13 : memref<!tpu.dma_semaphore, #tpu.memory_space<semaphore_mem>>) src(%dma_wait3A_260 : memref<128x16xf32, #tpu.memory_space<vmem>>) dst(%dma_wait3A_266 : memref<10240x16xf32, #tpu.memory_space<vmem_shared>>)
    %dma_wait3A_267 = arith.constant 0 : i32
    %dma_wait3A_268 = arith.constant 4 : i32
    %dma_wait3A_269 = arith.constant 0 : i32
    %dma_wait3A_270 = arith.constant 0 : i32
    %dma_wait3A_271 = tpu.memref_slice %arg7[%dma_wait3A_267, %dma_wait3A_269, %dma_wait3A_270] : memref<2x128x16xf32, #tpu.memory_space<vmem>> -> memref<1x128x16xf32, #tpu.memory_space<vmem>>
    %dma_wait3A_272 = tpu.memref_squeeze %dma_wait3A_271 : memref<1x128x16xf32, #tpu.memory_space<vmem>> -> memref<128x16xf32, #tpu.memory_space<vmem>>
    %dma_wait3A_273 = arith.constant 0 : i32
    %dma_wait3A_274 = tpu.memref_slice %arg6[%dma_wait3A_268, %dma_wait3A_273] : memref<5x128xi32, #tpu.memory_space<vmem>> -> memref<1x128xi32, #tpu.memory_space<vmem>>
    %dma_wait3A_275 = tpu.memref_squeeze %dma_wait3A_274 : memref<1x128xi32, #tpu.memory_space<vmem>> -> memref<128xi32, #tpu.memory_space<vmem>>
    %dma_wait3A_276 = arith.constant 0 : i32
    %dma_wait3A_277 = arith.constant 0 : i32
    %dma_wait3A_278 = tpu.memref_slice %arg8[%dma_wait3A_276, %dma_wait3A_277] : memref<10240x16xf32, #tpu.memory_space<vmem_shared>> -> memref<10240x16xf32, #tpu.memory_space<vmem_shared>>
    tpu.wait_indirect_dma semaphore(%arg12 : memref<!tpu.dma_semaphore, #tpu.memory_space<semaphore_mem>>) src(%dma_wait3A_272 : memref<128x16xf32, #tpu.memory_space<vmem>>) dst(%dma_wait3A_278 : memref<10240x16xf32, #tpu.memory_space<vmem_shared>>)
    %barrier3A_279 = arith.constant 0 : index
    tpu.barrier barrier_id(%barrier3A_279)
    "tpu.region"() ({
      %run_scoped3A = tpu.sem_alloc : memref<!tpu.dma_semaphore, #tpu.memory_space<semaphore_mem>>
      %dma_start3A_280 = arith.constant 0 : i32
      %dma_start3A_281 = tpu.memref_slice %arg5[%arg0, %mul3A_2, %dma_start3A_280] : memref<2x10240x16xf32, #tpu.memory_space<hbm>> -> memref<1x640x16xf32, #tpu.memory_space<hbm>>
      %dma_start3A_282 = tpu.memref_squeeze %dma_start3A_281 : memref<1x640x16xf32, #tpu.memory_space<hbm>> -> memref<640x16xf32, #tpu.memory_space<hbm>>
      %dma_start3A_283 = arith.constant 0 : i32
      %dma_start3A_284 = tpu.memref_slice %arg8[%mul3A_2, %dma_start3A_283] : memref<10240x16xf32, #tpu.memory_space<vmem_shared>> -> memref<640x16xf32, #tpu.memory_space<vmem_shared>>
      tpu.enqueue_dma source(%dma_start3A_284 : memref<640x16xf32, #tpu.memory_space<vmem_shared>>) target(%dma_start3A_282 : memref<640x16xf32, #tpu.memory_space<hbm>>) target_semaphore(%run_scoped3A : memref<!tpu.dma_semaphore, #tpu.memory_space<semaphore_mem>>)
      %dma_wait3A_285 = arith.constant 0 : i32
      %dma_wait3A_286 = tpu.memref_slice %arg5[%arg0, %mul3A_2, %dma_wait3A_285] : memref<2x10240x16xf32, #tpu.memory_space<hbm>> -> memref<1x640x16xf32, #tpu.memory_space<hbm>>
      %dma_wait3A_287 = tpu.memref_squeeze %dma_wait3A_286 : memref<1x640x16xf32, #tpu.memory_space<hbm>> -> memref<640x16xf32, #tpu.memory_space<hbm>>
      %dma_wait3A_288 = arith.constant 0 : i32
      %dma_wait3A_289 = tpu.memref_slice %arg8[%mul3A_2, %dma_wait3A_288] : memref<10240x16xf32, #tpu.memory_space<vmem_shared>> -> memref<640x16xf32, #tpu.memory_space<vmem_shared>>
      tpu.wait_dma2 semaphore(%run_scoped3A : memref<!tpu.dma_semaphore, #tpu.memory_space<semaphore_mem>>) src(%dma_wait3A_289 : memref<640x16xf32, #tpu.memory_space<vmem_shared>>) dst(%dma_wait3A_287 : memref<640x16xf32, #tpu.memory_space<hbm>>)
      tpu.yield
    }) : () -> ()
    return
  }
}

#map = affine_map<(d0, d1) -> (0, 0)>
#map1 = affine_map<(d0, d1) -> (0, 0, 0)>
module attributes {stable_mosaic.version = 14 : i64} {
  func.func @k(%arg0: i32, %arg1: i32, %arg2: memref<20480x32xf32, #tpu.memory_space<hbm>>, %arg3: memref<160x128xi32, #tpu.memory_space<hbm>>, %arg4: memref<640x32xf32, #tpu.memory_space<hbm>>, %arg5: memref<2x10240x32xf32, #tpu.memory_space<hbm>>, %arg6: memref<5x128xi32, #tpu.memory_space<vmem>>, %arg7: memref<2x128x32xf32, #tpu.memory_space<vmem>>, %arg8: memref<10240x32xf32, #tpu.memory_space<vmem_shared>>, %arg9: memref<!tpu.dma_semaphore, #tpu.memory_space<semaphore_mem>>, %arg10: memref<!tpu.dma_semaphore, #tpu.memory_space<semaphore_mem>>, %arg11: memref<!tpu.dma_semaphore, #tpu.memory_space<semaphore_mem>>, %arg12: memref<!tpu.dma_semaphore, #tpu.memory_space<semaphore_mem>>, %arg13: memref<!tpu.dma_semaphore, #tpu.memory_space<semaphore_mem>>) attributes {dimension_semantics = [#tpu.dimension_semantics<core_parallel>, #tpu.dimension_semantics<subcore_parallel>], iteration_bounds = array<i64: 2, 16>, scalar_prefetch = 0 : i64, scratch_operands = 8 : i64, tpu.core_type = #tpu.core_type<sc_vector_subcore>, window_params = [{transform_indices = #map}, {transform_indices = #map}, {transform_indices = #map}, {transform_indices = #map1}]} {
    %mul3A = arith.constant 2 : i32
    %mul3A_0 = arith.muli %arg1, %mul3A : i32
    %add3A = arith.addi %mul3A_0, %arg0 : i32
    %mul3A_1 = arith.constant 640 : i32
    %mul3A_2 = arith.muli %arg1, %mul3A_1 : i32
    %mul3A_3 = arith.constant 640 : i32
    %mul3A_4 = arith.muli %add3A, %mul3A_3 : i32
    %add3A_5 = arith.constant 0 : i32
    %add3A_6 = arith.addi %mul3A_4, %add3A_5 : i32
    %dma_start3A = arith.constant 0 : i32
    %dma_start3A_7 = arith.constant 0 : i32
    %dma_start3A_8 = arith.constant 0 : i32
    %dma_start3A_9 = tpu.memref_slice %arg7[%dma_start3A, %dma_start3A_7, %dma_start3A_8] : memref<2x128x32xf32, #tpu.memory_space<vmem>> -> memref<1x128x32xf32, #tpu.memory_space<vmem>>
    %dma_start3A_10 = tpu.memref_squeeze %dma_start3A_9 : memref<1x128x32xf32, #tpu.memory_space<vmem>> -> memref<128x32xf32, #tpu.memory_space<vmem>>
    %dma_start3A_11 = arith.constant 0 : i32
    %dma_start3A_12 = tpu.memref_slice %arg2[%add3A_6, %dma_start3A_11] : memref<20480x32xf32, #tpu.memory_space<hbm>> -> memref<128x32xf32, #tpu.memory_space<hbm>>
    %dma_start3A_13 = arith.constant 0 : i32
    %dma_start3A_14 = arith.constant 0 : i32
    %dma_start3A_15 = tpu.memref_slice %arg7[%dma_start3A, %dma_start3A_13, %dma_start3A_14] : memref<2x128x32xf32, #tpu.memory_space<vmem>> -> memref<1x128x32xf32, #tpu.memory_space<vmem>>
    %dma_start3A_16 = tpu.memref_squeeze %dma_start3A_15 : memref<1x128x32xf32, #tpu.memory_space<vmem>> -> memref<128x32xf32, #tpu.memory_space<vmem>>
    %dma_start3A_17 = arith.constant 0 : i32
    %dma_start3A_18 = tpu.memref_slice %arg2[%add3A_6, %dma_start3A_17] : memref<20480x32xf32, #tpu.memory_space<hbm>> -> memref<128x32xf32, #tpu.memory_space<hbm>>
    tpu.enqueue_dma source(%dma_start3A_18 : memref<128x32xf32, #tpu.memory_space<hbm>>) target(%dma_start3A_16 : memref<128x32xf32, #tpu.memory_space<vmem>>) target_semaphore(%arg10 : memref<!tpu.dma_semaphore, #tpu.memory_space<semaphore_mem>>)
    %add3A_19 = arith.constant 128 : i32
    %add3A_20 = arith.addi %mul3A_4, %add3A_19 : i32
    %dma_start3A_21 = arith.constant 1 : i32
    %dma_start3A_22 = arith.constant 0 : i32
    %dma_start3A_23 = arith.constant 0 : i32
    %dma_start3A_24 = tpu.memref_slice %arg7[%dma_start3A_21, %dma_start3A_22, %dma_start3A_23] : memref<2x128x32xf32, #tpu.memory_space<vmem>> -> memref<1x128x32xf32, #tpu.memory_space<vmem>>
    %dma_start3A_25 = tpu.memref_squeeze %dma_start3A_24 : memref<1x128x32xf32, #tpu.memory_space<vmem>> -> memref<128x32xf32, #tpu.memory_space<vmem>>
    %dma_start3A_26 = arith.constant 0 : i32
    %dma_start3A_27 = tpu.memref_slice %arg2[%add3A_20, %dma_start3A_26] : memref<20480x32xf32, #tpu.memory_space<hbm>> -> memref<128x32xf32, #tpu.memory_space<hbm>>
    %dma_start3A_28 = arith.constant 0 : i32
    %dma_start3A_29 = arith.constant 0 : i32
    %dma_start3A_30 = tpu.memref_slice %arg7[%dma_start3A_21, %dma_start3A_28, %dma_start3A_29] : memref<2x128x32xf32, #tpu.memory_space<vmem>> -> memref<1x128x32xf32, #tpu.memory_space<vmem>>
    %dma_start3A_31 = tpu.memref_squeeze %dma_start3A_30 : memref<1x128x32xf32, #tpu.memory_space<vmem>> -> memref<128x32xf32, #tpu.memory_space<vmem>>
    %dma_start3A_32 = arith.constant 0 : i32
    %dma_start3A_33 = tpu.memref_slice %arg2[%add3A_20, %dma_start3A_32] : memref<20480x32xf32, #tpu.memory_space<hbm>> -> memref<128x32xf32, #tpu.memory_space<hbm>>
    tpu.enqueue_dma source(%dma_start3A_33 : memref<128x32xf32, #tpu.memory_space<hbm>>) target(%dma_start3A_31 : memref<128x32xf32, #tpu.memory_space<vmem>>) target_semaphore(%arg11 : memref<!tpu.dma_semaphore, #tpu.memory_space<semaphore_mem>>)
    %add3A_34 = arith.constant 0 : i32
    %add3A_35 = arith.addi %mul3A_2, %add3A_34 : i32
    %dma_start3A_36 = arith.constant 0 : i32
    %dma_start3A_37 = tpu.memref_slice %arg8[%add3A_35, %dma_start3A_36] : memref<10240x32xf32, #tpu.memory_space<vmem_shared>> -> memref<640x32xf32, #tpu.memory_space<vmem_shared>>
    tpu.enqueue_dma source(%arg4 : memref<640x32xf32, #tpu.memory_space<hbm>>) target(%dma_start3A_37 : memref<640x32xf32, #tpu.memory_space<vmem_shared>>) target_semaphore(%arg9 : memref<!tpu.dma_semaphore, #tpu.memory_space<semaphore_mem>>)
    %mul3A_38 = arith.constant 5 : i32
    %mul3A_39 = arith.muli %add3A, %mul3A_38 : i32
    %dma_start3A_40 = arith.constant 0 : i32
    %dma_start3A_41 = tpu.memref_slice %arg3[%mul3A_39, %dma_start3A_40] : memref<160x128xi32, #tpu.memory_space<hbm>> -> memref<5x128xi32, #tpu.memory_space<hbm>>
    %dma_start3A_42 = arith.constant 0 : i32
    %dma_start3A_43 = tpu.memref_slice %arg3[%mul3A_39, %dma_start3A_42] : memref<160x128xi32, #tpu.memory_space<hbm>> -> memref<5x128xi32, #tpu.memory_space<hbm>>
    tpu.enqueue_dma source(%dma_start3A_43 : memref<5x128xi32, #tpu.memory_space<hbm>>) target(%arg6 : memref<5x128xi32, #tpu.memory_space<vmem>>) target_semaphore(%arg9 : memref<!tpu.dma_semaphore, #tpu.memory_space<semaphore_mem>>)
    %dma_wait3A = arith.constant 0 : i32
    %dma_wait3A_44 = tpu.memref_slice %arg8[%add3A_35, %dma_wait3A] : memref<10240x32xf32, #tpu.memory_space<vmem_shared>> -> memref<640x32xf32, #tpu.memory_space<vmem_shared>>
    tpu.wait_dma2 semaphore(%arg9 : memref<!tpu.dma_semaphore, #tpu.memory_space<semaphore_mem>>) src(%arg4 : memref<640x32xf32, #tpu.memory_space<hbm>>) dst(%dma_wait3A_44 : memref<640x32xf32, #tpu.memory_space<vmem_shared>>)
    %dma_wait3A_45 = arith.constant 0 : i32
    %dma_wait3A_46 = tpu.memref_slice %arg3[%mul3A_39, %dma_wait3A_45] : memref<160x128xi32, #tpu.memory_space<hbm>> -> memref<5x128xi32, #tpu.memory_space<hbm>>
    %dma_wait3A_47 = arith.constant 0 : i32
    %dma_wait3A_48 = tpu.memref_slice %arg3[%mul3A_39, %dma_wait3A_47] : memref<160x128xi32, #tpu.memory_space<hbm>> -> memref<5x128xi32, #tpu.memory_space<hbm>>
    tpu.wait_dma2 semaphore(%arg9 : memref<!tpu.dma_semaphore, #tpu.memory_space<semaphore_mem>>) src(%dma_wait3A_48 : memref<5x128xi32, #tpu.memory_space<hbm>>) dst(%arg6 : memref<5x128xi32, #tpu.memory_space<vmem>>)
    %barrier3A = arith.constant 0 : index
    tpu.barrier barrier_id(%barrier3A)
    %dma_wait3A_49 = arith.constant 0 : i32
    %dma_wait3A_50 = arith.constant 0 : i32
    %dma_wait3A_51 = arith.constant 0 : i32
    %dma_wait3A_52 = tpu.memref_slice %arg7[%dma_wait3A_49, %dma_wait3A_50, %dma_wait3A_51] : memref<2x128x32xf32, #tpu.memory_space<vmem>> -> memref<1x128x32xf32, #tpu.memory_space<vmem>>
    %dma_wait3A_53 = tpu.memref_squeeze %dma_wait3A_52 : memref<1x128x32xf32, #tpu.memory_space<vmem>> -> memref<128x32xf32, #tpu.memory_space<vmem>>
    %dma_wait3A_54 = arith.constant 0 : i32
    %dma_wait3A_55 = tpu.memref_slice %arg2[%add3A_6, %dma_wait3A_54] : memref<20480x32xf32, #tpu.memory_space<hbm>> -> memref<128x32xf32, #tpu.memory_space<hbm>>
    %dma_wait3A_56 = arith.constant 0 : i32
    %dma_wait3A_57 = arith.constant 0 : i32
    %dma_wait3A_58 = tpu.memref_slice %arg7[%dma_wait3A_49, %dma_wait3A_56, %dma_wait3A_57] : memref<2x128x32xf32, #tpu.memory_space<vmem>> -> memref<1x128x32xf32, #tpu.memory_space<vmem>>
    %dma_wait3A_59 = tpu.memref_squeeze %dma_wait3A_58 : memref<1x128x32xf32, #tpu.memory_space<vmem>> -> memref<128x32xf32, #tpu.memory_space<vmem>>
    %dma_wait3A_60 = arith.constant 0 : i32
    %dma_wait3A_61 = tpu.memref_slice %arg2[%add3A_6, %dma_wait3A_60] : memref<20480x32xf32, #tpu.memory_space<hbm>> -> memref<128x32xf32, #tpu.memory_space<hbm>>
    tpu.wait_dma2 semaphore(%arg10 : memref<!tpu.dma_semaphore, #tpu.memory_space<semaphore_mem>>) src(%dma_wait3A_61 : memref<128x32xf32, #tpu.memory_space<hbm>>) dst(%dma_wait3A_59 : memref<128x32xf32, #tpu.memory_space<vmem>>)
    %dma_start3A_62 = arith.constant 0 : i32
    %dma_start3A_63 = arith.constant 0 : i32
    %dma_start3A_64 = arith.constant 0 : i32
    %dma_start3A_65 = arith.constant 0 : i32
    %dma_start3A_66 = tpu.memref_slice %arg7[%dma_start3A_62, %dma_start3A_64, %dma_start3A_65] : memref<2x128x32xf32, #tpu.memory_space<vmem>> -> memref<1x128x32xf32, #tpu.memory_space<vmem>>
    %dma_start3A_67 = tpu.memref_squeeze %dma_start3A_66 : memref<1x128x32xf32, #tpu.memory_space<vmem>> -> memref<128x32xf32, #tpu.memory_space<vmem>>
    %dma_start3A_68 = arith.constant 0 : i32
    %dma_start3A_69 = tpu.memref_slice %arg6[%dma_start3A_63, %dma_start3A_68] : memref<5x128xi32, #tpu.memory_space<vmem>> -> memref<1x128xi32, #tpu.memory_space<vmem>>
    %dma_start3A_70 = tpu.memref_squeeze %dma_start3A_69 : memref<1x128xi32, #tpu.memory_space<vmem>> -> memref<128xi32, #tpu.memory_space<vmem>>
    %dma_start3A_71 = arith.constant 0 : i32
    %dma_start3A_72 = arith.constant 0 : i32
    %dma_start3A_73 = tpu.memref_slice %arg8[%dma_start3A_71, %dma_start3A_72] : memref<10240x32xf32, #tpu.memory_space<vmem_shared>> -> memref<10240x32xf32, #tpu.memory_space<vmem_shared>>
    tpu.enqueue_indirect_dma source(%dma_start3A_67 : memref<128x32xf32, #tpu.memory_space<vmem>>) target(%dma_start3A_73 : memref<10240x32xf32, #tpu.memory_space<vmem_shared>>) offsets(%dma_start3A_70 : memref<128xi32, #tpu.memory_space<vmem>>) semaphore(%arg12 : memref<!tpu.dma_semaphore, #tpu.memory_space<semaphore_mem>>) {add = true}
    %dma_wait3A_74 = arith.constant 0 : i32
    %dma_wait3A_75 = arith.constant 0 : i32
    %dma_wait3A_76 = arith.constant 0 : i32
    %dma_wait3A_77 = arith.constant 0 : i32
    %dma_wait3A_78 = tpu.memref_slice %arg7[%dma_wait3A_74, %dma_wait3A_76, %dma_wait3A_77] : memref<2x128x32xf32, #tpu.memory_space<vmem>> -> memref<1x128x32xf32, #tpu.memory_space<vmem>>
    %dma_wait3A_79 = tpu.memref_squeeze %dma_wait3A_78 : memref<1x128x32xf32, #tpu.memory_space<vmem>> -> memref<128x32xf32, #tpu.memory_space<vmem>>
    %dma_wait3A_80 = arith.constant 0 : i32
    %dma_wait3A_81 = tpu.memref_slice %arg6[%dma_wait3A_75, %dma_wait3A_80] : memref<5x128xi32, #tpu.memory_space<vmem>> -> memref<1x128xi32, #tpu.memory_space<vmem>>
    %dma_wait3A_82 = tpu.memref_squeeze %dma_wait3A_81 : memref<1x128xi32, #tpu.memory_space<vmem>> -> memref<128xi32, #tpu.memory_space<vmem>>
    %dma_wait3A_83 = arith.constant 0 : i32
    %dma_wait3A_84 = arith.constant 0 : i32
    %dma_wait3A_85 = tpu.memref_slice %arg8[%dma_wait3A_83, %dma_wait3A_84] : memref<10240x32xf32, #tpu.memory_space<vmem_shared>> -> memref<10240x32xf32, #tpu.memory_space<vmem_shared>>
    tpu.wait_indirect_dma semaphore(%arg12 : memref<!tpu.dma_semaphore, #tpu.memory_space<semaphore_mem>>) src(%dma_wait3A_79 : memref<128x32xf32, #tpu.memory_space<vmem>>) dst(%dma_wait3A_85 : memref<10240x32xf32, #tpu.memory_space<vmem_shared>>)
    %add3A_86 = arith.constant 256 : i32
    %add3A_87 = arith.addi %mul3A_4, %add3A_86 : i32
    %dma_start3A_88 = arith.constant 0 : i32
    %dma_start3A_89 = arith.constant 0 : i32
    %dma_start3A_90 = arith.constant 0 : i32
    %dma_start3A_91 = tpu.memref_slice %arg7[%dma_start3A_88, %dma_start3A_89, %dma_start3A_90] : memref<2x128x32xf32, #tpu.memory_space<vmem>> -> memref<1x128x32xf32, #tpu.memory_space<vmem>>
    %dma_start3A_92 = tpu.memref_squeeze %dma_start3A_91 : memref<1x128x32xf32, #tpu.memory_space<vmem>> -> memref<128x32xf32, #tpu.memory_space<vmem>>
    %dma_start3A_93 = arith.constant 0 : i32
    %dma_start3A_94 = tpu.memref_slice %arg2[%add3A_87, %dma_start3A_93] : memref<20480x32xf32, #tpu.memory_space<hbm>> -> memref<128x32xf32, #tpu.memory_space<hbm>>
    %dma_start3A_95 = arith.constant 0 : i32
    %dma_start3A_96 = arith.constant 0 : i32
    %dma_start3A_97 = tpu.memref_slice %arg7[%dma_start3A_88, %dma_start3A_95, %dma_start3A_96] : memref<2x128x32xf32, #tpu.memory_space<vmem>> -> memref<1x128x32xf32, #tpu.memory_space<vmem>>
    %dma_start3A_98 = tpu.memref_squeeze %dma_start3A_97 : memref<1x128x32xf32, #tpu.memory_space<vmem>> -> memref<128x32xf32, #tpu.memory_space<vmem>>
    %dma_start3A_99 = arith.constant 0 : i32
    %dma_start3A_100 = tpu.memref_slice %arg2[%add3A_87, %dma_start3A_99] : memref<20480x32xf32, #tpu.memory_space<hbm>> -> memref<128x32xf32, #tpu.memory_space<hbm>>
    tpu.enqueue_dma source(%dma_start3A_100 : memref<128x32xf32, #tpu.memory_space<hbm>>) target(%dma_start3A_98 : memref<128x32xf32, #tpu.memory_space<vmem>>) target_semaphore(%arg10 : memref<!tpu.dma_semaphore, #tpu.memory_space<semaphore_mem>>)
    %dma_wait3A_101 = arith.constant 1 : i32
    %dma_wait3A_102 = arith.constant 0 : i32
    %dma_wait3A_103 = arith.constant 0 : i32
    %dma_wait3A_104 = tpu.memref_slice %arg7[%dma_wait3A_101, %dma_wait3A_102, %dma_wait3A_103] : memref<2x128x32xf32, #tpu.memory_space<vmem>> -> memref<1x128x32xf32, #tpu.memory_space<vmem>>
    %dma_wait3A_105 = tpu.memref_squeeze %dma_wait3A_104 : memref<1x128x32xf32, #tpu.memory_space<vmem>> -> memref<128x32xf32, #tpu.memory_space<vmem>>
    %dma_wait3A_106 = arith.constant 0 : i32
    %dma_wait3A_107 = tpu.memref_slice %arg2[%add3A_20, %dma_wait3A_106] : memref<20480x32xf32, #tpu.memory_space<hbm>> -> memref<128x32xf32, #tpu.memory_space<hbm>>
    %dma_wait3A_108 = arith.constant 0 : i32
    %dma_wait3A_109 = arith.constant 0 : i32
    %dma_wait3A_110 = tpu.memref_slice %arg7[%dma_wait3A_101, %dma_wait3A_108, %dma_wait3A_109] : memref<2x128x32xf32, #tpu.memory_space<vmem>> -> memref<1x128x32xf32, #tpu.memory_space<vmem>>
    %dma_wait3A_111 = tpu.memref_squeeze %dma_wait3A_110 : memref<1x128x32xf32, #tpu.memory_space<vmem>> -> memref<128x32xf32, #tpu.memory_space<vmem>>
    %dma_wait3A_112 = arith.constant 0 : i32
    %dma_wait3A_113 = tpu.memref_slice %arg2[%add3A_20, %dma_wait3A_112] : memref<20480x32xf32, #tpu.memory_space<hbm>> -> memref<128x32xf32, #tpu.memory_space<hbm>>
    tpu.wait_dma2 semaphore(%arg11 : memref<!tpu.dma_semaphore, #tpu.memory_space<semaphore_mem>>) src(%dma_wait3A_113 : memref<128x32xf32, #tpu.memory_space<hbm>>) dst(%dma_wait3A_111 : memref<128x32xf32, #tpu.memory_space<vmem>>)
    %dma_start3A_114 = arith.constant 1 : i32
    %dma_start3A_115 = arith.constant 1 : i32
    %dma_start3A_116 = arith.constant 0 : i32
    %dma_start3A_117 = arith.constant 0 : i32
    %dma_start3A_118 = tpu.memref_slice %arg7[%dma_start3A_114, %dma_start3A_116, %dma_start3A_117] : memref<2x128x32xf32, #tpu.memory_space<vmem>> -> memref<1x128x32xf32, #tpu.memory_space<vmem>>
    %dma_start3A_119 = tpu.memref_squeeze %dma_start3A_118 : memref<1x128x32xf32, #tpu.memory_space<vmem>> -> memref<128x32xf32, #tpu.memory_space<vmem>>
    %dma_start3A_120 = arith.constant 0 : i32
    %dma_start3A_121 = tpu.memref_slice %arg6[%dma_start3A_115, %dma_start3A_120] : memref<5x128xi32, #tpu.memory_space<vmem>> -> memref<1x128xi32, #tpu.memory_space<vmem>>
    %dma_start3A_122 = tpu.memref_squeeze %dma_start3A_121 : memref<1x128xi32, #tpu.memory_space<vmem>> -> memref<128xi32, #tpu.memory_space<vmem>>
    %dma_start3A_123 = arith.constant 0 : i32
    %dma_start3A_124 = arith.constant 0 : i32
    %dma_start3A_125 = tpu.memref_slice %arg8[%dma_start3A_123, %dma_start3A_124] : memref<10240x32xf32, #tpu.memory_space<vmem_shared>> -> memref<10240x32xf32, #tpu.memory_space<vmem_shared>>
    tpu.enqueue_indirect_dma source(%dma_start3A_119 : memref<128x32xf32, #tpu.memory_space<vmem>>) target(%dma_start3A_125 : memref<10240x32xf32, #tpu.memory_space<vmem_shared>>) offsets(%dma_start3A_122 : memref<128xi32, #tpu.memory_space<vmem>>) semaphore(%arg13 : memref<!tpu.dma_semaphore, #tpu.memory_space<semaphore_mem>>) {add = true}
    %dma_wait3A_126 = arith.constant 1 : i32
    %dma_wait3A_127 = arith.constant 1 : i32
    %dma_wait3A_128 = arith.constant 0 : i32
    %dma_wait3A_129 = arith.constant 0 : i32
    %dma_wait3A_130 = tpu.memref_slice %arg7[%dma_wait3A_126, %dma_wait3A_128, %dma_wait3A_129] : memref<2x128x32xf32, #tpu.memory_space<vmem>> -> memref<1x128x32xf32, #tpu.memory_space<vmem>>
    %dma_wait3A_131 = tpu.memref_squeeze %dma_wait3A_130 : memref<1x128x32xf32, #tpu.memory_space<vmem>> -> memref<128x32xf32, #tpu.memory_space<vmem>>
    %dma_wait3A_132 = arith.constant 0 : i32
    %dma_wait3A_133 = tpu.memref_slice %arg6[%dma_wait3A_127, %dma_wait3A_132] : memref<5x128xi32, #tpu.memory_space<vmem>> -> memref<1x128xi32, #tpu.memory_space<vmem>>
    %dma_wait3A_134 = tpu.memref_squeeze %dma_wait3A_133 : memref<1x128xi32, #tpu.memory_space<vmem>> -> memref<128xi32, #tpu.memory_space<vmem>>
    %dma_wait3A_135 = arith.constant 0 : i32
    %dma_wait3A_136 = arith.constant 0 : i32
    %dma_wait3A_137 = tpu.memref_slice %arg8[%dma_wait3A_135, %dma_wait3A_136] : memref<10240x32xf32, #tpu.memory_space<vmem_shared>> -> memref<10240x32xf32, #tpu.memory_space<vmem_shared>>
    tpu.wait_indirect_dma semaphore(%arg13 : memref<!tpu.dma_semaphore, #tpu.memory_space<semaphore_mem>>) src(%dma_wait3A_131 : memref<128x32xf32, #tpu.memory_space<vmem>>) dst(%dma_wait3A_137 : memref<10240x32xf32, #tpu.memory_space<vmem_shared>>)
    %add3A_138 = arith.constant 384 : i32
    %add3A_139 = arith.addi %mul3A_4, %add3A_138 : i32
    %dma_start3A_140 = arith.constant 1 : i32
    %dma_start3A_141 = arith.constant 0 : i32
    %dma_start3A_142 = arith.constant 0 : i32
    %dma_start3A_143 = tpu.memref_slice %arg7[%dma_start3A_140, %dma_start3A_141, %dma_start3A_142] : memref<2x128x32xf32, #tpu.memory_space<vmem>> -> memref<1x128x32xf32, #tpu.memory_space<vmem>>
    %dma_start3A_144 = tpu.memref_squeeze %dma_start3A_143 : memref<1x128x32xf32, #tpu.memory_space<vmem>> -> memref<128x32xf32, #tpu.memory_space<vmem>>
    %dma_start3A_145 = arith.constant 0 : i32
    %dma_start3A_146 = tpu.memref_slice %arg2[%add3A_139, %dma_start3A_145] : memref<20480x32xf32, #tpu.memory_space<hbm>> -> memref<128x32xf32, #tpu.memory_space<hbm>>
    %dma_start3A_147 = arith.constant 0 : i32
    %dma_start3A_148 = arith.constant 0 : i32
    %dma_start3A_149 = tpu.memref_slice %arg7[%dma_start3A_140, %dma_start3A_147, %dma_start3A_148] : memref<2x128x32xf32, #tpu.memory_space<vmem>> -> memref<1x128x32xf32, #tpu.memory_space<vmem>>
    %dma_start3A_150 = tpu.memref_squeeze %dma_start3A_149 : memref<1x128x32xf32, #tpu.memory_space<vmem>> -> memref<128x32xf32, #tpu.memory_space<vmem>>
    %dma_start3A_151 = arith.constant 0 : i32
    %dma_start3A_152 = tpu.memref_slice %arg2[%add3A_139, %dma_start3A_151] : memref<20480x32xf32, #tpu.memory_space<hbm>> -> memref<128x32xf32, #tpu.memory_space<hbm>>
    tpu.enqueue_dma source(%dma_start3A_152 : memref<128x32xf32, #tpu.memory_space<hbm>>) target(%dma_start3A_150 : memref<128x32xf32, #tpu.memory_space<vmem>>) target_semaphore(%arg11 : memref<!tpu.dma_semaphore, #tpu.memory_space<semaphore_mem>>)
    %dma_wait3A_153 = arith.constant 0 : i32
    %dma_wait3A_154 = arith.constant 0 : i32
    %dma_wait3A_155 = arith.constant 0 : i32
    %dma_wait3A_156 = tpu.memref_slice %arg7[%dma_wait3A_153, %dma_wait3A_154, %dma_wait3A_155] : memref<2x128x32xf32, #tpu.memory_space<vmem>> -> memref<1x128x32xf32, #tpu.memory_space<vmem>>
    %dma_wait3A_157 = tpu.memref_squeeze %dma_wait3A_156 : memref<1x128x32xf32, #tpu.memory_space<vmem>> -> memref<128x32xf32, #tpu.memory_space<vmem>>
    %dma_wait3A_158 = arith.constant 0 : i32
    %dma_wait3A_159 = tpu.memref_slice %arg2[%add3A_87, %dma_wait3A_158] : memref<20480x32xf32, #tpu.memory_space<hbm>> -> memref<128x32xf32, #tpu.memory_space<hbm>>
    %dma_wait3A_160 = arith.constant 0 : i32
    %dma_wait3A_161 = arith.constant 0 : i32
    %dma_wait3A_162 = tpu.memref_slice %arg7[%dma_wait3A_153, %dma_wait3A_160, %dma_wait3A_161] : memref<2x128x32xf32, #tpu.memory_space<vmem>> -> memref<1x128x32xf32, #tpu.memory_space<vmem>>
    %dma_wait3A_163 = tpu.memref_squeeze %dma_wait3A_162 : memref<1x128x32xf32, #tpu.memory_space<vmem>> -> memref<128x32xf32, #tpu.memory_space<vmem>>
    %dma_wait3A_164 = arith.constant 0 : i32
    %dma_wait3A_165 = tpu.memref_slice %arg2[%add3A_87, %dma_wait3A_164] : memref<20480x32xf32, #tpu.memory_space<hbm>> -> memref<128x32xf32, #tpu.memory_space<hbm>>
    tpu.wait_dma2 semaphore(%arg10 : memref<!tpu.dma_semaphore, #tpu.memory_space<semaphore_mem>>) src(%dma_wait3A_165 : memref<128x32xf32, #tpu.memory_space<hbm>>) dst(%dma_wait3A_163 : memref<128x32xf32, #tpu.memory_space<vmem>>)
    %dma_start3A_166 = arith.constant 0 : i32
    %dma_start3A_167 = arith.constant 2 : i32
    %dma_start3A_168 = arith.constant 0 : i32
    %dma_start3A_169 = arith.constant 0 : i32
    %dma_start3A_170 = tpu.memref_slice %arg7[%dma_start3A_166, %dma_start3A_168, %dma_start3A_169] : memref<2x128x32xf32, #tpu.memory_space<vmem>> -> memref<1x128x32xf32, #tpu.memory_space<vmem>>
    %dma_start3A_171 = tpu.memref_squeeze %dma_start3A_170 : memref<1x128x32xf32, #tpu.memory_space<vmem>> -> memref<128x32xf32, #tpu.memory_space<vmem>>
    %dma_start3A_172 = arith.constant 0 : i32
    %dma_start3A_173 = tpu.memref_slice %arg6[%dma_start3A_167, %dma_start3A_172] : memref<5x128xi32, #tpu.memory_space<vmem>> -> memref<1x128xi32, #tpu.memory_space<vmem>>
    %dma_start3A_174 = tpu.memref_squeeze %dma_start3A_173 : memref<1x128xi32, #tpu.memory_space<vmem>> -> memref<128xi32, #tpu.memory_space<vmem>>
    %dma_start3A_175 = arith.constant 0 : i32
    %dma_start3A_176 = arith.constant 0 : i32
    %dma_start3A_177 = tpu.memref_slice %arg8[%dma_start3A_175, %dma_start3A_176] : memref<10240x32xf32, #tpu.memory_space<vmem_shared>> -> memref<10240x32xf32, #tpu.memory_space<vmem_shared>>
    tpu.enqueue_indirect_dma source(%dma_start3A_171 : memref<128x32xf32, #tpu.memory_space<vmem>>) target(%dma_start3A_177 : memref<10240x32xf32, #tpu.memory_space<vmem_shared>>) offsets(%dma_start3A_174 : memref<128xi32, #tpu.memory_space<vmem>>) semaphore(%arg12 : memref<!tpu.dma_semaphore, #tpu.memory_space<semaphore_mem>>) {add = true}
    %dma_wait3A_178 = arith.constant 0 : i32
    %dma_wait3A_179 = arith.constant 2 : i32
    %dma_wait3A_180 = arith.constant 0 : i32
    %dma_wait3A_181 = arith.constant 0 : i32
    %dma_wait3A_182 = tpu.memref_slice %arg7[%dma_wait3A_178, %dma_wait3A_180, %dma_wait3A_181] : memref<2x128x32xf32, #tpu.memory_space<vmem>> -> memref<1x128x32xf32, #tpu.memory_space<vmem>>
    %dma_wait3A_183 = tpu.memref_squeeze %dma_wait3A_182 : memref<1x128x32xf32, #tpu.memory_space<vmem>> -> memref<128x32xf32, #tpu.memory_space<vmem>>
    %dma_wait3A_184 = arith.constant 0 : i32
    %dma_wait3A_185 = tpu.memref_slice %arg6[%dma_wait3A_179, %dma_wait3A_184] : memref<5x128xi32, #tpu.memory_space<vmem>> -> memref<1x128xi32, #tpu.memory_space<vmem>>
    %dma_wait3A_186 = tpu.memref_squeeze %dma_wait3A_185 : memref<1x128xi32, #tpu.memory_space<vmem>> -> memref<128xi32, #tpu.memory_space<vmem>>
    %dma_wait3A_187 = arith.constant 0 : i32
    %dma_wait3A_188 = arith.constant 0 : i32
    %dma_wait3A_189 = tpu.memref_slice %arg8[%dma_wait3A_187, %dma_wait3A_188] : memref<10240x32xf32, #tpu.memory_space<vmem_shared>> -> memref<10240x32xf32, #tpu.memory_space<vmem_shared>>
    tpu.wait_indirect_dma semaphore(%arg12 : memref<!tpu.dma_semaphore, #tpu.memory_space<semaphore_mem>>) src(%dma_wait3A_183 : memref<128x32xf32, #tpu.memory_space<vmem>>) dst(%dma_wait3A_189 : memref<10240x32xf32, #tpu.memory_space<vmem_shared>>)
    %add3A_190 = arith.constant 512 : i32
    %add3A_191 = arith.addi %mul3A_4, %add3A_190 : i32
    %dma_start3A_192 = arith.constant 0 : i32
    %dma_start3A_193 = arith.constant 0 : i32
    %dma_start3A_194 = arith.constant 0 : i32
    %dma_start3A_195 = tpu.memref_slice %arg7[%dma_start3A_192, %dma_start3A_193, %dma_start3A_194] : memref<2x128x32xf32, #tpu.memory_space<vmem>> -> memref<1x128x32xf32, #tpu.memory_space<vmem>>
    %dma_start3A_196 = tpu.memref_squeeze %dma_start3A_195 : memref<1x128x32xf32, #tpu.memory_space<vmem>> -> memref<128x32xf32, #tpu.memory_space<vmem>>
    %dma_start3A_197 = arith.constant 0 : i32
    %dma_start3A_198 = tpu.memref_slice %arg2[%add3A_191, %dma_start3A_197] : memref<20480x32xf32, #tpu.memory_space<hbm>> -> memref<128x32xf32, #tpu.memory_space<hbm>>
    %dma_start3A_199 = arith.constant 0 : i32
    %dma_start3A_200 = arith.constant 0 : i32
    %dma_start3A_201 = tpu.memref_slice %arg7[%dma_start3A_192, %dma_start3A_199, %dma_start3A_200] : memref<2x128x32xf32, #tpu.memory_space<vmem>> -> memref<1x128x32xf32, #tpu.memory_space<vmem>>
    %dma_start3A_202 = tpu.memref_squeeze %dma_start3A_201 : memref<1x128x32xf32, #tpu.memory_space<vmem>> -> memref<128x32xf32, #tpu.memory_space<vmem>>
    %dma_start3A_203 = arith.constant 0 : i32
    %dma_start3A_204 = tpu.memref_slice %arg2[%add3A_191, %dma_start3A_203] : memref<20480x32xf32, #tpu.memory_space<hbm>> -> memref<128x32xf32, #tpu.memory_space<hbm>>
    tpu.enqueue_dma source(%dma_start3A_204 : memref<128x32xf32, #tpu.memory_space<hbm>>) target(%dma_start3A_202 : memref<128x32xf32, #tpu.memory_space<vmem>>) target_semaphore(%arg10 : memref<!tpu.dma_semaphore, #tpu.memory_space<semaphore_mem>>)
    %dma_wait3A_205 = arith.constant 1 : i32
    %dma_wait3A_206 = arith.constant 0 : i32
    %dma_wait3A_207 = arith.constant 0 : i32
    %dma_wait3A_208 = tpu.memref_slice %arg7[%dma_wait3A_205, %dma_wait3A_206, %dma_wait3A_207] : memref<2x128x32xf32, #tpu.memory_space<vmem>> -> memref<1x128x32xf32, #tpu.memory_space<vmem>>
    %dma_wait3A_209 = tpu.memref_squeeze %dma_wait3A_208 : memref<1x128x32xf32, #tpu.memory_space<vmem>> -> memref<128x32xf32, #tpu.memory_space<vmem>>
    %dma_wait3A_210 = arith.constant 0 : i32
    %dma_wait3A_211 = tpu.memref_slice %arg2[%add3A_139, %dma_wait3A_210] : memref<20480x32xf32, #tpu.memory_space<hbm>> -> memref<128x32xf32, #tpu.memory_space<hbm>>
    %dma_wait3A_212 = arith.constant 0 : i32
    %dma_wait3A_213 = arith.constant 0 : i32
    %dma_wait3A_214 = tpu.memref_slice %arg7[%dma_wait3A_205, %dma_wait3A_212, %dma_wait3A_213] : memref<2x128x32xf32, #tpu.memory_space<vmem>> -> memref<1x128x32xf32, #tpu.memory_space<vmem>>
    %dma_wait3A_215 = tpu.memref_squeeze %dma_wait3A_214 : memref<1x128x32xf32, #tpu.memory_space<vmem>> -> memref<128x32xf32, #tpu.memory_space<vmem>>
    %dma_wait3A_216 = arith.constant 0 : i32
    %dma_wait3A_217 = tpu.memref_slice %arg2[%add3A_139, %dma_wait3A_216] : memref<20480x32xf32, #tpu.memory_space<hbm>> -> memref<128x32xf32, #tpu.memory_space<hbm>>
    tpu.wait_dma2 semaphore(%arg11 : memref<!tpu.dma_semaphore, #tpu.memory_space<semaphore_mem>>) src(%dma_wait3A_217 : memref<128x32xf32, #tpu.memory_space<hbm>>) dst(%dma_wait3A_215 : memref<128x32xf32, #tpu.memory_space<vmem>>)
    %dma_start3A_218 = arith.constant 1 : i32
    %dma_start3A_219 = arith.constant 3 : i32
    %dma_start3A_220 = arith.constant 0 : i32
    %dma_start3A_221 = arith.constant 0 : i32
    %dma_start3A_222 = tpu.memref_slice %arg7[%dma_start3A_218, %dma_start3A_220, %dma_start3A_221] : memref<2x128x32xf32, #tpu.memory_space<vmem>> -> memref<1x128x32xf32, #tpu.memory_space<vmem>>
    %dma_start3A_223 = tpu.memref_squeeze %dma_start3A_222 : memref<1x128x32xf32, #tpu.memory_space<vmem>> -> memref<128x32xf32, #tpu.memory_space<vmem>>
    %dma_start3A_224 = arith.constant 0 : i32
    %dma_start3A_225 = tpu.memref_slice %arg6[%dma_start3A_219, %dma_start3A_224] : memref<5x128xi32, #tpu.memory_space<vmem>> -> memref<1x128xi32, #tpu.memory_space<vmem>>
    %dma_start3A_226 = tpu.memref_squeeze %dma_start3A_225 : memref<1x128xi32, #tpu.memory_space<vmem>> -> memref<128xi32, #tpu.memory_space<vmem>>
    %dma_start3A_227 = arith.constant 0 : i32
    %dma_start3A_228 = arith.constant 0 : i32
    %dma_start3A_229 = tpu.memref_slice %arg8[%dma_start3A_227, %dma_start3A_228] : memref<10240x32xf32, #tpu.memory_space<vmem_shared>> -> memref<10240x32xf32, #tpu.memory_space<vmem_shared>>
    tpu.enqueue_indirect_dma source(%dma_start3A_223 : memref<128x32xf32, #tpu.memory_space<vmem>>) target(%dma_start3A_229 : memref<10240x32xf32, #tpu.memory_space<vmem_shared>>) offsets(%dma_start3A_226 : memref<128xi32, #tpu.memory_space<vmem>>) semaphore(%arg13 : memref<!tpu.dma_semaphore, #tpu.memory_space<semaphore_mem>>) {add = true}
    %dma_wait3A_230 = arith.constant 0 : i32
    %dma_wait3A_231 = arith.constant 0 : i32
    %dma_wait3A_232 = arith.constant 0 : i32
    %dma_wait3A_233 = tpu.memref_slice %arg7[%dma_wait3A_230, %dma_wait3A_231, %dma_wait3A_232] : memref<2x128x32xf32, #tpu.memory_space<vmem>> -> memref<1x128x32xf32, #tpu.memory_space<vmem>>
    %dma_wait3A_234 = tpu.memref_squeeze %dma_wait3A_233 : memref<1x128x32xf32, #tpu.memory_space<vmem>> -> memref<128x32xf32, #tpu.memory_space<vmem>>
    %dma_wait3A_235 = arith.constant 0 : i32
    %dma_wait3A_236 = tpu.memref_slice %arg2[%add3A_191, %dma_wait3A_235] : memref<20480x32xf32, #tpu.memory_space<hbm>> -> memref<128x32xf32, #tpu.memory_space<hbm>>
    %dma_wait3A_237 = arith.constant 0 : i32
    %dma_wait3A_238 = arith.constant 0 : i32
    %dma_wait3A_239 = tpu.memref_slice %arg7[%dma_wait3A_230, %dma_wait3A_237, %dma_wait3A_238] : memref<2x128x32xf32, #tpu.memory_space<vmem>> -> memref<1x128x32xf32, #tpu.memory_space<vmem>>
    %dma_wait3A_240 = tpu.memref_squeeze %dma_wait3A_239 : memref<1x128x32xf32, #tpu.memory_space<vmem>> -> memref<128x32xf32, #tpu.memory_space<vmem>>
    %dma_wait3A_241 = arith.constant 0 : i32
    %dma_wait3A_242 = tpu.memref_slice %arg2[%add3A_191, %dma_wait3A_241] : memref<20480x32xf32, #tpu.memory_space<hbm>> -> memref<128x32xf32, #tpu.memory_space<hbm>>
    tpu.wait_dma2 semaphore(%arg10 : memref<!tpu.dma_semaphore, #tpu.memory_space<semaphore_mem>>) src(%dma_wait3A_242 : memref<128x32xf32, #tpu.memory_space<hbm>>) dst(%dma_wait3A_240 : memref<128x32xf32, #tpu.memory_space<vmem>>)
    %dma_start3A_243 = arith.constant 0 : i32
    %dma_start3A_244 = arith.constant 4 : i32
    %dma_start3A_245 = arith.constant 0 : i32
    %dma_start3A_246 = arith.constant 0 : i32
    %dma_start3A_247 = tpu.memref_slice %arg7[%dma_start3A_243, %dma_start3A_245, %dma_start3A_246] : memref<2x128x32xf32, #tpu.memory_space<vmem>> -> memref<1x128x32xf32, #tpu.memory_space<vmem>>
    %dma_start3A_248 = tpu.memref_squeeze %dma_start3A_247 : memref<1x128x32xf32, #tpu.memory_space<vmem>> -> memref<128x32xf32, #tpu.memory_space<vmem>>
    %dma_start3A_249 = arith.constant 0 : i32
    %dma_start3A_250 = tpu.memref_slice %arg6[%dma_start3A_244, %dma_start3A_249] : memref<5x128xi32, #tpu.memory_space<vmem>> -> memref<1x128xi32, #tpu.memory_space<vmem>>
    %dma_start3A_251 = tpu.memref_squeeze %dma_start3A_250 : memref<1x128xi32, #tpu.memory_space<vmem>> -> memref<128xi32, #tpu.memory_space<vmem>>
    %dma_start3A_252 = arith.constant 0 : i32
    %dma_start3A_253 = arith.constant 0 : i32
    %dma_start3A_254 = tpu.memref_slice %arg8[%dma_start3A_252, %dma_start3A_253] : memref<10240x32xf32, #tpu.memory_space<vmem_shared>> -> memref<10240x32xf32, #tpu.memory_space<vmem_shared>>
    tpu.enqueue_indirect_dma source(%dma_start3A_248 : memref<128x32xf32, #tpu.memory_space<vmem>>) target(%dma_start3A_254 : memref<10240x32xf32, #tpu.memory_space<vmem_shared>>) offsets(%dma_start3A_251 : memref<128xi32, #tpu.memory_space<vmem>>) semaphore(%arg12 : memref<!tpu.dma_semaphore, #tpu.memory_space<semaphore_mem>>) {add = true}
    %dma_wait3A_255 = arith.constant 1 : i32
    %dma_wait3A_256 = arith.constant 3 : i32
    %dma_wait3A_257 = arith.constant 0 : i32
    %dma_wait3A_258 = arith.constant 0 : i32
    %dma_wait3A_259 = tpu.memref_slice %arg7[%dma_wait3A_255, %dma_wait3A_257, %dma_wait3A_258] : memref<2x128x32xf32, #tpu.memory_space<vmem>> -> memref<1x128x32xf32, #tpu.memory_space<vmem>>
    %dma_wait3A_260 = tpu.memref_squeeze %dma_wait3A_259 : memref<1x128x32xf32, #tpu.memory_space<vmem>> -> memref<128x32xf32, #tpu.memory_space<vmem>>
    %dma_wait3A_261 = arith.constant 0 : i32
    %dma_wait3A_262 = tpu.memref_slice %arg6[%dma_wait3A_256, %dma_wait3A_261] : memref<5x128xi32, #tpu.memory_space<vmem>> -> memref<1x128xi32, #tpu.memory_space<vmem>>
    %dma_wait3A_263 = tpu.memref_squeeze %dma_wait3A_262 : memref<1x128xi32, #tpu.memory_space<vmem>> -> memref<128xi32, #tpu.memory_space<vmem>>
    %dma_wait3A_264 = arith.constant 0 : i32
    %dma_wait3A_265 = arith.constant 0 : i32
    %dma_wait3A_266 = tpu.memref_slice %arg8[%dma_wait3A_264, %dma_wait3A_265] : memref<10240x32xf32, #tpu.memory_space<vmem_shared>> -> memref<10240x32xf32, #tpu.memory_space<vmem_shared>>
    tpu.wait_indirect_dma semaphore(%arg13 : memref<!tpu.dma_semaphore, #tpu.memory_space<semaphore_mem>>) src(%dma_wait3A_260 : memref<128x32xf32, #tpu.memory_space<vmem>>) dst(%dma_wait3A_266 : memref<10240x32xf32, #tpu.memory_space<vmem_shared>>)
    %dma_wait3A_267 = arith.constant 0 : i32
    %dma_wait3A_268 = arith.constant 4 : i32
    %dma_wait3A_269 = arith.constant 0 : i32
    %dma_wait3A_270 = arith.constant 0 : i32
    %dma_wait3A_271 = tpu.memref_slice %arg7[%dma_wait3A_267, %dma_wait3A_269, %dma_wait3A_270] : memref<2x128x32xf32, #tpu.memory_space<vmem>> -> memref<1x128x32xf32, #tpu.memory_space<vmem>>
    %dma_wait3A_272 = tpu.memref_squeeze %dma_wait3A_271 : memref<1x128x32xf32, #tpu.memory_space<vmem>> -> memref<128x32xf32, #tpu.memory_space<vmem>>
    %dma_wait3A_273 = arith.constant 0 : i32
    %dma_wait3A_274 = tpu.memref_slice %arg6[%dma_wait3A_268, %dma_wait3A_273] : memref<5x128xi32, #tpu.memory_space<vmem>> -> memref<1x128xi32, #tpu.memory_space<vmem>>
    %dma_wait3A_275 = tpu.memref_squeeze %dma_wait3A_274 : memref<1x128xi32, #tpu.memory_space<vmem>> -> memref<128xi32, #tpu.memory_space<vmem>>
    %dma_wait3A_276 = arith.constant 0 : i32
    %dma_wait3A_277 = arith.constant 0 : i32
    %dma_wait3A_278 = tpu.memref_slice %arg8[%dma_wait3A_276, %dma_wait3A_277] : memref<10240x32xf32, #tpu.memory_space<vmem_shared>> -> memref<10240x32xf32, #tpu.memory_space<vmem_shared>>
    tpu.wait_indirect_dma semaphore(%arg12 : memref<!tpu.dma_semaphore, #tpu.memory_space<semaphore_mem>>) src(%dma_wait3A_272 : memref<128x32xf32, #tpu.memory_space<vmem>>) dst(%dma_wait3A_278 : memref<10240x32xf32, #tpu.memory_space<vmem_shared>>)
    %barrier3A_279 = arith.constant 0 : index
    tpu.barrier barrier_id(%barrier3A_279)
    "tpu.region"() ({
      %run_scoped3A = tpu.sem_alloc : memref<!tpu.dma_semaphore, #tpu.memory_space<semaphore_mem>>
      %dma_start3A_280 = arith.constant 0 : i32
      %dma_start3A_281 = tpu.memref_slice %arg5[%arg0, %mul3A_2, %dma_start3A_280] : memref<2x10240x32xf32, #tpu.memory_space<hbm>> -> memref<1x640x32xf32, #tpu.memory_space<hbm>>
      %dma_start3A_282 = tpu.memref_squeeze %dma_start3A_281 : memref<1x640x32xf32, #tpu.memory_space<hbm>> -> memref<640x32xf32, #tpu.memory_space<hbm>>
      %dma_start3A_283 = arith.constant 0 : i32
      %dma_start3A_284 = tpu.memref_slice %arg8[%mul3A_2, %dma_start3A_283] : memref<10240x32xf32, #tpu.memory_space<vmem_shared>> -> memref<640x32xf32, #tpu.memory_space<vmem_shared>>
      tpu.enqueue_dma source(%dma_start3A_284 : memref<640x32xf32, #tpu.memory_space<vmem_shared>>) target(%dma_start3A_282 : memref<640x32xf32, #tpu.memory_space<hbm>>) target_semaphore(%run_scoped3A : memref<!tpu.dma_semaphore, #tpu.memory_space<semaphore_mem>>)
      %dma_wait3A_285 = arith.constant 0 : i32
      %dma_wait3A_286 = tpu.memref_slice %arg5[%arg0, %mul3A_2, %dma_wait3A_285] : memref<2x10240x32xf32, #tpu.memory_space<hbm>> -> memref<1x640x32xf32, #tpu.memory_space<hbm>>
      %dma_wait3A_287 = tpu.memref_squeeze %dma_wait3A_286 : memref<1x640x32xf32, #tpu.memory_space<hbm>> -> memref<640x32xf32, #tpu.memory_space<hbm>>
      %dma_wait3A_288 = arith.constant 0 : i32
      %dma_wait3A_289 = tpu.memref_slice %arg8[%mul3A_2, %dma_wait3A_288] : memref<10240x32xf32, #tpu.memory_space<vmem_shared>> -> memref<640x32xf32, #tpu.memory_space<vmem_shared>>
      tpu.wait_dma2 semaphore(%run_scoped3A : memref<!tpu.dma_semaphore, #tpu.memory_space<semaphore_mem>>) src(%dma_wait3A_289 : memref<640x32xf32, #tpu.memory_space<vmem_shared>>) dst(%dma_wait3A_287 : memref<640x32xf32, #tpu.memory_space<hbm>>)
      tpu.yield
    }) : () -> ()
    return
  }
}

#map = affine_map<(d0, d1) -> (0, 0)>
module attributes {stable_mosaic.version = 14 : i64} {
  func.func @k(%arg0: i32, %arg1: i32, %arg2: memref<10240x32xf32, #tpu.memory_space<hbm>>, %arg3: memref<160x128xi32, #tpu.memory_space<hbm>>, %arg4: memref<20480x32xf32, #tpu.memory_space<hbm>>, %arg5: memref<5x128xi32, #tpu.memory_space<vmem>>, %arg6: memref<640x32xf32, #tpu.memory_space<vmem>>, %arg7: memref<!tpu.dma_semaphore, #tpu.memory_space<semaphore_mem>>) attributes {dimension_semantics = [#tpu.dimension_semantics<core_parallel>, #tpu.dimension_semantics<subcore_parallel>], iteration_bounds = array<i64: 2, 16>, scalar_prefetch = 0 : i64, scratch_operands = 3 : i64, tpu.core_type = #tpu.core_type<sc_vector_subcore>, window_params = [{transform_indices = #map}, {transform_indices = #map}, {transform_indices = #map}]} {
    %mul3A = arith.constant 2 : i32
    %mul3A_0 = arith.muli %arg1, %mul3A : i32
    %add3A = arith.addi %mul3A_0, %arg0 : i32
    %mul3A_1 = arith.constant 640 : i32
    %mul3A_2 = arith.muli %add3A, %mul3A_1 : i32
    %mul3A_3 = arith.constant 5 : i32
    %mul3A_4 = arith.muli %add3A, %mul3A_3 : i32
    "tpu.region"() ({
      %run_scoped3A = tpu.sem_alloc : memref<!tpu.dma_semaphore, #tpu.memory_space<semaphore_mem>>
      %dma_start3A_103 = arith.constant 0 : i32
      %dma_start3A_104 = tpu.memref_slice %arg3[%mul3A_4, %dma_start3A_103] : memref<160x128xi32, #tpu.memory_space<hbm>> -> memref<5x128xi32, #tpu.memory_space<hbm>>
      %dma_start3A_105 = arith.constant 0 : i32
      %dma_start3A_106 = tpu.memref_slice %arg3[%mul3A_4, %dma_start3A_105] : memref<160x128xi32, #tpu.memory_space<hbm>> -> memref<5x128xi32, #tpu.memory_space<hbm>>
      tpu.enqueue_dma source(%dma_start3A_106 : memref<5x128xi32, #tpu.memory_space<hbm>>) target(%arg5 : memref<5x128xi32, #tpu.memory_space<vmem>>) target_semaphore(%run_scoped3A : memref<!tpu.dma_semaphore, #tpu.memory_space<semaphore_mem>>)
      %dma_wait3A_107 = arith.constant 0 : i32
      %dma_wait3A_108 = tpu.memref_slice %arg3[%mul3A_4, %dma_wait3A_107] : memref<160x128xi32, #tpu.memory_space<hbm>> -> memref<5x128xi32, #tpu.memory_space<hbm>>
      %dma_wait3A_109 = arith.constant 0 : i32
      %dma_wait3A_110 = tpu.memref_slice %arg3[%mul3A_4, %dma_wait3A_109] : memref<160x128xi32, #tpu.memory_space<hbm>> -> memref<5x128xi32, #tpu.memory_space<hbm>>
      tpu.wait_dma2 semaphore(%run_scoped3A : memref<!tpu.dma_semaphore, #tpu.memory_space<semaphore_mem>>) src(%dma_wait3A_110 : memref<5x128xi32, #tpu.memory_space<hbm>>) dst(%arg5 : memref<5x128xi32, #tpu.memory_space<vmem>>)
      tpu.yield
    }) : () -> ()
    %dma_start3A = arith.constant 0 : i32
    %dma_start3A_5 = arith.constant 0 : i32
    %dma_start3A_6 = arith.constant 0 : i32
    %dma_start3A_7 = tpu.memref_slice %arg6[%dma_start3A_5, %dma_start3A_6] : memref<640x32xf32, #tpu.memory_space<vmem>> -> memref<128x32xf32, #tpu.memory_space<vmem>>
    %dma_start3A_8 = arith.constant 0 : i32
    %dma_start3A_9 = tpu.memref_slice %arg5[%dma_start3A, %dma_start3A_8] : memref<5x128xi32, #tpu.memory_space<vmem>> -> memref<1x128xi32, #tpu.memory_space<vmem>>
    %dma_start3A_10 = tpu.memref_squeeze %dma_start3A_9 : memref<1x128xi32, #tpu.memory_space<vmem>> -> memref<128xi32, #tpu.memory_space<vmem>>
    %dma_start3A_11 = arith.constant 0 : i32
    %dma_start3A_12 = arith.constant 0 : i32
    %dma_start3A_13 = tpu.memref_slice %arg2[%dma_start3A_11, %dma_start3A_12] : memref<10240x32xf32, #tpu.memory_space<hbm>> -> memref<10240x32xf32, #tpu.memory_space<hbm>>
    tpu.enqueue_indirect_dma source(%dma_start3A_13 : memref<10240x32xf32, #tpu.memory_space<hbm>>) target(%dma_start3A_7 : memref<128x32xf32, #tpu.memory_space<vmem>>) offsets(%dma_start3A_10 : memref<128xi32, #tpu.memory_space<vmem>>) semaphore(%arg7 : memref<!tpu.dma_semaphore, #tpu.memory_space<semaphore_mem>>)
    %dma_start3A_14 = arith.constant 1 : i32
    %dma_start3A_15 = arith.constant 128 : i32
    %dma_start3A_16 = arith.constant 0 : i32
    %dma_start3A_17 = tpu.memref_slice %arg6[%dma_start3A_15, %dma_start3A_16] : memref<640x32xf32, #tpu.memory_space<vmem>> -> memref<128x32xf32, #tpu.memory_space<vmem>>
    %dma_start3A_18 = arith.constant 0 : i32
    %dma_start3A_19 = tpu.memref_slice %arg5[%dma_start3A_14, %dma_start3A_18] : memref<5x128xi32, #tpu.memory_space<vmem>> -> memref<1x128xi32, #tpu.memory_space<vmem>>
    %dma_start3A_20 = tpu.memref_squeeze %dma_start3A_19 : memref<1x128xi32, #tpu.memory_space<vmem>> -> memref<128xi32, #tpu.memory_space<vmem>>
    %dma_start3A_21 = arith.constant 0 : i32
    %dma_start3A_22 = arith.constant 0 : i32
    %dma_start3A_23 = tpu.memref_slice %arg2[%dma_start3A_21, %dma_start3A_22] : memref<10240x32xf32, #tpu.memory_space<hbm>> -> memref<10240x32xf32, #tpu.memory_space<hbm>>
    tpu.enqueue_indirect_dma source(%dma_start3A_23 : memref<10240x32xf32, #tpu.memory_space<hbm>>) target(%dma_start3A_17 : memref<128x32xf32, #tpu.memory_space<vmem>>) offsets(%dma_start3A_20 : memref<128xi32, #tpu.memory_space<vmem>>) semaphore(%arg7 : memref<!tpu.dma_semaphore, #tpu.memory_space<semaphore_mem>>)
    %dma_start3A_24 = arith.constant 2 : i32
    %dma_start3A_25 = arith.constant 256 : i32
    %dma_start3A_26 = arith.constant 0 : i32
    %dma_start3A_27 = tpu.memref_slice %arg6[%dma_start3A_25, %dma_start3A_26] : memref<640x32xf32, #tpu.memory_space<vmem>> -> memref<128x32xf32, #tpu.memory_space<vmem>>
    %dma_start3A_28 = arith.constant 0 : i32
    %dma_start3A_29 = tpu.memref_slice %arg5[%dma_start3A_24, %dma_start3A_28] : memref<5x128xi32, #tpu.memory_space<vmem>> -> memref<1x128xi32, #tpu.memory_space<vmem>>
    %dma_start3A_30 = tpu.memref_squeeze %dma_start3A_29 : memref<1x128xi32, #tpu.memory_space<vmem>> -> memref<128xi32, #tpu.memory_space<vmem>>
    %dma_start3A_31 = arith.constant 0 : i32
    %dma_start3A_32 = arith.constant 0 : i32
    %dma_start3A_33 = tpu.memref_slice %arg2[%dma_start3A_31, %dma_start3A_32] : memref<10240x32xf32, #tpu.memory_space<hbm>> -> memref<10240x32xf32, #tpu.memory_space<hbm>>
    tpu.enqueue_indirect_dma source(%dma_start3A_33 : memref<10240x32xf32, #tpu.memory_space<hbm>>) target(%dma_start3A_27 : memref<128x32xf32, #tpu.memory_space<vmem>>) offsets(%dma_start3A_30 : memref<128xi32, #tpu.memory_space<vmem>>) semaphore(%arg7 : memref<!tpu.dma_semaphore, #tpu.memory_space<semaphore_mem>>)
    %dma_start3A_34 = arith.constant 3 : i32
    %dma_start3A_35 = arith.constant 384 : i32
    %dma_start3A_36 = arith.constant 0 : i32
    %dma_start3A_37 = tpu.memref_slice %arg6[%dma_start3A_35, %dma_start3A_36] : memref<640x32xf32, #tpu.memory_space<vmem>> -> memref<128x32xf32, #tpu.memory_space<vmem>>
    %dma_start3A_38 = arith.constant 0 : i32
    %dma_start3A_39 = tpu.memref_slice %arg5[%dma_start3A_34, %dma_start3A_38] : memref<5x128xi32, #tpu.memory_space<vmem>> -> memref<1x128xi32, #tpu.memory_space<vmem>>
    %dma_start3A_40 = tpu.memref_squeeze %dma_start3A_39 : memref<1x128xi32, #tpu.memory_space<vmem>> -> memref<128xi32, #tpu.memory_space<vmem>>
    %dma_start3A_41 = arith.constant 0 : i32
    %dma_start3A_42 = arith.constant 0 : i32
    %dma_start3A_43 = tpu.memref_slice %arg2[%dma_start3A_41, %dma_start3A_42] : memref<10240x32xf32, #tpu.memory_space<hbm>> -> memref<10240x32xf32, #tpu.memory_space<hbm>>
    tpu.enqueue_indirect_dma source(%dma_start3A_43 : memref<10240x32xf32, #tpu.memory_space<hbm>>) target(%dma_start3A_37 : memref<128x32xf32, #tpu.memory_space<vmem>>) offsets(%dma_start3A_40 : memref<128xi32, #tpu.memory_space<vmem>>) semaphore(%arg7 : memref<!tpu.dma_semaphore, #tpu.memory_space<semaphore_mem>>)
    %dma_start3A_44 = arith.constant 4 : i32
    %dma_start3A_45 = arith.constant 512 : i32
    %dma_start3A_46 = arith.constant 0 : i32
    %dma_start3A_47 = tpu.memref_slice %arg6[%dma_start3A_45, %dma_start3A_46] : memref<640x32xf32, #tpu.memory_space<vmem>> -> memref<128x32xf32, #tpu.memory_space<vmem>>
    %dma_start3A_48 = arith.constant 0 : i32
    %dma_start3A_49 = tpu.memref_slice %arg5[%dma_start3A_44, %dma_start3A_48] : memref<5x128xi32, #tpu.memory_space<vmem>> -> memref<1x128xi32, #tpu.memory_space<vmem>>
    %dma_start3A_50 = tpu.memref_squeeze %dma_start3A_49 : memref<1x128xi32, #tpu.memory_space<vmem>> -> memref<128xi32, #tpu.memory_space<vmem>>
    %dma_start3A_51 = arith.constant 0 : i32
    %dma_start3A_52 = arith.constant 0 : i32
    %dma_start3A_53 = tpu.memref_slice %arg2[%dma_start3A_51, %dma_start3A_52] : memref<10240x32xf32, #tpu.memory_space<hbm>> -> memref<10240x32xf32, #tpu.memory_space<hbm>>
    tpu.enqueue_indirect_dma source(%dma_start3A_53 : memref<10240x32xf32, #tpu.memory_space<hbm>>) target(%dma_start3A_47 : memref<128x32xf32, #tpu.memory_space<vmem>>) offsets(%dma_start3A_50 : memref<128xi32, #tpu.memory_space<vmem>>) semaphore(%arg7 : memref<!tpu.dma_semaphore, #tpu.memory_space<semaphore_mem>>)
    %dma_wait3A = arith.constant 0 : i32
    %dma_wait3A_54 = arith.constant 0 : i32
    %dma_wait3A_55 = arith.constant 0 : i32
    %dma_wait3A_56 = tpu.memref_slice %arg6[%dma_wait3A_54, %dma_wait3A_55] : memref<640x32xf32, #tpu.memory_space<vmem>> -> memref<128x32xf32, #tpu.memory_space<vmem>>
    %dma_wait3A_57 = arith.constant 0 : i32
    %dma_wait3A_58 = tpu.memref_slice %arg5[%dma_wait3A, %dma_wait3A_57] : memref<5x128xi32, #tpu.memory_space<vmem>> -> memref<1x128xi32, #tpu.memory_space<vmem>>
    %dma_wait3A_59 = tpu.memref_squeeze %dma_wait3A_58 : memref<1x128xi32, #tpu.memory_space<vmem>> -> memref<128xi32, #tpu.memory_space<vmem>>
    %dma_wait3A_60 = arith.constant 0 : i32
    %dma_wait3A_61 = arith.constant 0 : i32
    %dma_wait3A_62 = tpu.memref_slice %arg2[%dma_wait3A_60, %dma_wait3A_61] : memref<10240x32xf32, #tpu.memory_space<hbm>> -> memref<10240x32xf32, #tpu.memory_space<hbm>>
    tpu.wait_indirect_dma semaphore(%arg7 : memref<!tpu.dma_semaphore, #tpu.memory_space<semaphore_mem>>) src(%dma_wait3A_62 : memref<10240x32xf32, #tpu.memory_space<hbm>>) dst(%dma_wait3A_56 : memref<128x32xf32, #tpu.memory_space<vmem>>)
    %dma_wait3A_63 = arith.constant 1 : i32
    %dma_wait3A_64 = arith.constant 128 : i32
    %dma_wait3A_65 = arith.constant 0 : i32
    %dma_wait3A_66 = tpu.memref_slice %arg6[%dma_wait3A_64, %dma_wait3A_65] : memref<640x32xf32, #tpu.memory_space<vmem>> -> memref<128x32xf32, #tpu.memory_space<vmem>>
    %dma_wait3A_67 = arith.constant 0 : i32
    %dma_wait3A_68 = tpu.memref_slice %arg5[%dma_wait3A_63, %dma_wait3A_67] : memref<5x128xi32, #tpu.memory_space<vmem>> -> memref<1x128xi32, #tpu.memory_space<vmem>>
    %dma_wait3A_69 = tpu.memref_squeeze %dma_wait3A_68 : memref<1x128xi32, #tpu.memory_space<vmem>> -> memref<128xi32, #tpu.memory_space<vmem>>
    %dma_wait3A_70 = arith.constant 0 : i32
    %dma_wait3A_71 = arith.constant 0 : i32
    %dma_wait3A_72 = tpu.memref_slice %arg2[%dma_wait3A_70, %dma_wait3A_71] : memref<10240x32xf32, #tpu.memory_space<hbm>> -> memref<10240x32xf32, #tpu.memory_space<hbm>>
    tpu.wait_indirect_dma semaphore(%arg7 : memref<!tpu.dma_semaphore, #tpu.memory_space<semaphore_mem>>) src(%dma_wait3A_72 : memref<10240x32xf32, #tpu.memory_space<hbm>>) dst(%dma_wait3A_66 : memref<128x32xf32, #tpu.memory_space<vmem>>)
    %dma_wait3A_73 = arith.constant 2 : i32
    %dma_wait3A_74 = arith.constant 256 : i32
    %dma_wait3A_75 = arith.constant 0 : i32
    %dma_wait3A_76 = tpu.memref_slice %arg6[%dma_wait3A_74, %dma_wait3A_75] : memref<640x32xf32, #tpu.memory_space<vmem>> -> memref<128x32xf32, #tpu.memory_space<vmem>>
    %dma_wait3A_77 = arith.constant 0 : i32
    %dma_wait3A_78 = tpu.memref_slice %arg5[%dma_wait3A_73, %dma_wait3A_77] : memref<5x128xi32, #tpu.memory_space<vmem>> -> memref<1x128xi32, #tpu.memory_space<vmem>>
    %dma_wait3A_79 = tpu.memref_squeeze %dma_wait3A_78 : memref<1x128xi32, #tpu.memory_space<vmem>> -> memref<128xi32, #tpu.memory_space<vmem>>
    %dma_wait3A_80 = arith.constant 0 : i32
    %dma_wait3A_81 = arith.constant 0 : i32
    %dma_wait3A_82 = tpu.memref_slice %arg2[%dma_wait3A_80, %dma_wait3A_81] : memref<10240x32xf32, #tpu.memory_space<hbm>> -> memref<10240x32xf32, #tpu.memory_space<hbm>>
    tpu.wait_indirect_dma semaphore(%arg7 : memref<!tpu.dma_semaphore, #tpu.memory_space<semaphore_mem>>) src(%dma_wait3A_82 : memref<10240x32xf32, #tpu.memory_space<hbm>>) dst(%dma_wait3A_76 : memref<128x32xf32, #tpu.memory_space<vmem>>)
    %dma_wait3A_83 = arith.constant 3 : i32
    %dma_wait3A_84 = arith.constant 384 : i32
    %dma_wait3A_85 = arith.constant 0 : i32
    %dma_wait3A_86 = tpu.memref_slice %arg6[%dma_wait3A_84, %dma_wait3A_85] : memref<640x32xf32, #tpu.memory_space<vmem>> -> memref<128x32xf32, #tpu.memory_space<vmem>>
    %dma_wait3A_87 = arith.constant 0 : i32
    %dma_wait3A_88 = tpu.memref_slice %arg5[%dma_wait3A_83, %dma_wait3A_87] : memref<5x128xi32, #tpu.memory_space<vmem>> -> memref<1x128xi32, #tpu.memory_space<vmem>>
    %dma_wait3A_89 = tpu.memref_squeeze %dma_wait3A_88 : memref<1x128xi32, #tpu.memory_space<vmem>> -> memref<128xi32, #tpu.memory_space<vmem>>
    %dma_wait3A_90 = arith.constant 0 : i32
    %dma_wait3A_91 = arith.constant 0 : i32
    %dma_wait3A_92 = tpu.memref_slice %arg2[%dma_wait3A_90, %dma_wait3A_91] : memref<10240x32xf32, #tpu.memory_space<hbm>> -> memref<10240x32xf32, #tpu.memory_space<hbm>>
    tpu.wait_indirect_dma semaphore(%arg7 : memref<!tpu.dma_semaphore, #tpu.memory_space<semaphore_mem>>) src(%dma_wait3A_92 : memref<10240x32xf32, #tpu.memory_space<hbm>>) dst(%dma_wait3A_86 : memref<128x32xf32, #tpu.memory_space<vmem>>)
    %dma_wait3A_93 = arith.constant 4 : i32
    %dma_wait3A_94 = arith.constant 512 : i32
    %dma_wait3A_95 = arith.constant 0 : i32
    %dma_wait3A_96 = tpu.memref_slice %arg6[%dma_wait3A_94, %dma_wait3A_95] : memref<640x32xf32, #tpu.memory_space<vmem>> -> memref<128x32xf32, #tpu.memory_space<vmem>>
    %dma_wait3A_97 = arith.constant 0 : i32
    %dma_wait3A_98 = tpu.memref_slice %arg5[%dma_wait3A_93, %dma_wait3A_97] : memref<5x128xi32, #tpu.memory_space<vmem>> -> memref<1x128xi32, #tpu.memory_space<vmem>>
    %dma_wait3A_99 = tpu.memref_squeeze %dma_wait3A_98 : memref<1x128xi32, #tpu.memory_space<vmem>> -> memref<128xi32, #tpu.memory_space<vmem>>
    %dma_wait3A_100 = arith.constant 0 : i32
    %dma_wait3A_101 = arith.constant 0 : i32
    %dma_wait3A_102 = tpu.memref_slice %arg2[%dma_wait3A_100, %dma_wait3A_101] : memref<10240x32xf32, #tpu.memory_space<hbm>> -> memref<10240x32xf32, #tpu.memory_space<hbm>>
    tpu.wait_indirect_dma semaphore(%arg7 : memref<!tpu.dma_semaphore, #tpu.memory_space<semaphore_mem>>) src(%dma_wait3A_102 : memref<10240x32xf32, #tpu.memory_space<hbm>>) dst(%dma_wait3A_96 : memref<128x32xf32, #tpu.memory_space<vmem>>)
    "tpu.region"() ({
      %run_scoped3A = tpu.sem_alloc : memref<!tpu.dma_semaphore, #tpu.memory_space<semaphore_mem>>
      %dma_start3A_103 = arith.constant 0 : i32
      %dma_start3A_104 = tpu.memref_slice %arg4[%mul3A_2, %dma_start3A_103] : memref<20480x32xf32, #tpu.memory_space<hbm>> -> memref<640x32xf32, #tpu.memory_space<hbm>>
      %dma_start3A_105 = arith.constant 0 : i32
      %dma_start3A_106 = tpu.memref_slice %arg4[%mul3A_2, %dma_start3A_105] : memref<20480x32xf32, #tpu.memory_space<hbm>> -> memref<640x32xf32, #tpu.memory_space<hbm>>
      tpu.enqueue_dma source(%arg6 : memref<640x32xf32, #tpu.memory_space<vmem>>) target(%dma_start3A_106 : memref<640x32xf32, #tpu.memory_space<hbm>>) target_semaphore(%run_scoped3A : memref<!tpu.dma_semaphore, #tpu.memory_space<semaphore_mem>>)
      %dma_wait3A_107 = arith.constant 0 : i32
      %dma_wait3A_108 = tpu.memref_slice %arg4[%mul3A_2, %dma_wait3A_107] : memref<20480x32xf32, #tpu.memory_space<hbm>> -> memref<640x32xf32, #tpu.memory_space<hbm>>
      %dma_wait3A_109 = arith.constant 0 : i32
      %dma_wait3A_110 = tpu.memref_slice %arg4[%mul3A_2, %dma_wait3A_109] : memref<20480x32xf32, #tpu.memory_space<hbm>> -> memref<640x32xf32, #tpu.memory_space<hbm>>
      tpu.wait_dma2 semaphore(%run_scoped3A : memref<!tpu.dma_semaphore, #tpu.memory_space<semaphore_mem>>) src(%arg6 : memref<640x32xf32, #tpu.memory_space<vmem>>) dst(%dma_wait3A_110 : memref<640x32xf32, #tpu.memory_space<hbm>>)
      tpu.yield
    }) : () -> ()
    return
  }
}

#map = affine_map<(d0, d1) -> (0, 0)>
#map1 = affine_map<(d0, d1) -> (0, 0, 0)>
module attributes {stable_mosaic.version = 14 : i64} {
  func.func @k(%arg0: i32, %arg1: i32, %arg2: memref<20480x64xf32, #tpu.memory_space<hbm>>, %arg3: memref<160x128xi32, #tpu.memory_space<hbm>>, %arg4: memref<640x64xf32, #tpu.memory_space<hbm>>, %arg5: memref<2x10240x64xf32, #tpu.memory_space<hbm>>, %arg6: memref<5x128xi32, #tpu.memory_space<vmem>>, %arg7: memref<2x128x64xf32, #tpu.memory_space<vmem>>, %arg8: memref<10240x64xf32, #tpu.memory_space<vmem_shared>>, %arg9: memref<!tpu.dma_semaphore, #tpu.memory_space<semaphore_mem>>, %arg10: memref<!tpu.dma_semaphore, #tpu.memory_space<semaphore_mem>>, %arg11: memref<!tpu.dma_semaphore, #tpu.memory_space<semaphore_mem>>, %arg12: memref<!tpu.dma_semaphore, #tpu.memory_space<semaphore_mem>>, %arg13: memref<!tpu.dma_semaphore, #tpu.memory_space<semaphore_mem>>) attributes {dimension_semantics = [#tpu.dimension_semantics<core_parallel>, #tpu.dimension_semantics<subcore_parallel>], iteration_bounds = array<i64: 2, 16>, scalar_prefetch = 0 : i64, scratch_operands = 8 : i64, tpu.core_type = #tpu.core_type<sc_vector_subcore>, window_params = [{transform_indices = #map}, {transform_indices = #map}, {transform_indices = #map}, {transform_indices = #map1}]} {
    %mul3A = arith.constant 2 : i32
    %mul3A_0 = arith.muli %arg1, %mul3A : i32
    %add3A = arith.addi %mul3A_0, %arg0 : i32
    %mul3A_1 = arith.constant 640 : i32
    %mul3A_2 = arith.muli %arg1, %mul3A_1 : i32
    %mul3A_3 = arith.constant 640 : i32
    %mul3A_4 = arith.muli %add3A, %mul3A_3 : i32
    %add3A_5 = arith.constant 0 : i32
    %add3A_6 = arith.addi %mul3A_4, %add3A_5 : i32
    %dma_start3A = arith.constant 0 : i32
    %dma_start3A_7 = arith.constant 0 : i32
    %dma_start3A_8 = arith.constant 0 : i32
    %dma_start3A_9 = tpu.memref_slice %arg7[%dma_start3A, %dma_start3A_7, %dma_start3A_8] : memref<2x128x64xf32, #tpu.memory_space<vmem>> -> memref<1x128x64xf32, #tpu.memory_space<vmem>>
    %dma_start3A_10 = tpu.memref_squeeze %dma_start3A_9 : memref<1x128x64xf32, #tpu.memory_space<vmem>> -> memref<128x64xf32, #tpu.memory_space<vmem>>
    %dma_start3A_11 = arith.constant 0 : i32
    %dma_start3A_12 = tpu.memref_slice %arg2[%add3A_6, %dma_start3A_11] : memref<20480x64xf32, #tpu.memory_space<hbm>> -> memref<128x64xf32, #tpu.memory_space<hbm>>
    %dma_start3A_13 = arith.constant 0 : i32
    %dma_start3A_14 = arith.constant 0 : i32
    %dma_start3A_15 = tpu.memref_slice %arg7[%dma_start3A, %dma_start3A_13, %dma_start3A_14] : memref<2x128x64xf32, #tpu.memory_space<vmem>> -> memref<1x128x64xf32, #tpu.memory_space<vmem>>
    %dma_start3A_16 = tpu.memref_squeeze %dma_start3A_15 : memref<1x128x64xf32, #tpu.memory_space<vmem>> -> memref<128x64xf32, #tpu.memory_space<vmem>>
    %dma_start3A_17 = arith.constant 0 : i32
    %dma_start3A_18 = tpu.memref_slice %arg2[%add3A_6, %dma_start3A_17] : memref<20480x64xf32, #tpu.memory_space<hbm>> -> memref<128x64xf32, #tpu.memory_space<hbm>>
    tpu.enqueue_dma source(%dma_start3A_18 : memref<128x64xf32, #tpu.memory_space<hbm>>) target(%dma_start3A_16 : memref<128x64xf32, #tpu.memory_space<vmem>>) target_semaphore(%arg10 : memref<!tpu.dma_semaphore, #tpu.memory_space<semaphore_mem>>)
    %add3A_19 = arith.constant 128 : i32
    %add3A_20 = arith.addi %mul3A_4, %add3A_19 : i32
    %dma_start3A_21 = arith.constant 1 : i32
    %dma_start3A_22 = arith.constant 0 : i32
    %dma_start3A_23 = arith.constant 0 : i32
    %dma_start3A_24 = tpu.memref_slice %arg7[%dma_start3A_21, %dma_start3A_22, %dma_start3A_23] : memref<2x128x64xf32, #tpu.memory_space<vmem>> -> memref<1x128x64xf32, #tpu.memory_space<vmem>>
    %dma_start3A_25 = tpu.memref_squeeze %dma_start3A_24 : memref<1x128x64xf32, #tpu.memory_space<vmem>> -> memref<128x64xf32, #tpu.memory_space<vmem>>
    %dma_start3A_26 = arith.constant 0 : i32
    %dma_start3A_27 = tpu.memref_slice %arg2[%add3A_20, %dma_start3A_26] : memref<20480x64xf32, #tpu.memory_space<hbm>> -> memref<128x64xf32, #tpu.memory_space<hbm>>
    %dma_start3A_28 = arith.constant 0 : i32
    %dma_start3A_29 = arith.constant 0 : i32
    %dma_start3A_30 = tpu.memref_slice %arg7[%dma_start3A_21, %dma_start3A_28, %dma_start3A_29] : memref<2x128x64xf32, #tpu.memory_space<vmem>> -> memref<1x128x64xf32, #tpu.memory_space<vmem>>
    %dma_start3A_31 = tpu.memref_squeeze %dma_start3A_30 : memref<1x128x64xf32, #tpu.memory_space<vmem>> -> memref<128x64xf32, #tpu.memory_space<vmem>>
    %dma_start3A_32 = arith.constant 0 : i32
    %dma_start3A_33 = tpu.memref_slice %arg2[%add3A_20, %dma_start3A_32] : memref<20480x64xf32, #tpu.memory_space<hbm>> -> memref<128x64xf32, #tpu.memory_space<hbm>>
    tpu.enqueue_dma source(%dma_start3A_33 : memref<128x64xf32, #tpu.memory_space<hbm>>) target(%dma_start3A_31 : memref<128x64xf32, #tpu.memory_space<vmem>>) target_semaphore(%arg11 : memref<!tpu.dma_semaphore, #tpu.memory_space<semaphore_mem>>)
    %add3A_34 = arith.constant 0 : i32
    %add3A_35 = arith.addi %mul3A_2, %add3A_34 : i32
    %dma_start3A_36 = arith.constant 0 : i32
    %dma_start3A_37 = tpu.memref_slice %arg8[%add3A_35, %dma_start3A_36] : memref<10240x64xf32, #tpu.memory_space<vmem_shared>> -> memref<640x64xf32, #tpu.memory_space<vmem_shared>>
    tpu.enqueue_dma source(%arg4 : memref<640x64xf32, #tpu.memory_space<hbm>>) target(%dma_start3A_37 : memref<640x64xf32, #tpu.memory_space<vmem_shared>>) target_semaphore(%arg9 : memref<!tpu.dma_semaphore, #tpu.memory_space<semaphore_mem>>)
    %mul3A_38 = arith.constant 5 : i32
    %mul3A_39 = arith.muli %add3A, %mul3A_38 : i32
    %dma_start3A_40 = arith.constant 0 : i32
    %dma_start3A_41 = tpu.memref_slice %arg3[%mul3A_39, %dma_start3A_40] : memref<160x128xi32, #tpu.memory_space<hbm>> -> memref<5x128xi32, #tpu.memory_space<hbm>>
    %dma_start3A_42 = arith.constant 0 : i32
    %dma_start3A_43 = tpu.memref_slice %arg3[%mul3A_39, %dma_start3A_42] : memref<160x128xi32, #tpu.memory_space<hbm>> -> memref<5x128xi32, #tpu.memory_space<hbm>>
    tpu.enqueue_dma source(%dma_start3A_43 : memref<5x128xi32, #tpu.memory_space<hbm>>) target(%arg6 : memref<5x128xi32, #tpu.memory_space<vmem>>) target_semaphore(%arg9 : memref<!tpu.dma_semaphore, #tpu.memory_space<semaphore_mem>>)
    %dma_wait3A = arith.constant 0 : i32
    %dma_wait3A_44 = tpu.memref_slice %arg8[%add3A_35, %dma_wait3A] : memref<10240x64xf32, #tpu.memory_space<vmem_shared>> -> memref<640x64xf32, #tpu.memory_space<vmem_shared>>
    tpu.wait_dma2 semaphore(%arg9 : memref<!tpu.dma_semaphore, #tpu.memory_space<semaphore_mem>>) src(%arg4 : memref<640x64xf32, #tpu.memory_space<hbm>>) dst(%dma_wait3A_44 : memref<640x64xf32, #tpu.memory_space<vmem_shared>>)
    %dma_wait3A_45 = arith.constant 0 : i32
    %dma_wait3A_46 = tpu.memref_slice %arg3[%mul3A_39, %dma_wait3A_45] : memref<160x128xi32, #tpu.memory_space<hbm>> -> memref<5x128xi32, #tpu.memory_space<hbm>>
    %dma_wait3A_47 = arith.constant 0 : i32
    %dma_wait3A_48 = tpu.memref_slice %arg3[%mul3A_39, %dma_wait3A_47] : memref<160x128xi32, #tpu.memory_space<hbm>> -> memref<5x128xi32, #tpu.memory_space<hbm>>
    tpu.wait_dma2 semaphore(%arg9 : memref<!tpu.dma_semaphore, #tpu.memory_space<semaphore_mem>>) src(%dma_wait3A_48 : memref<5x128xi32, #tpu.memory_space<hbm>>) dst(%arg6 : memref<5x128xi32, #tpu.memory_space<vmem>>)
    %barrier3A = arith.constant 0 : index
    tpu.barrier barrier_id(%barrier3A)
    %dma_wait3A_49 = arith.constant 0 : i32
    %dma_wait3A_50 = arith.constant 0 : i32
    %dma_wait3A_51 = arith.constant 0 : i32
    %dma_wait3A_52 = tpu.memref_slice %arg7[%dma_wait3A_49, %dma_wait3A_50, %dma_wait3A_51] : memref<2x128x64xf32, #tpu.memory_space<vmem>> -> memref<1x128x64xf32, #tpu.memory_space<vmem>>
    %dma_wait3A_53 = tpu.memref_squeeze %dma_wait3A_52 : memref<1x128x64xf32, #tpu.memory_space<vmem>> -> memref<128x64xf32, #tpu.memory_space<vmem>>
    %dma_wait3A_54 = arith.constant 0 : i32
    %dma_wait3A_55 = tpu.memref_slice %arg2[%add3A_6, %dma_wait3A_54] : memref<20480x64xf32, #tpu.memory_space<hbm>> -> memref<128x64xf32, #tpu.memory_space<hbm>>
    %dma_wait3A_56 = arith.constant 0 : i32
    %dma_wait3A_57 = arith.constant 0 : i32
    %dma_wait3A_58 = tpu.memref_slice %arg7[%dma_wait3A_49, %dma_wait3A_56, %dma_wait3A_57] : memref<2x128x64xf32, #tpu.memory_space<vmem>> -> memref<1x128x64xf32, #tpu.memory_space<vmem>>
    %dma_wait3A_59 = tpu.memref_squeeze %dma_wait3A_58 : memref<1x128x64xf32, #tpu.memory_space<vmem>> -> memref<128x64xf32, #tpu.memory_space<vmem>>
    %dma_wait3A_60 = arith.constant 0 : i32
    %dma_wait3A_61 = tpu.memref_slice %arg2[%add3A_6, %dma_wait3A_60] : memref<20480x64xf32, #tpu.memory_space<hbm>> -> memref<128x64xf32, #tpu.memory_space<hbm>>
    tpu.wait_dma2 semaphore(%arg10 : memref<!tpu.dma_semaphore, #tpu.memory_space<semaphore_mem>>) src(%dma_wait3A_61 : memref<128x64xf32, #tpu.memory_space<hbm>>) dst(%dma_wait3A_59 : memref<128x64xf32, #tpu.memory_space<vmem>>)
    %dma_start3A_62 = arith.constant 0 : i32
    %dma_start3A_63 = arith.constant 0 : i32
    %dma_start3A_64 = arith.constant 0 : i32
    %dma_start3A_65 = arith.constant 0 : i32
    %dma_start3A_66 = tpu.memref_slice %arg7[%dma_start3A_62, %dma_start3A_64, %dma_start3A_65] : memref<2x128x64xf32, #tpu.memory_space<vmem>> -> memref<1x128x64xf32, #tpu.memory_space<vmem>>
    %dma_start3A_67 = tpu.memref_squeeze %dma_start3A_66 : memref<1x128x64xf32, #tpu.memory_space<vmem>> -> memref<128x64xf32, #tpu.memory_space<vmem>>
    %dma_start3A_68 = arith.constant 0 : i32
    %dma_start3A_69 = tpu.memref_slice %arg6[%dma_start3A_63, %dma_start3A_68] : memref<5x128xi32, #tpu.memory_space<vmem>> -> memref<1x128xi32, #tpu.memory_space<vmem>>
    %dma_start3A_70 = tpu.memref_squeeze %dma_start3A_69 : memref<1x128xi32, #tpu.memory_space<vmem>> -> memref<128xi32, #tpu.memory_space<vmem>>
    %dma_start3A_71 = arith.constant 0 : i32
    %dma_start3A_72 = arith.constant 0 : i32
    %dma_start3A_73 = tpu.memref_slice %arg8[%dma_start3A_71, %dma_start3A_72] : memref<10240x64xf32, #tpu.memory_space<vmem_shared>> -> memref<10240x64xf32, #tpu.memory_space<vmem_shared>>
    tpu.enqueue_indirect_dma source(%dma_start3A_67 : memref<128x64xf32, #tpu.memory_space<vmem>>) target(%dma_start3A_73 : memref<10240x64xf32, #tpu.memory_space<vmem_shared>>) offsets(%dma_start3A_70 : memref<128xi32, #tpu.memory_space<vmem>>) semaphore(%arg12 : memref<!tpu.dma_semaphore, #tpu.memory_space<semaphore_mem>>) {add = true}
    %dma_wait3A_74 = arith.constant 0 : i32
    %dma_wait3A_75 = arith.constant 0 : i32
    %dma_wait3A_76 = arith.constant 0 : i32
    %dma_wait3A_77 = arith.constant 0 : i32
    %dma_wait3A_78 = tpu.memref_slice %arg7[%dma_wait3A_74, %dma_wait3A_76, %dma_wait3A_77] : memref<2x128x64xf32, #tpu.memory_space<vmem>> -> memref<1x128x64xf32, #tpu.memory_space<vmem>>
    %dma_wait3A_79 = tpu.memref_squeeze %dma_wait3A_78 : memref<1x128x64xf32, #tpu.memory_space<vmem>> -> memref<128x64xf32, #tpu.memory_space<vmem>>
    %dma_wait3A_80 = arith.constant 0 : i32
    %dma_wait3A_81 = tpu.memref_slice %arg6[%dma_wait3A_75, %dma_wait3A_80] : memref<5x128xi32, #tpu.memory_space<vmem>> -> memref<1x128xi32, #tpu.memory_space<vmem>>
    %dma_wait3A_82 = tpu.memref_squeeze %dma_wait3A_81 : memref<1x128xi32, #tpu.memory_space<vmem>> -> memref<128xi32, #tpu.memory_space<vmem>>
    %dma_wait3A_83 = arith.constant 0 : i32
    %dma_wait3A_84 = arith.constant 0 : i32
    %dma_wait3A_85 = tpu.memref_slice %arg8[%dma_wait3A_83, %dma_wait3A_84] : memref<10240x64xf32, #tpu.memory_space<vmem_shared>> -> memref<10240x64xf32, #tpu.memory_space<vmem_shared>>
    tpu.wait_indirect_dma semaphore(%arg12 : memref<!tpu.dma_semaphore, #tpu.memory_space<semaphore_mem>>) src(%dma_wait3A_79 : memref<128x64xf32, #tpu.memory_space<vmem>>) dst(%dma_wait3A_85 : memref<10240x64xf32, #tpu.memory_space<vmem_shared>>)
    %add3A_86 = arith.constant 256 : i32
    %add3A_87 = arith.addi %mul3A_4, %add3A_86 : i32
    %dma_start3A_88 = arith.constant 0 : i32
    %dma_start3A_89 = arith.constant 0 : i32
    %dma_start3A_90 = arith.constant 0 : i32
    %dma_start3A_91 = tpu.memref_slice %arg7[%dma_start3A_88, %dma_start3A_89, %dma_start3A_90] : memref<2x128x64xf32, #tpu.memory_space<vmem>> -> memref<1x128x64xf32, #tpu.memory_space<vmem>>
    %dma_start3A_92 = tpu.memref_squeeze %dma_start3A_91 : memref<1x128x64xf32, #tpu.memory_space<vmem>> -> memref<128x64xf32, #tpu.memory_space<vmem>>
    %dma_start3A_93 = arith.constant 0 : i32
    %dma_start3A_94 = tpu.memref_slice %arg2[%add3A_87, %dma_start3A_93] : memref<20480x64xf32, #tpu.memory_space<hbm>> -> memref<128x64xf32, #tpu.memory_space<hbm>>
    %dma_start3A_95 = arith.constant 0 : i32
    %dma_start3A_96 = arith.constant 0 : i32
    %dma_start3A_97 = tpu.memref_slice %arg7[%dma_start3A_88, %dma_start3A_95, %dma_start3A_96] : memref<2x128x64xf32, #tpu.memory_space<vmem>> -> memref<1x128x64xf32, #tpu.memory_space<vmem>>
    %dma_start3A_98 = tpu.memref_squeeze %dma_start3A_97 : memref<1x128x64xf32, #tpu.memory_space<vmem>> -> memref<128x64xf32, #tpu.memory_space<vmem>>
    %dma_start3A_99 = arith.constant 0 : i32
    %dma_start3A_100 = tpu.memref_slice %arg2[%add3A_87, %dma_start3A_99] : memref<20480x64xf32, #tpu.memory_space<hbm>> -> memref<128x64xf32, #tpu.memory_space<hbm>>
    tpu.enqueue_dma source(%dma_start3A_100 : memref<128x64xf32, #tpu.memory_space<hbm>>) target(%dma_start3A_98 : memref<128x64xf32, #tpu.memory_space<vmem>>) target_semaphore(%arg10 : memref<!tpu.dma_semaphore, #tpu.memory_space<semaphore_mem>>)
    %dma_wait3A_101 = arith.constant 1 : i32
    %dma_wait3A_102 = arith.constant 0 : i32
    %dma_wait3A_103 = arith.constant 0 : i32
    %dma_wait3A_104 = tpu.memref_slice %arg7[%dma_wait3A_101, %dma_wait3A_102, %dma_wait3A_103] : memref<2x128x64xf32, #tpu.memory_space<vmem>> -> memref<1x128x64xf32, #tpu.memory_space<vmem>>
    %dma_wait3A_105 = tpu.memref_squeeze %dma_wait3A_104 : memref<1x128x64xf32, #tpu.memory_space<vmem>> -> memref<128x64xf32, #tpu.memory_space<vmem>>
    %dma_wait3A_106 = arith.constant 0 : i32
    %dma_wait3A_107 = tpu.memref_slice %arg2[%add3A_20, %dma_wait3A_106] : memref<20480x64xf32, #tpu.memory_space<hbm>> -> memref<128x64xf32, #tpu.memory_space<hbm>>
    %dma_wait3A_108 = arith.constant 0 : i32
    %dma_wait3A_109 = arith.constant 0 : i32
    %dma_wait3A_110 = tpu.memref_slice %arg7[%dma_wait3A_101, %dma_wait3A_108, %dma_wait3A_109] : memref<2x128x64xf32, #tpu.memory_space<vmem>> -> memref<1x128x64xf32, #tpu.memory_space<vmem>>
    %dma_wait3A_111 = tpu.memref_squeeze %dma_wait3A_110 : memref<1x128x64xf32, #tpu.memory_space<vmem>> -> memref<128x64xf32, #tpu.memory_space<vmem>>
    %dma_wait3A_112 = arith.constant 0 : i32
    %dma_wait3A_113 = tpu.memref_slice %arg2[%add3A_20, %dma_wait3A_112] : memref<20480x64xf32, #tpu.memory_space<hbm>> -> memref<128x64xf32, #tpu.memory_space<hbm>>
    tpu.wait_dma2 semaphore(%arg11 : memref<!tpu.dma_semaphore, #tpu.memory_space<semaphore_mem>>) src(%dma_wait3A_113 : memref<128x64xf32, #tpu.memory_space<hbm>>) dst(%dma_wait3A_111 : memref<128x64xf32, #tpu.memory_space<vmem>>)
    %dma_start3A_114 = arith.constant 1 : i32
    %dma_start3A_115 = arith.constant 1 : i32
    %dma_start3A_116 = arith.constant 0 : i32
    %dma_start3A_117 = arith.constant 0 : i32
    %dma_start3A_118 = tpu.memref_slice %arg7[%dma_start3A_114, %dma_start3A_116, %dma_start3A_117] : memref<2x128x64xf32, #tpu.memory_space<vmem>> -> memref<1x128x64xf32, #tpu.memory_space<vmem>>
    %dma_start3A_119 = tpu.memref_squeeze %dma_start3A_118 : memref<1x128x64xf32, #tpu.memory_space<vmem>> -> memref<128x64xf32, #tpu.memory_space<vmem>>
    %dma_start3A_120 = arith.constant 0 : i32
    %dma_start3A_121 = tpu.memref_slice %arg6[%dma_start3A_115, %dma_start3A_120] : memref<5x128xi32, #tpu.memory_space<vmem>> -> memref<1x128xi32, #tpu.memory_space<vmem>>
    %dma_start3A_122 = tpu.memref_squeeze %dma_start3A_121 : memref<1x128xi32, #tpu.memory_space<vmem>> -> memref<128xi32, #tpu.memory_space<vmem>>
    %dma_start3A_123 = arith.constant 0 : i32
    %dma_start3A_124 = arith.constant 0 : i32
    %dma_start3A_125 = tpu.memref_slice %arg8[%dma_start3A_123, %dma_start3A_124] : memref<10240x64xf32, #tpu.memory_space<vmem_shared>> -> memref<10240x64xf32, #tpu.memory_space<vmem_shared>>
    tpu.enqueue_indirect_dma source(%dma_start3A_119 : memref<128x64xf32, #tpu.memory_space<vmem>>) target(%dma_start3A_125 : memref<10240x64xf32, #tpu.memory_space<vmem_shared>>) offsets(%dma_start3A_122 : memref<128xi32, #tpu.memory_space<vmem>>) semaphore(%arg13 : memref<!tpu.dma_semaphore, #tpu.memory_space<semaphore_mem>>) {add = true}
    %dma_wait3A_126 = arith.constant 1 : i32
    %dma_wait3A_127 = arith.constant 1 : i32
    %dma_wait3A_128 = arith.constant 0 : i32
    %dma_wait3A_129 = arith.constant 0 : i32
    %dma_wait3A_130 = tpu.memref_slice %arg7[%dma_wait3A_126, %dma_wait3A_128, %dma_wait3A_129] : memref<2x128x64xf32, #tpu.memory_space<vmem>> -> memref<1x128x64xf32, #tpu.memory_space<vmem>>
    %dma_wait3A_131 = tpu.memref_squeeze %dma_wait3A_130 : memref<1x128x64xf32, #tpu.memory_space<vmem>> -> memref<128x64xf32, #tpu.memory_space<vmem>>
    %dma_wait3A_132 = arith.constant 0 : i32
    %dma_wait3A_133 = tpu.memref_slice %arg6[%dma_wait3A_127, %dma_wait3A_132] : memref<5x128xi32, #tpu.memory_space<vmem>> -> memref<1x128xi32, #tpu.memory_space<vmem>>
    %dma_wait3A_134 = tpu.memref_squeeze %dma_wait3A_133 : memref<1x128xi32, #tpu.memory_space<vmem>> -> memref<128xi32, #tpu.memory_space<vmem>>
    %dma_wait3A_135 = arith.constant 0 : i32
    %dma_wait3A_136 = arith.constant 0 : i32
    %dma_wait3A_137 = tpu.memref_slice %arg8[%dma_wait3A_135, %dma_wait3A_136] : memref<10240x64xf32, #tpu.memory_space<vmem_shared>> -> memref<10240x64xf32, #tpu.memory_space<vmem_shared>>
    tpu.wait_indirect_dma semaphore(%arg13 : memref<!tpu.dma_semaphore, #tpu.memory_space<semaphore_mem>>) src(%dma_wait3A_131 : memref<128x64xf32, #tpu.memory_space<vmem>>) dst(%dma_wait3A_137 : memref<10240x64xf32, #tpu.memory_space<vmem_shared>>)
    %add3A_138 = arith.constant 384 : i32
    %add3A_139 = arith.addi %mul3A_4, %add3A_138 : i32
    %dma_start3A_140 = arith.constant 1 : i32
    %dma_start3A_141 = arith.constant 0 : i32
    %dma_start3A_142 = arith.constant 0 : i32
    %dma_start3A_143 = tpu.memref_slice %arg7[%dma_start3A_140, %dma_start3A_141, %dma_start3A_142] : memref<2x128x64xf32, #tpu.memory_space<vmem>> -> memref<1x128x64xf32, #tpu.memory_space<vmem>>
    %dma_start3A_144 = tpu.memref_squeeze %dma_start3A_143 : memref<1x128x64xf32, #tpu.memory_space<vmem>> -> memref<128x64xf32, #tpu.memory_space<vmem>>
    %dma_start3A_145 = arith.constant 0 : i32
    %dma_start3A_146 = tpu.memref_slice %arg2[%add3A_139, %dma_start3A_145] : memref<20480x64xf32, #tpu.memory_space<hbm>> -> memref<128x64xf32, #tpu.memory_space<hbm>>
    %dma_start3A_147 = arith.constant 0 : i32
    %dma_start3A_148 = arith.constant 0 : i32
    %dma_start3A_149 = tpu.memref_slice %arg7[%dma_start3A_140, %dma_start3A_147, %dma_start3A_148] : memref<2x128x64xf32, #tpu.memory_space<vmem>> -> memref<1x128x64xf32, #tpu.memory_space<vmem>>
    %dma_start3A_150 = tpu.memref_squeeze %dma_start3A_149 : memref<1x128x64xf32, #tpu.memory_space<vmem>> -> memref<128x64xf32, #tpu.memory_space<vmem>>
    %dma_start3A_151 = arith.constant 0 : i32
    %dma_start3A_152 = tpu.memref_slice %arg2[%add3A_139, %dma_start3A_151] : memref<20480x64xf32, #tpu.memory_space<hbm>> -> memref<128x64xf32, #tpu.memory_space<hbm>>
    tpu.enqueue_dma source(%dma_start3A_152 : memref<128x64xf32, #tpu.memory_space<hbm>>) target(%dma_start3A_150 : memref<128x64xf32, #tpu.memory_space<vmem>>) target_semaphore(%arg11 : memref<!tpu.dma_semaphore, #tpu.memory_space<semaphore_mem>>)
    %dma_wait3A_153 = arith.constant 0 : i32
    %dma_wait3A_154 = arith.constant 0 : i32
    %dma_wait3A_155 = arith.constant 0 : i32
    %dma_wait3A_156 = tpu.memref_slice %arg7[%dma_wait3A_153, %dma_wait3A_154, %dma_wait3A_155] : memref<2x128x64xf32, #tpu.memory_space<vmem>> -> memref<1x128x64xf32, #tpu.memory_space<vmem>>
    %dma_wait3A_157 = tpu.memref_squeeze %dma_wait3A_156 : memref<1x128x64xf32, #tpu.memory_space<vmem>> -> memref<128x64xf32, #tpu.memory_space<vmem>>
    %dma_wait3A_158 = arith.constant 0 : i32
    %dma_wait3A_159 = tpu.memref_slice %arg2[%add3A_87, %dma_wait3A_158] : memref<20480x64xf32, #tpu.memory_space<hbm>> -> memref<128x64xf32, #tpu.memory_space<hbm>>
    %dma_wait3A_160 = arith.constant 0 : i32
    %dma_wait3A_161 = arith.constant 0 : i32
    %dma_wait3A_162 = tpu.memref_slice %arg7[%dma_wait3A_153, %dma_wait3A_160, %dma_wait3A_161] : memref<2x128x64xf32, #tpu.memory_space<vmem>> -> memref<1x128x64xf32, #tpu.memory_space<vmem>>
    %dma_wait3A_163 = tpu.memref_squeeze %dma_wait3A_162 : memref<1x128x64xf32, #tpu.memory_space<vmem>> -> memref<128x64xf32, #tpu.memory_space<vmem>>
    %dma_wait3A_164 = arith.constant 0 : i32
    %dma_wait3A_165 = tpu.memref_slice %arg2[%add3A_87, %dma_wait3A_164] : memref<20480x64xf32, #tpu.memory_space<hbm>> -> memref<128x64xf32, #tpu.memory_space<hbm>>
    tpu.wait_dma2 semaphore(%arg10 : memref<!tpu.dma_semaphore, #tpu.memory_space<semaphore_mem>>) src(%dma_wait3A_165 : memref<128x64xf32, #tpu.memory_space<hbm>>) dst(%dma_wait3A_163 : memref<128x64xf32, #tpu.memory_space<vmem>>)
    %dma_start3A_166 = arith.constant 0 : i32
    %dma_start3A_167 = arith.constant 2 : i32
    %dma_start3A_168 = arith.constant 0 : i32
    %dma_start3A_169 = arith.constant 0 : i32
    %dma_start3A_170 = tpu.memref_slice %arg7[%dma_start3A_166, %dma_start3A_168, %dma_start3A_169] : memref<2x128x64xf32, #tpu.memory_space<vmem>> -> memref<1x128x64xf32, #tpu.memory_space<vmem>>
    %dma_start3A_171 = tpu.memref_squeeze %dma_start3A_170 : memref<1x128x64xf32, #tpu.memory_space<vmem>> -> memref<128x64xf32, #tpu.memory_space<vmem>>
    %dma_start3A_172 = arith.constant 0 : i32
    %dma_start3A_173 = tpu.memref_slice %arg6[%dma_start3A_167, %dma_start3A_172] : memref<5x128xi32, #tpu.memory_space<vmem>> -> memref<1x128xi32, #tpu.memory_space<vmem>>
    %dma_start3A_174 = tpu.memref_squeeze %dma_start3A_173 : memref<1x128xi32, #tpu.memory_space<vmem>> -> memref<128xi32, #tpu.memory_space<vmem>>
    %dma_start3A_175 = arith.constant 0 : i32
    %dma_start3A_176 = arith.constant 0 : i32
    %dma_start3A_177 = tpu.memref_slice %arg8[%dma_start3A_175, %dma_start3A_176] : memref<10240x64xf32, #tpu.memory_space<vmem_shared>> -> memref<10240x64xf32, #tpu.memory_space<vmem_shared>>
    tpu.enqueue_indirect_dma source(%dma_start3A_171 : memref<128x64xf32, #tpu.memory_space<vmem>>) target(%dma_start3A_177 : memref<10240x64xf32, #tpu.memory_space<vmem_shared>>) offsets(%dma_start3A_174 : memref<128xi32, #tpu.memory_space<vmem>>) semaphore(%arg12 : memref<!tpu.dma_semaphore, #tpu.memory_space<semaphore_mem>>) {add = true}
    %dma_wait3A_178 = arith.constant 0 : i32
    %dma_wait3A_179 = arith.constant 2 : i32
    %dma_wait3A_180 = arith.constant 0 : i32
    %dma_wait3A_181 = arith.constant 0 : i32
    %dma_wait3A_182 = tpu.memref_slice %arg7[%dma_wait3A_178, %dma_wait3A_180, %dma_wait3A_181] : memref<2x128x64xf32, #tpu.memory_space<vmem>> -> memref<1x128x64xf32, #tpu.memory_space<vmem>>
    %dma_wait3A_183 = tpu.memref_squeeze %dma_wait3A_182 : memref<1x128x64xf32, #tpu.memory_space<vmem>> -> memref<128x64xf32, #tpu.memory_space<vmem>>
    %dma_wait3A_184 = arith.constant 0 : i32
    %dma_wait3A_185 = tpu.memref_slice %arg6[%dma_wait3A_179, %dma_wait3A_184] : memref<5x128xi32, #tpu.memory_space<vmem>> -> memref<1x128xi32, #tpu.memory_space<vmem>>
    %dma_wait3A_186 = tpu.memref_squeeze %dma_wait3A_185 : memref<1x128xi32, #tpu.memory_space<vmem>> -> memref<128xi32, #tpu.memory_space<vmem>>
    %dma_wait3A_187 = arith.constant 0 : i32
    %dma_wait3A_188 = arith.constant 0 : i32
    %dma_wait3A_189 = tpu.memref_slice %arg8[%dma_wait3A_187, %dma_wait3A_188] : memref<10240x64xf32, #tpu.memory_space<vmem_shared>> -> memref<10240x64xf32, #tpu.memory_space<vmem_shared>>
    tpu.wait_indirect_dma semaphore(%arg12 : memref<!tpu.dma_semaphore, #tpu.memory_space<semaphore_mem>>) src(%dma_wait3A_183 : memref<128x64xf32, #tpu.memory_space<vmem>>) dst(%dma_wait3A_189 : memref<10240x64xf32, #tpu.memory_space<vmem_shared>>)
    %add3A_190 = arith.constant 512 : i32
    %add3A_191 = arith.addi %mul3A_4, %add3A_190 : i32
    %dma_start3A_192 = arith.constant 0 : i32
    %dma_start3A_193 = arith.constant 0 : i32
    %dma_start3A_194 = arith.constant 0 : i32
    %dma_start3A_195 = tpu.memref_slice %arg7[%dma_start3A_192, %dma_start3A_193, %dma_start3A_194] : memref<2x128x64xf32, #tpu.memory_space<vmem>> -> memref<1x128x64xf32, #tpu.memory_space<vmem>>
    %dma_start3A_196 = tpu.memref_squeeze %dma_start3A_195 : memref<1x128x64xf32, #tpu.memory_space<vmem>> -> memref<128x64xf32, #tpu.memory_space<vmem>>
    %dma_start3A_197 = arith.constant 0 : i32
    %dma_start3A_198 = tpu.memref_slice %arg2[%add3A_191, %dma_start3A_197] : memref<20480x64xf32, #tpu.memory_space<hbm>> -> memref<128x64xf32, #tpu.memory_space<hbm>>
    %dma_start3A_199 = arith.constant 0 : i32
    %dma_start3A_200 = arith.constant 0 : i32
    %dma_start3A_201 = tpu.memref_slice %arg7[%dma_start3A_192, %dma_start3A_199, %dma_start3A_200] : memref<2x128x64xf32, #tpu.memory_space<vmem>> -> memref<1x128x64xf32, #tpu.memory_space<vmem>>
    %dma_start3A_202 = tpu.memref_squeeze %dma_start3A_201 : memref<1x128x64xf32, #tpu.memory_space<vmem>> -> memref<128x64xf32, #tpu.memory_space<vmem>>
    %dma_start3A_203 = arith.constant 0 : i32
    %dma_start3A_204 = tpu.memref_slice %arg2[%add3A_191, %dma_start3A_203] : memref<20480x64xf32, #tpu.memory_space<hbm>> -> memref<128x64xf32, #tpu.memory_space<hbm>>
    tpu.enqueue_dma source(%dma_start3A_204 : memref<128x64xf32, #tpu.memory_space<hbm>>) target(%dma_start3A_202 : memref<128x64xf32, #tpu.memory_space<vmem>>) target_semaphore(%arg10 : memref<!tpu.dma_semaphore, #tpu.memory_space<semaphore_mem>>)
    %dma_wait3A_205 = arith.constant 1 : i32
    %dma_wait3A_206 = arith.constant 0 : i32
    %dma_wait3A_207 = arith.constant 0 : i32
    %dma_wait3A_208 = tpu.memref_slice %arg7[%dma_wait3A_205, %dma_wait3A_206, %dma_wait3A_207] : memref<2x128x64xf32, #tpu.memory_space<vmem>> -> memref<1x128x64xf32, #tpu.memory_space<vmem>>
    %dma_wait3A_209 = tpu.memref_squeeze %dma_wait3A_208 : memref<1x128x64xf32, #tpu.memory_space<vmem>> -> memref<128x64xf32, #tpu.memory_space<vmem>>
    %dma_wait3A_210 = arith.constant 0 : i32
    %dma_wait3A_211 = tpu.memref_slice %arg2[%add3A_139, %dma_wait3A_210] : memref<20480x64xf32, #tpu.memory_space<hbm>> -> memref<128x64xf32, #tpu.memory_space<hbm>>
    %dma_wait3A_212 = arith.constant 0 : i32
    %dma_wait3A_213 = arith.constant 0 : i32
    %dma_wait3A_214 = tpu.memref_slice %arg7[%dma_wait3A_205, %dma_wait3A_212, %dma_wait3A_213] : memref<2x128x64xf32, #tpu.memory_space<vmem>> -> memref<1x128x64xf32, #tpu.memory_space<vmem>>
    %dma_wait3A_215 = tpu.memref_squeeze %dma_wait3A_214 : memref<1x128x64xf32, #tpu.memory_space<vmem>> -> memref<128x64xf32, #tpu.memory_space<vmem>>
    %dma_wait3A_216 = arith.constant 0 : i32
    %dma_wait3A_217 = tpu.memref_slice %arg2[%add3A_139, %dma_wait3A_216] : memref<20480x64xf32, #tpu.memory_space<hbm>> -> memref<128x64xf32, #tpu.memory_space<hbm>>
    tpu.wait_dma2 semaphore(%arg11 : memref<!tpu.dma_semaphore, #tpu.memory_space<semaphore_mem>>) src(%dma_wait3A_217 : memref<128x64xf32, #tpu.memory_space<hbm>>) dst(%dma_wait3A_215 : memref<128x64xf32, #tpu.memory_space<vmem>>)
    %dma_start3A_218 = arith.constant 1 : i32
    %dma_start3A_219 = arith.constant 3 : i32
    %dma_start3A_220 = arith.constant 0 : i32
    %dma_start3A_221 = arith.constant 0 : i32
    %dma_start3A_222 = tpu.memref_slice %arg7[%dma_start3A_218, %dma_start3A_220, %dma_start3A_221] : memref<2x128x64xf32, #tpu.memory_space<vmem>> -> memref<1x128x64xf32, #tpu.memory_space<vmem>>
    %dma_start3A_223 = tpu.memref_squeeze %dma_start3A_222 : memref<1x128x64xf32, #tpu.memory_space<vmem>> -> memref<128x64xf32, #tpu.memory_space<vmem>>
    %dma_start3A_224 = arith.constant 0 : i32
    %dma_start3A_225 = tpu.memref_slice %arg6[%dma_start3A_219, %dma_start3A_224] : memref<5x128xi32, #tpu.memory_space<vmem>> -> memref<1x128xi32, #tpu.memory_space<vmem>>
    %dma_start3A_226 = tpu.memref_squeeze %dma_start3A_225 : memref<1x128xi32, #tpu.memory_space<vmem>> -> memref<128xi32, #tpu.memory_space<vmem>>
    %dma_start3A_227 = arith.constant 0 : i32
    %dma_start3A_228 = arith.constant 0 : i32
    %dma_start3A_229 = tpu.memref_slice %arg8[%dma_start3A_227, %dma_start3A_228] : memref<10240x64xf32, #tpu.memory_space<vmem_shared>> -> memref<10240x64xf32, #tpu.memory_space<vmem_shared>>
    tpu.enqueue_indirect_dma source(%dma_start3A_223 : memref<128x64xf32, #tpu.memory_space<vmem>>) target(%dma_start3A_229 : memref<10240x64xf32, #tpu.memory_space<vmem_shared>>) offsets(%dma_start3A_226 : memref<128xi32, #tpu.memory_space<vmem>>) semaphore(%arg13 : memref<!tpu.dma_semaphore, #tpu.memory_space<semaphore_mem>>) {add = true}
    %dma_wait3A_230 = arith.constant 0 : i32
    %dma_wait3A_231 = arith.constant 0 : i32
    %dma_wait3A_232 = arith.constant 0 : i32
    %dma_wait3A_233 = tpu.memref_slice %arg7[%dma_wait3A_230, %dma_wait3A_231, %dma_wait3A_232] : memref<2x128x64xf32, #tpu.memory_space<vmem>> -> memref<1x128x64xf32, #tpu.memory_space<vmem>>
    %dma_wait3A_234 = tpu.memref_squeeze %dma_wait3A_233 : memref<1x128x64xf32, #tpu.memory_space<vmem>> -> memref<128x64xf32, #tpu.memory_space<vmem>>
    %dma_wait3A_235 = arith.constant 0 : i32
    %dma_wait3A_236 = tpu.memref_slice %arg2[%add3A_191, %dma_wait3A_235] : memref<20480x64xf32, #tpu.memory_space<hbm>> -> memref<128x64xf32, #tpu.memory_space<hbm>>
    %dma_wait3A_237 = arith.constant 0 : i32
    %dma_wait3A_238 = arith.constant 0 : i32
    %dma_wait3A_239 = tpu.memref_slice %arg7[%dma_wait3A_230, %dma_wait3A_237, %dma_wait3A_238] : memref<2x128x64xf32, #tpu.memory_space<vmem>> -> memref<1x128x64xf32, #tpu.memory_space<vmem>>
    %dma_wait3A_240 = tpu.memref_squeeze %dma_wait3A_239 : memref<1x128x64xf32, #tpu.memory_space<vmem>> -> memref<128x64xf32, #tpu.memory_space<vmem>>
    %dma_wait3A_241 = arith.constant 0 : i32
    %dma_wait3A_242 = tpu.memref_slice %arg2[%add3A_191, %dma_wait3A_241] : memref<20480x64xf32, #tpu.memory_space<hbm>> -> memref<128x64xf32, #tpu.memory_space<hbm>>
    tpu.wait_dma2 semaphore(%arg10 : memref<!tpu.dma_semaphore, #tpu.memory_space<semaphore_mem>>) src(%dma_wait3A_242 : memref<128x64xf32, #tpu.memory_space<hbm>>) dst(%dma_wait3A_240 : memref<128x64xf32, #tpu.memory_space<vmem>>)
    %dma_start3A_243 = arith.constant 0 : i32
    %dma_start3A_244 = arith.constant 4 : i32
    %dma_start3A_245 = arith.constant 0 : i32
    %dma_start3A_246 = arith.constant 0 : i32
    %dma_start3A_247 = tpu.memref_slice %arg7[%dma_start3A_243, %dma_start3A_245, %dma_start3A_246] : memref<2x128x64xf32, #tpu.memory_space<vmem>> -> memref<1x128x64xf32, #tpu.memory_space<vmem>>
    %dma_start3A_248 = tpu.memref_squeeze %dma_start3A_247 : memref<1x128x64xf32, #tpu.memory_space<vmem>> -> memref<128x64xf32, #tpu.memory_space<vmem>>
    %dma_start3A_249 = arith.constant 0 : i32
    %dma_start3A_250 = tpu.memref_slice %arg6[%dma_start3A_244, %dma_start3A_249] : memref<5x128xi32, #tpu.memory_space<vmem>> -> memref<1x128xi32, #tpu.memory_space<vmem>>
    %dma_start3A_251 = tpu.memref_squeeze %dma_start3A_250 : memref<1x128xi32, #tpu.memory_space<vmem>> -> memref<128xi32, #tpu.memory_space<vmem>>
    %dma_start3A_252 = arith.constant 0 : i32
    %dma_start3A_253 = arith.constant 0 : i32
    %dma_start3A_254 = tpu.memref_slice %arg8[%dma_start3A_252, %dma_start3A_253] : memref<10240x64xf32, #tpu.memory_space<vmem_shared>> -> memref<10240x64xf32, #tpu.memory_space<vmem_shared>>
    tpu.enqueue_indirect_dma source(%dma_start3A_248 : memref<128x64xf32, #tpu.memory_space<vmem>>) target(%dma_start3A_254 : memref<10240x64xf32, #tpu.memory_space<vmem_shared>>) offsets(%dma_start3A_251 : memref<128xi32, #tpu.memory_space<vmem>>) semaphore(%arg12 : memref<!tpu.dma_semaphore, #tpu.memory_space<semaphore_mem>>) {add = true}
    %dma_wait3A_255 = arith.constant 1 : i32
    %dma_wait3A_256 = arith.constant 3 : i32
    %dma_wait3A_257 = arith.constant 0 : i32
    %dma_wait3A_258 = arith.constant 0 : i32
    %dma_wait3A_259 = tpu.memref_slice %arg7[%dma_wait3A_255, %dma_wait3A_257, %dma_wait3A_258] : memref<2x128x64xf32, #tpu.memory_space<vmem>> -> memref<1x128x64xf32, #tpu.memory_space<vmem>>
    %dma_wait3A_260 = tpu.memref_squeeze %dma_wait3A_259 : memref<1x128x64xf32, #tpu.memory_space<vmem>> -> memref<128x64xf32, #tpu.memory_space<vmem>>
    %dma_wait3A_261 = arith.constant 0 : i32
    %dma_wait3A_262 = tpu.memref_slice %arg6[%dma_wait3A_256, %dma_wait3A_261] : memref<5x128xi32, #tpu.memory_space<vmem>> -> memref<1x128xi32, #tpu.memory_space<vmem>>
    %dma_wait3A_263 = tpu.memref_squeeze %dma_wait3A_262 : memref<1x128xi32, #tpu.memory_space<vmem>> -> memref<128xi32, #tpu.memory_space<vmem>>
    %dma_wait3A_264 = arith.constant 0 : i32
    %dma_wait3A_265 = arith.constant 0 : i32
    %dma_wait3A_266 = tpu.memref_slice %arg8[%dma_wait3A_264, %dma_wait3A_265] : memref<10240x64xf32, #tpu.memory_space<vmem_shared>> -> memref<10240x64xf32, #tpu.memory_space<vmem_shared>>
    tpu.wait_indirect_dma semaphore(%arg13 : memref<!tpu.dma_semaphore, #tpu.memory_space<semaphore_mem>>) src(%dma_wait3A_260 : memref<128x64xf32, #tpu.memory_space<vmem>>) dst(%dma_wait3A_266 : memref<10240x64xf32, #tpu.memory_space<vmem_shared>>)
    %dma_wait3A_267 = arith.constant 0 : i32
    %dma_wait3A_268 = arith.constant 4 : i32
    %dma_wait3A_269 = arith.constant 0 : i32
    %dma_wait3A_270 = arith.constant 0 : i32
    %dma_wait3A_271 = tpu.memref_slice %arg7[%dma_wait3A_267, %dma_wait3A_269, %dma_wait3A_270] : memref<2x128x64xf32, #tpu.memory_space<vmem>> -> memref<1x128x64xf32, #tpu.memory_space<vmem>>
    %dma_wait3A_272 = tpu.memref_squeeze %dma_wait3A_271 : memref<1x128x64xf32, #tpu.memory_space<vmem>> -> memref<128x64xf32, #tpu.memory_space<vmem>>
    %dma_wait3A_273 = arith.constant 0 : i32
    %dma_wait3A_274 = tpu.memref_slice %arg6[%dma_wait3A_268, %dma_wait3A_273] : memref<5x128xi32, #tpu.memory_space<vmem>> -> memref<1x128xi32, #tpu.memory_space<vmem>>
    %dma_wait3A_275 = tpu.memref_squeeze %dma_wait3A_274 : memref<1x128xi32, #tpu.memory_space<vmem>> -> memref<128xi32, #tpu.memory_space<vmem>>
    %dma_wait3A_276 = arith.constant 0 : i32
    %dma_wait3A_277 = arith.constant 0 : i32
    %dma_wait3A_278 = tpu.memref_slice %arg8[%dma_wait3A_276, %dma_wait3A_277] : memref<10240x64xf32, #tpu.memory_space<vmem_shared>> -> memref<10240x64xf32, #tpu.memory_space<vmem_shared>>
    tpu.wait_indirect_dma semaphore(%arg12 : memref<!tpu.dma_semaphore, #tpu.memory_space<semaphore_mem>>) src(%dma_wait3A_272 : memref<128x64xf32, #tpu.memory_space<vmem>>) dst(%dma_wait3A_278 : memref<10240x64xf32, #tpu.memory_space<vmem_shared>>)
    %barrier3A_279 = arith.constant 0 : index
    tpu.barrier barrier_id(%barrier3A_279)
    "tpu.region"() ({
      %run_scoped3A = tpu.sem_alloc : memref<!tpu.dma_semaphore, #tpu.memory_space<semaphore_mem>>
      %dma_start3A_280 = arith.constant 0 : i32
      %dma_start3A_281 = tpu.memref_slice %arg5[%arg0, %mul3A_2, %dma_start3A_280] : memref<2x10240x64xf32, #tpu.memory_space<hbm>> -> memref<1x640x64xf32, #tpu.memory_space<hbm>>
      %dma_start3A_282 = tpu.memref_squeeze %dma_start3A_281 : memref<1x640x64xf32, #tpu.memory_space<hbm>> -> memref<640x64xf32, #tpu.memory_space<hbm>>
      %dma_start3A_283 = arith.constant 0 : i32
      %dma_start3A_284 = tpu.memref_slice %arg8[%mul3A_2, %dma_start3A_283] : memref<10240x64xf32, #tpu.memory_space<vmem_shared>> -> memref<640x64xf32, #tpu.memory_space<vmem_shared>>
      tpu.enqueue_dma source(%dma_start3A_284 : memref<640x64xf32, #tpu.memory_space<vmem_shared>>) target(%dma_start3A_282 : memref<640x64xf32, #tpu.memory_space<hbm>>) target_semaphore(%run_scoped3A : memref<!tpu.dma_semaphore, #tpu.memory_space<semaphore_mem>>)
      %dma_wait3A_285 = arith.constant 0 : i32
      %dma_wait3A_286 = tpu.memref_slice %arg5[%arg0, %mul3A_2, %dma_wait3A_285] : memref<2x10240x64xf32, #tpu.memory_space<hbm>> -> memref<1x640x64xf32, #tpu.memory_space<hbm>>
      %dma_wait3A_287 = tpu.memref_squeeze %dma_wait3A_286 : memref<1x640x64xf32, #tpu.memory_space<hbm>> -> memref<640x64xf32, #tpu.memory_space<hbm>>
      %dma_wait3A_288 = arith.constant 0 : i32
      %dma_wait3A_289 = tpu.memref_slice %arg8[%mul3A_2, %dma_wait3A_288] : memref<10240x64xf32, #tpu.memory_space<vmem_shared>> -> memref<640x64xf32, #tpu.memory_space<vmem_shared>>
      tpu.wait_dma2 semaphore(%run_scoped3A : memref<!tpu.dma_semaphore, #tpu.memory_space<semaphore_mem>>) src(%dma_wait3A_289 : memref<640x64xf32, #tpu.memory_space<vmem_shared>>) dst(%dma_wait3A_287 : memref<640x64xf32, #tpu.memory_space<hbm>>)
      tpu.yield
    }) : () -> ()
    return
  }
}

#map = affine_map<(d0, d1) -> (0, 0)>
module attributes {stable_mosaic.version = 14 : i64} {
  func.func @k(%arg0: i32, %arg1: i32, %arg2: memref<10240x64xf32, #tpu.memory_space<hbm>>, %arg3: memref<160x128xi32, #tpu.memory_space<hbm>>, %arg4: memref<20480x64xf32, #tpu.memory_space<hbm>>, %arg5: memref<5x128xi32, #tpu.memory_space<vmem>>, %arg6: memref<640x64xf32, #tpu.memory_space<vmem>>, %arg7: memref<!tpu.dma_semaphore, #tpu.memory_space<semaphore_mem>>) attributes {dimension_semantics = [#tpu.dimension_semantics<core_parallel>, #tpu.dimension_semantics<subcore_parallel>], iteration_bounds = array<i64: 2, 16>, scalar_prefetch = 0 : i64, scratch_operands = 3 : i64, tpu.core_type = #tpu.core_type<sc_vector_subcore>, window_params = [{transform_indices = #map}, {transform_indices = #map}, {transform_indices = #map}]} {
    %mul3A = arith.constant 2 : i32
    %mul3A_0 = arith.muli %arg1, %mul3A : i32
    %add3A = arith.addi %mul3A_0, %arg0 : i32
    %mul3A_1 = arith.constant 640 : i32
    %mul3A_2 = arith.muli %add3A, %mul3A_1 : i32
    %mul3A_3 = arith.constant 5 : i32
    %mul3A_4 = arith.muli %add3A, %mul3A_3 : i32
    "tpu.region"() ({
      %run_scoped3A = tpu.sem_alloc : memref<!tpu.dma_semaphore, #tpu.memory_space<semaphore_mem>>
      %dma_start3A_103 = arith.constant 0 : i32
      %dma_start3A_104 = tpu.memref_slice %arg3[%mul3A_4, %dma_start3A_103] : memref<160x128xi32, #tpu.memory_space<hbm>> -> memref<5x128xi32, #tpu.memory_space<hbm>>
      %dma_start3A_105 = arith.constant 0 : i32
      %dma_start3A_106 = tpu.memref_slice %arg3[%mul3A_4, %dma_start3A_105] : memref<160x128xi32, #tpu.memory_space<hbm>> -> memref<5x128xi32, #tpu.memory_space<hbm>>
      tpu.enqueue_dma source(%dma_start3A_106 : memref<5x128xi32, #tpu.memory_space<hbm>>) target(%arg5 : memref<5x128xi32, #tpu.memory_space<vmem>>) target_semaphore(%run_scoped3A : memref<!tpu.dma_semaphore, #tpu.memory_space<semaphore_mem>>)
      %dma_wait3A_107 = arith.constant 0 : i32
      %dma_wait3A_108 = tpu.memref_slice %arg3[%mul3A_4, %dma_wait3A_107] : memref<160x128xi32, #tpu.memory_space<hbm>> -> memref<5x128xi32, #tpu.memory_space<hbm>>
      %dma_wait3A_109 = arith.constant 0 : i32
      %dma_wait3A_110 = tpu.memref_slice %arg3[%mul3A_4, %dma_wait3A_109] : memref<160x128xi32, #tpu.memory_space<hbm>> -> memref<5x128xi32, #tpu.memory_space<hbm>>
      tpu.wait_dma2 semaphore(%run_scoped3A : memref<!tpu.dma_semaphore, #tpu.memory_space<semaphore_mem>>) src(%dma_wait3A_110 : memref<5x128xi32, #tpu.memory_space<hbm>>) dst(%arg5 : memref<5x128xi32, #tpu.memory_space<vmem>>)
      tpu.yield
    }) : () -> ()
    %dma_start3A = arith.constant 0 : i32
    %dma_start3A_5 = arith.constant 0 : i32
    %dma_start3A_6 = arith.constant 0 : i32
    %dma_start3A_7 = tpu.memref_slice %arg6[%dma_start3A_5, %dma_start3A_6] : memref<640x64xf32, #tpu.memory_space<vmem>> -> memref<128x64xf32, #tpu.memory_space<vmem>>
    %dma_start3A_8 = arith.constant 0 : i32
    %dma_start3A_9 = tpu.memref_slice %arg5[%dma_start3A, %dma_start3A_8] : memref<5x128xi32, #tpu.memory_space<vmem>> -> memref<1x128xi32, #tpu.memory_space<vmem>>
    %dma_start3A_10 = tpu.memref_squeeze %dma_start3A_9 : memref<1x128xi32, #tpu.memory_space<vmem>> -> memref<128xi32, #tpu.memory_space<vmem>>
    %dma_start3A_11 = arith.constant 0 : i32
    %dma_start3A_12 = arith.constant 0 : i32
    %dma_start3A_13 = tpu.memref_slice %arg2[%dma_start3A_11, %dma_start3A_12] : memref<10240x64xf32, #tpu.memory_space<hbm>> -> memref<10240x64xf32, #tpu.memory_space<hbm>>
    tpu.enqueue_indirect_dma source(%dma_start3A_13 : memref<10240x64xf32, #tpu.memory_space<hbm>>) target(%dma_start3A_7 : memref<128x64xf32, #tpu.memory_space<vmem>>) offsets(%dma_start3A_10 : memref<128xi32, #tpu.memory_space<vmem>>) semaphore(%arg7 : memref<!tpu.dma_semaphore, #tpu.memory_space<semaphore_mem>>)
    %dma_start3A_14 = arith.constant 1 : i32
    %dma_start3A_15 = arith.constant 128 : i32
    %dma_start3A_16 = arith.constant 0 : i32
    %dma_start3A_17 = tpu.memref_slice %arg6[%dma_start3A_15, %dma_start3A_16] : memref<640x64xf32, #tpu.memory_space<vmem>> -> memref<128x64xf32, #tpu.memory_space<vmem>>
    %dma_start3A_18 = arith.constant 0 : i32
    %dma_start3A_19 = tpu.memref_slice %arg5[%dma_start3A_14, %dma_start3A_18] : memref<5x128xi32, #tpu.memory_space<vmem>> -> memref<1x128xi32, #tpu.memory_space<vmem>>
    %dma_start3A_20 = tpu.memref_squeeze %dma_start3A_19 : memref<1x128xi32, #tpu.memory_space<vmem>> -> memref<128xi32, #tpu.memory_space<vmem>>
    %dma_start3A_21 = arith.constant 0 : i32
    %dma_start3A_22 = arith.constant 0 : i32
    %dma_start3A_23 = tpu.memref_slice %arg2[%dma_start3A_21, %dma_start3A_22] : memref<10240x64xf32, #tpu.memory_space<hbm>> -> memref<10240x64xf32, #tpu.memory_space<hbm>>
    tpu.enqueue_indirect_dma source(%dma_start3A_23 : memref<10240x64xf32, #tpu.memory_space<hbm>>) target(%dma_start3A_17 : memref<128x64xf32, #tpu.memory_space<vmem>>) offsets(%dma_start3A_20 : memref<128xi32, #tpu.memory_space<vmem>>) semaphore(%arg7 : memref<!tpu.dma_semaphore, #tpu.memory_space<semaphore_mem>>)
    %dma_start3A_24 = arith.constant 2 : i32
    %dma_start3A_25 = arith.constant 256 : i32
    %dma_start3A_26 = arith.constant 0 : i32
    %dma_start3A_27 = tpu.memref_slice %arg6[%dma_start3A_25, %dma_start3A_26] : memref<640x64xf32, #tpu.memory_space<vmem>> -> memref<128x64xf32, #tpu.memory_space<vmem>>
    %dma_start3A_28 = arith.constant 0 : i32
    %dma_start3A_29 = tpu.memref_slice %arg5[%dma_start3A_24, %dma_start3A_28] : memref<5x128xi32, #tpu.memory_space<vmem>> -> memref<1x128xi32, #tpu.memory_space<vmem>>
    %dma_start3A_30 = tpu.memref_squeeze %dma_start3A_29 : memref<1x128xi32, #tpu.memory_space<vmem>> -> memref<128xi32, #tpu.memory_space<vmem>>
    %dma_start3A_31 = arith.constant 0 : i32
    %dma_start3A_32 = arith.constant 0 : i32
    %dma_start3A_33 = tpu.memref_slice %arg2[%dma_start3A_31, %dma_start3A_32] : memref<10240x64xf32, #tpu.memory_space<hbm>> -> memref<10240x64xf32, #tpu.memory_space<hbm>>
    tpu.enqueue_indirect_dma source(%dma_start3A_33 : memref<10240x64xf32, #tpu.memory_space<hbm>>) target(%dma_start3A_27 : memref<128x64xf32, #tpu.memory_space<vmem>>) offsets(%dma_start3A_30 : memref<128xi32, #tpu.memory_space<vmem>>) semaphore(%arg7 : memref<!tpu.dma_semaphore, #tpu.memory_space<semaphore_mem>>)
    %dma_start3A_34 = arith.constant 3 : i32
    %dma_start3A_35 = arith.constant 384 : i32
    %dma_start3A_36 = arith.constant 0 : i32
    %dma_start3A_37 = tpu.memref_slice %arg6[%dma_start3A_35, %dma_start3A_36] : memref<640x64xf32, #tpu.memory_space<vmem>> -> memref<128x64xf32, #tpu.memory_space<vmem>>
    %dma_start3A_38 = arith.constant 0 : i32
    %dma_start3A_39 = tpu.memref_slice %arg5[%dma_start3A_34, %dma_start3A_38] : memref<5x128xi32, #tpu.memory_space<vmem>> -> memref<1x128xi32, #tpu.memory_space<vmem>>
    %dma_start3A_40 = tpu.memref_squeeze %dma_start3A_39 : memref<1x128xi32, #tpu.memory_space<vmem>> -> memref<128xi32, #tpu.memory_space<vmem>>
    %dma_start3A_41 = arith.constant 0 : i32
    %dma_start3A_42 = arith.constant 0 : i32
    %dma_start3A_43 = tpu.memref_slice %arg2[%dma_start3A_41, %dma_start3A_42] : memref<10240x64xf32, #tpu.memory_space<hbm>> -> memref<10240x64xf32, #tpu.memory_space<hbm>>
    tpu.enqueue_indirect_dma source(%dma_start3A_43 : memref<10240x64xf32, #tpu.memory_space<hbm>>) target(%dma_start3A_37 : memref<128x64xf32, #tpu.memory_space<vmem>>) offsets(%dma_start3A_40 : memref<128xi32, #tpu.memory_space<vmem>>) semaphore(%arg7 : memref<!tpu.dma_semaphore, #tpu.memory_space<semaphore_mem>>)
    %dma_start3A_44 = arith.constant 4 : i32
    %dma_start3A_45 = arith.constant 512 : i32
    %dma_start3A_46 = arith.constant 0 : i32
    %dma_start3A_47 = tpu.memref_slice %arg6[%dma_start3A_45, %dma_start3A_46] : memref<640x64xf32, #tpu.memory_space<vmem>> -> memref<128x64xf32, #tpu.memory_space<vmem>>
    %dma_start3A_48 = arith.constant 0 : i32
    %dma_start3A_49 = tpu.memref_slice %arg5[%dma_start3A_44, %dma_start3A_48] : memref<5x128xi32, #tpu.memory_space<vmem>> -> memref<1x128xi32, #tpu.memory_space<vmem>>
    %dma_start3A_50 = tpu.memref_squeeze %dma_start3A_49 : memref<1x128xi32, #tpu.memory_space<vmem>> -> memref<128xi32, #tpu.memory_space<vmem>>
    %dma_start3A_51 = arith.constant 0 : i32
    %dma_start3A_52 = arith.constant 0 : i32
    %dma_start3A_53 = tpu.memref_slice %arg2[%dma_start3A_51, %dma_start3A_52] : memref<10240x64xf32, #tpu.memory_space<hbm>> -> memref<10240x64xf32, #tpu.memory_space<hbm>>
    tpu.enqueue_indirect_dma source(%dma_start3A_53 : memref<10240x64xf32, #tpu.memory_space<hbm>>) target(%dma_start3A_47 : memref<128x64xf32, #tpu.memory_space<vmem>>) offsets(%dma_start3A_50 : memref<128xi32, #tpu.memory_space<vmem>>) semaphore(%arg7 : memref<!tpu.dma_semaphore, #tpu.memory_space<semaphore_mem>>)
    %dma_wait3A = arith.constant 0 : i32
    %dma_wait3A_54 = arith.constant 0 : i32
    %dma_wait3A_55 = arith.constant 0 : i32
    %dma_wait3A_56 = tpu.memref_slice %arg6[%dma_wait3A_54, %dma_wait3A_55] : memref<640x64xf32, #tpu.memory_space<vmem>> -> memref<128x64xf32, #tpu.memory_space<vmem>>
    %dma_wait3A_57 = arith.constant 0 : i32
    %dma_wait3A_58 = tpu.memref_slice %arg5[%dma_wait3A, %dma_wait3A_57] : memref<5x128xi32, #tpu.memory_space<vmem>> -> memref<1x128xi32, #tpu.memory_space<vmem>>
    %dma_wait3A_59 = tpu.memref_squeeze %dma_wait3A_58 : memref<1x128xi32, #tpu.memory_space<vmem>> -> memref<128xi32, #tpu.memory_space<vmem>>
    %dma_wait3A_60 = arith.constant 0 : i32
    %dma_wait3A_61 = arith.constant 0 : i32
    %dma_wait3A_62 = tpu.memref_slice %arg2[%dma_wait3A_60, %dma_wait3A_61] : memref<10240x64xf32, #tpu.memory_space<hbm>> -> memref<10240x64xf32, #tpu.memory_space<hbm>>
    tpu.wait_indirect_dma semaphore(%arg7 : memref<!tpu.dma_semaphore, #tpu.memory_space<semaphore_mem>>) src(%dma_wait3A_62 : memref<10240x64xf32, #tpu.memory_space<hbm>>) dst(%dma_wait3A_56 : memref<128x64xf32, #tpu.memory_space<vmem>>)
    %dma_wait3A_63 = arith.constant 1 : i32
    %dma_wait3A_64 = arith.constant 128 : i32
    %dma_wait3A_65 = arith.constant 0 : i32
    %dma_wait3A_66 = tpu.memref_slice %arg6[%dma_wait3A_64, %dma_wait3A_65] : memref<640x64xf32, #tpu.memory_space<vmem>> -> memref<128x64xf32, #tpu.memory_space<vmem>>
    %dma_wait3A_67 = arith.constant 0 : i32
    %dma_wait3A_68 = tpu.memref_slice %arg5[%dma_wait3A_63, %dma_wait3A_67] : memref<5x128xi32, #tpu.memory_space<vmem>> -> memref<1x128xi32, #tpu.memory_space<vmem>>
    %dma_wait3A_69 = tpu.memref_squeeze %dma_wait3A_68 : memref<1x128xi32, #tpu.memory_space<vmem>> -> memref<128xi32, #tpu.memory_space<vmem>>
    %dma_wait3A_70 = arith.constant 0 : i32
    %dma_wait3A_71 = arith.constant 0 : i32
    %dma_wait3A_72 = tpu.memref_slice %arg2[%dma_wait3A_70, %dma_wait3A_71] : memref<10240x64xf32, #tpu.memory_space<hbm>> -> memref<10240x64xf32, #tpu.memory_space<hbm>>
    tpu.wait_indirect_dma semaphore(%arg7 : memref<!tpu.dma_semaphore, #tpu.memory_space<semaphore_mem>>) src(%dma_wait3A_72 : memref<10240x64xf32, #tpu.memory_space<hbm>>) dst(%dma_wait3A_66 : memref<128x64xf32, #tpu.memory_space<vmem>>)
    %dma_wait3A_73 = arith.constant 2 : i32
    %dma_wait3A_74 = arith.constant 256 : i32
    %dma_wait3A_75 = arith.constant 0 : i32
    %dma_wait3A_76 = tpu.memref_slice %arg6[%dma_wait3A_74, %dma_wait3A_75] : memref<640x64xf32, #tpu.memory_space<vmem>> -> memref<128x64xf32, #tpu.memory_space<vmem>>
    %dma_wait3A_77 = arith.constant 0 : i32
    %dma_wait3A_78 = tpu.memref_slice %arg5[%dma_wait3A_73, %dma_wait3A_77] : memref<5x128xi32, #tpu.memory_space<vmem>> -> memref<1x128xi32, #tpu.memory_space<vmem>>
    %dma_wait3A_79 = tpu.memref_squeeze %dma_wait3A_78 : memref<1x128xi32, #tpu.memory_space<vmem>> -> memref<128xi32, #tpu.memory_space<vmem>>
    %dma_wait3A_80 = arith.constant 0 : i32
    %dma_wait3A_81 = arith.constant 0 : i32
    %dma_wait3A_82 = tpu.memref_slice %arg2[%dma_wait3A_80, %dma_wait3A_81] : memref<10240x64xf32, #tpu.memory_space<hbm>> -> memref<10240x64xf32, #tpu.memory_space<hbm>>
    tpu.wait_indirect_dma semaphore(%arg7 : memref<!tpu.dma_semaphore, #tpu.memory_space<semaphore_mem>>) src(%dma_wait3A_82 : memref<10240x64xf32, #tpu.memory_space<hbm>>) dst(%dma_wait3A_76 : memref<128x64xf32, #tpu.memory_space<vmem>>)
    %dma_wait3A_83 = arith.constant 3 : i32
    %dma_wait3A_84 = arith.constant 384 : i32
    %dma_wait3A_85 = arith.constant 0 : i32
    %dma_wait3A_86 = tpu.memref_slice %arg6[%dma_wait3A_84, %dma_wait3A_85] : memref<640x64xf32, #tpu.memory_space<vmem>> -> memref<128x64xf32, #tpu.memory_space<vmem>>
    %dma_wait3A_87 = arith.constant 0 : i32
    %dma_wait3A_88 = tpu.memref_slice %arg5[%dma_wait3A_83, %dma_wait3A_87] : memref<5x128xi32, #tpu.memory_space<vmem>> -> memref<1x128xi32, #tpu.memory_space<vmem>>
    %dma_wait3A_89 = tpu.memref_squeeze %dma_wait3A_88 : memref<1x128xi32, #tpu.memory_space<vmem>> -> memref<128xi32, #tpu.memory_space<vmem>>
    %dma_wait3A_90 = arith.constant 0 : i32
    %dma_wait3A_91 = arith.constant 0 : i32
    %dma_wait3A_92 = tpu.memref_slice %arg2[%dma_wait3A_90, %dma_wait3A_91] : memref<10240x64xf32, #tpu.memory_space<hbm>> -> memref<10240x64xf32, #tpu.memory_space<hbm>>
    tpu.wait_indirect_dma semaphore(%arg7 : memref<!tpu.dma_semaphore, #tpu.memory_space<semaphore_mem>>) src(%dma_wait3A_92 : memref<10240x64xf32, #tpu.memory_space<hbm>>) dst(%dma_wait3A_86 : memref<128x64xf32, #tpu.memory_space<vmem>>)
    %dma_wait3A_93 = arith.constant 4 : i32
    %dma_wait3A_94 = arith.constant 512 : i32
    %dma_wait3A_95 = arith.constant 0 : i32
    %dma_wait3A_96 = tpu.memref_slice %arg6[%dma_wait3A_94, %dma_wait3A_95] : memref<640x64xf32, #tpu.memory_space<vmem>> -> memref<128x64xf32, #tpu.memory_space<vmem>>
    %dma_wait3A_97 = arith.constant 0 : i32
    %dma_wait3A_98 = tpu.memref_slice %arg5[%dma_wait3A_93, %dma_wait3A_97] : memref<5x128xi32, #tpu.memory_space<vmem>> -> memref<1x128xi32, #tpu.memory_space<vmem>>
    %dma_wait3A_99 = tpu.memref_squeeze %dma_wait3A_98 : memref<1x128xi32, #tpu.memory_space<vmem>> -> memref<128xi32, #tpu.memory_space<vmem>>
    %dma_wait3A_100 = arith.constant 0 : i32
    %dma_wait3A_101 = arith.constant 0 : i32
    %dma_wait3A_102 = tpu.memref_slice %arg2[%dma_wait3A_100, %dma_wait3A_101] : memref<10240x64xf32, #tpu.memory_space<hbm>> -> memref<10240x64xf32, #tpu.memory_space<hbm>>
    tpu.wait_indirect_dma semaphore(%arg7 : memref<!tpu.dma_semaphore, #tpu.memory_space<semaphore_mem>>) src(%dma_wait3A_102 : memref<10240x64xf32, #tpu.memory_space<hbm>>) dst(%dma_wait3A_96 : memref<128x64xf32, #tpu.memory_space<vmem>>)
    "tpu.region"() ({
      %run_scoped3A = tpu.sem_alloc : memref<!tpu.dma_semaphore, #tpu.memory_space<semaphore_mem>>
      %dma_start3A_103 = arith.constant 0 : i32
      %dma_start3A_104 = tpu.memref_slice %arg4[%mul3A_2, %dma_start3A_103] : memref<20480x64xf32, #tpu.memory_space<hbm>> -> memref<640x64xf32, #tpu.memory_space<hbm>>
      %dma_start3A_105 = arith.constant 0 : i32
      %dma_start3A_106 = tpu.memref_slice %arg4[%mul3A_2, %dma_start3A_105] : memref<20480x64xf32, #tpu.memory_space<hbm>> -> memref<640x64xf32, #tpu.memory_space<hbm>>
      tpu.enqueue_dma source(%arg6 : memref<640x64xf32, #tpu.memory_space<vmem>>) target(%dma_start3A_106 : memref<640x64xf32, #tpu.memory_space<hbm>>) target_semaphore(%run_scoped3A : memref<!tpu.dma_semaphore, #tpu.memory_space<semaphore_mem>>)
      %dma_wait3A_107 = arith.constant 0 : i32
      %dma_wait3A_108 = tpu.memref_slice %arg4[%mul3A_2, %dma_wait3A_107] : memref<20480x64xf32, #tpu.memory_space<hbm>> -> memref<640x64xf32, #tpu.memory_space<hbm>>
      %dma_wait3A_109 = arith.constant 0 : i32
      %dma_wait3A_110 = tpu.memref_slice %arg4[%mul3A_2, %dma_wait3A_109] : memref<20480x64xf32, #tpu.memory_space<hbm>> -> memref<640x64xf32, #tpu.memory_space<hbm>>
      tpu.wait_dma2 semaphore(%run_scoped3A : memref<!tpu.dma_semaphore, #tpu.memory_space<semaphore_mem>>) src(%arg6 : memref<640x64xf32, #tpu.memory_space<vmem>>) dst(%dma_wait3A_110 : memref<640x64xf32, #tpu.memory_space<hbm>>)
      tpu.yield
    }) : () -> ()
    return
  }
}

#map = affine_map<(d0, d1) -> (0, 0)>
#map1 = affine_map<(d0, d1) -> (0, 0, 0)>
module attributes {stable_mosaic.version = 14 : i64} {
  func.func @k(%arg0: i32, %arg1: i32, %arg2: memref<20480x128xf32, #tpu.memory_space<hbm>>, %arg3: memref<160x128xi32, #tpu.memory_space<hbm>>, %arg4: memref<640x128xf32, #tpu.memory_space<hbm>>, %arg5: memref<2x10240x128xf32, #tpu.memory_space<hbm>>, %arg6: memref<5x128xi32, #tpu.memory_space<vmem>>, %arg7: memref<2x128x128xf32, #tpu.memory_space<vmem>>, %arg8: memref<10240x128xf32, #tpu.memory_space<vmem_shared>>, %arg9: memref<!tpu.dma_semaphore, #tpu.memory_space<semaphore_mem>>, %arg10: memref<!tpu.dma_semaphore, #tpu.memory_space<semaphore_mem>>, %arg11: memref<!tpu.dma_semaphore, #tpu.memory_space<semaphore_mem>>, %arg12: memref<!tpu.dma_semaphore, #tpu.memory_space<semaphore_mem>>, %arg13: memref<!tpu.dma_semaphore, #tpu.memory_space<semaphore_mem>>) attributes {dimension_semantics = [#tpu.dimension_semantics<core_parallel>, #tpu.dimension_semantics<subcore_parallel>], iteration_bounds = array<i64: 2, 16>, scalar_prefetch = 0 : i64, scratch_operands = 8 : i64, tpu.core_type = #tpu.core_type<sc_vector_subcore>, window_params = [{transform_indices = #map}, {transform_indices = #map}, {transform_indices = #map}, {transform_indices = #map1}]} {
    %mul3A = arith.constant 2 : i32
    %mul3A_0 = arith.muli %arg1, %mul3A : i32
    %add3A = arith.addi %mul3A_0, %arg0 : i32
    %mul3A_1 = arith.constant 640 : i32
    %mul3A_2 = arith.muli %arg1, %mul3A_1 : i32
    %mul3A_3 = arith.constant 640 : i32
    %mul3A_4 = arith.muli %add3A, %mul3A_3 : i32
    %add3A_5 = arith.constant 0 : i32
    %add3A_6 = arith.addi %mul3A_4, %add3A_5 : i32
    %dma_start3A = arith.constant 0 : i32
    %dma_start3A_7 = arith.constant 0 : i32
    %dma_start3A_8 = arith.constant 0 : i32
    %dma_start3A_9 = tpu.memref_slice %arg7[%dma_start3A, %dma_start3A_7, %dma_start3A_8] : memref<2x128x128xf32, #tpu.memory_space<vmem>> -> memref<1x128x128xf32, #tpu.memory_space<vmem>>
    %dma_start3A_10 = tpu.memref_squeeze %dma_start3A_9 : memref<1x128x128xf32, #tpu.memory_space<vmem>> -> memref<128x128xf32, #tpu.memory_space<vmem>>
    %dma_start3A_11 = arith.constant 0 : i32
    %dma_start3A_12 = tpu.memref_slice %arg2[%add3A_6, %dma_start3A_11] : memref<20480x128xf32, #tpu.memory_space<hbm>> -> memref<128x128xf32, #tpu.memory_space<hbm>>
    %dma_start3A_13 = arith.constant 0 : i32
    %dma_start3A_14 = arith.constant 0 : i32
    %dma_start3A_15 = tpu.memref_slice %arg7[%dma_start3A, %dma_start3A_13, %dma_start3A_14] : memref<2x128x128xf32, #tpu.memory_space<vmem>> -> memref<1x128x128xf32, #tpu.memory_space<vmem>>
    %dma_start3A_16 = tpu.memref_squeeze %dma_start3A_15 : memref<1x128x128xf32, #tpu.memory_space<vmem>> -> memref<128x128xf32, #tpu.memory_space<vmem>>
    %dma_start3A_17 = arith.constant 0 : i32
    %dma_start3A_18 = tpu.memref_slice %arg2[%add3A_6, %dma_start3A_17] : memref<20480x128xf32, #tpu.memory_space<hbm>> -> memref<128x128xf32, #tpu.memory_space<hbm>>
    tpu.enqueue_dma source(%dma_start3A_18 : memref<128x128xf32, #tpu.memory_space<hbm>>) target(%dma_start3A_16 : memref<128x128xf32, #tpu.memory_space<vmem>>) target_semaphore(%arg10 : memref<!tpu.dma_semaphore, #tpu.memory_space<semaphore_mem>>)
    %add3A_19 = arith.constant 128 : i32
    %add3A_20 = arith.addi %mul3A_4, %add3A_19 : i32
    %dma_start3A_21 = arith.constant 1 : i32
    %dma_start3A_22 = arith.constant 0 : i32
    %dma_start3A_23 = arith.constant 0 : i32
    %dma_start3A_24 = tpu.memref_slice %arg7[%dma_start3A_21, %dma_start3A_22, %dma_start3A_23] : memref<2x128x128xf32, #tpu.memory_space<vmem>> -> memref<1x128x128xf32, #tpu.memory_space<vmem>>
    %dma_start3A_25 = tpu.memref_squeeze %dma_start3A_24 : memref<1x128x128xf32, #tpu.memory_space<vmem>> -> memref<128x128xf32, #tpu.memory_space<vmem>>
    %dma_start3A_26 = arith.constant 0 : i32
    %dma_start3A_27 = tpu.memref_slice %arg2[%add3A_20, %dma_start3A_26] : memref<20480x128xf32, #tpu.memory_space<hbm>> -> memref<128x128xf32, #tpu.memory_space<hbm>>
    %dma_start3A_28 = arith.constant 0 : i32
    %dma_start3A_29 = arith.constant 0 : i32
    %dma_start3A_30 = tpu.memref_slice %arg7[%dma_start3A_21, %dma_start3A_28, %dma_start3A_29] : memref<2x128x128xf32, #tpu.memory_space<vmem>> -> memref<1x128x128xf32, #tpu.memory_space<vmem>>
    %dma_start3A_31 = tpu.memref_squeeze %dma_start3A_30 : memref<1x128x128xf32, #tpu.memory_space<vmem>> -> memref<128x128xf32, #tpu.memory_space<vmem>>
    %dma_start3A_32 = arith.constant 0 : i32
    %dma_start3A_33 = tpu.memref_slice %arg2[%add3A_20, %dma_start3A_32] : memref<20480x128xf32, #tpu.memory_space<hbm>> -> memref<128x128xf32, #tpu.memory_space<hbm>>
    tpu.enqueue_dma source(%dma_start3A_33 : memref<128x128xf32, #tpu.memory_space<hbm>>) target(%dma_start3A_31 : memref<128x128xf32, #tpu.memory_space<vmem>>) target_semaphore(%arg11 : memref<!tpu.dma_semaphore, #tpu.memory_space<semaphore_mem>>)
    %add3A_34 = arith.constant 0 : i32
    %add3A_35 = arith.addi %mul3A_2, %add3A_34 : i32
    %dma_start3A_36 = arith.constant 0 : i32
    %dma_start3A_37 = tpu.memref_slice %arg8[%add3A_35, %dma_start3A_36] : memref<10240x128xf32, #tpu.memory_space<vmem_shared>> -> memref<640x128xf32, #tpu.memory_space<vmem_shared>>
    tpu.enqueue_dma source(%arg4 : memref<640x128xf32, #tpu.memory_space<hbm>>) target(%dma_start3A_37 : memref<640x128xf32, #tpu.memory_space<vmem_shared>>) target_semaphore(%arg9 : memref<!tpu.dma_semaphore, #tpu.memory_space<semaphore_mem>>)
    %mul3A_38 = arith.constant 5 : i32
    %mul3A_39 = arith.muli %add3A, %mul3A_38 : i32
    %dma_start3A_40 = arith.constant 0 : i32
    %dma_start3A_41 = tpu.memref_slice %arg3[%mul3A_39, %dma_start3A_40] : memref<160x128xi32, #tpu.memory_space<hbm>> -> memref<5x128xi32, #tpu.memory_space<hbm>>
    %dma_start3A_42 = arith.constant 0 : i32
    %dma_start3A_43 = tpu.memref_slice %arg3[%mul3A_39, %dma_start3A_42] : memref<160x128xi32, #tpu.memory_space<hbm>> -> memref<5x128xi32, #tpu.memory_space<hbm>>
    tpu.enqueue_dma source(%dma_start3A_43 : memref<5x128xi32, #tpu.memory_space<hbm>>) target(%arg6 : memref<5x128xi32, #tpu.memory_space<vmem>>) target_semaphore(%arg9 : memref<!tpu.dma_semaphore, #tpu.memory_space<semaphore_mem>>)
    %dma_wait3A = arith.constant 0 : i32
    %dma_wait3A_44 = tpu.memref_slice %arg8[%add3A_35, %dma_wait3A] : memref<10240x128xf32, #tpu.memory_space<vmem_shared>> -> memref<640x128xf32, #tpu.memory_space<vmem_shared>>
    tpu.wait_dma2 semaphore(%arg9 : memref<!tpu.dma_semaphore, #tpu.memory_space<semaphore_mem>>) src(%arg4 : memref<640x128xf32, #tpu.memory_space<hbm>>) dst(%dma_wait3A_44 : memref<640x128xf32, #tpu.memory_space<vmem_shared>>)
    %dma_wait3A_45 = arith.constant 0 : i32
    %dma_wait3A_46 = tpu.memref_slice %arg3[%mul3A_39, %dma_wait3A_45] : memref<160x128xi32, #tpu.memory_space<hbm>> -> memref<5x128xi32, #tpu.memory_space<hbm>>
    %dma_wait3A_47 = arith.constant 0 : i32
    %dma_wait3A_48 = tpu.memref_slice %arg3[%mul3A_39, %dma_wait3A_47] : memref<160x128xi32, #tpu.memory_space<hbm>> -> memref<5x128xi32, #tpu.memory_space<hbm>>
    tpu.wait_dma2 semaphore(%arg9 : memref<!tpu.dma_semaphore, #tpu.memory_space<semaphore_mem>>) src(%dma_wait3A_48 : memref<5x128xi32, #tpu.memory_space<hbm>>) dst(%arg6 : memref<5x128xi32, #tpu.memory_space<vmem>>)
    %barrier3A = arith.constant 0 : index
    tpu.barrier barrier_id(%barrier3A)
    %dma_wait3A_49 = arith.constant 0 : i32
    %dma_wait3A_50 = arith.constant 0 : i32
    %dma_wait3A_51 = arith.constant 0 : i32
    %dma_wait3A_52 = tpu.memref_slice %arg7[%dma_wait3A_49, %dma_wait3A_50, %dma_wait3A_51] : memref<2x128x128xf32, #tpu.memory_space<vmem>> -> memref<1x128x128xf32, #tpu.memory_space<vmem>>
    %dma_wait3A_53 = tpu.memref_squeeze %dma_wait3A_52 : memref<1x128x128xf32, #tpu.memory_space<vmem>> -> memref<128x128xf32, #tpu.memory_space<vmem>>
    %dma_wait3A_54 = arith.constant 0 : i32
    %dma_wait3A_55 = tpu.memref_slice %arg2[%add3A_6, %dma_wait3A_54] : memref<20480x128xf32, #tpu.memory_space<hbm>> -> memref<128x128xf32, #tpu.memory_space<hbm>>
    %dma_wait3A_56 = arith.constant 0 : i32
    %dma_wait3A_57 = arith.constant 0 : i32
    %dma_wait3A_58 = tpu.memref_slice %arg7[%dma_wait3A_49, %dma_wait3A_56, %dma_wait3A_57] : memref<2x128x128xf32, #tpu.memory_space<vmem>> -> memref<1x128x128xf32, #tpu.memory_space<vmem>>
    %dma_wait3A_59 = tpu.memref_squeeze %dma_wait3A_58 : memref<1x128x128xf32, #tpu.memory_space<vmem>> -> memref<128x128xf32, #tpu.memory_space<vmem>>
    %dma_wait3A_60 = arith.constant 0 : i32
    %dma_wait3A_61 = tpu.memref_slice %arg2[%add3A_6, %dma_wait3A_60] : memref<20480x128xf32, #tpu.memory_space<hbm>> -> memref<128x128xf32, #tpu.memory_space<hbm>>
    tpu.wait_dma2 semaphore(%arg10 : memref<!tpu.dma_semaphore, #tpu.memory_space<semaphore_mem>>) src(%dma_wait3A_61 : memref<128x128xf32, #tpu.memory_space<hbm>>) dst(%dma_wait3A_59 : memref<128x128xf32, #tpu.memory_space<vmem>>)
    %dma_start3A_62 = arith.constant 0 : i32
    %dma_start3A_63 = arith.constant 0 : i32
    %dma_start3A_64 = arith.constant 0 : i32
    %dma_start3A_65 = arith.constant 0 : i32
    %dma_start3A_66 = tpu.memref_slice %arg7[%dma_start3A_62, %dma_start3A_64, %dma_start3A_65] : memref<2x128x128xf32, #tpu.memory_space<vmem>> -> memref<1x128x128xf32, #tpu.memory_space<vmem>>
    %dma_start3A_67 = tpu.memref_squeeze %dma_start3A_66 : memref<1x128x128xf32, #tpu.memory_space<vmem>> -> memref<128x128xf32, #tpu.memory_space<vmem>>
    %dma_start3A_68 = arith.constant 0 : i32
    %dma_start3A_69 = tpu.memref_slice %arg6[%dma_start3A_63, %dma_start3A_68] : memref<5x128xi32, #tpu.memory_space<vmem>> -> memref<1x128xi32, #tpu.memory_space<vmem>>
    %dma_start3A_70 = tpu.memref_squeeze %dma_start3A_69 : memref<1x128xi32, #tpu.memory_space<vmem>> -> memref<128xi32, #tpu.memory_space<vmem>>
    %dma_start3A_71 = arith.constant 0 : i32
    %dma_start3A_72 = arith.constant 0 : i32
    %dma_start3A_73 = tpu.memref_slice %arg8[%dma_start3A_71, %dma_start3A_72] : memref<10240x128xf32, #tpu.memory_space<vmem_shared>> -> memref<10240x128xf32, #tpu.memory_space<vmem_shared>>
    tpu.enqueue_indirect_dma source(%dma_start3A_67 : memref<128x128xf32, #tpu.memory_space<vmem>>) target(%dma_start3A_73 : memref<10240x128xf32, #tpu.memory_space<vmem_shared>>) offsets(%dma_start3A_70 : memref<128xi32, #tpu.memory_space<vmem>>) semaphore(%arg12 : memref<!tpu.dma_semaphore, #tpu.memory_space<semaphore_mem>>) {add = true}
    %dma_wait3A_74 = arith.constant 0 : i32
    %dma_wait3A_75 = arith.constant 0 : i32
    %dma_wait3A_76 = arith.constant 0 : i32
    %dma_wait3A_77 = arith.constant 0 : i32
    %dma_wait3A_78 = tpu.memref_slice %arg7[%dma_wait3A_74, %dma_wait3A_76, %dma_wait3A_77] : memref<2x128x128xf32, #tpu.memory_space<vmem>> -> memref<1x128x128xf32, #tpu.memory_space<vmem>>
    %dma_wait3A_79 = tpu.memref_squeeze %dma_wait3A_78 : memref<1x128x128xf32, #tpu.memory_space<vmem>> -> memref<128x128xf32, #tpu.memory_space<vmem>>
    %dma_wait3A_80 = arith.constant 0 : i32
    %dma_wait3A_81 = tpu.memref_slice %arg6[%dma_wait3A_75, %dma_wait3A_80] : memref<5x128xi32, #tpu.memory_space<vmem>> -> memref<1x128xi32, #tpu.memory_space<vmem>>
    %dma_wait3A_82 = tpu.memref_squeeze %dma_wait3A_81 : memref<1x128xi32, #tpu.memory_space<vmem>> -> memref<128xi32, #tpu.memory_space<vmem>>
    %dma_wait3A_83 = arith.constant 0 : i32
    %dma_wait3A_84 = arith.constant 0 : i32
    %dma_wait3A_85 = tpu.memref_slice %arg8[%dma_wait3A_83, %dma_wait3A_84] : memref<10240x128xf32, #tpu.memory_space<vmem_shared>> -> memref<10240x128xf32, #tpu.memory_space<vmem_shared>>
    tpu.wait_indirect_dma semaphore(%arg12 : memref<!tpu.dma_semaphore, #tpu.memory_space<semaphore_mem>>) src(%dma_wait3A_79 : memref<128x128xf32, #tpu.memory_space<vmem>>) dst(%dma_wait3A_85 : memref<10240x128xf32, #tpu.memory_space<vmem_shared>>)
    %add3A_86 = arith.constant 256 : i32
    %add3A_87 = arith.addi %mul3A_4, %add3A_86 : i32
    %dma_start3A_88 = arith.constant 0 : i32
    %dma_start3A_89 = arith.constant 0 : i32
    %dma_start3A_90 = arith.constant 0 : i32
    %dma_start3A_91 = tpu.memref_slice %arg7[%dma_start3A_88, %dma_start3A_89, %dma_start3A_90] : memref<2x128x128xf32, #tpu.memory_space<vmem>> -> memref<1x128x128xf32, #tpu.memory_space<vmem>>
    %dma_start3A_92 = tpu.memref_squeeze %dma_start3A_91 : memref<1x128x128xf32, #tpu.memory_space<vmem>> -> memref<128x128xf32, #tpu.memory_space<vmem>>
    %dma_start3A_93 = arith.constant 0 : i32
    %dma_start3A_94 = tpu.memref_slice %arg2[%add3A_87, %dma_start3A_93] : memref<20480x128xf32, #tpu.memory_space<hbm>> -> memref<128x128xf32, #tpu.memory_space<hbm>>
    %dma_start3A_95 = arith.constant 0 : i32
    %dma_start3A_96 = arith.constant 0 : i32
    %dma_start3A_97 = tpu.memref_slice %arg7[%dma_start3A_88, %dma_start3A_95, %dma_start3A_96] : memref<2x128x128xf32, #tpu.memory_space<vmem>> -> memref<1x128x128xf32, #tpu.memory_space<vmem>>
    %dma_start3A_98 = tpu.memref_squeeze %dma_start3A_97 : memref<1x128x128xf32, #tpu.memory_space<vmem>> -> memref<128x128xf32, #tpu.memory_space<vmem>>
    %dma_start3A_99 = arith.constant 0 : i32
    %dma_start3A_100 = tpu.memref_slice %arg2[%add3A_87, %dma_start3A_99] : memref<20480x128xf32, #tpu.memory_space<hbm>> -> memref<128x128xf32, #tpu.memory_space<hbm>>
    tpu.enqueue_dma source(%dma_start3A_100 : memref<128x128xf32, #tpu.memory_space<hbm>>) target(%dma_start3A_98 : memref<128x128xf32, #tpu.memory_space<vmem>>) target_semaphore(%arg10 : memref<!tpu.dma_semaphore, #tpu.memory_space<semaphore_mem>>)
    %dma_wait3A_101 = arith.constant 1 : i32
    %dma_wait3A_102 = arith.constant 0 : i32
    %dma_wait3A_103 = arith.constant 0 : i32
    %dma_wait3A_104 = tpu.memref_slice %arg7[%dma_wait3A_101, %dma_wait3A_102, %dma_wait3A_103] : memref<2x128x128xf32, #tpu.memory_space<vmem>> -> memref<1x128x128xf32, #tpu.memory_space<vmem>>
    %dma_wait3A_105 = tpu.memref_squeeze %dma_wait3A_104 : memref<1x128x128xf32, #tpu.memory_space<vmem>> -> memref<128x128xf32, #tpu.memory_space<vmem>>
    %dma_wait3A_106 = arith.constant 0 : i32
    %dma_wait3A_107 = tpu.memref_slice %arg2[%add3A_20, %dma_wait3A_106] : memref<20480x128xf32, #tpu.memory_space<hbm>> -> memref<128x128xf32, #tpu.memory_space<hbm>>
    %dma_wait3A_108 = arith.constant 0 : i32
    %dma_wait3A_109 = arith.constant 0 : i32
    %dma_wait3A_110 = tpu.memref_slice %arg7[%dma_wait3A_101, %dma_wait3A_108, %dma_wait3A_109] : memref<2x128x128xf32, #tpu.memory_space<vmem>> -> memref<1x128x128xf32, #tpu.memory_space<vmem>>
    %dma_wait3A_111 = tpu.memref_squeeze %dma_wait3A_110 : memref<1x128x128xf32, #tpu.memory_space<vmem>> -> memref<128x128xf32, #tpu.memory_space<vmem>>
    %dma_wait3A_112 = arith.constant 0 : i32
    %dma_wait3A_113 = tpu.memref_slice %arg2[%add3A_20, %dma_wait3A_112] : memref<20480x128xf32, #tpu.memory_space<hbm>> -> memref<128x128xf32, #tpu.memory_space<hbm>>
    tpu.wait_dma2 semaphore(%arg11 : memref<!tpu.dma_semaphore, #tpu.memory_space<semaphore_mem>>) src(%dma_wait3A_113 : memref<128x128xf32, #tpu.memory_space<hbm>>) dst(%dma_wait3A_111 : memref<128x128xf32, #tpu.memory_space<vmem>>)
    %dma_start3A_114 = arith.constant 1 : i32
    %dma_start3A_115 = arith.constant 1 : i32
    %dma_start3A_116 = arith.constant 0 : i32
    %dma_start3A_117 = arith.constant 0 : i32
    %dma_start3A_118 = tpu.memref_slice %arg7[%dma_start3A_114, %dma_start3A_116, %dma_start3A_117] : memref<2x128x128xf32, #tpu.memory_space<vmem>> -> memref<1x128x128xf32, #tpu.memory_space<vmem>>
    %dma_start3A_119 = tpu.memref_squeeze %dma_start3A_118 : memref<1x128x128xf32, #tpu.memory_space<vmem>> -> memref<128x128xf32, #tpu.memory_space<vmem>>
    %dma_start3A_120 = arith.constant 0 : i32
    %dma_start3A_121 = tpu.memref_slice %arg6[%dma_start3A_115, %dma_start3A_120] : memref<5x128xi32, #tpu.memory_space<vmem>> -> memref<1x128xi32, #tpu.memory_space<vmem>>
    %dma_start3A_122 = tpu.memref_squeeze %dma_start3A_121 : memref<1x128xi32, #tpu.memory_space<vmem>> -> memref<128xi32, #tpu.memory_space<vmem>>
    %dma_start3A_123 = arith.constant 0 : i32
    %dma_start3A_124 = arith.constant 0 : i32
    %dma_start3A_125 = tpu.memref_slice %arg8[%dma_start3A_123, %dma_start3A_124] : memref<10240x128xf32, #tpu.memory_space<vmem_shared>> -> memref<10240x128xf32, #tpu.memory_space<vmem_shared>>
    tpu.enqueue_indirect_dma source(%dma_start3A_119 : memref<128x128xf32, #tpu.memory_space<vmem>>) target(%dma_start3A_125 : memref<10240x128xf32, #tpu.memory_space<vmem_shared>>) offsets(%dma_start3A_122 : memref<128xi32, #tpu.memory_space<vmem>>) semaphore(%arg13 : memref<!tpu.dma_semaphore, #tpu.memory_space<semaphore_mem>>) {add = true}
    %dma_wait3A_126 = arith.constant 1 : i32
    %dma_wait3A_127 = arith.constant 1 : i32
    %dma_wait3A_128 = arith.constant 0 : i32
    %dma_wait3A_129 = arith.constant 0 : i32
    %dma_wait3A_130 = tpu.memref_slice %arg7[%dma_wait3A_126, %dma_wait3A_128, %dma_wait3A_129] : memref<2x128x128xf32, #tpu.memory_space<vmem>> -> memref<1x128x128xf32, #tpu.memory_space<vmem>>
    %dma_wait3A_131 = tpu.memref_squeeze %dma_wait3A_130 : memref<1x128x128xf32, #tpu.memory_space<vmem>> -> memref<128x128xf32, #tpu.memory_space<vmem>>
    %dma_wait3A_132 = arith.constant 0 : i32
    %dma_wait3A_133 = tpu.memref_slice %arg6[%dma_wait3A_127, %dma_wait3A_132] : memref<5x128xi32, #tpu.memory_space<vmem>> -> memref<1x128xi32, #tpu.memory_space<vmem>>
    %dma_wait3A_134 = tpu.memref_squeeze %dma_wait3A_133 : memref<1x128xi32, #tpu.memory_space<vmem>> -> memref<128xi32, #tpu.memory_space<vmem>>
    %dma_wait3A_135 = arith.constant 0 : i32
    %dma_wait3A_136 = arith.constant 0 : i32
    %dma_wait3A_137 = tpu.memref_slice %arg8[%dma_wait3A_135, %dma_wait3A_136] : memref<10240x128xf32, #tpu.memory_space<vmem_shared>> -> memref<10240x128xf32, #tpu.memory_space<vmem_shared>>
    tpu.wait_indirect_dma semaphore(%arg13 : memref<!tpu.dma_semaphore, #tpu.memory_space<semaphore_mem>>) src(%dma_wait3A_131 : memref<128x128xf32, #tpu.memory_space<vmem>>) dst(%dma_wait3A_137 : memref<10240x128xf32, #tpu.memory_space<vmem_shared>>)
    %add3A_138 = arith.constant 384 : i32
    %add3A_139 = arith.addi %mul3A_4, %add3A_138 : i32
    %dma_start3A_140 = arith.constant 1 : i32
    %dma_start3A_141 = arith.constant 0 : i32
    %dma_start3A_142 = arith.constant 0 : i32
    %dma_start3A_143 = tpu.memref_slice %arg7[%dma_start3A_140, %dma_start3A_141, %dma_start3A_142] : memref<2x128x128xf32, #tpu.memory_space<vmem>> -> memref<1x128x128xf32, #tpu.memory_space<vmem>>
    %dma_start3A_144 = tpu.memref_squeeze %dma_start3A_143 : memref<1x128x128xf32, #tpu.memory_space<vmem>> -> memref<128x128xf32, #tpu.memory_space<vmem>>
    %dma_start3A_145 = arith.constant 0 : i32
    %dma_start3A_146 = tpu.memref_slice %arg2[%add3A_139, %dma_start3A_145] : memref<20480x128xf32, #tpu.memory_space<hbm>> -> memref<128x128xf32, #tpu.memory_space<hbm>>
    %dma_start3A_147 = arith.constant 0 : i32
    %dma_start3A_148 = arith.constant 0 : i32
    %dma_start3A_149 = tpu.memref_slice %arg7[%dma_start3A_140, %dma_start3A_147, %dma_start3A_148] : memref<2x128x128xf32, #tpu.memory_space<vmem>> -> memref<1x128x128xf32, #tpu.memory_space<vmem>>
    %dma_start3A_150 = tpu.memref_squeeze %dma_start3A_149 : memref<1x128x128xf32, #tpu.memory_space<vmem>> -> memref<128x128xf32, #tpu.memory_space<vmem>>
    %dma_start3A_151 = arith.constant 0 : i32
    %dma_start3A_152 = tpu.memref_slice %arg2[%add3A_139, %dma_start3A_151] : memref<20480x128xf32, #tpu.memory_space<hbm>> -> memref<128x128xf32, #tpu.memory_space<hbm>>
    tpu.enqueue_dma source(%dma_start3A_152 : memref<128x128xf32, #tpu.memory_space<hbm>>) target(%dma_start3A_150 : memref<128x128xf32, #tpu.memory_space<vmem>>) target_semaphore(%arg11 : memref<!tpu.dma_semaphore, #tpu.memory_space<semaphore_mem>>)
    %dma_wait3A_153 = arith.constant 0 : i32
    %dma_wait3A_154 = arith.constant 0 : i32
    %dma_wait3A_155 = arith.constant 0 : i32
    %dma_wait3A_156 = tpu.memref_slice %arg7[%dma_wait3A_153, %dma_wait3A_154, %dma_wait3A_155] : memref<2x128x128xf32, #tpu.memory_space<vmem>> -> memref<1x128x128xf32, #tpu.memory_space<vmem>>
    %dma_wait3A_157 = tpu.memref_squeeze %dma_wait3A_156 : memref<1x128x128xf32, #tpu.memory_space<vmem>> -> memref<128x128xf32, #tpu.memory_space<vmem>>
    %dma_wait3A_158 = arith.constant 0 : i32
    %dma_wait3A_159 = tpu.memref_slice %arg2[%add3A_87, %dma_wait3A_158] : memref<20480x128xf32, #tpu.memory_space<hbm>> -> memref<128x128xf32, #tpu.memory_space<hbm>>
    %dma_wait3A_160 = arith.constant 0 : i32
    %dma_wait3A_161 = arith.constant 0 : i32
    %dma_wait3A_162 = tpu.memref_slice %arg7[%dma_wait3A_153, %dma_wait3A_160, %dma_wait3A_161] : memref<2x128x128xf32, #tpu.memory_space<vmem>> -> memref<1x128x128xf32, #tpu.memory_space<vmem>>
    %dma_wait3A_163 = tpu.memref_squeeze %dma_wait3A_162 : memref<1x128x128xf32, #tpu.memory_space<vmem>> -> memref<128x128xf32, #tpu.memory_space<vmem>>
    %dma_wait3A_164 = arith.constant 0 : i32
    %dma_wait3A_165 = tpu.memref_slice %arg2[%add3A_87, %dma_wait3A_164] : memref<20480x128xf32, #tpu.memory_space<hbm>> -> memref<128x128xf32, #tpu.memory_space<hbm>>
    tpu.wait_dma2 semaphore(%arg10 : memref<!tpu.dma_semaphore, #tpu.memory_space<semaphore_mem>>) src(%dma_wait3A_165 : memref<128x128xf32, #tpu.memory_space<hbm>>) dst(%dma_wait3A_163 : memref<128x128xf32, #tpu.memory_space<vmem>>)
    %dma_start3A_166 = arith.constant 0 : i32
    %dma_start3A_167 = arith.constant 2 : i32
    %dma_start3A_168 = arith.constant 0 : i32
    %dma_start3A_169 = arith.constant 0 : i32
    %dma_start3A_170 = tpu.memref_slice %arg7[%dma_start3A_166, %dma_start3A_168, %dma_start3A_169] : memref<2x128x128xf32, #tpu.memory_space<vmem>> -> memref<1x128x128xf32, #tpu.memory_space<vmem>>
    %dma_start3A_171 = tpu.memref_squeeze %dma_start3A_170 : memref<1x128x128xf32, #tpu.memory_space<vmem>> -> memref<128x128xf32, #tpu.memory_space<vmem>>
    %dma_start3A_172 = arith.constant 0 : i32
    %dma_start3A_173 = tpu.memref_slice %arg6[%dma_start3A_167, %dma_start3A_172] : memref<5x128xi32, #tpu.memory_space<vmem>> -> memref<1x128xi32, #tpu.memory_space<vmem>>
    %dma_start3A_174 = tpu.memref_squeeze %dma_start3A_173 : memref<1x128xi32, #tpu.memory_space<vmem>> -> memref<128xi32, #tpu.memory_space<vmem>>
    %dma_start3A_175 = arith.constant 0 : i32
    %dma_start3A_176 = arith.constant 0 : i32
    %dma_start3A_177 = tpu.memref_slice %arg8[%dma_start3A_175, %dma_start3A_176] : memref<10240x128xf32, #tpu.memory_space<vmem_shared>> -> memref<10240x128xf32, #tpu.memory_space<vmem_shared>>
    tpu.enqueue_indirect_dma source(%dma_start3A_171 : memref<128x128xf32, #tpu.memory_space<vmem>>) target(%dma_start3A_177 : memref<10240x128xf32, #tpu.memory_space<vmem_shared>>) offsets(%dma_start3A_174 : memref<128xi32, #tpu.memory_space<vmem>>) semaphore(%arg12 : memref<!tpu.dma_semaphore, #tpu.memory_space<semaphore_mem>>) {add = true}
    %dma_wait3A_178 = arith.constant 0 : i32
    %dma_wait3A_179 = arith.constant 2 : i32
    %dma_wait3A_180 = arith.constant 0 : i32
    %dma_wait3A_181 = arith.constant 0 : i32
    %dma_wait3A_182 = tpu.memref_slice %arg7[%dma_wait3A_178, %dma_wait3A_180, %dma_wait3A_181] : memref<2x128x128xf32, #tpu.memory_space<vmem>> -> memref<1x128x128xf32, #tpu.memory_space<vmem>>
    %dma_wait3A_183 = tpu.memref_squeeze %dma_wait3A_182 : memref<1x128x128xf32, #tpu.memory_space<vmem>> -> memref<128x128xf32, #tpu.memory_space<vmem>>
    %dma_wait3A_184 = arith.constant 0 : i32
    %dma_wait3A_185 = tpu.memref_slice %arg6[%dma_wait3A_179, %dma_wait3A_184] : memref<5x128xi32, #tpu.memory_space<vmem>> -> memref<1x128xi32, #tpu.memory_space<vmem>>
    %dma_wait3A_186 = tpu.memref_squeeze %dma_wait3A_185 : memref<1x128xi32, #tpu.memory_space<vmem>> -> memref<128xi32, #tpu.memory_space<vmem>>
    %dma_wait3A_187 = arith.constant 0 : i32
    %dma_wait3A_188 = arith.constant 0 : i32
    %dma_wait3A_189 = tpu.memref_slice %arg8[%dma_wait3A_187, %dma_wait3A_188] : memref<10240x128xf32, #tpu.memory_space<vmem_shared>> -> memref<10240x128xf32, #tpu.memory_space<vmem_shared>>
    tpu.wait_indirect_dma semaphore(%arg12 : memref<!tpu.dma_semaphore, #tpu.memory_space<semaphore_mem>>) src(%dma_wait3A_183 : memref<128x128xf32, #tpu.memory_space<vmem>>) dst(%dma_wait3A_189 : memref<10240x128xf32, #tpu.memory_space<vmem_shared>>)
    %add3A_190 = arith.constant 512 : i32
    %add3A_191 = arith.addi %mul3A_4, %add3A_190 : i32
    %dma_start3A_192 = arith.constant 0 : i32
    %dma_start3A_193 = arith.constant 0 : i32
    %dma_start3A_194 = arith.constant 0 : i32
    %dma_start3A_195 = tpu.memref_slice %arg7[%dma_start3A_192, %dma_start3A_193, %dma_start3A_194] : memref<2x128x128xf32, #tpu.memory_space<vmem>> -> memref<1x128x128xf32, #tpu.memory_space<vmem>>
    %dma_start3A_196 = tpu.memref_squeeze %dma_start3A_195 : memref<1x128x128xf32, #tpu.memory_space<vmem>> -> memref<128x128xf32, #tpu.memory_space<vmem>>
    %dma_start3A_197 = arith.constant 0 : i32
    %dma_start3A_198 = tpu.memref_slice %arg2[%add3A_191, %dma_start3A_197] : memref<20480x128xf32, #tpu.memory_space<hbm>> -> memref<128x128xf32, #tpu.memory_space<hbm>>
    %dma_start3A_199 = arith.constant 0 : i32
    %dma_start3A_200 = arith.constant 0 : i32
    %dma_start3A_201 = tpu.memref_slice %arg7[%dma_start3A_192, %dma_start3A_199, %dma_start3A_200] : memref<2x128x128xf32, #tpu.memory_space<vmem>> -> memref<1x128x128xf32, #tpu.memory_space<vmem>>
    %dma_start3A_202 = tpu.memref_squeeze %dma_start3A_201 : memref<1x128x128xf32, #tpu.memory_space<vmem>> -> memref<128x128xf32, #tpu.memory_space<vmem>>
    %dma_start3A_203 = arith.constant 0 : i32
    %dma_start3A_204 = tpu.memref_slice %arg2[%add3A_191, %dma_start3A_203] : memref<20480x128xf32, #tpu.memory_space<hbm>> -> memref<128x128xf32, #tpu.memory_space<hbm>>
    tpu.enqueue_dma source(%dma_start3A_204 : memref<128x128xf32, #tpu.memory_space<hbm>>) target(%dma_start3A_202 : memref<128x128xf32, #tpu.memory_space<vmem>>) target_semaphore(%arg10 : memref<!tpu.dma_semaphore, #tpu.memory_space<semaphore_mem>>)
    %dma_wait3A_205 = arith.constant 1 : i32
    %dma_wait3A_206 = arith.constant 0 : i32
    %dma_wait3A_207 = arith.constant 0 : i32
    %dma_wait3A_208 = tpu.memref_slice %arg7[%dma_wait3A_205, %dma_wait3A_206, %dma_wait3A_207] : memref<2x128x128xf32, #tpu.memory_space<vmem>> -> memref<1x128x128xf32, #tpu.memory_space<vmem>>
    %dma_wait3A_209 = tpu.memref_squeeze %dma_wait3A_208 : memref<1x128x128xf32, #tpu.memory_space<vmem>> -> memref<128x128xf32, #tpu.memory_space<vmem>>
    %dma_wait3A_210 = arith.constant 0 : i32
    %dma_wait3A_211 = tpu.memref_slice %arg2[%add3A_139, %dma_wait3A_210] : memref<20480x128xf32, #tpu.memory_space<hbm>> -> memref<128x128xf32, #tpu.memory_space<hbm>>
    %dma_wait3A_212 = arith.constant 0 : i32
    %dma_wait3A_213 = arith.constant 0 : i32
    %dma_wait3A_214 = tpu.memref_slice %arg7[%dma_wait3A_205, %dma_wait3A_212, %dma_wait3A_213] : memref<2x128x128xf32, #tpu.memory_space<vmem>> -> memref<1x128x128xf32, #tpu.memory_space<vmem>>
    %dma_wait3A_215 = tpu.memref_squeeze %dma_wait3A_214 : memref<1x128x128xf32, #tpu.memory_space<vmem>> -> memref<128x128xf32, #tpu.memory_space<vmem>>
    %dma_wait3A_216 = arith.constant 0 : i32
    %dma_wait3A_217 = tpu.memref_slice %arg2[%add3A_139, %dma_wait3A_216] : memref<20480x128xf32, #tpu.memory_space<hbm>> -> memref<128x128xf32, #tpu.memory_space<hbm>>
    tpu.wait_dma2 semaphore(%arg11 : memref<!tpu.dma_semaphore, #tpu.memory_space<semaphore_mem>>) src(%dma_wait3A_217 : memref<128x128xf32, #tpu.memory_space<hbm>>) dst(%dma_wait3A_215 : memref<128x128xf32, #tpu.memory_space<vmem>>)
    %dma_start3A_218 = arith.constant 1 : i32
    %dma_start3A_219 = arith.constant 3 : i32
    %dma_start3A_220 = arith.constant 0 : i32
    %dma_start3A_221 = arith.constant 0 : i32
    %dma_start3A_222 = tpu.memref_slice %arg7[%dma_start3A_218, %dma_start3A_220, %dma_start3A_221] : memref<2x128x128xf32, #tpu.memory_space<vmem>> -> memref<1x128x128xf32, #tpu.memory_space<vmem>>
    %dma_start3A_223 = tpu.memref_squeeze %dma_start3A_222 : memref<1x128x128xf32, #tpu.memory_space<vmem>> -> memref<128x128xf32, #tpu.memory_space<vmem>>
    %dma_start3A_224 = arith.constant 0 : i32
    %dma_start3A_225 = tpu.memref_slice %arg6[%dma_start3A_219, %dma_start3A_224] : memref<5x128xi32, #tpu.memory_space<vmem>> -> memref<1x128xi32, #tpu.memory_space<vmem>>
    %dma_start3A_226 = tpu.memref_squeeze %dma_start3A_225 : memref<1x128xi32, #tpu.memory_space<vmem>> -> memref<128xi32, #tpu.memory_space<vmem>>
    %dma_start3A_227 = arith.constant 0 : i32
    %dma_start3A_228 = arith.constant 0 : i32
    %dma_start3A_229 = tpu.memref_slice %arg8[%dma_start3A_227, %dma_start3A_228] : memref<10240x128xf32, #tpu.memory_space<vmem_shared>> -> memref<10240x128xf32, #tpu.memory_space<vmem_shared>>
    tpu.enqueue_indirect_dma source(%dma_start3A_223 : memref<128x128xf32, #tpu.memory_space<vmem>>) target(%dma_start3A_229 : memref<10240x128xf32, #tpu.memory_space<vmem_shared>>) offsets(%dma_start3A_226 : memref<128xi32, #tpu.memory_space<vmem>>) semaphore(%arg13 : memref<!tpu.dma_semaphore, #tpu.memory_space<semaphore_mem>>) {add = true}
    %dma_wait3A_230 = arith.constant 0 : i32
    %dma_wait3A_231 = arith.constant 0 : i32
    %dma_wait3A_232 = arith.constant 0 : i32
    %dma_wait3A_233 = tpu.memref_slice %arg7[%dma_wait3A_230, %dma_wait3A_231, %dma_wait3A_232] : memref<2x128x128xf32, #tpu.memory_space<vmem>> -> memref<1x128x128xf32, #tpu.memory_space<vmem>>
    %dma_wait3A_234 = tpu.memref_squeeze %dma_wait3A_233 : memref<1x128x128xf32, #tpu.memory_space<vmem>> -> memref<128x128xf32, #tpu.memory_space<vmem>>
    %dma_wait3A_235 = arith.constant 0 : i32
    %dma_wait3A_236 = tpu.memref_slice %arg2[%add3A_191, %dma_wait3A_235] : memref<20480x128xf32, #tpu.memory_space<hbm>> -> memref<128x128xf32, #tpu.memory_space<hbm>>
    %dma_wait3A_237 = arith.constant 0 : i32
    %dma_wait3A_238 = arith.constant 0 : i32
    %dma_wait3A_239 = tpu.memref_slice %arg7[%dma_wait3A_230, %dma_wait3A_237, %dma_wait3A_238] : memref<2x128x128xf32, #tpu.memory_space<vmem>> -> memref<1x128x128xf32, #tpu.memory_space<vmem>>
    %dma_wait3A_240 = tpu.memref_squeeze %dma_wait3A_239 : memref<1x128x128xf32, #tpu.memory_space<vmem>> -> memref<128x128xf32, #tpu.memory_space<vmem>>
    %dma_wait3A_241 = arith.constant 0 : i32
    %dma_wait3A_242 = tpu.memref_slice %arg2[%add3A_191, %dma_wait3A_241] : memref<20480x128xf32, #tpu.memory_space<hbm>> -> memref<128x128xf32, #tpu.memory_space<hbm>>
    tpu.wait_dma2 semaphore(%arg10 : memref<!tpu.dma_semaphore, #tpu.memory_space<semaphore_mem>>) src(%dma_wait3A_242 : memref<128x128xf32, #tpu.memory_space<hbm>>) dst(%dma_wait3A_240 : memref<128x128xf32, #tpu.memory_space<vmem>>)
    %dma_start3A_243 = arith.constant 0 : i32
    %dma_start3A_244 = arith.constant 4 : i32
    %dma_start3A_245 = arith.constant 0 : i32
    %dma_start3A_246 = arith.constant 0 : i32
    %dma_start3A_247 = tpu.memref_slice %arg7[%dma_start3A_243, %dma_start3A_245, %dma_start3A_246] : memref<2x128x128xf32, #tpu.memory_space<vmem>> -> memref<1x128x128xf32, #tpu.memory_space<vmem>>
    %dma_start3A_248 = tpu.memref_squeeze %dma_start3A_247 : memref<1x128x128xf32, #tpu.memory_space<vmem>> -> memref<128x128xf32, #tpu.memory_space<vmem>>
    %dma_start3A_249 = arith.constant 0 : i32
    %dma_start3A_250 = tpu.memref_slice %arg6[%dma_start3A_244, %dma_start3A_249] : memref<5x128xi32, #tpu.memory_space<vmem>> -> memref<1x128xi32, #tpu.memory_space<vmem>>
    %dma_start3A_251 = tpu.memref_squeeze %dma_start3A_250 : memref<1x128xi32, #tpu.memory_space<vmem>> -> memref<128xi32, #tpu.memory_space<vmem>>
    %dma_start3A_252 = arith.constant 0 : i32
    %dma_start3A_253 = arith.constant 0 : i32
    %dma_start3A_254 = tpu.memref_slice %arg8[%dma_start3A_252, %dma_start3A_253] : memref<10240x128xf32, #tpu.memory_space<vmem_shared>> -> memref<10240x128xf32, #tpu.memory_space<vmem_shared>>
    tpu.enqueue_indirect_dma source(%dma_start3A_248 : memref<128x128xf32, #tpu.memory_space<vmem>>) target(%dma_start3A_254 : memref<10240x128xf32, #tpu.memory_space<vmem_shared>>) offsets(%dma_start3A_251 : memref<128xi32, #tpu.memory_space<vmem>>) semaphore(%arg12 : memref<!tpu.dma_semaphore, #tpu.memory_space<semaphore_mem>>) {add = true}
    %dma_wait3A_255 = arith.constant 1 : i32
    %dma_wait3A_256 = arith.constant 3 : i32
    %dma_wait3A_257 = arith.constant 0 : i32
    %dma_wait3A_258 = arith.constant 0 : i32
    %dma_wait3A_259 = tpu.memref_slice %arg7[%dma_wait3A_255, %dma_wait3A_257, %dma_wait3A_258] : memref<2x128x128xf32, #tpu.memory_space<vmem>> -> memref<1x128x128xf32, #tpu.memory_space<vmem>>
    %dma_wait3A_260 = tpu.memref_squeeze %dma_wait3A_259 : memref<1x128x128xf32, #tpu.memory_space<vmem>> -> memref<128x128xf32, #tpu.memory_space<vmem>>
    %dma_wait3A_261 = arith.constant 0 : i32
    %dma_wait3A_262 = tpu.memref_slice %arg6[%dma_wait3A_256, %dma_wait3A_261] : memref<5x128xi32, #tpu.memory_space<vmem>> -> memref<1x128xi32, #tpu.memory_space<vmem>>
    %dma_wait3A_263 = tpu.memref_squeeze %dma_wait3A_262 : memref<1x128xi32, #tpu.memory_space<vmem>> -> memref<128xi32, #tpu.memory_space<vmem>>
    %dma_wait3A_264 = arith.constant 0 : i32
    %dma_wait3A_265 = arith.constant 0 : i32
    %dma_wait3A_266 = tpu.memref_slice %arg8[%dma_wait3A_264, %dma_wait3A_265] : memref<10240x128xf32, #tpu.memory_space<vmem_shared>> -> memref<10240x128xf32, #tpu.memory_space<vmem_shared>>
    tpu.wait_indirect_dma semaphore(%arg13 : memref<!tpu.dma_semaphore, #tpu.memory_space<semaphore_mem>>) src(%dma_wait3A_260 : memref<128x128xf32, #tpu.memory_space<vmem>>) dst(%dma_wait3A_266 : memref<10240x128xf32, #tpu.memory_space<vmem_shared>>)
    %dma_wait3A_267 = arith.constant 0 : i32
    %dma_wait3A_268 = arith.constant 4 : i32
    %dma_wait3A_269 = arith.constant 0 : i32
    %dma_wait3A_270 = arith.constant 0 : i32
    %dma_wait3A_271 = tpu.memref_slice %arg7[%dma_wait3A_267, %dma_wait3A_269, %dma_wait3A_270] : memref<2x128x128xf32, #tpu.memory_space<vmem>> -> memref<1x128x128xf32, #tpu.memory_space<vmem>>
    %dma_wait3A_272 = tpu.memref_squeeze %dma_wait3A_271 : memref<1x128x128xf32, #tpu.memory_space<vmem>> -> memref<128x128xf32, #tpu.memory_space<vmem>>
    %dma_wait3A_273 = arith.constant 0 : i32
    %dma_wait3A_274 = tpu.memref_slice %arg6[%dma_wait3A_268, %dma_wait3A_273] : memref<5x128xi32, #tpu.memory_space<vmem>> -> memref<1x128xi32, #tpu.memory_space<vmem>>
    %dma_wait3A_275 = tpu.memref_squeeze %dma_wait3A_274 : memref<1x128xi32, #tpu.memory_space<vmem>> -> memref<128xi32, #tpu.memory_space<vmem>>
    %dma_wait3A_276 = arith.constant 0 : i32
    %dma_wait3A_277 = arith.constant 0 : i32
    %dma_wait3A_278 = tpu.memref_slice %arg8[%dma_wait3A_276, %dma_wait3A_277] : memref<10240x128xf32, #tpu.memory_space<vmem_shared>> -> memref<10240x128xf32, #tpu.memory_space<vmem_shared>>
    tpu.wait_indirect_dma semaphore(%arg12 : memref<!tpu.dma_semaphore, #tpu.memory_space<semaphore_mem>>) src(%dma_wait3A_272 : memref<128x128xf32, #tpu.memory_space<vmem>>) dst(%dma_wait3A_278 : memref<10240x128xf32, #tpu.memory_space<vmem_shared>>)
    %barrier3A_279 = arith.constant 0 : index
    tpu.barrier barrier_id(%barrier3A_279)
    "tpu.region"() ({
      %run_scoped3A = tpu.sem_alloc : memref<!tpu.dma_semaphore, #tpu.memory_space<semaphore_mem>>
      %dma_start3A_280 = arith.constant 0 : i32
      %dma_start3A_281 = tpu.memref_slice %arg5[%arg0, %mul3A_2, %dma_start3A_280] : memref<2x10240x128xf32, #tpu.memory_space<hbm>> -> memref<1x640x128xf32, #tpu.memory_space<hbm>>
      %dma_start3A_282 = tpu.memref_squeeze %dma_start3A_281 : memref<1x640x128xf32, #tpu.memory_space<hbm>> -> memref<640x128xf32, #tpu.memory_space<hbm>>
      %dma_start3A_283 = arith.constant 0 : i32
      %dma_start3A_284 = tpu.memref_slice %arg8[%mul3A_2, %dma_start3A_283] : memref<10240x128xf32, #tpu.memory_space<vmem_shared>> -> memref<640x128xf32, #tpu.memory_space<vmem_shared>>
      tpu.enqueue_dma source(%dma_start3A_284 : memref<640x128xf32, #tpu.memory_space<vmem_shared>>) target(%dma_start3A_282 : memref<640x128xf32, #tpu.memory_space<hbm>>) target_semaphore(%run_scoped3A : memref<!tpu.dma_semaphore, #tpu.memory_space<semaphore_mem>>)
      %dma_wait3A_285 = arith.constant 0 : i32
      %dma_wait3A_286 = tpu.memref_slice %arg5[%arg0, %mul3A_2, %dma_wait3A_285] : memref<2x10240x128xf32, #tpu.memory_space<hbm>> -> memref<1x640x128xf32, #tpu.memory_space<hbm>>
      %dma_wait3A_287 = tpu.memref_squeeze %dma_wait3A_286 : memref<1x640x128xf32, #tpu.memory_space<hbm>> -> memref<640x128xf32, #tpu.memory_space<hbm>>
      %dma_wait3A_288 = arith.constant 0 : i32
      %dma_wait3A_289 = tpu.memref_slice %arg8[%mul3A_2, %dma_wait3A_288] : memref<10240x128xf32, #tpu.memory_space<vmem_shared>> -> memref<640x128xf32, #tpu.memory_space<vmem_shared>>
      tpu.wait_dma2 semaphore(%run_scoped3A : memref<!tpu.dma_semaphore, #tpu.memory_space<semaphore_mem>>) src(%dma_wait3A_289 : memref<640x128xf32, #tpu.memory_space<vmem_shared>>) dst(%dma_wait3A_287 : memref<640x128xf32, #tpu.memory_space<hbm>>)
      tpu.yield
    }) : () -> ()
    return
  }
}

module attributes {stable_mosaic.version = 14 : i64} {
  func.func @body(%arg0: memref<2x10240x16xf32, #tpu.memory_space<vmem>>, %arg1: memref<10240x32xf32, #tpu.memory_space<vmem>>, %arg2: memref<10240x1xf32, #tpu.memory_space<vmem>>, %arg3: memref<10240x32xf32, #tpu.memory_space<vmem>>) attributes {dimension_semantics = [], scalar_prefetch = 0 : i64, scratch_operands = 0 : i64, tpu.core_type = #tpu.core_type<tc>} {
    %get3A = arith.constant 0 : index
    %get3A_0 = arith.constant 0 : index
    %get3A_1 = arith.constant 0 : index
    %get3A_2 = vector.load %arg0[%get3A, %get3A_0, %get3A_1] : memref<2x10240x16xf32, #tpu.memory_space<vmem>>, vector<1x10240x1xf32>
    %get3A_3 = vector.shape_cast %get3A_2 : vector<1x10240x1xf32> to vector<10240x1xf32>
    %get3A_4 = arith.constant 1 : index
    %get3A_5 = arith.constant 0 : index
    %get3A_6 = arith.constant 0 : index
    %get3A_7 = vector.load %arg0[%get3A_4, %get3A_5, %get3A_6] : memref<2x10240x16xf32, #tpu.memory_space<vmem>>, vector<1x10240x1xf32>
    %get3A_8 = vector.shape_cast %get3A_7 : vector<1x10240x1xf32> to vector<10240x1xf32>
    %add3A = arith.addf %get3A_3, %get3A_8 : vector<10240x1xf32>
    %gt3A = arith.constant 0.000000e+00 : f32
    %gt3A_9 = vector.broadcast %gt3A : f32 to vector<10240x1xf32>
    %gt3A_10 = arith.cmpf ogt, %add3A, %gt3A_9 : vector<10240x1xf32>
    %div3A = arith.constant 1.000000e+00 : f32
    %div3A_11 = vector.broadcast %div3A : f32 to vector<10240x1xf32>
    %div3A_12 = arith.divf %div3A_11, %add3A : vector<10240x1xf32>
    %jit3A = arith.constant 0.000000e+00 : f32
    %broadcast_in_dim3A = vector.broadcast %jit3A : f32 to vector<10240x1xf32>
    %select_n3A = arith.select %gt3A_10, %div3A_12, %broadcast_in_dim3A : vector<10240x1xi1>, vector<10240x1xf32>
    %swap3A = arith.constant 0 : index
    %swap3A_13 = arith.constant 0 : index
    %swap3A_14 = vector.load %arg2[%swap3A, %swap3A_13] : memref<10240x1xf32, #tpu.memory_space<vmem>>, vector<10240x1xf32>
    tpu.vector_store %arg2[%swap3A, %swap3A_13], %select_n3A {strides = array<i32>} : memref<10240x1xf32, #tpu.memory_space<vmem>>, vector<10240x1xf32>,
    %get3A_15 = arith.constant 0 : index
    %get3A_16 = arith.constant 0 : index
    %get3A_17 = vector.load %arg1[%get3A_15, %get3A_16] : memref<10240x32xf32, #tpu.memory_space<vmem>>, vector<10240x32xf32>
    %mul3A = vector.broadcast %select_n3A : vector<10240x1xf32> to vector<10240x32xf32>
    %mul3A_18 = arith.mulf %get3A_17, %mul3A : vector<10240x32xf32>
    %swap3A_19 = arith.constant 0 : index
    %swap3A_20 = arith.constant 0 : index
    %swap3A_21 = vector.load %arg3[%swap3A_19, %swap3A_20] : memref<10240x32xf32, #tpu.memory_space<vmem>>, vector<10240x32xf32>
    tpu.vector_store %arg3[%swap3A_19, %swap3A_20], %mul3A_18 {strides = array<i32>} : memref<10240x32xf32, #tpu.memory_space<vmem>>, vector<10240x32xf32>,
    return
  }
}

module attributes {stable_mosaic.version = 14 : i64} {
  func.func @body(%arg0: i32, %arg1: memref<2048x32xf32, #tpu.memory_space<vmem>>, %arg2: memref<2048x4xf32, #tpu.memory_space<vmem>>, %arg3: memref<160x32xf32, #tpu.memory_space<vmem>>, %arg4: memref<2048x32xf32, #tpu.memory_space<vmem>>) attributes {dimension_semantics = [#tpu.dimension_semantics<arbitrary>], iteration_bounds = array<i64: 10>, scalar_prefetch = 0 : i64, scratch_operands = 0 : i64, tpu.core_type = #tpu.core_type<tc>, window_params = [{transform_indices = @transform_0, window_bounds = array<i64: 2048, 32>}, {transform_indices = @transform_1, window_bounds = array<i64: 2048, 4>}, {pipeline_mode = #tpu.pipeline_mode<synchronous>, transform_indices = @transform_2, window_bounds = array<i64: 160, 32>}, {transform_indices = @transform_3, window_bounds = array<i64: 2048, 32>}]} {
    %get3A = arith.constant 0 : index
    %get3A_0 = arith.constant 0 : index
    %get3A_1 = vector.load %arg1[%get3A, %get3A_0] : memref<2048x32xf32, #tpu.memory_space<vmem>>, vector<2048x32xf32>
    %get3A_2 = arith.constant 0 : index
    %get3A_3 = arith.constant 0 : index
    %get3A_4 = vector.load %arg2[%get3A_2, %get3A_3] : memref<2048x4xf32, #tpu.memory_space<vmem>>, vector<2048x4xf32>
    %slice3A = vector.extract_strided_slice %get3A_4 {offsets = [0, 0], sizes = [2048, 1], strides = [1, 1]} : vector<2048x4xf32> to vector<2048x1xf32>
    %mul3A = vector.broadcast %slice3A : vector<2048x1xf32> to vector<2048x32xf32>
    %mul3A_5 = arith.mulf %get3A_1, %mul3A : vector<2048x32xf32>
    %slice3A_6 = vector.extract_strided_slice %get3A_4 {offsets = [0, 1], sizes = [2048, 1], strides = [1, 1]} : vector<2048x4xf32> to vector<2048x1xf32>
    %mul3A_7 = vector.broadcast %slice3A_6 : vector<2048x1xf32> to vector<2048x32xf32>
    %mul3A_8 = arith.mulf %get3A_1, %mul3A_7 : vector<2048x32xf32>
    %slice3A_9 = vector.extract_strided_slice %get3A_4 {offsets = [0, 2], sizes = [2048, 1], strides = [1, 1]} : vector<2048x4xf32> to vector<2048x1xf32>
    %mul3A_10 = vector.broadcast %slice3A_9 : vector<2048x1xf32> to vector<2048x32xf32>
    %mul3A_11 = arith.mulf %get3A_1, %mul3A_10 : vector<2048x32xf32>
    %slice3A_12 = vector.extract_strided_slice %get3A_4 {offsets = [0, 3], sizes = [2048, 1], strides = [1, 1]} : vector<2048x4xf32> to vector<2048x1xf32>
    %mul3A_13 = vector.broadcast %slice3A_12 : vector<2048x1xf32> to vector<2048x32xf32>
    %mul3A_14 = arith.mulf %get3A_1, %mul3A_13 : vector<2048x32xf32>
    %concatenate3A = tpu.concatenate %mul3A_5, %mul3A_8, %mul3A_11, %mul3A_14, %get3A_1 in 1 : vector<2048x32xf32>, vector<2048x32xf32>, vector<2048x32xf32>, vector<2048x32xf32>, vector<2048x32xf32> -> vector<2048x160xf32>
    %get3A_15 = arith.constant 0 : index
    %get3A_16 = arith.constant 0 : index
    %get3A_17 = vector.load %arg3[%get3A_15, %get3A_16] : memref<160x32xf32, #tpu.memory_space<vmem>>, vector<160x32xf32>
    %dot_general3A = arith.constant dense<0.000000e+00> : vector<2048x32xf32>
    %dot_general3A_18 = tpu.matmul %concatenate3A, %get3A_17, %dot_general3A {dimension_numbers = #tpu.dot_dimension_numbers<[1], [0], [0], [1], [0, 0, 1, 1], [], []>, transpose_lhs_hint = false} : vector<2048x160xf32>, vector<160x32xf32>, vector<2048x32xf32> -> vector<2048x32xf32>
    %swap3A = arith.constant 0 : index
    %swap3A_19 = arith.constant 0 : index
    %swap3A_20 = vector.load %arg4[%swap3A, %swap3A_19] : memref<2048x32xf32, #tpu.memory_space<vmem>>, vector<2048x32xf32>
    tpu.vector_store %arg4[%swap3A, %swap3A_19], %dot_general3A_18 {strides = array<i32>} : memref<2048x32xf32, #tpu.memory_space<vmem>>, vector<2048x32xf32>,
    return
  }
  func.func @transform_0(%arg0: i32) -> (i32, i32) {
    %c0_i32 = arith.constant 0 : i32
    %c0_i32_0 = arith.constant 0 : i32
    return %arg0, %c0_i32 : i32, i32
  }
  func.func @transform_1(%arg0: i32) -> (i32, i32) {
    %c0_i32 = arith.constant 0 : i32
    %c0_i32_0 = arith.constant 0 : i32
    return %arg0, %c0_i32 : i32, i32
  }
  func.func @transform_2(%arg0: i32) -> (i32, i32) {
    %c0_i32 = arith.constant 0 : i32
    %c0_i32_0 = arith.constant 0 : i32
    %c0_i32_1 = arith.constant 0 : i32
    return %c0_i32, %c0_i32_0 : i32, i32
  }
  func.func @transform_3(%arg0: i32) -> (i32, i32) {
    %c0_i32 = arith.constant 0 : i32
    %c0_i32_0 = arith.constant 0 : i32
    return %arg0, %c0_i32 : i32, i32
  }
}

module attributes {stable_mosaic.version = 14 : i64} {
  func.func @body(%arg0: memref<2x10240x32xf32, #tpu.memory_space<vmem>>, %arg1: memref<10240x32xf32, #tpu.memory_space<vmem>>, %arg2: memref<32x32xf32, #tpu.memory_space<vmem>>, %arg3: memref<1x32xf32, #tpu.memory_space<vmem>>, %arg4: memref<1x32xf32, #tpu.memory_space<vmem>>, %arg5: memref<1x32xf32, #tpu.memory_space<vmem>>, %arg6: memref<1x32xf32, #tpu.memory_space<vmem>>, %arg7: memref<1x1xf32, #tpu.memory_space<vmem>>, %arg8: memref<10240x1xf32, #tpu.memory_space<vmem>>, %arg9: memref<10240x32xf32, #tpu.memory_space<vmem>>, %arg10: memref<10240x32xf32, #tpu.memory_space<vmem>>) attributes {dimension_semantics = [], scalar_prefetch = 0 : i64, scratch_operands = 0 : i64, tpu.core_type = #tpu.core_type<tc>} {
    %get3A = arith.constant 0 : index
    %get3A_0 = arith.constant 0 : index
    %get3A_1 = arith.constant 0 : index
    %get3A_2 = vector.load %arg0[%get3A, %get3A_0, %get3A_1] : memref<2x10240x32xf32, #tpu.memory_space<vmem>>, vector<1x10240x32xf32>
    %get3A_3 = vector.shape_cast %get3A_2 : vector<1x10240x32xf32> to vector<10240x32xf32>
    %get3A_4 = arith.constant 1 : index
    %get3A_5 = arith.constant 0 : index
    %get3A_6 = arith.constant 0 : index
    %get3A_7 = vector.load %arg0[%get3A_4, %get3A_5, %get3A_6] : memref<2x10240x32xf32, #tpu.memory_space<vmem>>, vector<1x10240x32xf32>
    %get3A_8 = vector.shape_cast %get3A_7 : vector<1x10240x32xf32> to vector<10240x32xf32>
    %add3A = arith.addf %get3A_3, %get3A_8 : vector<10240x32xf32>
    %get3A_9 = arith.constant 0 : index
    %get3A_10 = arith.constant 0 : index
    %get3A_11 = vector.load %arg1[%get3A_9, %get3A_10] : memref<10240x32xf32, #tpu.memory_space<vmem>>, vector<10240x32xf32>
    %get3A_12 = arith.constant 0 : index
    %get3A_13 = arith.constant 0 : index
    %get3A_14 = vector.load %arg2[%get3A_12, %get3A_13] : memref<32x32xf32, #tpu.memory_space<vmem>>, vector<32x32xf32>
    %dot_general3A = arith.constant dense<0.000000e+00> : vector<10240x32xf32>
    %dot_general3A_15 = tpu.matmul %get3A_11, %get3A_14, %dot_general3A {dimension_numbers = #tpu.dot_dimension_numbers<[1], [0], [0], [1], [0, 0, 1, 1], [], []>, transpose_lhs_hint = false} : vector<10240x32xf32>, vector<32x32xf32>, vector<10240x32xf32> -> vector<10240x32xf32>
    %add3A_16 = arith.addf %add3A, %dot_general3A_15 : vector<10240x32xf32>
    %get3A_17 = arith.constant 0 : index
    %get3A_18 = arith.constant 0 : index
    %get3A_19 = vector.load %arg4[%get3A_17, %get3A_18] : memref<1x32xf32, #tpu.memory_space<vmem>>, vector<1x32xf32>
    %add3A_20 = vector.broadcast %get3A_19 : vector<1x32xf32> to vector<10240x32xf32>
    %add3A_21 = arith.addf %add3A_16, %add3A_20 : vector<10240x32xf32>
    %get3A_22 = arith.constant 0 : index
    %get3A_23 = arith.constant 0 : index
    %get3A_24 = vector.load %arg3[%get3A_22, %get3A_23] : memref<1x32xf32, #tpu.memory_space<vmem>>, vector<1x32xf32>
    %add3A_25 = vector.broadcast %get3A_24 : vector<1x32xf32> to vector<10240x32xf32>
    %add3A_26 = arith.addf %add3A_21, %add3A_25 : vector<10240x32xf32>
    %get3A_27 = arith.constant 0 : index
    %get3A_28 = arith.constant 0 : index
    %get3A_29 = vector.load %arg5[%get3A_27, %get3A_28] : memref<1x32xf32, #tpu.memory_space<vmem>>, vector<1x32xf32>
    %get3A_30 = arith.constant 0 : index
    %get3A_31 = arith.constant 0 : index
    %get3A_32 = vector.load %arg6[%get3A_30, %get3A_31] : memref<1x32xf32, #tpu.memory_space<vmem>>, vector<1x32xf32>
    %get3A_33 = arith.constant 0 : index
    %get3A_34 = arith.constant 0 : index
    %get3A_35 = vector.load %arg7[%get3A_33, %get3A_34] : memref<1x1xf32, #tpu.memory_space<vmem>>, vector<1x1xf32>
    %get3A_36 = vector.extract %get3A_35[0, 0] : f32 from vector<1x1xf32>
    %iota3A = tpu.iota {dimensions = array<i32: 0>} : vector<10240x1xi32>
    %lt3A = arith.constant 10000 : i32
    %lt3A_37 = vector.broadcast %lt3A : i32 to vector<10240x1xi32>
    %lt3A_38 = arith.cmpi slt, %iota3A, %lt3A_37 : vector<10240x1xi32>
    %jit3A = arith.constant 0.000000e+00 : f32
    %broadcast_in_dim3A = vector.shape_cast %lt3A_38 : vector<10240x1xi1> to vector<10240x1xi1>
    %broadcast_in_dim3A_39 = vector.broadcast %broadcast_in_dim3A : vector<10240x1xi1> to vector<10240x32xi1>
    %broadcast_in_dim3A_40 = vector.broadcast %jit3A : f32 to vector<10240x32xf32>
    %select_n3A = arith.select %broadcast_in_dim3A_39, %add3A_26, %broadcast_in_dim3A_40 : vector<10240x32xi1>, vector<10240x32xf32>
    %reduce_sum3A = arith.constant dense<0.000000e+00> : vector<32xf32>
    %reduce_sum3A_41 = vector.multi_reduction <add>, %select_n3A, %reduce_sum3A [0] : vector<10240x32xf32> to vector<32xf32>
    %broadcast_in_dim3A_42 = vector.shape_cast %reduce_sum3A_41 : vector<32xf32> to vector<1x32xf32>
    %mul3A = arith.constant 9.99999974E-5 : f32
    %mul3A_43 = vector.broadcast %mul3A : f32 to vector<1x32xf32>
    %mul3A_44 = arith.mulf %broadcast_in_dim3A_42, %mul3A_43 : vector<1x32xf32>
    %sub3A = vector.broadcast %mul3A_44 : vector<1x32xf32> to vector<10240x32xf32>
    %sub3A_45 = arith.subf %add3A_26, %sub3A : vector<10240x32xf32>
    %mul3A_46 = arith.mulf %sub3A_45, %sub3A_45 : vector<10240x32xf32>
    %jit3A_47 = arith.constant 0.000000e+00 : f32
    %broadcast_in_dim3A_48 = vector.shape_cast %lt3A_38 : vector<10240x1xi1> to vector<10240x1xi1>
    %broadcast_in_dim3A_49 = vector.broadcast %broadcast_in_dim3A_48 : vector<10240x1xi1> to vector<10240x32xi1>
    %broadcast_in_dim3A_50 = vector.broadcast %jit3A_47 : f32 to vector<10240x32xf32>
    %select_n3A_51 = arith.select %broadcast_in_dim3A_49, %mul3A_46, %broadcast_in_dim3A_50 : vector<10240x32xi1>, vector<10240x32xf32>
    %reduce_sum3A_52 = arith.constant dense<0.000000e+00> : vector<32xf32>
    %reduce_sum3A_53 = vector.multi_reduction <add>, %select_n3A_51, %reduce_sum3A_52 [0] : vector<10240x32xf32> to vector<32xf32>
    %broadcast_in_dim3A_54 = vector.shape_cast %reduce_sum3A_53 : vector<32xf32> to vector<1x32xf32>
    %mul3A_55 = arith.constant 9.99999974E-5 : f32
    %mul3A_56 = vector.broadcast %mul3A_55 : f32 to vector<1x32xf32>
    %mul3A_57 = arith.mulf %broadcast_in_dim3A_54, %mul3A_56 : vector<1x32xf32>
    %add3A_58 = arith.constant 9.99999974E-6 : f32
    %add3A_59 = vector.broadcast %add3A_58 : f32 to vector<1x32xf32>
    %add3A_60 = arith.addf %mul3A_57, %add3A_59 : vector<1x32xf32>
    %rsqrt3A = math.rsqrt %add3A_60 : vector<1x32xf32>
    %mul3A_61 = vector.broadcast %rsqrt3A : vector<1x32xf32> to vector<10240x32xf32>
    %mul3A_62 = arith.mulf %sub3A_45, %mul3A_61 : vector<10240x32xf32>
    %mul3A_63 = vector.broadcast %get3A_29 : vector<1x32xf32> to vector<10240x32xf32>
    %mul3A_64 = arith.mulf %mul3A_62, %mul3A_63 : vector<10240x32xf32>
    %add3A_65 = vector.broadcast %get3A_32 : vector<1x32xf32> to vector<10240x32xf32>
    %add3A_66 = arith.addf %mul3A_64, %add3A_65 : vector<10240x32xf32>
    %ge3A = arith.constant 0.000000e+00 : f32
    %ge3A_67 = vector.broadcast %ge3A : f32 to vector<10240x32xf32>
    %ge3A_68 = arith.cmpf oge, %add3A_66, %ge3A_67 : vector<10240x32xf32>
    %mul3A_69 = vector.broadcast %get3A_36 : f32 to vector<10240x32xf32>
    %mul3A_70 = arith.mulf %mul3A_69, %add3A_66 : vector<10240x32xf32>
    %select_n3A_71 = arith.select %ge3A_68, %add3A_66, %mul3A_70 : vector<10240x32xi1>, vector<10240x32xf32>
    %swap3A = arith.constant 0 : index
    %swap3A_72 = arith.constant 0 : index
    %swap3A_73 = vector.load %arg9[%swap3A, %swap3A_72] : memref<10240x32xf32, #tpu.memory_space<vmem>>, vector<10240x32xf32>
    tpu.vector_store %arg9[%swap3A, %swap3A_72], %select_n3A_71 {strides = array<i32>} : memref<10240x32xf32, #tpu.memory_space<vmem>>, vector<10240x32xf32>,
    %get3A_74 = arith.constant 0 : index
    %get3A_75 = arith.constant 0 : index
    %get3A_76 = vector.load %arg8[%get3A_74, %get3A_75] : memref<10240x1xf32, #tpu.memory_space<vmem>>, vector<10240x1xf32>
    %mul3A_77 = vector.broadcast %get3A_76 : vector<10240x1xf32> to vector<10240x32xf32>
    %mul3A_78 = arith.mulf %select_n3A_71, %mul3A_77 : vector<10240x32xf32>
    %swap3A_79 = arith.constant 0 : index
    %swap3A_80 = arith.constant 0 : index
    %swap3A_81 = vector.load %arg10[%swap3A_79, %swap3A_80] : memref<10240x32xf32, #tpu.memory_space<vmem>>, vector<10240x32xf32>
    tpu.vector_store %arg10[%swap3A_79, %swap3A_80], %mul3A_78 {strides = array<i32>} : memref<10240x32xf32, #tpu.memory_space<vmem>>, vector<10240x32xf32>,
    return
  }
}

module attributes {stable_mosaic.version = 14 : i64} {
  func.func @body(%arg0: i32, %arg1: memref<2048x32xf32, #tpu.memory_space<vmem>>, %arg2: memref<2048x4xf32, #tpu.memory_space<vmem>>, %arg3: memref<160x64xf32, #tpu.memory_space<vmem>>, %arg4: memref<2048x64xf32, #tpu.memory_space<vmem>>) attributes {dimension_semantics = [#tpu.dimension_semantics<arbitrary>], iteration_bounds = array<i64: 10>, scalar_prefetch = 0 : i64, scratch_operands = 0 : i64, tpu.core_type = #tpu.core_type<tc>, window_params = [{transform_indices = @transform_0, window_bounds = array<i64: 2048, 32>}, {transform_indices = @transform_1, window_bounds = array<i64: 2048, 4>}, {pipeline_mode = #tpu.pipeline_mode<synchronous>, transform_indices = @transform_2, window_bounds = array<i64: 160, 64>}, {transform_indices = @transform_3, window_bounds = array<i64: 2048, 64>}]} {
    %get3A = arith.constant 0 : index
    %get3A_0 = arith.constant 0 : index
    %get3A_1 = vector.load %arg1[%get3A, %get3A_0] : memref<2048x32xf32, #tpu.memory_space<vmem>>, vector<2048x32xf32>
    %get3A_2 = arith.constant 0 : index
    %get3A_3 = arith.constant 0 : index
    %get3A_4 = vector.load %arg2[%get3A_2, %get3A_3] : memref<2048x4xf32, #tpu.memory_space<vmem>>, vector<2048x4xf32>
    %slice3A = vector.extract_strided_slice %get3A_4 {offsets = [0, 0], sizes = [2048, 1], strides = [1, 1]} : vector<2048x4xf32> to vector<2048x1xf32>
    %mul3A = vector.broadcast %slice3A : vector<2048x1xf32> to vector<2048x32xf32>
    %mul3A_5 = arith.mulf %get3A_1, %mul3A : vector<2048x32xf32>
    %slice3A_6 = vector.extract_strided_slice %get3A_4 {offsets = [0, 1], sizes = [2048, 1], strides = [1, 1]} : vector<2048x4xf32> to vector<2048x1xf32>
    %mul3A_7 = vector.broadcast %slice3A_6 : vector<2048x1xf32> to vector<2048x32xf32>
    %mul3A_8 = arith.mulf %get3A_1, %mul3A_7 : vector<2048x32xf32>
    %slice3A_9 = vector.extract_strided_slice %get3A_4 {offsets = [0, 2], sizes = [2048, 1], strides = [1, 1]} : vector<2048x4xf32> to vector<2048x1xf32>
    %mul3A_10 = vector.broadcast %slice3A_9 : vector<2048x1xf32> to vector<2048x32xf32>
    %mul3A_11 = arith.mulf %get3A_1, %mul3A_10 : vector<2048x32xf32>
    %slice3A_12 = vector.extract_strided_slice %get3A_4 {offsets = [0, 3], sizes = [2048, 1], strides = [1, 1]} : vector<2048x4xf32> to vector<2048x1xf32>
    %mul3A_13 = vector.broadcast %slice3A_12 : vector<2048x1xf32> to vector<2048x32xf32>
    %mul3A_14 = arith.mulf %get3A_1, %mul3A_13 : vector<2048x32xf32>
    %concatenate3A = tpu.concatenate %mul3A_5, %mul3A_8, %mul3A_11, %mul3A_14, %get3A_1 in 1 : vector<2048x32xf32>, vector<2048x32xf32>, vector<2048x32xf32>, vector<2048x32xf32>, vector<2048x32xf32> -> vector<2048x160xf32>
    %get3A_15 = arith.constant 0 : index
    %get3A_16 = arith.constant 0 : index
    %get3A_17 = vector.load %arg3[%get3A_15, %get3A_16] : memref<160x64xf32, #tpu.memory_space<vmem>>, vector<160x64xf32>
    %dot_general3A = arith.constant dense<0.000000e+00> : vector<2048x64xf32>
    %dot_general3A_18 = tpu.matmul %concatenate3A, %get3A_17, %dot_general3A {dimension_numbers = #tpu.dot_dimension_numbers<[1], [0], [0], [1], [0, 0, 1, 1], [], []>, transpose_lhs_hint = false} : vector<2048x160xf32>, vector<160x64xf32>, vector<2048x64xf32> -> vector<2048x64xf32>
    %swap3A = arith.constant 0 : index
    %swap3A_19 = arith.constant 0 : index
    %swap3A_20 = vector.load %arg4[%swap3A, %swap3A_19] : memref<2048x64xf32, #tpu.memory_space<vmem>>, vector<2048x64xf32>
    tpu.vector_store %arg4[%swap3A, %swap3A_19], %dot_general3A_18 {strides = array<i32>} : memref<2048x64xf32, #tpu.memory_space<vmem>>, vector<2048x64xf32>,
    return
  }
  func.func @transform_0(%arg0: i32) -> (i32, i32) {
    %c0_i32 = arith.constant 0 : i32
    %c0_i32_0 = arith.constant 0 : i32
    return %arg0, %c0_i32 : i32, i32
  }
  func.func @transform_1(%arg0: i32) -> (i32, i32) {
    %c0_i32 = arith.constant 0 : i32
    %c0_i32_0 = arith.constant 0 : i32
    return %arg0, %c0_i32 : i32, i32
  }
  func.func @transform_2(%arg0: i32) -> (i32, i32) {
    %c0_i32 = arith.constant 0 : i32
    %c0_i32_0 = arith.constant 0 : i32
    %c0_i32_1 = arith.constant 0 : i32
    return %c0_i32, %c0_i32_0 : i32, i32
  }
  func.func @transform_3(%arg0: i32) -> (i32, i32) {
    %c0_i32 = arith.constant 0 : i32
    %c0_i32_0 = arith.constant 0 : i32
    return %arg0, %c0_i32 : i32, i32
  }
}

module attributes {stable_mosaic.version = 14 : i64} {
  func.func @body(%arg0: memref<2x10240x64xf32, #tpu.memory_space<vmem>>, %arg1: memref<10240x32xf32, #tpu.memory_space<vmem>>, %arg2: memref<32x64xf32, #tpu.memory_space<vmem>>, %arg3: memref<1x64xf32, #tpu.memory_space<vmem>>, %arg4: memref<1x64xf32, #tpu.memory_space<vmem>>, %arg5: memref<1x64xf32, #tpu.memory_space<vmem>>, %arg6: memref<1x64xf32, #tpu.memory_space<vmem>>, %arg7: memref<1x1xf32, #tpu.memory_space<vmem>>, %arg8: memref<10240x1xf32, #tpu.memory_space<vmem>>, %arg9: memref<10240x64xf32, #tpu.memory_space<vmem>>, %arg10: memref<10240x64xf32, #tpu.memory_space<vmem>>) attributes {dimension_semantics = [], scalar_prefetch = 0 : i64, scratch_operands = 0 : i64, tpu.core_type = #tpu.core_type<tc>} {
    %get3A = arith.constant 0 : index
    %get3A_0 = arith.constant 0 : index
    %get3A_1 = arith.constant 0 : index
    %get3A_2 = vector.load %arg0[%get3A, %get3A_0, %get3A_1] : memref<2x10240x64xf32, #tpu.memory_space<vmem>>, vector<1x10240x64xf32>
    %get3A_3 = vector.shape_cast %get3A_2 : vector<1x10240x64xf32> to vector<10240x64xf32>
    %get3A_4 = arith.constant 1 : index
    %get3A_5 = arith.constant 0 : index
    %get3A_6 = arith.constant 0 : index
    %get3A_7 = vector.load %arg0[%get3A_4, %get3A_5, %get3A_6] : memref<2x10240x64xf32, #tpu.memory_space<vmem>>, vector<1x10240x64xf32>
    %get3A_8 = vector.shape_cast %get3A_7 : vector<1x10240x64xf32> to vector<10240x64xf32>
    %add3A = arith.addf %get3A_3, %get3A_8 : vector<10240x64xf32>
    %get3A_9 = arith.constant 0 : index
    %get3A_10 = arith.constant 0 : index
    %get3A_11 = vector.load %arg1[%get3A_9, %get3A_10] : memref<10240x32xf32, #tpu.memory_space<vmem>>, vector<10240x32xf32>
    %get3A_12 = arith.constant 0 : index
    %get3A_13 = arith.constant 0 : index
    %get3A_14 = vector.load %arg2[%get3A_12, %get3A_13] : memref<32x64xf32, #tpu.memory_space<vmem>>, vector<32x64xf32>
    %dot_general3A = arith.constant dense<0.000000e+00> : vector<10240x64xf32>
    %dot_general3A_15 = tpu.matmul %get3A_11, %get3A_14, %dot_general3A {dimension_numbers = #tpu.dot_dimension_numbers<[1], [0], [0], [1], [0, 0, 1, 1], [], []>, transpose_lhs_hint = false} : vector<10240x32xf32>, vector<32x64xf32>, vector<10240x64xf32> -> vector<10240x64xf32>
    %add3A_16 = arith.addf %add3A, %dot_general3A_15 : vector<10240x64xf32>
    %get3A_17 = arith.constant 0 : index
    %get3A_18 = arith.constant 0 : index
    %get3A_19 = vector.load %arg4[%get3A_17, %get3A_18] : memref<1x64xf32, #tpu.memory_space<vmem>>, vector<1x64xf32>
    %add3A_20 = vector.broadcast %get3A_19 : vector<1x64xf32> to vector<10240x64xf32>
    %add3A_21 = arith.addf %add3A_16, %add3A_20 : vector<10240x64xf32>
    %get3A_22 = arith.constant 0 : index
    %get3A_23 = arith.constant 0 : index
    %get3A_24 = vector.load %arg3[%get3A_22, %get3A_23] : memref<1x64xf32, #tpu.memory_space<vmem>>, vector<1x64xf32>
    %add3A_25 = vector.broadcast %get3A_24 : vector<1x64xf32> to vector<10240x64xf32>
    %add3A_26 = arith.addf %add3A_21, %add3A_25 : vector<10240x64xf32>
    %get3A_27 = arith.constant 0 : index
    %get3A_28 = arith.constant 0 : index
    %get3A_29 = vector.load %arg5[%get3A_27, %get3A_28] : memref<1x64xf32, #tpu.memory_space<vmem>>, vector<1x64xf32>
    %get3A_30 = arith.constant 0 : index
    %get3A_31 = arith.constant 0 : index
    %get3A_32 = vector.load %arg6[%get3A_30, %get3A_31] : memref<1x64xf32, #tpu.memory_space<vmem>>, vector<1x64xf32>
    %get3A_33 = arith.constant 0 : index
    %get3A_34 = arith.constant 0 : index
    %get3A_35 = vector.load %arg7[%get3A_33, %get3A_34] : memref<1x1xf32, #tpu.memory_space<vmem>>, vector<1x1xf32>
    %get3A_36 = vector.extract %get3A_35[0, 0] : f32 from vector<1x1xf32>
    %iota3A = tpu.iota {dimensions = array<i32: 0>} : vector<10240x1xi32>
    %lt3A = arith.constant 10000 : i32
    %lt3A_37 = vector.broadcast %lt3A : i32 to vector<10240x1xi32>
    %lt3A_38 = arith.cmpi slt, %iota3A, %lt3A_37 : vector<10240x1xi32>
    %jit3A = arith.constant 0.000000e+00 : f32
    %broadcast_in_dim3A = vector.shape_cast %lt3A_38 : vector<10240x1xi1> to vector<10240x1xi1>
    %broadcast_in_dim3A_39 = vector.broadcast %broadcast_in_dim3A : vector<10240x1xi1> to vector<10240x64xi1>
    %broadcast_in_dim3A_40 = vector.broadcast %jit3A : f32 to vector<10240x64xf32>
    %select_n3A = arith.select %broadcast_in_dim3A_39, %add3A_26, %broadcast_in_dim3A_40 : vector<10240x64xi1>, vector<10240x64xf32>
    %reduce_sum3A = arith.constant dense<0.000000e+00> : vector<64xf32>
    %reduce_sum3A_41 = vector.multi_reduction <add>, %select_n3A, %reduce_sum3A [0] : vector<10240x64xf32> to vector<64xf32>
    %broadcast_in_dim3A_42 = vector.shape_cast %reduce_sum3A_41 : vector<64xf32> to vector<1x64xf32>
    %mul3A = arith.constant 9.99999974E-5 : f32
    %mul3A_43 = vector.broadcast %mul3A : f32 to vector<1x64xf32>
    %mul3A_44 = arith.mulf %broadcast_in_dim3A_42, %mul3A_43 : vector<1x64xf32>
    %sub3A = vector.broadcast %mul3A_44 : vector<1x64xf32> to vector<10240x64xf32>
    %sub3A_45 = arith.subf %add3A_26, %sub3A : vector<10240x64xf32>
    %mul3A_46 = arith.mulf %sub3A_45, %sub3A_45 : vector<10240x64xf32>
    %jit3A_47 = arith.constant 0.000000e+00 : f32
    %broadcast_in_dim3A_48 = vector.shape_cast %lt3A_38 : vector<10240x1xi1> to vector<10240x1xi1>
    %broadcast_in_dim3A_49 = vector.broadcast %broadcast_in_dim3A_48 : vector<10240x1xi1> to vector<10240x64xi1>
    %broadcast_in_dim3A_50 = vector.broadcast %jit3A_47 : f32 to vector<10240x64xf32>
    %select_n3A_51 = arith.select %broadcast_in_dim3A_49, %mul3A_46, %broadcast_in_dim3A_50 : vector<10240x64xi1>, vector<10240x64xf32>
    %reduce_sum3A_52 = arith.constant dense<0.000000e+00> : vector<64xf32>
    %reduce_sum3A_53 = vector.multi_reduction <add>, %select_n3A_51, %reduce_sum3A_52 [0] : vector<10240x64xf32> to vector<64xf32>
    %broadcast_in_dim3A_54 = vector.shape_cast %reduce_sum3A_53 : vector<64xf32> to vector<1x64xf32>
    %mul3A_55 = arith.constant 9.99999974E-5 : f32
    %mul3A_56 = vector.broadcast %mul3A_55 : f32 to vector<1x64xf32>
    %mul3A_57 = arith.mulf %broadcast_in_dim3A_54, %mul3A_56 : vector<1x64xf32>
    %add3A_58 = arith.constant 9.99999974E-6 : f32
    %add3A_59 = vector.broadcast %add3A_58 : f32 to vector<1x64xf32>
    %add3A_60 = arith.addf %mul3A_57, %add3A_59 : vector<1x64xf32>
    %rsqrt3A = math.rsqrt %add3A_60 : vector<1x64xf32>
    %mul3A_61 = vector.broadcast %rsqrt3A : vector<1x64xf32> to vector<10240x64xf32>
    %mul3A_62 = arith.mulf %sub3A_45, %mul3A_61 : vector<10240x64xf32>
    %mul3A_63 = vector.broadcast %get3A_29 : vector<1x64xf32> to vector<10240x64xf32>
    %mul3A_64 = arith.mulf %mul3A_62, %mul3A_63 : vector<10240x64xf32>
    %add3A_65 = vector.broadcast %get3A_32 : vector<1x64xf32> to vector<10240x64xf32>
    %add3A_66 = arith.addf %mul3A_64, %add3A_65 : vector<10240x64xf32>
    %ge3A = arith.constant 0.000000e+00 : f32
    %ge3A_67 = vector.broadcast %ge3A : f32 to vector<10240x64xf32>
    %ge3A_68 = arith.cmpf oge, %add3A_66, %ge3A_67 : vector<10240x64xf32>
    %mul3A_69 = vector.broadcast %get3A_36 : f32 to vector<10240x64xf32>
    %mul3A_70 = arith.mulf %mul3A_69, %add3A_66 : vector<10240x64xf32>
    %select_n3A_71 = arith.select %ge3A_68, %add3A_66, %mul3A_70 : vector<10240x64xi1>, vector<10240x64xf32>
    %swap3A = arith.constant 0 : index
    %swap3A_72 = arith.constant 0 : index
    %swap3A_73 = vector.load %arg9[%swap3A, %swap3A_72] : memref<10240x64xf32, #tpu.memory_space<vmem>>, vector<10240x64xf32>
    tpu.vector_store %arg9[%swap3A, %swap3A_72], %select_n3A_71 {strides = array<i32>} : memref<10240x64xf32, #tpu.memory_space<vmem>>, vector<10240x64xf32>,
    %get3A_74 = arith.constant 0 : index
    %get3A_75 = arith.constant 0 : index
    %get3A_76 = vector.load %arg8[%get3A_74, %get3A_75] : memref<10240x1xf32, #tpu.memory_space<vmem>>, vector<10240x1xf32>
    %mul3A_77 = vector.broadcast %get3A_76 : vector<10240x1xf32> to vector<10240x64xf32>
    %mul3A_78 = arith.mulf %select_n3A_71, %mul3A_77 : vector<10240x64xf32>
    %swap3A_79 = arith.constant 0 : index
    %swap3A_80 = arith.constant 0 : index
    %swap3A_81 = vector.load %arg10[%swap3A_79, %swap3A_80] : memref<10240x64xf32, #tpu.memory_space<vmem>>, vector<10240x64xf32>
    tpu.vector_store %arg10[%swap3A_79, %swap3A_80], %mul3A_78 {strides = array<i32>} : memref<10240x64xf32, #tpu.memory_space<vmem>>, vector<10240x64xf32>,
    return
  }
}

module attributes {stable_mosaic.version = 14 : i64} {
  func.func @body(%arg0: i32, %arg1: memref<2048x64xf32, #tpu.memory_space<vmem>>, %arg2: memref<2048x4xf32, #tpu.memory_space<vmem>>, %arg3: memref<320x128xf32, #tpu.memory_space<vmem>>, %arg4: memref<2048x128xf32, #tpu.memory_space<vmem>>) attributes {dimension_semantics = [#tpu.dimension_semantics<arbitrary>], iteration_bounds = array<i64: 10>, scalar_prefetch = 0 : i64, scratch_operands = 0 : i64, tpu.core_type = #tpu.core_type<tc>, window_params = [{transform_indices = @transform_0, window_bounds = array<i64: 2048, 64>}, {transform_indices = @transform_1, window_bounds = array<i64: 2048, 4>}, {pipeline_mode = #tpu.pipeline_mode<synchronous>, transform_indices = @transform_2, window_bounds = array<i64: 320, 128>}, {transform_indices = @transform_3, window_bounds = array<i64: 2048, 128>}]} {
    %get3A = arith.constant 0 : index
    %get3A_0 = arith.constant 0 : index
    %get3A_1 = vector.load %arg1[%get3A, %get3A_0] : memref<2048x64xf32, #tpu.memory_space<vmem>>, vector<2048x64xf32>
    %get3A_2 = arith.constant 0 : index
    %get3A_3 = arith.constant 0 : index
    %get3A_4 = vector.load %arg2[%get3A_2, %get3A_3] : memref<2048x4xf32, #tpu.memory_space<vmem>>, vector<2048x4xf32>
    %slice3A = vector.extract_strided_slice %get3A_4 {offsets = [0, 0], sizes = [2048, 1], strides = [1, 1]} : vector<2048x4xf32> to vector<2048x1xf32>
    %mul3A = vector.broadcast %slice3A : vector<2048x1xf32> to vector<2048x64xf32>
    %mul3A_5 = arith.mulf %get3A_1, %mul3A : vector<2048x64xf32>
    %slice3A_6 = vector.extract_strided_slice %get3A_4 {offsets = [0, 1], sizes = [2048, 1], strides = [1, 1]} : vector<2048x4xf32> to vector<2048x1xf32>
    %mul3A_7 = vector.broadcast %slice3A_6 : vector<2048x1xf32> to vector<2048x64xf32>
    %mul3A_8 = arith.mulf %get3A_1, %mul3A_7 : vector<2048x64xf32>
    %slice3A_9 = vector.extract_strided_slice %get3A_4 {offsets = [0, 2], sizes = [2048, 1], strides = [1, 1]} : vector<2048x4xf32> to vector<2048x1xf32>
    %mul3A_10 = vector.broadcast %slice3A_9 : vector<2048x1xf32> to vector<2048x64xf32>
    %mul3A_11 = arith.mulf %get3A_1, %mul3A_10 : vector<2048x64xf32>
    %slice3A_12 = vector.extract_strided_slice %get3A_4 {offsets = [0, 3], sizes = [2048, 1], strides = [1, 1]} : vector<2048x4xf32> to vector<2048x1xf32>
    %mul3A_13 = vector.broadcast %slice3A_12 : vector<2048x1xf32> to vector<2048x64xf32>
    %mul3A_14 = arith.mulf %get3A_1, %mul3A_13 : vector<2048x64xf32>
    %concatenate3A = tpu.concatenate %mul3A_5, %mul3A_8, %mul3A_11, %mul3A_14, %get3A_1 in 1 : vector<2048x64xf32>, vector<2048x64xf32>, vector<2048x64xf32>, vector<2048x64xf32>, vector<2048x64xf32> -> vector<2048x320xf32>
    %get3A_15 = arith.constant 0 : index
    %get3A_16 = arith.constant 0 : index
    %get3A_17 = vector.load %arg3[%get3A_15, %get3A_16] : memref<320x128xf32, #tpu.memory_space<vmem>>, vector<320x128xf32>
    %dot_general3A = arith.constant dense<0.000000e+00> : vector<2048x128xf32>
    %dot_general3A_18 = tpu.matmul %concatenate3A, %get3A_17, %dot_general3A {dimension_numbers = #tpu.dot_dimension_numbers<[1], [0], [0], [1], [0, 0, 1, 1], [], []>, transpose_lhs_hint = false} : vector<2048x320xf32>, vector<320x128xf32>, vector<2048x128xf32> -> vector<2048x128xf32>
    %swap3A = arith.constant 0 : index
    %swap3A_19 = arith.constant 0 : index
    %swap3A_20 = vector.load %arg4[%swap3A, %swap3A_19] : memref<2048x128xf32, #tpu.memory_space<vmem>>, vector<2048x128xf32>
    tpu.vector_store %arg4[%swap3A, %swap3A_19], %dot_general3A_18 {strides = array<i32>} : memref<2048x128xf32, #tpu.memory_space<vmem>>, vector<2048x128xf32>,
    return
  }
  func.func @transform_0(%arg0: i32) -> (i32, i32) {
    %c0_i32 = arith.constant 0 : i32
    %c0_i32_0 = arith.constant 0 : i32
    return %arg0, %c0_i32 : i32, i32
  }
  func.func @transform_1(%arg0: i32) -> (i32, i32) {
    %c0_i32 = arith.constant 0 : i32
    %c0_i32_0 = arith.constant 0 : i32
    return %arg0, %c0_i32 : i32, i32
  }
  func.func @transform_2(%arg0: i32) -> (i32, i32) {
    %c0_i32 = arith.constant 0 : i32
    %c0_i32_0 = arith.constant 0 : i32
    %c0_i32_1 = arith.constant 0 : i32
    return %c0_i32, %c0_i32_0 : i32, i32
  }
  func.func @transform_3(%arg0: i32) -> (i32, i32) {
    %c0_i32 = arith.constant 0 : i32
    %c0_i32_0 = arith.constant 0 : i32
    return %arg0, %c0_i32 : i32, i32
  }
}

module attributes {stable_mosaic.version = 14 : i64} {
  func.func @body(%arg0: memref<2x10240x128xf32, #tpu.memory_space<vmem>>, %arg1: memref<10240x64xf32, #tpu.memory_space<vmem>>, %arg2: memref<64x128xf32, #tpu.memory_space<vmem>>, %arg3: memref<1x128xf32, #tpu.memory_space<vmem>>, %arg4: memref<1x128xf32, #tpu.memory_space<vmem>>, %arg5: memref<1x128xf32, #tpu.memory_space<vmem>>, %arg6: memref<1x128xf32, #tpu.memory_space<vmem>>, %arg7: memref<1x1xf32, #tpu.memory_space<vmem>>, %arg8: memref<128x128xf32, #tpu.memory_space<vmem>>, %arg9: memref<1x128xf32, #tpu.memory_space<vmem>>, %arg10: memref<128x128xf32, #tpu.memory_space<vmem>>, %arg11: memref<1x128xf32, #tpu.memory_space<vmem>>, %arg12: memref<1x10240xi32, #tpu.memory_space<vmem>>, %arg13: memref<128x128xf32, #tpu.memory_space<vmem>>, %arg14: memref<1x128xf32, #tpu.memory_space<vmem>>, %arg15: memref<256x64xf32, #tpu.memory_space<vmem>>, %arg16: memref<256x64xf32, #tpu.memory_space<vmem>>) attributes {dimension_semantics = [], scalar_prefetch = 0 : i64, scratch_operands = 0 : i64, tpu.core_type = #tpu.core_type<tc>} {
    %get3A = arith.constant 0 : index
    %get3A_0 = arith.constant 0 : index
    %get3A_1 = arith.constant 0 : index
    %get3A_2 = vector.load %arg0[%get3A, %get3A_0, %get3A_1] : memref<2x10240x128xf32, #tpu.memory_space<vmem>>, vector<1x10240x128xf32>
    %get3A_3 = vector.shape_cast %get3A_2 : vector<1x10240x128xf32> to vector<10240x128xf32>
    %get3A_4 = arith.constant 1 : index
    %get3A_5 = arith.constant 0 : index
    %get3A_6 = arith.constant 0 : index
    %get3A_7 = vector.load %arg0[%get3A_4, %get3A_5, %get3A_6] : memref<2x10240x128xf32, #tpu.memory_space<vmem>>, vector<1x10240x128xf32>
    %get3A_8 = vector.shape_cast %get3A_7 : vector<1x10240x128xf32> to vector<10240x128xf32>
    %add3A = arith.addf %get3A_3, %get3A_8 : vector<10240x128xf32>
    %get3A_9 = arith.constant 0 : index
    %get3A_10 = arith.constant 0 : index
    %get3A_11 = vector.load %arg1[%get3A_9, %get3A_10] : memref<10240x64xf32, #tpu.memory_space<vmem>>, vector<10240x64xf32>
    %get3A_12 = arith.constant 0 : index
    %get3A_13 = arith.constant 0 : index
    %get3A_14 = vector.load %arg2[%get3A_12, %get3A_13] : memref<64x128xf32, #tpu.memory_space<vmem>>, vector<64x128xf32>
    %dot_general3A = arith.constant dense<0.000000e+00> : vector<10240x128xf32>
    %dot_general3A_15 = tpu.matmul %get3A_11, %get3A_14, %dot_general3A {dimension_numbers = #tpu.dot_dimension_numbers<[1], [0], [0], [1], [0, 0, 1, 1], [], []>, transpose_lhs_hint = false} : vector<10240x64xf32>, vector<64x128xf32>, vector<10240x128xf32> -> vector<10240x128xf32>
    %add3A_16 = arith.addf %add3A, %dot_general3A_15 : vector<10240x128xf32>
    %get3A_17 = arith.constant 0 : index
    %get3A_18 = arith.constant 0 : index
    %get3A_19 = vector.load %arg4[%get3A_17, %get3A_18] : memref<1x128xf32, #tpu.memory_space<vmem>>, vector<1x128xf32>
    %add3A_20 = vector.broadcast %get3A_19 : vector<1x128xf32> to vector<10240x128xf32>
    %add3A_21 = arith.addf %add3A_16, %add3A_20 : vector<10240x128xf32>
    %get3A_22 = arith.constant 0 : index
    %get3A_23 = arith.constant 0 : index
    %get3A_24 = vector.load %arg3[%get3A_22, %get3A_23] : memref<1x128xf32, #tpu.memory_space<vmem>>, vector<1x128xf32>
    %add3A_25 = vector.broadcast %get3A_24 : vector<1x128xf32> to vector<10240x128xf32>
    %add3A_26 = arith.addf %add3A_21, %add3A_25 : vector<10240x128xf32>
    %get3A_27 = arith.constant 0 : index
    %get3A_28 = arith.constant 0 : index
    %get3A_29 = vector.load %arg5[%get3A_27, %get3A_28] : memref<1x128xf32, #tpu.memory_space<vmem>>, vector<1x128xf32>
    %get3A_30 = arith.constant 0 : index
    %get3A_31 = arith.constant 0 : index
    %get3A_32 = vector.load %arg6[%get3A_30, %get3A_31] : memref<1x128xf32, #tpu.memory_space<vmem>>, vector<1x128xf32>
    %get3A_33 = arith.constant 0 : index
    %get3A_34 = arith.constant 0 : index
    %get3A_35 = vector.load %arg7[%get3A_33, %get3A_34] : memref<1x1xf32, #tpu.memory_space<vmem>>, vector<1x1xf32>
    %get3A_36 = vector.extract %get3A_35[0, 0] : f32 from vector<1x1xf32>
    %iota3A = tpu.iota {dimensions = array<i32: 0>} : vector<10240x1xi32>
    %lt3A = arith.constant 10000 : i32
    %lt3A_37 = vector.broadcast %lt3A : i32 to vector<10240x1xi32>
    %lt3A_38 = arith.cmpi slt, %iota3A, %lt3A_37 : vector<10240x1xi32>
    %jit3A = arith.constant 0.000000e+00 : f32
    %broadcast_in_dim3A = vector.shape_cast %lt3A_38 : vector<10240x1xi1> to vector<10240x1xi1>
    %broadcast_in_dim3A_39 = vector.broadcast %broadcast_in_dim3A : vector<10240x1xi1> to vector<10240x128xi1>
    %broadcast_in_dim3A_40 = vector.broadcast %jit3A : f32 to vector<10240x128xf32>
    %select_n3A = arith.select %broadcast_in_dim3A_39, %add3A_26, %broadcast_in_dim3A_40 : vector<10240x128xi1>, vector<10240x128xf32>
    %reduce_sum3A = arith.constant dense<0.000000e+00> : vector<128xf32>
    %reduce_sum3A_41 = vector.multi_reduction <add>, %select_n3A, %reduce_sum3A [0] : vector<10240x128xf32> to vector<128xf32>
    %broadcast_in_dim3A_42 = vector.shape_cast %reduce_sum3A_41 : vector<128xf32> to vector<1x128xf32>
    %mul3A = arith.constant 9.99999974E-5 : f32
    %mul3A_43 = vector.broadcast %mul3A : f32 to vector<1x128xf32>
    %mul3A_44 = arith.mulf %broadcast_in_dim3A_42, %mul3A_43 : vector<1x128xf32>
    %sub3A = vector.broadcast %mul3A_44 : vector<1x128xf32> to vector<10240x128xf32>
    %sub3A_45 = arith.subf %add3A_26, %sub3A : vector<10240x128xf32>
    %mul3A_46 = arith.mulf %sub3A_45, %sub3A_45 : vector<10240x128xf32>
    %jit3A_47 = arith.constant 0.000000e+00 : f32
    %broadcast_in_dim3A_48 = vector.shape_cast %lt3A_38 : vector<10240x1xi1> to vector<10240x1xi1>
    %broadcast_in_dim3A_49 = vector.broadcast %broadcast_in_dim3A_48 : vector<10240x1xi1> to vector<10240x128xi1>
    %broadcast_in_dim3A_50 = vector.broadcast %jit3A_47 : f32 to vector<10240x128xf32>
    %select_n3A_51 = arith.select %broadcast_in_dim3A_49, %mul3A_46, %broadcast_in_dim3A_50 : vector<10240x128xi1>, vector<10240x128xf32>
    %reduce_sum3A_52 = arith.constant dense<0.000000e+00> : vector<128xf32>
    %reduce_sum3A_53 = vector.multi_reduction <add>, %select_n3A_51, %reduce_sum3A_52 [0] : vector<10240x128xf32> to vector<128xf32>
    %broadcast_in_dim3A_54 = vector.shape_cast %reduce_sum3A_53 : vector<128xf32> to vector<1x128xf32>
    %mul3A_55 = arith.constant 9.99999974E-5 : f32
    %mul3A_56 = vector.broadcast %mul3A_55 : f32 to vector<1x128xf32>
    %mul3A_57 = arith.mulf %broadcast_in_dim3A_54, %mul3A_56 : vector<1x128xf32>
    %add3A_58 = arith.constant 9.99999974E-6 : f32
    %add3A_59 = vector.broadcast %add3A_58 : f32 to vector<1x128xf32>
    %add3A_60 = arith.addf %mul3A_57, %add3A_59 : vector<1x128xf32>
    %rsqrt3A = math.rsqrt %add3A_60 : vector<1x128xf32>
    %mul3A_61 = vector.broadcast %rsqrt3A : vector<1x128xf32> to vector<10240x128xf32>
    %mul3A_62 = arith.mulf %sub3A_45, %mul3A_61 : vector<10240x128xf32>
    %mul3A_63 = vector.broadcast %get3A_29 : vector<1x128xf32> to vector<10240x128xf32>
    %mul3A_64 = arith.mulf %mul3A_62, %mul3A_63 : vector<10240x128xf32>
    %add3A_65 = vector.broadcast %get3A_32 : vector<1x128xf32> to vector<10240x128xf32>
    %add3A_66 = arith.addf %mul3A_64, %add3A_65 : vector<10240x128xf32>
    %ge3A = arith.constant 0.000000e+00 : f32
    %ge3A_67 = vector.broadcast %ge3A : f32 to vector<10240x128xf32>
    %ge3A_68 = arith.cmpf oge, %add3A_66, %ge3A_67 : vector<10240x128xf32>
    %mul3A_69 = vector.broadcast %get3A_36 : f32 to vector<10240x128xf32>
    %mul3A_70 = arith.mulf %mul3A_69, %add3A_66 : vector<10240x128xf32>
    %select_n3A_71 = arith.select %ge3A_68, %add3A_66, %mul3A_70 : vector<10240x128xi1>, vector<10240x128xf32>
    %get3A_72 = arith.constant 0 : index
    %get3A_73 = arith.constant 0 : index
    %get3A_74 = vector.load %arg8[%get3A_72, %get3A_73] : memref<128x128xf32, #tpu.memory_space<vmem>>, vector<128x128xf32>
    %dot_general3A_75 = arith.constant dense<0.000000e+00> : vector<10240x128xf32>
    %dot_general3A_76 = tpu.matmul %select_n3A_71, %get3A_74, %dot_general3A_75 {dimension_numbers = #tpu.dot_dimension_numbers<[1], [0], [0], [1], [0, 0, 1, 1], [], []>, transpose_lhs_hint = false} : vector<10240x128xf32>, vector<128x128xf32>, vector<10240x128xf32> -> vector<10240x128xf32>
    %get3A_77 = arith.constant 0 : index
    %get3A_78 = arith.constant 0 : index
    %get3A_79 = vector.load %arg9[%get3A_77, %get3A_78] : memref<1x128xf32, #tpu.memory_space<vmem>>, vector<1x128xf32>
    %add3A_80 = vector.broadcast %get3A_79 : vector<1x128xf32> to vector<10240x128xf32>
    %add3A_81 = arith.addf %dot_general3A_76, %add3A_80 : vector<10240x128xf32>
    %logistic3A = arith.negf %add3A_81 : vector<10240x128xf32>
    %logistic3A_82 = math.exp %logistic3A : vector<10240x128xf32>
    %logistic3A_83 = arith.constant 1.000000e+00 : f32
    %logistic3A_84 = vector.broadcast %logistic3A_83 : f32 to vector<10240x128xf32>
    %logistic3A_85 = arith.addf %logistic3A_84, %logistic3A_82 : vector<10240x128xf32>
    %logistic3A_86 = arith.divf %logistic3A_84, %logistic3A_85 : vector<10240x128xf32>
    %get3A_87 = arith.constant 0 : index
    %get3A_88 = arith.constant 0 : index
    %get3A_89 = vector.load %arg10[%get3A_87, %get3A_88] : memref<128x128xf32, #tpu.memory_space<vmem>>, vector<128x128xf32>
    %dot_general3A_90 = arith.constant dense<0.000000e+00> : vector<10240x128xf32>
    %dot_general3A_91 = tpu.matmul %select_n3A_71, %get3A_89, %dot_general3A_90 {dimension_numbers = #tpu.dot_dimension_numbers<[1], [0], [0], [1], [0, 0, 1, 1], [], []>, transpose_lhs_hint = false} : vector<10240x128xf32>, vector<128x128xf32>, vector<10240x128xf32> -> vector<10240x128xf32>
    %get3A_92 = arith.constant 0 : index
    %get3A_93 = arith.constant 0 : index
    %get3A_94 = vector.load %arg11[%get3A_92, %get3A_93] : memref<1x128xf32, #tpu.memory_space<vmem>>, vector<1x128xf32>
    %add3A_95 = vector.broadcast %get3A_94 : vector<1x128xf32> to vector<10240x128xf32>
    %add3A_96 = arith.addf %dot_general3A_91, %add3A_95 : vector<10240x128xf32>
    %tanh3A = math.tanh %add3A_96 : vector<10240x128xf32>
    %mul3A_97 = arith.mulf %logistic3A_86, %tanh3A : vector<10240x128xf32>
    %iota3A_98 = tpu.iota {dimensions = array<i32: 0>} : vector<256x10240xi32>
    %get3A_99 = arith.constant 0 : index
    %get3A_100 = arith.constant 0 : index
    %get3A_101 = vector.load %arg12[%get3A_99, %get3A_100] : memref<1x10240xi32, #tpu.memory_space<vmem>>, vector<1x10240xi32>
    %eq3A = vector.broadcast %get3A_101 : vector<1x10240xi32> to vector<256x10240xi32>
    %eq3A_102 = arith.cmpi eq, %iota3A_98, %eq3A : vector<256x10240xi32>
    %jit3A_103 = arith.constant 1.000000e+00 : f32
    %jit3A_104 = arith.constant 0.000000e+00 : f32
    %broadcast_in_dim3A_105 = vector.broadcast %jit3A_103 : f32 to vector<256x10240xf32>
    %broadcast_in_dim3A_106 = vector.broadcast %jit3A_104 : f32 to vector<256x10240xf32>
    %select_n3A_107 = arith.select %eq3A_102, %broadcast_in_dim3A_105, %broadcast_in_dim3A_106 : vector<256x10240xi1>, vector<256x10240xf32>
    %dot_general3A_108 = arith.constant dense<0.000000e+00> : vector<256x128xf32>
    %dot_general3A_109 = tpu.matmul %select_n3A_107, %mul3A_97, %dot_general3A_108 {dimension_numbers = #tpu.dot_dimension_numbers<[1], [0], [0], [1], [0, 0, 1, 1], [], []>, transpose_lhs_hint = false} : vector<256x10240xf32>, vector<10240x128xf32>, vector<256x128xf32> -> vector<256x128xf32>
    %tanh3A_110 = math.tanh %dot_general3A_109 : vector<256x128xf32>
    %get3A_111 = arith.constant 0 : index
    %get3A_112 = arith.constant 0 : index
    %get3A_113 = vector.load %arg13[%get3A_111, %get3A_112] : memref<128x128xf32, #tpu.memory_space<vmem>>, vector<128x128xf32>
    %dot_general3A_114 = arith.constant dense<0.000000e+00> : vector<256x128xf32>
    %dot_general3A_115 = tpu.matmul %tanh3A_110, %get3A_113, %dot_general3A_114 {dimension_numbers = #tpu.dot_dimension_numbers<[1], [0], [0], [1], [0, 0, 1, 1], [], []>, transpose_lhs_hint = false} : vector<256x128xf32>, vector<128x128xf32>, vector<256x128xf32> -> vector<256x128xf32>
    %get3A_116 = arith.constant 0 : index
    %get3A_117 = arith.constant 0 : index
    %get3A_118 = vector.load %arg14[%get3A_116, %get3A_117] : memref<1x128xf32, #tpu.memory_space<vmem>>, vector<1x128xf32>
    %add3A_119 = vector.broadcast %get3A_118 : vector<1x128xf32> to vector<256x128xf32>
    %add3A_120 = arith.addf %dot_general3A_115, %add3A_119 : vector<256x128xf32>
    %slice3A = vector.extract_strided_slice %add3A_120 {offsets = [0, 0], sizes = [256, 64], strides = [1, 1]} : vector<256x128xf32> to vector<256x64xf32>
    %swap3A = arith.constant 0 : index
    %swap3A_121 = arith.constant 0 : index
    %swap3A_122 = vector.load %arg15[%swap3A, %swap3A_121] : memref<256x64xf32, #tpu.memory_space<vmem>>, vector<256x64xf32>
    tpu.vector_store %arg15[%swap3A, %swap3A_121], %slice3A {strides = array<i32>} : memref<256x64xf32, #tpu.memory_space<vmem>>, vector<256x64xf32>,
    %slice3A_123 = vector.extract_strided_slice %add3A_120 {offsets = [0, 64], sizes = [256, 64], strides = [1, 1]} : vector<256x128xf32> to vector<256x64xf32>
    %swap3A_124 = arith.constant 0 : index
    %swap3A_125 = arith.constant 0 : index
    %swap3A_126 = vector.load %arg16[%swap3A_124, %swap3A_125] : memref<256x64xf32, #tpu.memory_space<vmem>>, vector<256x64xf32>
    tpu.vector_store %arg16[%swap3A_124, %swap3A_125], %slice3A_123 {strides = array<i32>} : memref<256x64xf32, #tpu.memory_space<vmem>>, vector<256x64xf32>,
    return
  }
}

</mosaic_0001>

<sc_bundles>
// kernel: kernel.16.cloned.1.call-start
scs
__scs_entry_jumppad:
0x0: {  	(pc) =	sbr.rel $0x88, $3  }
0x1: {  	(tag) =	ssettag $0x0;
	lr =	simm.s32 $0x1  }
0x2: {  	[smem:$0x3F7F] =	sst lr;
	_ =	strace $0xD0000000  }
0x3: {  	_ = 	snop  }
0x4: {  	_ = 	snop  }
0x5: {  	_ = 	snop  }
0x6: {  	_ = 	snop  }
0x7: {  	_ = 	snop  }
__scs_overlays_trampoline_lowered:
0x8: {  	[smem:$0x3F8E] =	sst s0  }
0x9: {  	[smem:$0x3F8F] =	sst s1  }
0xa: {  	[smem:$0x3F90] =	sst s2  }
0xb: {  	[smem:$0x3F91] =	sst s3  }
0xc: {  	[smem:$0x3F92] =	sst s4  }
0xd: {  	[smem:$0x3F93] =	sst s5  }
0xe: {  	[smem:$0x3F94] =	sst s6  }
0xf: {  	[smem:$0x3F95] =	sst s7  }
0x10: {  	[smem:$0x3F96] =	sst s8  }
0x11: {  	[smem:$0x3F97] =	sst s9;
	s0 =	simm.s32 @!p0 $0x0  }
0x12: {  	s1 =	sld [smem:$0x3F7D];
	s0 =	simm.s32 @p0 $0x1  }
0x13: {  	[smem:$0x3F98] =	sst s0;
	s0 =	simm.s32 @!p1 $0x0  }
0x14: {  	s2 =	sld [smem:$0x3F7C];
	s0 =	simm.s32 @p1 $0x1  }
0x15: {  	[smem:$0x3F99] =	sst s0;
	s0 =	simm.s32 @!p2 $0x0  }
0x16: {  	s3 =	sld [smem:$0x3FDB];
	s0 =	simm.s32 @p2 $0x1  }
0x17: {  	s4 =	simm.s32 $0x1BF5;
	[smem:$0x3F9B] =	sst s0  }
0x18: {  	s0 =	sld [smem:$0x3F7E];
	_ =	swait.ge [sflag:s4], $0x0  }
0x19: {  	s7 =	sld [smem:$0x3F7F]  }
0x1a: {  	s8 =	sadd.s32 $0xFFFFE003, lr  }
0x1b: {  	s9 =	sadd.s32 $0xFFFFFEF7, lr;
	s5 =	simm.s32 $0xFFFFFFFF;
	p2 =	slt.u32 s8, $0xFFFFF086  }
0x1c: {  	p1 =	slt.u32 s9, $0xF7A;
	s5 =	simm.s32 @!p2 $0x0  }
0x1d: {  	s5 =	simm.s32 @p1 $0x1;
	p0 =	seq.s32 s7, s2  }
0x1e: {  	s7 =	smul.u32 @!p0 $0xF7A, s2;
	p2 =	seq.s32 @!p0 s5, $0x0  }
0x1f: {  	s9 =	smul.u32 $0xF7A, s1;
	s8 =	simm.s32 @!p0 $0x1BF5;
	p2 =	por !p2, p0  }
0x20: {  	[sflag:s8] =	ssyncset.s32 @!p0 $0xFFFFF086;
	s6 =	sadd.s32 @!p0 s3, s7;
	s7 =	simm.s32 @!p0 $0x108  }
0x21: {  	s3 =	sadd.s32 s3, s9;
	s6 =	sadd.s32 @!p0 $0x88, s6;
	s7 =	simm.s32 @p2 $0x1082  }
0x22: {  	[simem:s7], [sflag:s8] =	dma.local @!p0 [hbm:s6], $0xF7A  }
0x23: {  	s9 =	sor.u32 $0xD0000000, s2;
	s6 =	simm.s32 $0x108;
	_ =	swait.ge @!p0 [sflag:s8], $0x0  }
0x24: {  	s3 =	sadd.s32 $0x88, s3;
	s6 =	simm.s32 @!p1 $0x1082;
	[sflag:s4] =	ssyncset.s32 $0xFFFFF086  }
0x25: {  	[simem:s6], [sflag:s4] =	dma.local [hbm:s3], $0xF7A  }
0x26: {  	[smem:$0x3F7F] =	sst s1;
	(tag) =	ssettag s2;
	_ =	strace s9  }
0x27: {  	s1 =	sld [smem:$0x3F8F]  }
0x28: {  	s2 =	sld [smem:$0x3F90]  }
0x29: {  	s4 =	sld [smem:$0x3F92]  }
0x2a: {  	p0 =	seq.s32 s5, $0x0;
	s5 =	sld [smem:$0x3F93]  }
0x2b: {  	s6 =	sld [smem:$0x3F94]  }
0x2c: {  	s7 =	sld [smem:$0x3F95]  }
0x2d: {  	s3 =	simm.s32 $0x108;
	s8 =	sld [smem:$0x3F96]  }
0x2e: {  	s3 =	simm.s32 @!p0 $0x1082;
	s9 =	sld [smem:$0x3F97]  }
0x2f: {  	lr =	sadd.s32 s0, s3;
	s0 =	sld [smem:$0x3F8E]  }
0x30: {  	s3 =	sld [smem:$0x3F91]  }
0x31: {  	[smem:$0x3F9A] =	sst s10  }
0x32: {  	s10 =	sld [smem:$0x3F98];
	_ =	sdelay $0x3  }
0x33: {  	p0 =	seq.s32 s10, $0x1;
	s10 =	sld [smem:$0x3F9A];
	_ =	sdelay $0x3  }
0x34: {  	[smem:$0x3F9A] =	sst s10  }
0x35: {  	s10 =	sld [smem:$0x3F99];
	_ =	sdelay $0x3  }
0x36: {  	p1 =	seq.s32 s10, $0x1;
	s10 =	sld [smem:$0x3F9A];
	_ =	sdelay $0x3  }
0x37: {  	[smem:$0x3F9A] =	sst s10  }
0x38: {  	s10 =	sld [smem:$0x3F9B]  }
0x39: {  	_ = 	snop;
	(pc) =	sbr.ind lr, $3  }
0x3a: {  	_ = 	snop  }
0x3b: {  	_ = 	snop  }
0x3c: {  	p2 =	seq.s32 s10, $0x1;
	s10 =	sld [smem:$0x3F9A]  }
0x3d: {  	_ =	shalt  }
0x3e: {  	_ =	shalt  }
0x3f: {  	_ =	shalt  }
0x40: {  	_ =	shalt  }
0x41: {  	_ =	shalt  }
0x42: {  	_ =	shalt  }
0x43: {  	_ =	shalt  }
0x44: {  	_ =	shalt  }
0x45: {  	_ =	shalt  }
0x46: {  	_ =	shalt  }
0x47: {  	_ =	shalt  }
0x48: {  	_ =	shalt  }
0x49: {  	_ =	shalt  }
0x4a: {  	_ =	shalt  }
0x4b: {  	_ =	shalt  }
0x4c: {  	_ =	shalt  }
0x4d: {  	_ =	shalt  }
0x4e: {  	_ =	shalt  }
0x4f: {  	_ =	shalt  }
0x50: {  	_ =	shalt  }
0x51: {  	_ =	shalt  }
0x52: {  	_ =	shalt  }
0x53: {  	_ =	shalt  }
0x54: {  	_ =	shalt  }
0x55: {  	_ =	shalt  }
0x56: {  	_ =	shalt  }
0x57: {  	_ =	shalt  }
0x58: {  	_ =	shalt  }
0x59: {  	_ =	shalt  }
0x5a: {  	_ =	shalt  }
0x5b: {  	_ =	shalt  }
0x5c: {  	_ =	shalt  }
0x5d: {  	_ =	shalt  }
0x5e: {  	_ =	shalt  }
0x5f: {  	_ =	shalt  }
0x60: {  	_ =	shalt  }
0x61: {  	_ =	shalt  }
0x62: {  	_ =	shalt  }
0x63: {  	_ =	shalt  }
0x64: {  	_ =	shalt  }
0x65: {  	_ =	shalt  }
0x66: {  	_ =	shalt  }
0x67: {  	_ =	shalt  }
0x68: {  	_ =	shalt  }
0x69: {  	_ =	shalt  }
0x6a: {  	_ =	shalt  }
0x6b: {  	_ =	shalt  }
0x6c: {  	_ =	shalt  }
0x6d: {  	_ =	shalt  }
0x6e: {  	_ =	shalt  }
0x6f: {  	_ =	shalt  }
0x70: {  	_ =	shalt  }
0x71: {  	_ =	shalt  }
0x72: {  	_ =	shalt  }
0x73: {  	_ =	shalt  }
0x74: {  	_ =	shalt  }
0x75: {  	_ =	shalt  }
0x76: {  	_ =	shalt  }
0x77: {  	_ =	shalt  }
0x78: {  	_ =	shalt  }
0x79: {  	_ =	shalt  }
0x7a: {  	_ =	shalt  }
0x7b: {  	_ =	shalt  }
0x7c: {  	_ =	shalt  }
0x7d: {  	_ =	shalt  }
0x7e: {  	_ =	shalt  }
0x7f: {  	_ =	shalt  }
0x80: {  	_ =	shalt  }
0x81: {  	_ =	shalt  }
0x82: {  	_ =	shalt  }
0x83: {  	_ =	shalt  }
0x84: {  	_ =	shalt  }
0x85: {  	_ =	shalt  }
0x86: {  	_ =	shalt  }
0x87: {  	_ =	shalt  }
.Lfunc_end0:
.L_simem_size_0:
called_computation_lowered:
.L_overlay_start_0:
0x88: {  	s2 =	sld [smem:$0x3FD9]  }
0x89: {  	s3 =	sld [smem:$0x3FFE];
	_ =	sdelay $0x1  }
0x8a: {  	s1 =	srdreg.scid  }
0x8b: {  	s0 =	sand.u32 $0x1, s1  }
0x8c: {  	s14 =	sshll.u32 s0, $0xA;
	s2 =	sadd.s32 s3, s2  }
0x8d: {  	s2 =	sadd.s32 s2, s14  }
0x8e: {  	[smem:$0x3FA6] =	sst s2  }
0x8f: {  	_ = 	snop  }
0x90: {  	s2 =	sld [smem:$0x3FD0];
	_ =	sdelay $0x2  }
0x91: {  	s15 =	simm.s32 $0xA;
	s4 =	simm.s32 $0x10  }
0x92: {  	[smem:s4], [sflag:s15] =	dma.local [hbm:s2], $0x1  }
0x93: {  	_ =	swait.eq [sflag:s15], $0x1  }
0x94: {  	[sflag:s15] =	ssyncset.done $0x0  }
0x95: {  	[sflag:s15] =	ssyncadd.s32 $0xFFFFFFFF  }
0x96: {  	s16 =	sld [smem:$0x11];
	(tm) =	ssettm $0x1  }
0x97: {  	s17 =	sld [smem:$0x3FFB];
	_ =	sdelay $0x3  }
0x98: {  	_ =	strace s17  }
0x99: {  	s3 =	sld [smem:$0x3FFC];
	_ =	sdelay $0x3  }
0x9a: {  	_ =	strace s3  }
0x9b: {  	s3 =	sld [smem:$0x3FFD];
	_ =	sdelay $0x3  }
0x9c: {  	_ =	strace s3  }
0x9d: {  	_ =	strace $0x8FFFFFFF  }
0x9e: {  	s18 =	sld [smem:$0x3FDB];
	_ =	sdelay $0x1  }
0x9f: {  	s19 =	simm.s32 $_scs_section_size  }
0xa0: {  	s5 =	simm.s32 $_size__tile_overlayer_lowered;
	s6 =	simm.s32 $_tile_overlayer_lowered  }
0xa1: {  	s22 =	simm.s32 $0x1BFF;
	s21 =	sshll.u32 s6, $0x1;
	s3 =	sadd.s32 s19, s18  }
0xa2: {  	s7 =	simm.s32 $0x0;
	s20 =	sshll.u32 s5, $0x1;
	s5 =	sadd.s32 s21, s3  }
0xa3: {  	[timem:s7], [sflag:s22] =	dma.local [hbm:s5], s20  }
0xa4: {  	_ =	swait.ge [sflag:s22], s20  }
0xa5: {  	s4 =	ssub.s32 $0x0, s20;
	[sflag:s22] =	ssyncset.done $0x0  }
0xa6: {  	[sflag:s22] =	ssyncadd.s32 s4;
	_ =	sdelay $0x1  }
0xa7: {  	s23 =	simm.s32 $0x1B8B  }
0xa8: {  	_ =	swait.ge [sflag:s23], $0x1  }
0xa9: {  	[sflag:s23] =	ssyncset.done $0x0  }
0xaa: {  	s25 =	simm.s32 $0x1B8E;
	s24 =	sld [smem:$0x3FFE];
	[sflag:s23] =	ssyncadd.s32 $0xFFFFFFFF  }
0xab: {  	s26 =	simm.s32 $execute0_lowered;
	[smem:$0x3FD2] =	sst s25  }
0xac: {  	s5 =	sshll.u32 s26, $0x1;
	_ =	strace $0x80000046;
	[dreg:$0x1] =	wrdreg $0xFFFFFFFF  }
0xad: {  	s28 =	simm.s32 $_size_execute0_lowered;
	s3 =	sadd.s32 s3, s5;
	[dreg:$0x0] =	wrdreg $0x0  }
0xae: {  	s5 =	sshll.u32 s28, $0x1;
	[dreg:$0x2] =	wrdreg s3  }
0xaf: {  	[dreg:$0x3] =	wrdreg s5  }
0xb0: {  	[dreg:$0x4] =	wrdreg $0xC0  }
0xb1: {  	_ =	task [dreg:s7], $0x5FFFF  }
0xb2: {  	[dreg:$0x1] =	wrdreg $0xFFFFFFFF  }
0xb3: {  	[dreg:$0x0] =	wrdreg $0x60  }
0xb4: {  	[dreg:$0x2] =	wrdreg s24  }
0xb5: {  	[dreg:$0x3] =	wrdreg s16  }
0xb6: {  	[dreg:$0x4] =	wrdreg $0x12800  }
0xb7: {  	[dreg:$0x5] =	wrdreg $0x9  }
0xb8: {  	_ =	task.clear_ibuf [dreg:s7], $0x6FFFF;
	_ =	strace $0x90000046  }
0xb9: {  	s29 =	simm.s32 $0x9;
	_ =	strace $0x80000048  }
0xba: {  	_ =	swait.ge [sflag:s29], $0x1  }
0xbb: {  	[sflag:s29] =	ssyncadd.s32 $0xFFFFFFFF  }
0xbc: {  	_ =	strace $0x90000048  }
0xbd: {  	_ =	sfence  }
0xbe: {  	s30 =	sld [smem:$0x0];
	_ =	sdelay $0x2  }
0xbf: {  	s31 =	sshll.u32 s1, $0xD;
	s1 =	sshrl.u32 s1, $0x2  }
0xc0: {  	s3 =	sand.u32 $0x4000, s31;
	s1 =	sadd.s32 s1, s30  }
0xc1: {  	s0 =	sor.u32 s3, s0;
	s1 =	sshll.u32 s1, $0x11  }
0xc2: {  	s0 =	sor.u32 s1, s0  }
0xc3: {  	s0 =	sadd.s32 $0x8F2B, s0  }
0xc4: {  	[sflag:s0] =	ssyncadd.remote.s32 $0x1  }
0xc5: {  	_ =	sfence.sel $0xFFFF  }
0xc6: {  	[dreg:$0x0] =	wrdreg $0xFFFFFFFF;
	(pc) =	sbr.abs _section_cstart, $3  }
0xc7: {  	[dreg:$0x1] =	wrdreg $0xFFFFFFFF  }
0xc8: {  	_ =	task.clear_ibuf [dreg:s7], $0x2FFFF;
	_ =	strace $0x9FFFFFFF  }
0xc9: {  	(tm) =	ssettm $0x7FFFFFFF  }
tec
execute0_lowered:
.L_overlay_start_1:
0x0: {  	(tag) =	ssettag $0x1  }
0x1: {  	s24 =	rddreg [dreg:$0x0]  }
0x2: {  	s1 =	srdreg.scid;
	s0 =	stileid.u32  }
0x3: {  	s2 =	rddreg [dreg:$0x1];
	s25 =	sand.u32 $0x1, s1;
	s30 =	sshll.u32 s0, $0x1  }
0x4: {  	s3 =	rddreg [dreg:$0x2];
	s28 =	smul.u32 $0x2800, s0;
	s5 =	sor.u32 s25, s30  }
0x5: {  	s4 =	simm.s32 $0x0;
	s10 =	simm.s32 $0xA80;
	s6 =	smul.u32 $0x50, s5  }
0x6: {  	s12 =	simm.s32 $0x1;
	s1 =	rddreg [dreg:$0x3];
	s7 =	smul.u32 $0x2800, s5  }
0x7: {  	[smem:$0x7FF] =	sst s4;
	s8 =	sadd.s32 $0x8600, s24;
	s5 =	smul.u32 $0x500, s5  }
0x8: {  	s26 =	sshll.u32 s0, $0x6;
	_ =	strace $0x80000047;
	s11 =	sadd.s32 s28, s3  }
0x9: {  	s7 =	sshrl.u32 s7, $0x3;
	s9 =	sadd.s32 s6, s24;
	s5 =	sadd.s32 s8, s5  }
0xa: {  	s21 =	sadd.s32 s8, s7;
	s8 =	sadd.s32 $0x7200, s9;
	s9 =	simm.s32 $0x280  }
0xb: {  	[tilespmem:s9], [sflag:$0x2] =	stream.linear.gather [hbm4b:s5+s4], $0x800, $0x38;
	[tilespmem:$0x3A80] =	vst v63  }
0xc: {  	s11 =	sshrl.u32 s11, $0x3;
	s7 =	sor.u32 $0x1C01, s26;
	s6 =	sadd.s32 $0x100, s21  }
0xd: {  	[tilespmem:s10], [sflag:$0x3] =	stream.linear.gather [hbm4b:s6+s4], $0x800, $0x38;
	[tilespmem:$0x3A80] =	vst v63  }
0xe: {  	[spmem:s11], [sflag:s7] =	dma.local [hbm:s2], $0x500  }
0xf: {  	[tilespmem:s4], [sflag:$0x1] =	stream.linear.gather [hbm4b:s8+s4], $0x280, $0x38;
	[tilespmem:$0x3A80] =	vst v63  }
0x10: {  	_ =	swait.ge [sflag:s12], $0x500  }
0x11: {  	[sflag:s12] =	ssyncset.done $0x0  }
0x12: {  	[sflag:s12] =	ssyncadd.s32 $0xFFFFFB00  }
0x13: {  	_ =	swait.ge [sflag:s12], $0x280  }
0x14: {  	[sflag:s12] =	ssyncset.done $0x0  }
0x15: {  	[sflag:s12] =	ssyncadd.s32 $0xFFFFFD80  }
0x16: {  	s13 =	simm.s32 $0x2;
	[bflag:$0x0] =	sbarrier.arrive $0xFFFF  }
0x17: {  	_ =	swait.ge [sflag:s13], $0x800  }
0x18: {  	[sflag:s13] =	ssyncset.done $0x0  }
0x19: {  	s14 =	simm.s32 $0x80;
	s15 =	simm.s32 $0x4;
	[sflag:s13] =	ssyncadd.s32 $0xFFFFF800  }
0x1a: {  	[spmem:s3] =	stream.indirect.scatter.add.f32 [tilespmem:s9], [sflag:$0x4], $0x10, s4, s14, $0xb8;
	[tilespmem:$0x3A80] =	vst v63  }
0x1b: {  	_ =	swait.ge [sflag:s15], $0x800  }
0x1c: {  	[sflag:s15] =	ssyncset.done $0x0  }
0x1d: {  	s17 =	simm.s32 $0x3;
	s16 =	sadd.s32 $0x200, s21;
	[sflag:s15] =	ssyncadd.s32 $0xFFFFF800  }
0x1e: {  	[tilespmem:s9], [sflag:$0x2] =	stream.linear.gather [hbm4b:s16+s4], $0x800, $0x38;
	[tilespmem:$0x3A80] =	vst v63  }
0x1f: {  	_ =	swait.ge [sflag:s17], $0x800  }
0x20: {  	[sflag:s17] =	ssyncset.done $0x0  }
0x21: {  	s18 =	simm.s32 $0x5;
	[sflag:s17] =	ssyncadd.s32 $0xFFFFF800  }
0x22: {  	[spmem:s3] =	stream.indirect.scatter.add.f32 [tilespmem:s10], [sflag:$0x5], $0x10, s14, s14, $0xb8;
	[tilespmem:$0x3A80] =	vst v63  }
0x23: {  	_ =	swait.ge [sflag:s18], $0x800  }
0x24: {  	[sflag:s18] =	ssyncset.done $0x0  }
0x25: {  	s19 =	sadd.s32 $0x300, s21;
	[sflag:s18] =	ssyncadd.s32 $0xFFFFF800  }
0x26: {  	[tilespmem:s10], [sflag:$0x3] =	stream.linear.gather [hbm4b:s19+s4], $0x800, $0x38;
	[tilespmem:$0x3A80] =	vst v63  }
0x27: {  	_ =	swait.ge [sflag:s13], $0x800  }
0x28: {  	[sflag:s13] =	ssyncset.done $0x0  }
0x29: {  	s20 =	simm.s32 $0x100;
	[sflag:s13] =	ssyncadd.s32 $0xFFFFF800  }
0x2a: {  	[spmem:s3] =	stream.indirect.scatter.add.f32 [tilespmem:s9], [sflag:$0x4], $0x10, s20, s14, $0xb8;
	[tilespmem:$0x3A80] =	vst v63  }
0x2b: {  	_ =	swait.ge [sflag:s15], $0x800  }
0x2c: {  	[sflag:s15] =	ssyncset.done $0x0  }
0x2d: {  	s21 =	sadd.s32 $0x400, s21;
	[sflag:s15] =	ssyncadd.s32 $0xFFFFF800  }
0x2e: {  	[tilespmem:s9], [sflag:$0x2] =	stream.linear.gather [hbm4b:s21+s4], $0x800, $0x38;
	[tilespmem:$0x3A80] =	vst v63  }
0x2f: {  	_ =	swait.ge [sflag:s17], $0x800  }
0x30: {  	[sflag:s17] =	ssyncset.done $0x0  }
0x31: {  	s22 =	simm.s32 $0x180;
	[sflag:s17] =	ssyncadd.s32 $0xFFFFF800  }
0x32: {  	[spmem:s3] =	stream.indirect.scatter.add.f32 [tilespmem:s10], [sflag:$0x5], $0x10, s22, s14, $0xb8;
	[tilespmem:$0x3A80] =	vst v63  }
0x33: {  	_ =	swait.ge [sflag:s13], $0x800  }
0x34: {  	[sflag:s13] =	ssyncset.done $0x0  }
0x35: {  	s23 =	simm.s32 $0x200;
	s29 =	smul.u32 $0x28000, s25;
	[sflag:s13] =	ssyncadd.s32 $0xFFFFF800  }
0x36: {  	[spmem:s3] =	stream.indirect.scatter.add.f32 [tilespmem:s9], [sflag:$0x4], $0x10, s23, s14, $0xb8;
	[tilespmem:$0x3A80] =	vst v63  }
0x37: {  	s25 =	ssub.s32 $0x2, s25;
	s28 =	sadd.s32 s28, s29;
	_ =	swait.ge [sflag:s18], $0x800  }
0x38: {  	s31 =	sshrl.u32 s25, $0x1;
	s28 =	sshrl.u32 s28, $0x3;
	[sflag:s18] =	ssyncset.done $0x0  }
0x39: {  	s24 =	sadd.s32 s28, s24;
	s28 =	ssub.s32 s25, s31;
	[sflag:s18] =	ssyncadd.s32 $0xFFFFF800  }
0x3a: {  	s28 =	smax.u32 s28, $0x1;
	_ =	swait.ge [sflag:s15], $0x800  }
0x3b: {  	p0 =	sne.s32 s28, $0x1;
	[sflag:s15] =	ssyncset.done $0x0  }
.Ltmp0:
0x3c: {  	s25 =	sor.u32 $0x1C06, s26;
	[sflag:s15] =	ssyncadd.s32 $0xFFFFF800;
	(pc) =	sbr.rel @!p0 .LBB2_2-.Ltmp0, $4  }
0x3d: {  	s26 =	simm.s32 $0x6;
	s24 =	sadd.s32 $0x12600, s24;
	[bflag:$0x0] =	sbarrier.arrive $0xFFFF  }
0x3e: {  	[hbm:s24], [sflag:s25] =	dma.local [spmem:s11], $0x500  }
0x3f: {  	_ =	swait.ge [sflag:s26], $0x500  }
0x40: {  	s28 =	sadd.s32 $0xFFFFFFFF, s28;
	[sflag:s26] =	ssyncset.done $0x0  }
.LBB2_1:
0x41: {  	p0 =	sne.s32 s28, $0x1;
	s28 =	sadd.s32 $0xFFFFFFFF, s28;
	[sflag:s26] =	ssyncadd.s32 $0xFFFFFB00  }
0x42: {  	[tilespmem:s9], [sflag:$0x2] =	stream.linear.gather [hbm4b:s5+s4], $0x800, $0x38;
	[tilespmem:$0x3A80] =	vst v63  }
0x43: {  	_ = 	snop  }
0x44: {  	[tilespmem:s10], [sflag:$0x3] =	stream.linear.gather [hbm4b:s6+s4], $0x800, $0x38;
	[tilespmem:$0x3A80] =	vst v63  }
0x45: {  	[spmem:s11], [sflag:s7] =	dma.local [hbm:s2], $0x500  }
0x46: {  	[tilespmem:s4], [sflag:$0x1] =	stream.linear.gather [hbm4b:s8+s4], $0x280, $0x38;
	[tilespmem:$0x3A80] =	vst v63  }
0x47: {  	_ =	swait.ge [sflag:s12], $0x500  }
0x48: {  	[sflag:s12] =	ssyncset.done $0x0  }
0x49: {  	[sflag:s12] =	ssyncadd.s32 $0xFFFFFB00  }
0x4a: {  	_ =	swait.ge [sflag:s12], $0x280  }
0x4b: {  	[sflag:s12] =	ssyncset.done $0x0  }
0x4c: {  	[sflag:s12] =	ssyncadd.s32 $0xFFFFFD80  }
0x4d: {  	[bflag:$0x0] =	sbarrier.arrive $0xFFFF  }
0x4e: {  	_ =	swait.ge [sflag:s13], $0x800  }
0x4f: {  	[sflag:s13] =	ssyncset.done $0x0  }
0x50: {  	[sflag:s13] =	ssyncadd.s32 $0xFFFFF800  }
0x51: {  	[spmem:s3] =	stream.indirect.scatter.add.f32 [tilespmem:s9], [sflag:$0x4], $0x10, s4, s14, $0xb8;
	[tilespmem:$0x3A80] =	vst v63  }
0x52: {  	_ =	swait.ge [sflag:s15], $0x800  }
0x53: {  	[sflag:s15] =	ssyncset.done $0x0  }
0x54: {  	[sflag:s15] =	ssyncadd.s32 $0xFFFFF800  }
0x55: {  	[tilespmem:s9], [sflag:$0x2] =	stream.linear.gather [hbm4b:s16+s4], $0x800, $0x38;
	[tilespmem:$0x3A80] =	vst v63  }
0x56: {  	_ =	swait.ge [sflag:s17], $0x800  }
0x57: {  	[sflag:s17] =	ssyncset.done $0x0  }
0x58: {  	[sflag:s17] =	ssyncadd.s32 $0xFFFFF800  }
0x59: {  	[spmem:s3] =	stream.indirect.scatter.add.f32 [tilespmem:s10], [sflag:$0x5], $0x10, s14, s14, $0xb8;
	[tilespmem:$0x3A80] =	vst v63  }
0x5a: {  	_ =	swait.ge [sflag:s18], $0x800  }
0x5b: {  	[sflag:s18] =	ssyncset.done $0x0  }
0x5c: {  	[sflag:s18] =	ssyncadd.s32 $0xFFFFF800  }
0x5d: {  	[tilespmem:s10], [sflag:$0x3] =	stream.linear.gather [hbm4b:s19+s4], $0x800, $0x38;
	[tilespmem:$0x3A80] =	vst v63  }
0x5e: {  	_ =	swait.ge [sflag:s13], $0x800  }
0x5f: {  	[sflag:s13] =	ssyncset.done $0x0  }
0x60: {  	[sflag:s13] =	ssyncadd.s32 $0xFFFFF800  }
0x61: {  	[spmem:s3] =	stream.indirect.scatter.add.f32 [tilespmem:s9], [sflag:$0x4], $0x10, s20, s14, $0xb8;
	[tilespmem:$0x3A80] =	vst v63  }
0x62: {  	_ =	swait.ge [sflag:s15], $0x800  }
0x63: {  	[sflag:s15] =	ssyncset.done $0x0  }
0x64: {  	[sflag:s15] =	ssyncadd.s32 $0xFFFFF800  }
0x65: {  	[tilespmem:s9], [sflag:$0x2] =	stream.linear.gather [hbm4b:s21+s4], $0x800, $0x38;
	[tilespmem:$0x3A80] =	vst v63  }
0x66: {  	_ =	swait.ge [sflag:s17], $0x800  }
0x67: {  	[sflag:s17] =	ssyncset.done $0x0  }
0x68: {  	[sflag:s17] =	ssyncadd.s32 $0xFFFFF800  }
0x69: {  	[spmem:s3] =	stream.indirect.scatter.add.f32 [tilespmem:s10], [sflag:$0x5], $0x10, s22, s14, $0xb8;
	[tilespmem:$0x3A80] =	vst v63  }
0x6a: {  	_ =	swait.ge [sflag:s13], $0x800  }
0x6b: {  	[sflag:s13] =	ssyncset.done $0x0  }
0x6c: {  	[sflag:s13] =	ssyncadd.s32 $0xFFFFF800  }
0x6d: {  	[spmem:s3] =	stream.indirect.scatter.add.f32 [tilespmem:s9], [sflag:$0x4], $0x10, s23, s14, $0xb8;
	[tilespmem:$0x3A80] =	vst v63  }
0x6e: {  	_ =	swait.ge [sflag:s18], $0x800  }
0x6f: {  	[sflag:s18] =	ssyncset.done $0x0  }
0x70: {  	[sflag:s18] =	ssyncadd.s32 $0xFFFFF800  }
0x71: {  	_ =	swait.ge [sflag:s15], $0x800  }
0x72: {  	[sflag:s15] =	ssyncset.done $0x0  }
.Ltmp1:
0x73: {  	[sflag:s15] =	ssyncadd.s32 $0xFFFFF800;
	(pc) =	sbr.rel @p0 .LBB2_1-.Ltmp1, $4  }
0x74: {  	[bflag:$0x0] =	sbarrier.arrive $0xFFFF  }
0x75: {  	[hbm:s24], [sflag:s25] =	dma.local [spmem:s11], $0x500  }
0x76: {  	_ =	swait.ge [sflag:s26], $0x500  }
0x77: {  	[sflag:s26] =	ssyncset.done $0x0  }
.LBB2_2:
0x78: {  	[sflag:s26] =	ssyncadd.s32 $0xFFFFFB00  }
0x79: {  	_ =	sfence.sel $0x180000  }
0x7a: {  	[bflag:$0x0] =	sbarrier.arrive $0xFFFF  }
0x7b: {  	p0 =	sne.s32 s0, $0x0;
	_ =	strace $0x90000047  }
0x7c: {  	s0 =	sadd.s32 @!p0 $0x100000, s1;
	[bflag:$0x2] =	sbarrier.arrive $0xFFFF  }
0x7d: {  	[sflag:s0] =	ssyncadd.tile.s32 @!p0 $0x1;
	_ =	shalt  }
.Lfunc_end2:
_tile_overlayer_lowered:
.L_overlay_start_2:
0x7e: {  	(tag) =	ssettag $0x2  }
0x7f: {  	s0 =	rddreg [dreg:$0x0];
	s2 =	stileid.u32  }
0x80: {  	s1 =	rddreg [dreg:$0x1];
	p0 =	sne.s32 s2, $0x0  }
0x81: {  	s3 =	rddreg [dreg:$0x2];
	[bflag:$0x3] =	sbarrier.arrive $0xFFFF;
	s2 =	simm.s32 @!p0 $0x1C06  }
0x82: {  	[timem:s3], [sflag:s2] =	dma.local @!p0 [hbm:s0], s1  }
0x83: {  	s0 =	simm.s32 @!p0 $0x6  }
0x84: {  	_ =	swait.ge @!p0 [sflag:s0], s1  }
0x85: {  	s1 =	ssub.s32 @!p0 $0x0, s1;
	[sflag:s0] =	ssyncset.done @!p0 $0x0  }
0x86: {  	[sflag:s0] =	ssyncadd.s32 @!p0 s1  }
0x87: {  	[bflag:$0x3] =	sbarrier.arrive $0xFFFF  }
0x88: {  	_ =	shalt  }

// kernel: kernel.19.cloned.1.call-start
scs
__scs_entry_jumppad:
0x0: {  	(pc) =	sbr.rel $0x88, $3  }
0x1: {  	(tag) =	ssettag $0x0;
	lr =	simm.s32 $0x1  }
0x2: {  	[smem:$0x3F7F] =	sst lr;
	_ =	strace $0xD0000000  }
0x3: {  	_ = 	snop  }
0x4: {  	_ = 	snop  }
0x5: {  	_ = 	snop  }
0x6: {  	_ = 	snop  }
0x7: {  	_ = 	snop  }
__scs_overlays_trampoline_lowered:
0x8: {  	[smem:$0x3F8E] =	sst s0  }
0x9: {  	[smem:$0x3F8F] =	sst s1  }
0xa: {  	[smem:$0x3F90] =	sst s2  }
0xb: {  	[smem:$0x3F91] =	sst s3  }
0xc: {  	[smem:$0x3F92] =	sst s4  }
0xd: {  	[smem:$0x3F93] =	sst s5  }
0xe: {  	[smem:$0x3F94] =	sst s6  }
0xf: {  	[smem:$0x3F95] =	sst s7  }
0x10: {  	[smem:$0x3F96] =	sst s8  }
0x11: {  	[smem:$0x3F97] =	sst s9;
	s0 =	simm.s32 @!p0 $0x0  }
0x12: {  	s1 =	sld [smem:$0x3F7D];
	s0 =	simm.s32 @p0 $0x1  }
0x13: {  	[smem:$0x3F98] =	sst s0;
	s0 =	simm.s32 @!p1 $0x0  }
0x14: {  	s2 =	sld [smem:$0x3F7C];
	s0 =	simm.s32 @p1 $0x1  }
0x15: {  	[smem:$0x3F99] =	sst s0;
	s0 =	simm.s32 @!p2 $0x0  }
0x16: {  	s3 =	sld [smem:$0x3FDB];
	s0 =	simm.s32 @p2 $0x1  }
0x17: {  	s4 =	simm.s32 $0x1BF5;
	[smem:$0x3F9B] =	sst s0  }
0x18: {  	s0 =	sld [smem:$0x3F7E];
	_ =	swait.ge [sflag:s4], $0x0  }
0x19: {  	s7 =	sld [smem:$0x3F7F]  }
0x1a: {  	s8 =	sadd.s32 $0xFFFFE003, lr  }
0x1b: {  	s9 =	sadd.s32 $0xFFFFFEF7, lr;
	s5 =	simm.s32 $0xFFFFFFFF;
	p2 =	slt.u32 s8, $0xFFFFF086  }
0x1c: {  	p1 =	slt.u32 s9, $0xF7A;
	s5 =	simm.s32 @!p2 $0x0  }
0x1d: {  	s5 =	simm.s32 @p1 $0x1;
	p0 =	seq.s32 s7, s2  }
0x1e: {  	s7 =	smul.u32 @!p0 $0xF7A, s2;
	p2 =	seq.s32 @!p0 s5, $0x0  }
0x1f: {  	s9 =	smul.u32 $0xF7A, s1;
	s8 =	simm.s32 @!p0 $0x1BF5;
	p2 =	por !p2, p0  }
0x20: {  	[sflag:s8] =	ssyncset.s32 @!p0 $0xFFFFF086;
	s6 =	sadd.s32 @!p0 s3, s7;
	s7 =	simm.s32 @!p0 $0x108  }
0x21: {  	s3 =	sadd.s32 s3, s9;
	s6 =	sadd.s32 @!p0 $0x88, s6;
	s7 =	simm.s32 @p2 $0x1082  }
0x22: {  	[simem:s7], [sflag:s8] =	dma.local @!p0 [hbm:s6], $0xF7A  }
0x23: {  	s9 =	sor.u32 $0xD0000000, s2;
	s6 =	simm.s32 $0x108;
	_ =	swait.ge @!p0 [sflag:s8], $0x0  }
0x24: {  	s3 =	sadd.s32 $0x88, s3;
	s6 =	simm.s32 @!p1 $0x1082;
	[sflag:s4] =	ssyncset.s32 $0xFFFFF086  }
0x25: {  	[simem:s6], [sflag:s4] =	dma.local [hbm:s3], $0xF7A  }
0x26: {  	[smem:$0x3F7F] =	sst s1;
	(tag) =	ssettag s2;
	_ =	strace s9  }
0x27: {  	s1 =	sld [smem:$0x3F8F]  }
0x28: {  	s2 =	sld [smem:$0x3F90]  }
0x29: {  	s4 =	sld [smem:$0x3F92]  }
0x2a: {  	p0 =	seq.s32 s5, $0x0;
	s5 =	sld [smem:$0x3F93]  }
0x2b: {  	s6 =	sld [smem:$0x3F94]  }
0x2c: {  	s7 =	sld [smem:$0x3F95]  }
0x2d: {  	s3 =	simm.s32 $0x108;
	s8 =	sld [smem:$0x3F96]  }
0x2e: {  	s3 =	simm.s32 @!p0 $0x1082;
	s9 =	sld [smem:$0x3F97]  }
0x2f: {  	lr =	sadd.s32 s0, s3;
	s0 =	sld [smem:$0x3F8E]  }
0x30: {  	s3 =	sld [smem:$0x3F91]  }
0x31: {  	[smem:$0x3F9A] =	sst s10  }
0x32: {  	s10 =	sld [smem:$0x3F98];
	_ =	sdelay $0x3  }
0x33: {  	p0 =	seq.s32 s10, $0x1;
	s10 =	sld [smem:$0x3F9A];
	_ =	sdelay $0x3  }
0x34: {  	[smem:$0x3F9A] =	sst s10  }
0x35: {  	s10 =	sld [smem:$0x3F99];
	_ =	sdelay $0x3  }
0x36: {  	p1 =	seq.s32 s10, $0x1;
	s10 =	sld [smem:$0x3F9A];
	_ =	sdelay $0x3  }
0x37: {  	[smem:$0x3F9A] =	sst s10  }
0x38: {  	s10 =	sld [smem:$0x3F9B]  }
0x39: {  	_ = 	snop;
	(pc) =	sbr.ind lr, $3  }
0x3a: {  	_ = 	snop  }
0x3b: {  	_ = 	snop  }
0x3c: {  	p2 =	seq.s32 s10, $0x1;
	s10 =	sld [smem:$0x3F9A]  }
0x3d: {  	_ =	shalt  }
0x3e: {  	_ =	shalt  }
0x3f: {  	_ =	shalt  }
0x40: {  	_ =	shalt  }
0x41: {  	_ =	shalt  }
0x42: {  	_ =	shalt  }
0x43: {  	_ =	shalt  }
0x44: {  	_ =	shalt  }
0x45: {  	_ =	shalt  }
0x46: {  	_ =	shalt  }
0x47: {  	_ =	shalt  }
0x48: {  	_ =	shalt  }
0x49: {  	_ =	shalt  }
0x4a: {  	_ =	shalt  }
0x4b: {  	_ =	shalt  }
0x4c: {  	_ =	shalt  }
0x4d: {  	_ =	shalt  }
0x4e: {  	_ =	shalt  }
0x4f: {  	_ =	shalt  }
0x50: {  	_ =	shalt  }
0x51: {  	_ =	shalt  }
0x52: {  	_ =	shalt  }
0x53: {  	_ =	shalt  }
0x54: {  	_ =	shalt  }
0x55: {  	_ =	shalt  }
0x56: {  	_ =	shalt  }
0x57: {  	_ =	shalt  }
0x58: {  	_ =	shalt  }
0x59: {  	_ =	shalt  }
0x5a: {  	_ =	shalt  }
0x5b: {  	_ =	shalt  }
0x5c: {  	_ =	shalt  }
0x5d: {  	_ =	shalt  }
0x5e: {  	_ =	shalt  }
0x5f: {  	_ =	shalt  }
0x60: {  	_ =	shalt  }
0x61: {  	_ =	shalt  }
0x62: {  	_ =	shalt  }
0x63: {  	_ =	shalt  }
0x64: {  	_ =	shalt  }
0x65: {  	_ =	shalt  }
0x66: {  	_ =	shalt  }
0x67: {  	_ =	shalt  }
0x68: {  	_ =	shalt  }
0x69: {  	_ =	shalt  }
0x6a: {  	_ =	shalt  }
0x6b: {  	_ =	shalt  }
0x6c: {  	_ =	shalt  }
0x6d: {  	_ =	shalt  }
0x6e: {  	_ =	shalt  }
0x6f: {  	_ =	shalt  }
0x70: {  	_ =	shalt  }
0x71: {  	_ =	shalt  }
0x72: {  	_ =	shalt  }
0x73: {  	_ =	shalt  }
0x74: {  	_ =	shalt  }
0x75: {  	_ =	shalt  }
0x76: {  	_ =	shalt  }
0x77: {  	_ =	shalt  }
0x78: {  	_ =	shalt  }
0x79: {  	_ =	shalt  }
0x7a: {  	_ =	shalt  }
0x7b: {  	_ =	shalt  }
0x7c: {  	_ =	shalt  }
0x7d: {  	_ =	shalt  }
0x7e: {  	_ =	shalt  }
0x7f: {  	_ =	shalt  }
0x80: {  	_ =	shalt  }
0x81: {  	_ =	shalt  }
0x82: {  	_ =	shalt  }
0x83: {  	_ =	shalt  }
0x84: {  	_ =	shalt  }
0x85: {  	_ =	shalt  }
0x86: {  	_ =	shalt  }
0x87: {  	_ =	shalt  }
.Lfunc_end0:
.L_simem_size_0:
called_computation.1_lowered:
.L_overlay_start_0:
0x88: {  	s2 =	sld [smem:$0x3FD9]  }
0x89: {  	s3 =	sld [smem:$0x3FFE];
	_ =	sdelay $0x1  }
0x8a: {  	s1 =	srdreg.scid  }
0x8b: {  	s0 =	sand.u32 $0x1, s1  }
0x8c: {  	s16 =	sshll.u32 s0, $0xA;
	s2 =	sadd.s32 s3, s2  }
0x8d: {  	s2 =	sadd.s32 s2, s16  }
0x8e: {  	[smem:$0x3FA6] =	sst s2  }
0x8f: {  	_ = 	snop  }
0x90: {  	(tm) =	ssettm $0x1  }
0x91: {  	s17 =	sld [smem:$0x3FFB];
	_ =	sdelay $0x3  }
0x92: {  	_ =	strace s17  }
0x93: {  	s2 =	sld [smem:$0x3FFC];
	_ =	sdelay $0x3  }
0x94: {  	_ =	strace s2  }
0x95: {  	s2 =	sld [smem:$0x3FFD];
	_ =	sdelay $0x3  }
0x96: {  	_ =	strace s2  }
0x97: {  	_ =	strace $0x8FFFFFFF  }
0x98: {  	s18 =	sld [smem:$0x3FDB];
	_ =	sdelay $0x1  }
0x99: {  	s19 =	simm.s32 $_scs_section_size  }
0x9a: {  	s4 =	simm.s32 $_size__tile_overlayer_lowered;
	s5 =	simm.s32 $_tile_overlayer_lowered  }
0x9b: {  	s22 =	simm.s32 $0x1BFF;
	s21 =	sshll.u32 s5, $0x1;
	s2 =	sadd.s32 s19, s18  }
0x9c: {  	s6 =	simm.s32 $0x0;
	s20 =	sshll.u32 s4, $0x1;
	s4 =	sadd.s32 s21, s2  }
0x9d: {  	[timem:s6], [sflag:s22] =	dma.local [hbm:s4], s20  }
0x9e: {  	_ =	swait.ge [sflag:s22], s20  }
0x9f: {  	s3 =	ssub.s32 $0x0, s20;
	[sflag:s22] =	ssyncset.done $0x0  }
0xa0: {  	[sflag:s22] =	ssyncadd.s32 s3;
	_ =	sdelay $0x1  }
0xa1: {  	s23 =	simm.s32 $0x1B8B  }
0xa2: {  	_ =	swait.ge [sflag:s23], $0x1  }
0xa3: {  	[sflag:s23] =	ssyncset.done $0x0  }
0xa4: {  	s25 =	simm.s32 $0x1B8E;
	s24 =	sld [smem:$0x3FFE];
	[sflag:s23] =	ssyncadd.s32 $0xFFFFFFFF  }
0xa5: {  	s26 =	simm.s32 $execute0_lowered;
	[smem:$0x3FD2] =	sst s25  }
0xa6: {  	s4 =	sshll.u32 s26, $0x1;
	_ =	strace $0x80000049;
	[dreg:$0x1] =	wrdreg $0xFFFFFFFF  }
0xa7: {  	s28 =	simm.s32 $_size_execute0_lowered;
	s2 =	sadd.s32 s2, s4;
	[dreg:$0x0] =	wrdreg $0x0  }
0xa8: {  	s4 =	sshll.u32 s28, $0x1;
	[dreg:$0x2] =	wrdreg s2  }
0xa9: {  	[dreg:$0x3] =	wrdreg s4  }
0xaa: {  	[dreg:$0x4] =	wrdreg $0xC0  }
0xab: {  	_ =	task [dreg:s6], $0x5FFFF  }
0xac: {  	[dreg:$0x1] =	wrdreg $0xFFFFFFFF  }
0xad: {  	[dreg:$0x0] =	wrdreg $0x60  }
0xae: {  	[dreg:$0x2] =	wrdreg s24  }
0xaf: {  	[dreg:$0x3] =	wrdreg $0x9  }
0xb0: {  	_ =	task.clear_ibuf [dreg:s6], $0x4FFFF;
	_ =	strace $0x90000049  }
0xb1: {  	s29 =	simm.s32 $0x9;
	_ =	strace $0x8000004B  }
0xb2: {  	_ =	swait.ge [sflag:s29], $0x1  }
0xb3: {  	[sflag:s29] =	ssyncadd.s32 $0xFFFFFFFF  }
0xb4: {  	_ =	strace $0x9000004B  }
0xb5: {  	_ =	sfence  }
0xb6: {  	s30 =	sld [smem:$0x0];
	_ =	sdelay $0x2  }
0xb7: {  	s31 =	sshll.u32 s1, $0xD;
	s1 =	sshrl.u32 s1, $0x2  }
0xb8: {  	s3 =	sand.u32 $0x4000, s31;
	s1 =	sadd.s32 s1, s30  }
0xb9: {  	s0 =	sor.u32 s3, s0;
	s1 =	sshll.u32 s1, $0x11  }
0xba: {  	s0 =	sor.u32 s1, s0  }
0xbb: {  	s0 =	sadd.s32 $0x8F2B, s0  }
0xbc: {  	[sflag:s0] =	ssyncadd.remote.s32 $0x1  }
0xbd: {  	_ =	sfence.sel $0xFFFF  }
0xbe: {  	[dreg:$0x0] =	wrdreg $0xFFFFFFFF;
	(pc) =	sbr.abs _section_cstart, $3  }
0xbf: {  	[dreg:$0x1] =	wrdreg $0xFFFFFFFF  }
0xc0: {  	_ =	task.clear_ibuf [dreg:s6], $0x2FFFF;
	_ =	strace $0x9FFFFFFF  }
0xc1: {  	(tm) =	ssettm $0x7FFFFFFF  }
tec
execute0_lowered:
.L_overlay_start_1:
0x0: {  	(tag) =	ssettag $0x1  }
0x1: {  	s1 =	srdreg.scid;
	s0 =	stileid.u32  }
0x2: {  	s16 =	sand.u32 $0x1, s1;
	s29 =	sshll.u32 s0, $0x1  }
0x3: {  	s17 =	sor.u32 s16, s29  }
0x4: {  	s18 =	rddreg [dreg:$0x0];
	s3 =	smul.u32 $0x50, s17  }
0x5: {  	s2 =	simm.s32 $0x0;
	s1 =	rddreg [dreg:$0x1]  }
0x6: {  	[smem:$0x7FF] =	sst s2;
	s3 =	sadd.s32 s3, s18  }
0x7: {  	_ =	strace $0x8000004A;
	s4 =	sadd.s32 $0x7C00, s3;
	s3 =	simm.s32 $0x2  }
0x8: {  	[tilespmem:s2], [sflag:$0x2] =	stream.linear.gather [hbm4b:s4+s2], $0x280, $0x38;
	[tilespmem:$0x5280] =	vst v63  }
0x9: {  	_ =	swait.ge [sflag:s3], $0x280  }
0xa: {  	s6 =	simm.s32 $0x80;
	[sflag:s3] =	ssyncset.done $0x0  }
0xb: {  	s7 =	simm.s32 $0x280;
	s5 =	sadd.s32 $0x8600, s18;
	[sflag:s3] =	ssyncadd.s32 $0xFFFFFD80  }
0xc: {  	[tilespmem:s7], [sflag:$0x1] =	stream.indirect.gather [hbm4b:s5+s6], $0x20, s2, s6, $0xb8;
	[tilespmem:$0x5280] =	vst v63  }
0xd: {  	s8 =	simm.s32 $0x1280  }
0xe: {  	[tilespmem:s8], [sflag:$0x1] =	stream.indirect.gather [hbm4b:s5+s6], $0x20, s6, s6, $0xb8;
	[tilespmem:$0x5280] =	vst v63  }
0xf: {  	s9 =	simm.s32 $0x100;
	s10 =	simm.s32 $0x2280  }
0x10: {  	[tilespmem:s10], [sflag:$0x1] =	stream.indirect.gather [hbm4b:s5+s6], $0x20, s9, s6, $0xb8;
	[tilespmem:$0x5280] =	vst v63  }
0x11: {  	s11 =	simm.s32 $0x180;
	s12 =	simm.s32 $0x3280  }
0x12: {  	[tilespmem:s12], [sflag:$0x1] =	stream.indirect.gather [hbm4b:s5+s6], $0x20, s11, s6, $0xb8;
	[tilespmem:$0x5280] =	vst v63  }
0x13: {  	s13 =	simm.s32 $0x200;
	s14 =	simm.s32 $0x4280;
	s15 =	simm.s32 $0x1  }
0x14: {  	[tilespmem:s14], [sflag:$0x1] =	stream.indirect.gather [hbm4b:s5+s6], $0x20, s13, s6, $0xb8;
	[tilespmem:$0x5280] =	vst v63  }
0x15: {  	_ =	swait.ge [sflag:s15], $0x1000  }
0x16: {  	[sflag:s15] =	ssyncset.done $0x0  }
0x17: {  	[sflag:s15] =	ssyncadd.s32 $0xFFFFF000  }
0x18: {  	_ =	swait.ge [sflag:s15], $0x1000  }
0x19: {  	[sflag:s15] =	ssyncset.done $0x0  }
0x1a: {  	[sflag:s15] =	ssyncadd.s32 $0xFFFFF000  }
0x1b: {  	_ =	swait.ge [sflag:s15], $0x1000  }
0x1c: {  	[sflag:s15] =	ssyncset.done $0x0  }
0x1d: {  	s16 =	ssub.s32 $0x2, s16;
	[sflag:s15] =	ssyncadd.s32 $0xFFFFF000  }
0x1e: {  	s19 =	sshrl.u32 s16, $0x1;
	_ =	swait.ge [sflag:s15], $0x1000  }
0x1f: {  	s30 =	ssub.s32 s16, s19;
	[sflag:s15] =	ssyncset.done $0x0  }
0x20: {  	s17 =	smul.u32 $0xA00, s17;
	s31 =	smax.u32 s30, $0x1;
	[sflag:s15] =	ssyncadd.s32 $0xFFFFF000  }
0x21: {  	p0 =	sne.s32 s31, $0x1;
	_ =	swait.ge [sflag:s15], $0x1000  }
.Ltmp0:
0x22: {  	s17 =	sadd.s32 s17, s18;
	[sflag:s15] =	ssyncset.done $0x0;
	(pc) =	sbr.rel @!p0 .LBB2_2-.Ltmp0, $4  }
0x23: {  	s16 =	sadd.s32 $0x12600, s17;
	[sflag:s15] =	ssyncadd.s32 $0xFFFFF000  }
0x24: {  	[hbm4b:s16+s2] =	stream.linear.scatter [tilespmem:s7], [sflag:$0x2], $0x5000, $0x38;
	[tilespmem:$0x5280] =	vst v63  }
0x25: {  	_ =	swait.ge [sflag:s3], $0x5000  }
0x26: {  	s17 =	sadd.s32 $0xFFFFFFFF, s31;
	[sflag:s3] =	ssyncset.done $0x0  }
.LBB2_1:
0x27: {  	p0 =	sne.s32 s17, $0x1;
	s17 =	sadd.s32 $0xFFFFFFFF, s17;
	[sflag:s3] =	ssyncadd.s32 $0xFFFFB000  }
0x28: {  	[tilespmem:s2], [sflag:$0x2] =	stream.linear.gather [hbm4b:s4+s2], $0x280, $0x38;
	[tilespmem:$0x5280] =	vst v63  }
0x29: {  	_ =	swait.ge [sflag:s3], $0x280  }
0x2a: {  	[sflag:s3] =	ssyncset.done $0x0  }
0x2b: {  	[sflag:s3] =	ssyncadd.s32 $0xFFFFFD80  }
0x2c: {  	[tilespmem:s7], [sflag:$0x1] =	stream.indirect.gather [hbm4b:s5+s6], $0x20, s2, s6, $0xb8;
	[tilespmem:$0x5280] =	vst v63  }
0x2d: {  	_ = 	snop  }
0x2e: {  	[tilespmem:s8], [sflag:$0x1] =	stream.indirect.gather [hbm4b:s5+s6], $0x20, s6, s6, $0xb8;
	[tilespmem:$0x5280] =	vst v63  }
0x2f: {  	_ = 	snop  }
0x30: {  	[tilespmem:s10], [sflag:$0x1] =	stream.indirect.gather [hbm4b:s5+s6], $0x20, s9, s6, $0xb8;
	[tilespmem:$0x5280] =	vst v63  }
0x31: {  	_ = 	snop  }
0x32: {  	[tilespmem:s12], [sflag:$0x1] =	stream.indirect.gather [hbm4b:s5+s6], $0x20, s11, s6, $0xb8;
	[tilespmem:$0x5280] =	vst v63  }
0x33: {  	_ = 	snop  }
0x34: {  	[tilespmem:s14], [sflag:$0x1] =	stream.indirect.gather [hbm4b:s5+s6], $0x20, s13, s6, $0xb8;
	[tilespmem:$0x5280] =	vst v63  }
0x35: {  	_ =	swait.ge [sflag:s15], $0x1000  }
0x36: {  	[sflag:s15] =	ssyncset.done $0x0  }
0x37: {  	[sflag:s15] =	ssyncadd.s32 $0xFFFFF000  }
0x38: {  	_ =	swait.ge [sflag:s15], $0x1000  }
0x39: {  	[sflag:s15] =	ssyncset.done $0x0  }
0x3a: {  	[sflag:s15] =	ssyncadd.s32 $0xFFFFF000  }
0x3b: {  	_ =	swait.ge [sflag:s15], $0x1000  }
0x3c: {  	[sflag:s15] =	ssyncset.done $0x0  }
0x3d: {  	[sflag:s15] =	ssyncadd.s32 $0xFFFFF000  }
0x3e: {  	_ =	swait.ge [sflag:s15], $0x1000  }
0x3f: {  	[sflag:s15] =	ssyncset.done $0x0  }
0x40: {  	[sflag:s15] =	ssyncadd.s32 $0xFFFFF000  }
0x41: {  	_ =	swait.ge [sflag:s15], $0x1000  }
.Ltmp1:
0x42: {  	[sflag:s15] =	ssyncset.done $0x0;
	(pc) =	sbr.rel @p0 .LBB2_1-.Ltmp1, $4  }
0x43: {  	[sflag:s15] =	ssyncadd.s32 $0xFFFFF000  }
0x44: {  	[hbm4b:s16+s2] =	stream.linear.scatter [tilespmem:s7], [sflag:$0x2], $0x5000, $0x38;
	[tilespmem:$0x5280] =	vst v63  }
0x45: {  	_ =	swait.ge [sflag:s3], $0x5000  }
0x46: {  	[sflag:s3] =	ssyncset.done $0x0  }
.LBB2_2:
0x47: {  	[sflag:s3] =	ssyncadd.s32 $0xFFFFB000  }
0x48: {  	_ =	sfence.sel $0x180000  }
0x49: {  	[bflag:$0x0] =	sbarrier.arrive $0xFFFF  }
0x4a: {  	p0 =	sne.s32 s0, $0x0;
	_ =	strace $0x9000004A  }
0x4b: {  	s0 =	sadd.s32 @!p0 $0x100000, s1;
	[bflag:$0x2] =	sbarrier.arrive $0xFFFF  }
0x4c: {  	[sflag:s0] =	ssyncadd.tile.s32 @!p0 $0x1;
	_ =	shalt  }
.Lfunc_end2:
_tile_overlayer_lowered:
.L_overlay_start_2:
0x4d: {  	(tag) =	ssettag $0x2  }
0x4e: {  	s0 =	rddreg [dreg:$0x0];
	s2 =	stileid.u32  }
0x4f: {  	s1 =	rddreg [dreg:$0x1];
	p0 =	sne.s32 s2, $0x0  }
0x50: {  	s3 =	rddreg [dreg:$0x2];
	[bflag:$0x3] =	sbarrier.arrive $0xFFFF;
	s2 =	simm.s32 @!p0 $0x1C02  }
0x51: {  	[timem:s3], [sflag:s2] =	dma.local @!p0 [hbm:s0], s1  }
0x52: {  	s0 =	simm.s32 @!p0 $0x2  }
0x53: {  	_ =	swait.ge @!p0 [sflag:s0], s1  }
0x54: {  	s1 =	ssub.s32 @!p0 $0x0, s1;
	[sflag:s0] =	ssyncset.done @!p0 $0x0  }
0x55: {  	[sflag:s0] =	ssyncadd.s32 @!p0 s1  }
0x56: {  	[bflag:$0x3] =	sbarrier.arrive $0xFFFF  }
0x57: {  	_ =	shalt  }

// kernel: kernel.22.cloned.1.call-start
scs
__scs_entry_jumppad:
0x0: {  	(pc) =	sbr.rel $0x88, $3  }
0x1: {  	(tag) =	ssettag $0x0;
	lr =	simm.s32 $0x1  }
0x2: {  	[smem:$0x3F7F] =	sst lr;
	_ =	strace $0xD0000000  }
0x3: {  	_ = 	snop  }
0x4: {  	_ = 	snop  }
0x5: {  	_ = 	snop  }
0x6: {  	_ = 	snop  }
0x7: {  	_ = 	snop  }
__scs_overlays_trampoline_lowered:
0x8: {  	[smem:$0x3F8E] =	sst s0  }
0x9: {  	[smem:$0x3F8F] =	sst s1  }
0xa: {  	[smem:$0x3F90] =	sst s2  }
0xb: {  	[smem:$0x3F91] =	sst s3  }
0xc: {  	[smem:$0x3F92] =	sst s4  }
0xd: {  	[smem:$0x3F93] =	sst s5  }
0xe: {  	[smem:$0x3F94] =	sst s6  }
0xf: {  	[smem:$0x3F95] =	sst s7  }
0x10: {  	[smem:$0x3F96] =	sst s8  }
0x11: {  	[smem:$0x3F97] =	sst s9;
	s0 =	simm.s32 @!p0 $0x0  }
0x12: {  	s1 =	sld [smem:$0x3F7D];
	s0 =	simm.s32 @p0 $0x1  }
0x13: {  	[smem:$0x3F98] =	sst s0;
	s0 =	simm.s32 @!p1 $0x0  }
0x14: {  	s2 =	sld [smem:$0x3F7C];
	s0 =	simm.s32 @p1 $0x1  }
0x15: {  	[smem:$0x3F99] =	sst s0;
	s0 =	simm.s32 @!p2 $0x0  }
0x16: {  	s3 =	sld [smem:$0x3FDB];
	s0 =	simm.s32 @p2 $0x1  }
0x17: {  	s4 =	simm.s32 $0x1BF5;
	[smem:$0x3F9B] =	sst s0  }
0x18: {  	s0 =	sld [smem:$0x3F7E];
	_ =	swait.ge [sflag:s4], $0x0  }
0x19: {  	s7 =	sld [smem:$0x3F7F]  }
0x1a: {  	s8 =	sadd.s32 $0xFFFFE003, lr  }
0x1b: {  	s9 =	sadd.s32 $0xFFFFFEF7, lr;
	s5 =	simm.s32 $0xFFFFFFFF;
	p2 =	slt.u32 s8, $0xFFFFF086  }
0x1c: {  	p1 =	slt.u32 s9, $0xF7A;
	s5 =	simm.s32 @!p2 $0x0  }
0x1d: {  	s5 =	simm.s32 @p1 $0x1;
	p0 =	seq.s32 s7, s2  }
0x1e: {  	s7 =	smul.u32 @!p0 $0xF7A, s2;
	p2 =	seq.s32 @!p0 s5, $0x0  }
0x1f: {  	s9 =	smul.u32 $0xF7A, s1;
	s8 =	simm.s32 @!p0 $0x1BF5;
	p2 =	por !p2, p0  }
0x20: {  	[sflag:s8] =	ssyncset.s32 @!p0 $0xFFFFF086;
	s6 =	sadd.s32 @!p0 s3, s7;
	s7 =	simm.s32 @!p0 $0x108  }
0x21: {  	s3 =	sadd.s32 s3, s9;
	s6 =	sadd.s32 @!p0 $0x88, s6;
	s7 =	simm.s32 @p2 $0x1082  }
0x22: {  	[simem:s7], [sflag:s8] =	dma.local @!p0 [hbm:s6], $0xF7A  }
0x23: {  	s9 =	sor.u32 $0xD0000000, s2;
	s6 =	simm.s32 $0x108;
	_ =	swait.ge @!p0 [sflag:s8], $0x0  }
0x24: {  	s3 =	sadd.s32 $0x88, s3;
	s6 =	simm.s32 @!p1 $0x1082;
	[sflag:s4] =	ssyncset.s32 $0xFFFFF086  }
0x25: {  	[simem:s6], [sflag:s4] =	dma.local [hbm:s3], $0xF7A  }
0x26: {  	[smem:$0x3F7F] =	sst s1;
	(tag) =	ssettag s2;
	_ =	strace s9  }
0x27: {  	s1 =	sld [smem:$0x3F8F]  }
0x28: {  	s2 =	sld [smem:$0x3F90]  }
0x29: {  	s4 =	sld [smem:$0x3F92]  }
0x2a: {  	p0 =	seq.s32 s5, $0x0;
	s5 =	sld [smem:$0x3F93]  }
0x2b: {  	s6 =	sld [smem:$0x3F94]  }
0x2c: {  	s7 =	sld [smem:$0x3F95]  }
0x2d: {  	s3 =	simm.s32 $0x108;
	s8 =	sld [smem:$0x3F96]  }
0x2e: {  	s3 =	simm.s32 @!p0 $0x1082;
	s9 =	sld [smem:$0x3F97]  }
0x2f: {  	lr =	sadd.s32 s0, s3;
	s0 =	sld [smem:$0x3F8E]  }
0x30: {  	s3 =	sld [smem:$0x3F91]  }
0x31: {  	[smem:$0x3F9A] =	sst s10  }
0x32: {  	s10 =	sld [smem:$0x3F98];
	_ =	sdelay $0x3  }
0x33: {  	p0 =	seq.s32 s10, $0x1;
	s10 =	sld [smem:$0x3F9A];
	_ =	sdelay $0x3  }
0x34: {  	[smem:$0x3F9A] =	sst s10  }
0x35: {  	s10 =	sld [smem:$0x3F99];
	_ =	sdelay $0x3  }
0x36: {  	p1 =	seq.s32 s10, $0x1;
	s10 =	sld [smem:$0x3F9A];
	_ =	sdelay $0x3  }
0x37: {  	[smem:$0x3F9A] =	sst s10  }
0x38: {  	s10 =	sld [smem:$0x3F9B]  }
0x39: {  	_ = 	snop;
	(pc) =	sbr.ind lr, $3  }
0x3a: {  	_ = 	snop  }
0x3b: {  	_ = 	snop  }
0x3c: {  	p2 =	seq.s32 s10, $0x1;
	s10 =	sld [smem:$0x3F9A]  }
0x3d: {  	_ =	shalt  }
0x3e: {  	_ =	shalt  }
0x3f: {  	_ =	shalt  }
0x40: {  	_ =	shalt  }
0x41: {  	_ =	shalt  }
0x42: {  	_ =	shalt  }
0x43: {  	_ =	shalt  }
0x44: {  	_ =	shalt  }
0x45: {  	_ =	shalt  }
0x46: {  	_ =	shalt  }
0x47: {  	_ =	shalt  }
0x48: {  	_ =	shalt  }
0x49: {  	_ =	shalt  }
0x4a: {  	_ =	shalt  }
0x4b: {  	_ =	shalt  }
0x4c: {  	_ =	shalt  }
0x4d: {  	_ =	shalt  }
0x4e: {  	_ =	shalt  }
0x4f: {  	_ =	shalt  }
0x50: {  	_ =	shalt  }
0x51: {  	_ =	shalt  }
0x52: {  	_ =	shalt  }
0x53: {  	_ =	shalt  }
0x54: {  	_ =	shalt  }
0x55: {  	_ =	shalt  }
0x56: {  	_ =	shalt  }
0x57: {  	_ =	shalt  }
0x58: {  	_ =	shalt  }
0x59: {  	_ =	shalt  }
0x5a: {  	_ =	shalt  }
0x5b: {  	_ =	shalt  }
0x5c: {  	_ =	shalt  }
0x5d: {  	_ =	shalt  }
0x5e: {  	_ =	shalt  }
0x5f: {  	_ =	shalt  }
0x60: {  	_ =	shalt  }
0x61: {  	_ =	shalt  }
0x62: {  	_ =	shalt  }
0x63: {  	_ =	shalt  }
0x64: {  	_ =	shalt  }
0x65: {  	_ =	shalt  }
0x66: {  	_ =	shalt  }
0x67: {  	_ =	shalt  }
0x68: {  	_ =	shalt  }
0x69: {  	_ =	shalt  }
0x6a: {  	_ =	shalt  }
0x6b: {  	_ =	shalt  }
0x6c: {  	_ =	shalt  }
0x6d: {  	_ =	shalt  }
0x6e: {  	_ =	shalt  }
0x6f: {  	_ =	shalt  }
0x70: {  	_ =	shalt  }
0x71: {  	_ =	shalt  }
0x72: {  	_ =	shalt  }
0x73: {  	_ =	shalt  }
0x74: {  	_ =	shalt  }
0x75: {  	_ =	shalt  }
0x76: {  	_ =	shalt  }
0x77: {  	_ =	shalt  }
0x78: {  	_ =	shalt  }
0x79: {  	_ =	shalt  }
0x7a: {  	_ =	shalt  }
0x7b: {  	_ =	shalt  }
0x7c: {  	_ =	shalt  }
0x7d: {  	_ =	shalt  }
0x7e: {  	_ =	shalt  }
0x7f: {  	_ =	shalt  }
0x80: {  	_ =	shalt  }
0x81: {  	_ =	shalt  }
0x82: {  	_ =	shalt  }
0x83: {  	_ =	shalt  }
0x84: {  	_ =	shalt  }
0x85: {  	_ =	shalt  }
0x86: {  	_ =	shalt  }
0x87: {  	_ =	shalt  }
.Lfunc_end0:
.L_simem_size_0:
called_computation.2_lowered:
.L_overlay_start_0:
0x88: {  	s2 =	sld [smem:$0x3FD9]  }
0x89: {  	s3 =	sld [smem:$0x3FFE];
	_ =	sdelay $0x1  }
0x8a: {  	s1 =	srdreg.scid  }
0x8b: {  	s0 =	sand.u32 $0x1, s1  }
0x8c: {  	s16 =	sshll.u32 s0, $0xA;
	s2 =	sadd.s32 s3, s2  }
0x8d: {  	s2 =	sadd.s32 s2, s16  }
0x8e: {  	[smem:$0x3FA6] =	sst s2  }
0x8f: {  	_ = 	snop  }
0x90: {  	(tm) =	ssettm $0x1  }
0x91: {  	s17 =	sld [smem:$0x3FFB];
	_ =	sdelay $0x3  }
0x92: {  	_ =	strace s17  }
0x93: {  	s2 =	sld [smem:$0x3FFC];
	_ =	sdelay $0x3  }
0x94: {  	_ =	strace s2  }
0x95: {  	s2 =	sld [smem:$0x3FFD];
	_ =	sdelay $0x3  }
0x96: {  	_ =	strace s2  }
0x97: {  	_ =	strace $0x8FFFFFFF  }
0x98: {  	s18 =	sld [smem:$0x3FDB];
	_ =	sdelay $0x1  }
0x99: {  	s19 =	simm.s32 $_scs_section_size  }
0x9a: {  	s4 =	simm.s32 $_size__tile_overlayer_lowered;
	s5 =	simm.s32 $_tile_overlayer_lowered  }
0x9b: {  	s22 =	simm.s32 $0x1BFF;
	s21 =	sshll.u32 s5, $0x1;
	s2 =	sadd.s32 s19, s18  }
0x9c: {  	s6 =	simm.s32 $0x0;
	s20 =	sshll.u32 s4, $0x1;
	s4 =	sadd.s32 s21, s2  }
0x9d: {  	[timem:s6], [sflag:s22] =	dma.local [hbm:s4], s20  }
0x9e: {  	_ =	swait.ge [sflag:s22], s20  }
0x9f: {  	s3 =	ssub.s32 $0x0, s20;
	[sflag:s22] =	ssyncset.done $0x0  }
0xa0: {  	[sflag:s22] =	ssyncadd.s32 s3;
	_ =	sdelay $0x1  }
0xa1: {  	s23 =	simm.s32 $0x1B8B  }
0xa2: {  	_ =	swait.ge [sflag:s23], $0x1  }
0xa3: {  	[sflag:s23] =	ssyncset.done $0x0  }
0xa4: {  	s25 =	simm.s32 $0x1B8E;
	s24 =	sld [smem:$0x3FFE];
	[sflag:s23] =	ssyncadd.s32 $0xFFFFFFFF  }
0xa5: {  	s26 =	simm.s32 $execute0_lowered;
	[smem:$0x3FD2] =	sst s25  }
0xa6: {  	s4 =	sshll.u32 s26, $0x1;
	_ =	strace $0x8000004C;
	[dreg:$0x1] =	wrdreg $0xFFFFFFFF  }
0xa7: {  	s28 =	simm.s32 $_size_execute0_lowered;
	s2 =	sadd.s32 s2, s4;
	[dreg:$0x0] =	wrdreg $0x0  }
0xa8: {  	s4 =	sshll.u32 s28, $0x1;
	[dreg:$0x2] =	wrdreg s2  }
0xa9: {  	[dreg:$0x3] =	wrdreg s4  }
0xaa: {  	[dreg:$0x4] =	wrdreg $0xC0  }
0xab: {  	_ =	task [dreg:s6], $0x5FFFF  }
0xac: {  	[dreg:$0x1] =	wrdreg $0xFFFFFFFF  }
0xad: {  	[dreg:$0x0] =	wrdreg $0x60  }
0xae: {  	[dreg:$0x2] =	wrdreg s24  }
0xaf: {  	[dreg:$0x3] =	wrdreg $0x22800  }
0xb0: {  	[dreg:$0x4] =	wrdreg $0x9  }
0xb1: {  	_ =	task.clear_ibuf [dreg:s6], $0x5FFFF;
	_ =	strace $0x9000004C  }
0xb2: {  	s29 =	simm.s32 $0x9;
	_ =	strace $0x8000004E  }
0xb3: {  	_ =	swait.ge [sflag:s29], $0x1  }
0xb4: {  	[sflag:s29] =	ssyncadd.s32 $0xFFFFFFFF  }
0xb5: {  	_ =	strace $0x9000004E  }
0xb6: {  	_ =	sfence  }
0xb7: {  	s30 =	sld [smem:$0x0];
	_ =	sdelay $0x2  }
0xb8: {  	s31 =	sshll.u32 s1, $0xD;
	s1 =	sshrl.u32 s1, $0x2  }
0xb9: {  	s3 =	sand.u32 $0x4000, s31;
	s1 =	sadd.s32 s1, s30  }
0xba: {  	s0 =	sor.u32 s3, s0;
	s1 =	sshll.u32 s1, $0x11  }
0xbb: {  	s0 =	sor.u32 s1, s0  }
0xbc: {  	s0 =	sadd.s32 $0x8F2B, s0  }
0xbd: {  	[sflag:s0] =	ssyncadd.remote.s32 $0x1  }
0xbe: {  	_ =	sfence.sel $0xFFFF  }
0xbf: {  	[dreg:$0x0] =	wrdreg $0xFFFFFFFF;
	(pc) =	sbr.abs _section_cstart, $3  }
0xc0: {  	[dreg:$0x1] =	wrdreg $0xFFFFFFFF  }
0xc1: {  	_ =	task.clear_ibuf [dreg:s6], $0x2FFFF;
	_ =	strace $0x9FFFFFFF  }
0xc2: {  	(tm) =	ssettm $0x7FFFFFFF  }
0xc3: {  	_ =	shalt  }
tec
execute0_lowered:
.L_overlay_start_1:
0x0: {  	(tag) =	ssettag $0x1  }
0x1: {  	s1 =	srdreg.scid  }
0x2: {  	s0 =	stileid.u32;
	s24 =	rddreg [dreg:$0x0]  }
0x3: {  	s2 =	rddreg [dreg:$0x1];
	s25 =	sand.u32 $0x1, s1;
	s30 =	sshll.u32 s0, $0x1  }
0x4: {  	s3 =	simm.s32 $0x0;
	s28 =	smul.u32 $0x5000, s0;
	s4 =	sor.u32 s25, s30  }
0x5: {  	s10 =	simm.s32 $0x1280;
	s1 =	rddreg [dreg:$0x2];
	s5 =	smul.u32 $0x50, s4  }
0x6: {  	s12 =	simm.s32 $0x1;
	[smem:$0x7FF] =	sst s3;
	s6 =	smul.u32 $0x5000, s4  }
0x7: {  	s7 =	sadd.s32 $0x8600, s24;
	s26 =	sshll.u32 s0, $0x6;
	s8 =	smul.u32 $0xA00, s4  }
0x8: {  	_ =	strace $0x8000004D;
	s4 =	sadd.s32 $0x1C600, s24;
	s11 =	sadd.s32 s28, s2  }
0x9: {  	s9 =	sadd.s32 s5, s24;
	s6 =	sshrl.u32 s6, $0x3;
	s5 =	sadd.s32 s7, s8  }
0xa: {  	s21 =	sadd.s32 s7, s6;
	s8 =	sadd.s32 $0x7200, s9;
	s9 =	simm.s32 $0x280  }
0xb: {  	[tilespmem:s9], [sflag:$0x2] =	stream.linear.gather [hbm4b:s5+s3], $0x1000, $0x38;
	[tilespmem:$0x7280] =	vst v63  }
0xc: {  	s11 =	sshrl.u32 s11, $0x3;
	s7 =	sor.u32 $0x1C01, s26;
	s6 =	sadd.s32 $0x200, s21  }
0xd: {  	[tilespmem:s10], [sflag:$0x3] =	stream.linear.gather [hbm4b:s6+s3], $0x1000, $0x38;
	[tilespmem:$0x7280] =	vst v63  }
0xe: {  	[spmem:s11], [sflag:s7] =	dma.local [hbm:s4], $0xA00  }
0xf: {  	[tilespmem:s3], [sflag:$0x1] =	stream.linear.gather [hbm4b:s8+s3], $0x280, $0x38;
	[tilespmem:$0x7280] =	vst v63  }
0x10: {  	_ =	swait.ge [sflag:s12], $0xA00  }
0x11: {  	[sflag:s12] =	ssyncset.done $0x0  }
0x12: {  	[sflag:s12] =	ssyncadd.s32 $0xFFFFF600  }
0x13: {  	_ =	swait.ge [sflag:s12], $0x280  }
0x14: {  	[sflag:s12] =	ssyncset.done $0x0  }
0x15: {  	[sflag:s12] =	ssyncadd.s32 $0xFFFFFD80  }
0x16: {  	s13 =	simm.s32 $0x2;
	[bflag:$0x0] =	sbarrier.arrive $0xFFFF  }
0x17: {  	_ =	swait.ge [sflag:s13], $0x1000  }
0x18: {  	[sflag:s13] =	ssyncset.done $0x0  }
0x19: {  	s14 =	simm.s32 $0x80;
	s15 =	simm.s32 $0x4;
	[sflag:s13] =	ssyncadd.s32 $0xFFFFF000  }
0x1a: {  	[spmem:s2] =	stream.indirect.scatter.add.f32 [tilespmem:s9], [sflag:$0x4], $0x20, s3, s14, $0xb8;
	[tilespmem:$0x7280] =	vst v63  }
0x1b: {  	_ =	swait.ge [sflag:s15], $0x1000  }
0x1c: {  	[sflag:s15] =	ssyncset.done $0x0  }
0x1d: {  	s17 =	simm.s32 $0x3;
	s16 =	sadd.s32 $0x400, s21;
	[sflag:s15] =	ssyncadd.s32 $0xFFFFF000  }
0x1e: {  	[tilespmem:s9], [sflag:$0x2] =	stream.linear.gather [hbm4b:s16+s3], $0x1000, $0x38;
	[tilespmem:$0x7280] =	vst v63  }
0x1f: {  	_ =	swait.ge [sflag:s17], $0x1000  }
0x20: {  	[sflag:s17] =	ssyncset.done $0x0  }
0x21: {  	s18 =	simm.s32 $0x5;
	[sflag:s17] =	ssyncadd.s32 $0xFFFFF000  }
0x22: {  	[spmem:s2] =	stream.indirect.scatter.add.f32 [tilespmem:s10], [sflag:$0x5], $0x20, s14, s14, $0xb8;
	[tilespmem:$0x7280] =	vst v63  }
0x23: {  	_ =	swait.ge [sflag:s18], $0x1000  }
0x24: {  	[sflag:s18] =	ssyncset.done $0x0  }
0x25: {  	s19 =	sadd.s32 $0x600, s21;
	[sflag:s18] =	ssyncadd.s32 $0xFFFFF000  }
0x26: {  	[tilespmem:s10], [sflag:$0x3] =	stream.linear.gather [hbm4b:s19+s3], $0x1000, $0x38;
	[tilespmem:$0x7280] =	vst v63  }
0x27: {  	_ =	swait.ge [sflag:s13], $0x1000  }
0x28: {  	[sflag:s13] =	ssyncset.done $0x0  }
0x29: {  	s20 =	simm.s32 $0x100;
	[sflag:s13] =	ssyncadd.s32 $0xFFFFF000  }
0x2a: {  	[spmem:s2] =	stream.indirect.scatter.add.f32 [tilespmem:s9], [sflag:$0x4], $0x20, s20, s14, $0xb8;
	[tilespmem:$0x7280] =	vst v63  }
0x2b: {  	_ =	swait.ge [sflag:s15], $0x1000  }
0x2c: {  	[sflag:s15] =	ssyncset.done $0x0  }
0x2d: {  	s21 =	sadd.s32 $0x800, s21;
	[sflag:s15] =	ssyncadd.s32 $0xFFFFF000  }
0x2e: {  	[tilespmem:s9], [sflag:$0x2] =	stream.linear.gather [hbm4b:s21+s3], $0x1000, $0x38;
	[tilespmem:$0x7280] =	vst v63  }
0x2f: {  	_ =	swait.ge [sflag:s17], $0x1000  }
0x30: {  	[sflag:s17] =	ssyncset.done $0x0  }
0x31: {  	s22 =	simm.s32 $0x180;
	[sflag:s17] =	ssyncadd.s32 $0xFFFFF000  }
0x32: {  	[spmem:s2] =	stream.indirect.scatter.add.f32 [tilespmem:s10], [sflag:$0x5], $0x20, s22, s14, $0xb8;
	[tilespmem:$0x7280] =	vst v63  }
0x33: {  	_ =	swait.ge [sflag:s13], $0x1000  }
0x34: {  	[sflag:s13] =	ssyncset.done $0x0  }
0x35: {  	s23 =	simm.s32 $0x200;
	s29 =	smul.u32 $0x50000, s25;
	[sflag:s13] =	ssyncadd.s32 $0xFFFFF000  }
0x36: {  	[spmem:s2] =	stream.indirect.scatter.add.f32 [tilespmem:s9], [sflag:$0x4], $0x20, s23, s14, $0xb8;
	[tilespmem:$0x7280] =	vst v63  }
0x37: {  	s25 =	ssub.s32 $0x2, s25;
	s28 =	sadd.s32 s28, s29;
	_ =	swait.ge [sflag:s18], $0x1000  }
0x38: {  	s31 =	sshrl.u32 s25, $0x1;
	s28 =	sshrl.u32 s28, $0x3;
	[sflag:s18] =	ssyncset.done $0x0  }
0x39: {  	s24 =	sadd.s32 s28, s24;
	s28 =	ssub.s32 s25, s31;
	[sflag:s18] =	ssyncadd.s32 $0xFFFFF000  }
0x3a: {  	s28 =	smax.u32 s28, $0x1;
	_ =	swait.ge [sflag:s15], $0x1000  }
0x3b: {  	p0 =	sne.s32 s28, $0x1;
	[sflag:s15] =	ssyncset.done $0x0  }
.Ltmp0:
0x3c: {  	s25 =	sor.u32 $0x1C06, s26;
	[sflag:s15] =	ssyncadd.s32 $0xFFFFF000;
	(pc) =	sbr.rel @!p0 .LBB2_2-.Ltmp0, $4  }
0x3d: {  	s26 =	simm.s32 $0x6;
	s24 =	sadd.s32 $0x76600, s24;
	[bflag:$0x0] =	sbarrier.arrive $0xFFFF  }
0x3e: {  	[hbm:s24], [sflag:s25] =	dma.local [spmem:s11], $0xA00  }
0x3f: {  	_ =	swait.ge [sflag:s26], $0xA00  }
0x40: {  	s28 =	sadd.s32 $0xFFFFFFFF, s28;
	[sflag:s26] =	ssyncset.done $0x0  }
.LBB2_1:
0x41: {  	p0 =	sne.s32 s28, $0x1;
	s28 =	sadd.s32 $0xFFFFFFFF, s28;
	[sflag:s26] =	ssyncadd.s32 $0xFFFFF600  }
0x42: {  	[tilespmem:s9], [sflag:$0x2] =	stream.linear.gather [hbm4b:s5+s3], $0x1000, $0x38;
	[tilespmem:$0x7280] =	vst v63  }
0x43: {  	_ = 	snop  }
0x44: {  	[tilespmem:s10], [sflag:$0x3] =	stream.linear.gather [hbm4b:s6+s3], $0x1000, $0x38;
	[tilespmem:$0x7280] =	vst v63  }
0x45: {  	[spmem:s11], [sflag:s7] =	dma.local [hbm:s4], $0xA00  }
0x46: {  	[tilespmem:s3], [sflag:$0x1] =	stream.linear.gather [hbm4b:s8+s3], $0x280, $0x38;
	[tilespmem:$0x7280] =	vst v63  }
0x47: {  	_ =	swait.ge [sflag:s12], $0xA00  }
0x48: {  	[sflag:s12] =	ssyncset.done $0x0  }
0x49: {  	[sflag:s12] =	ssyncadd.s32 $0xFFFFF600  }
0x4a: {  	_ =	swait.ge [sflag:s12], $0x280  }
0x4b: {  	[sflag:s12] =	ssyncset.done $0x0  }
0x4c: {  	[sflag:s12] =	ssyncadd.s32 $0xFFFFFD80  }
0x4d: {  	[bflag:$0x0] =	sbarrier.arrive $0xFFFF  }
0x4e: {  	_ =	swait.ge [sflag:s13], $0x1000  }
0x4f: {  	[sflag:s13] =	ssyncset.done $0x0  }
0x50: {  	[sflag:s13] =	ssyncadd.s32 $0xFFFFF000  }
0x51: {  	[spmem:s2] =	stream.indirect.scatter.add.f32 [tilespmem:s9], [sflag:$0x4], $0x20, s3, s14, $0xb8;
	[tilespmem:$0x7280] =	vst v63  }
0x52: {  	_ =	swait.ge [sflag:s15], $0x1000  }
0x53: {  	[sflag:s15] =	ssyncset.done $0x0  }
0x54: {  	[sflag:s15] =	ssyncadd.s32 $0xFFFFF000  }
0x55: {  	[tilespmem:s9], [sflag:$0x2] =	stream.linear.gather [hbm4b:s16+s3], $0x1000, $0x38;
	[tilespmem:$0x7280] =	vst v63  }
0x56: {  	_ =	swait.ge [sflag:s17], $0x1000  }
0x57: {  	[sflag:s17] =	ssyncset.done $0x0  }
0x58: {  	[sflag:s17] =	ssyncadd.s32 $0xFFFFF000  }
0x59: {  	[spmem:s2] =	stream.indirect.scatter.add.f32 [tilespmem:s10], [sflag:$0x5], $0x20, s14, s14, $0xb8;
	[tilespmem:$0x7280] =	vst v63  }
0x5a: {  	_ =	swait.ge [sflag:s18], $0x1000  }
0x5b: {  	[sflag:s18] =	ssyncset.done $0x0  }
0x5c: {  	[sflag:s18] =	ssyncadd.s32 $0xFFFFF000  }
0x5d: {  	[tilespmem:s10], [sflag:$0x3] =	stream.linear.gather [hbm4b:s19+s3], $0x1000, $0x38;
	[tilespmem:$0x7280] =	vst v63  }
0x5e: {  	_ =	swait.ge [sflag:s13], $0x1000  }
0x5f: {  	[sflag:s13] =	ssyncset.done $0x0  }
0x60: {  	[sflag:s13] =	ssyncadd.s32 $0xFFFFF000  }
0x61: {  	[spmem:s2] =	stream.indirect.scatter.add.f32 [tilespmem:s9], [sflag:$0x4], $0x20, s20, s14, $0xb8;
	[tilespmem:$0x7280] =	vst v63  }
0x62: {  	_ =	swait.ge [sflag:s15], $0x1000  }
0x63: {  	[sflag:s15] =	ssyncset.done $0x0  }
0x64: {  	[sflag:s15] =	ssyncadd.s32 $0xFFFFF000  }
0x65: {  	[tilespmem:s9], [sflag:$0x2] =	stream.linear.gather [hbm4b:s21+s3], $0x1000, $0x38;
	[tilespmem:$0x7280] =	vst v63  }
0x66: {  	_ =	swait.ge [sflag:s17], $0x1000  }
0x67: {  	[sflag:s17] =	ssyncset.done $0x0  }
0x68: {  	[sflag:s17] =	ssyncadd.s32 $0xFFFFF000  }
0x69: {  	[spmem:s2] =	stream.indirect.scatter.add.f32 [tilespmem:s10], [sflag:$0x5], $0x20, s22, s14, $0xb8;
	[tilespmem:$0x7280] =	vst v63  }
0x6a: {  	_ =	swait.ge [sflag:s13], $0x1000  }
0x6b: {  	[sflag:s13] =	ssyncset.done $0x0  }
0x6c: {  	[sflag:s13] =	ssyncadd.s32 $0xFFFFF000  }
0x6d: {  	[spmem:s2] =	stream.indirect.scatter.add.f32 [tilespmem:s9], [sflag:$0x4], $0x20, s23, s14, $0xb8;
	[tilespmem:$0x7280] =	vst v63  }
0x6e: {  	_ =	swait.ge [sflag:s18], $0x1000  }
0x6f: {  	[sflag:s18] =	ssyncset.done $0x0  }
0x70: {  	[sflag:s18] =	ssyncadd.s32 $0xFFFFF000  }
0x71: {  	_ =	swait.ge [sflag:s15], $0x1000  }
0x72: {  	[sflag:s15] =	ssyncset.done $0x0  }
.Ltmp1:
0x73: {  	[sflag:s15] =	ssyncadd.s32 $0xFFFFF000;
	(pc) =	sbr.rel @p0 .LBB2_1-.Ltmp1, $4  }
0x74: {  	[bflag:$0x0] =	sbarrier.arrive $0xFFFF  }
0x75: {  	[hbm:s24], [sflag:s25] =	dma.local [spmem:s11], $0xA00  }
0x76: {  	_ =	swait.ge [sflag:s26], $0xA00  }
0x77: {  	[sflag:s26] =	ssyncset.done $0x0  }
.LBB2_2:
0x78: {  	[sflag:s26] =	ssyncadd.s32 $0xFFFFF600  }
0x79: {  	_ =	sfence.sel $0x180000  }
0x7a: {  	[bflag:$0x0] =	sbarrier.arrive $0xFFFF  }
0x7b: {  	p0 =	sne.s32 s0, $0x0;
	_ =	strace $0x9000004D  }
0x7c: {  	s0 =	sadd.s32 @!p0 $0x100000, s1;
	[bflag:$0x2] =	sbarrier.arrive $0xFFFF  }
0x7d: {  	[sflag:s0] =	ssyncadd.tile.s32 @!p0 $0x1;
	_ =	shalt  }
.Lfunc_end2:
_tile_overlayer_lowered:
.L_overlay_start_2:
0x7e: {  	(tag) =	ssettag $0x2  }
0x7f: {  	s0 =	rddreg [dreg:$0x0];
	s2 =	stileid.u32  }
0x80: {  	s1 =	rddreg [dreg:$0x1];
	p0 =	sne.s32 s2, $0x0  }
0x81: {  	s3 =	rddreg [dreg:$0x2];
	[bflag:$0x3] =	sbarrier.arrive $0xFFFF;
	s2 =	simm.s32 @!p0 $0x1C06  }
0x82: {  	[timem:s3], [sflag:s2] =	dma.local @!p0 [hbm:s0], s1  }
0x83: {  	s0 =	simm.s32 @!p0 $0x6  }
0x84: {  	_ =	swait.ge @!p0 [sflag:s0], s1  }
0x85: {  	s1 =	ssub.s32 @!p0 $0x0, s1;
	[sflag:s0] =	ssyncset.done @!p0 $0x0  }
0x86: {  	[sflag:s0] =	ssyncadd.s32 @!p0 s1  }
0x87: {  	[bflag:$0x3] =	sbarrier.arrive $0xFFFF  }
0x88: {  	_ =	shalt  }

// kernel: kernel.25.cloned.1.call-start
scs
__scs_entry_jumppad:
0x0: {  	(pc) =	sbr.rel $0x88, $3  }
0x1: {  	(tag) =	ssettag $0x0;
	lr =	simm.s32 $0x1  }
0x2: {  	[smem:$0x3F7F] =	sst lr;
	_ =	strace $0xD0000000  }
0x3: {  	_ = 	snop  }
0x4: {  	_ = 	snop  }
0x5: {  	_ = 	snop  }
0x6: {  	_ = 	snop  }
0x7: {  	_ = 	snop  }
__scs_overlays_trampoline_lowered:
0x8: {  	[smem:$0x3F8E] =	sst s0  }
0x9: {  	[smem:$0x3F8F] =	sst s1  }
0xa: {  	[smem:$0x3F90] =	sst s2  }
0xb: {  	[smem:$0x3F91] =	sst s3  }
0xc: {  	[smem:$0x3F92] =	sst s4  }
0xd: {  	[smem:$0x3F93] =	sst s5  }
0xe: {  	[smem:$0x3F94] =	sst s6  }
0xf: {  	[smem:$0x3F95] =	sst s7  }
0x10: {  	[smem:$0x3F96] =	sst s8  }
0x11: {  	[smem:$0x3F97] =	sst s9;
	s0 =	simm.s32 @!p0 $0x0  }
0x12: {  	s1 =	sld [smem:$0x3F7D];
	s0 =	simm.s32 @p0 $0x1  }
0x13: {  	[smem:$0x3F98] =	sst s0;
	s0 =	simm.s32 @!p1 $0x0  }
0x14: {  	s2 =	sld [smem:$0x3F7C];
	s0 =	simm.s32 @p1 $0x1  }
0x15: {  	[smem:$0x3F99] =	sst s0;
	s0 =	simm.s32 @!p2 $0x0  }
0x16: {  	s3 =	sld [smem:$0x3FDB];
	s0 =	simm.s32 @p2 $0x1  }
0x17: {  	s4 =	simm.s32 $0x1BF5;
	[smem:$0x3F9B] =	sst s0  }
0x18: {  	s0 =	sld [smem:$0x3F7E];
	_ =	swait.ge [sflag:s4], $0x0  }
0x19: {  	s7 =	sld [smem:$0x3F7F]  }
0x1a: {  	s8 =	sadd.s32 $0xFFFFE003, lr  }
0x1b: {  	s9 =	sadd.s32 $0xFFFFFEF7, lr;
	s5 =	simm.s32 $0xFFFFFFFF;
	p2 =	slt.u32 s8, $0xFFFFF086  }
0x1c: {  	p1 =	slt.u32 s9, $0xF7A;
	s5 =	simm.s32 @!p2 $0x0  }
0x1d: {  	s5 =	simm.s32 @p1 $0x1;
	p0 =	seq.s32 s7, s2  }
0x1e: {  	s7 =	smul.u32 @!p0 $0xF7A, s2;
	p2 =	seq.s32 @!p0 s5, $0x0  }
0x1f: {  	s9 =	smul.u32 $0xF7A, s1;
	s8 =	simm.s32 @!p0 $0x1BF5;
	p2 =	por !p2, p0  }
0x20: {  	[sflag:s8] =	ssyncset.s32 @!p0 $0xFFFFF086;
	s6 =	sadd.s32 @!p0 s3, s7;
	s7 =	simm.s32 @!p0 $0x108  }
0x21: {  	s3 =	sadd.s32 s3, s9;
	s6 =	sadd.s32 @!p0 $0x88, s6;
	s7 =	simm.s32 @p2 $0x1082  }
0x22: {  	[simem:s7], [sflag:s8] =	dma.local @!p0 [hbm:s6], $0xF7A  }
0x23: {  	s9 =	sor.u32 $0xD0000000, s2;
	s6 =	simm.s32 $0x108;
	_ =	swait.ge @!p0 [sflag:s8], $0x0  }
0x24: {  	s3 =	sadd.s32 $0x88, s3;
	s6 =	simm.s32 @!p1 $0x1082;
	[sflag:s4] =	ssyncset.s32 $0xFFFFF086  }
0x25: {  	[simem:s6], [sflag:s4] =	dma.local [hbm:s3], $0xF7A  }
0x26: {  	[smem:$0x3F7F] =	sst s1;
	(tag) =	ssettag s2;
	_ =	strace s9  }
0x27: {  	s1 =	sld [smem:$0x3F8F]  }
0x28: {  	s2 =	sld [smem:$0x3F90]  }
0x29: {  	s4 =	sld [smem:$0x3F92]  }
0x2a: {  	p0 =	seq.s32 s5, $0x0;
	s5 =	sld [smem:$0x3F93]  }
0x2b: {  	s6 =	sld [smem:$0x3F94]  }
0x2c: {  	s7 =	sld [smem:$0x3F95]  }
0x2d: {  	s3 =	simm.s32 $0x108;
	s8 =	sld [smem:$0x3F96]  }
0x2e: {  	s3 =	simm.s32 @!p0 $0x1082;
	s9 =	sld [smem:$0x3F97]  }
0x2f: {  	lr =	sadd.s32 s0, s3;
	s0 =	sld [smem:$0x3F8E]  }
0x30: {  	s3 =	sld [smem:$0x3F91]  }
0x31: {  	[smem:$0x3F9A] =	sst s10  }
0x32: {  	s10 =	sld [smem:$0x3F98];
	_ =	sdelay $0x3  }
0x33: {  	p0 =	seq.s32 s10, $0x1;
	s10 =	sld [smem:$0x3F9A];
	_ =	sdelay $0x3  }
0x34: {  	[smem:$0x3F9A] =	sst s10  }
0x35: {  	s10 =	sld [smem:$0x3F99];
	_ =	sdelay $0x3  }
0x36: {  	p1 =	seq.s32 s10, $0x1;
	s10 =	sld [smem:$0x3F9A];
	_ =	sdelay $0x3  }
0x37: {  	[smem:$0x3F9A] =	sst s10  }
0x38: {  	s10 =	sld [smem:$0x3F9B]  }
0x39: {  	_ = 	snop;
	(pc) =	sbr.ind lr, $3  }
0x3a: {  	_ = 	snop  }
0x3b: {  	_ = 	snop  }
0x3c: {  	p2 =	seq.s32 s10, $0x1;
	s10 =	sld [smem:$0x3F9A]  }
0x3d: {  	_ =	shalt  }
0x3e: {  	_ =	shalt  }
0x3f: {  	_ =	shalt  }
0x40: {  	_ =	shalt  }
0x41: {  	_ =	shalt  }
0x42: {  	_ =	shalt  }
0x43: {  	_ =	shalt  }
0x44: {  	_ =	shalt  }
0x45: {  	_ =	shalt  }
0x46: {  	_ =	shalt  }
0x47: {  	_ =	shalt  }
0x48: {  	_ =	shalt  }
0x49: {  	_ =	shalt  }
0x4a: {  	_ =	shalt  }
0x4b: {  	_ =	shalt  }
0x4c: {  	_ =	shalt  }
0x4d: {  	_ =	shalt  }
0x4e: {  	_ =	shalt  }
0x4f: {  	_ =	shalt  }
0x50: {  	_ =	shalt  }
0x51: {  	_ =	shalt  }
0x52: {  	_ =	shalt  }
0x53: {  	_ =	shalt  }
0x54: {  	_ =	shalt  }
0x55: {  	_ =	shalt  }
0x56: {  	_ =	shalt  }
0x57: {  	_ =	shalt  }
0x58: {  	_ =	shalt  }
0x59: {  	_ =	shalt  }
0x5a: {  	_ =	shalt  }
0x5b: {  	_ =	shalt  }
0x5c: {  	_ =	shalt  }
0x5d: {  	_ =	shalt  }
0x5e: {  	_ =	shalt  }
0x5f: {  	_ =	shalt  }
0x60: {  	_ =	shalt  }
0x61: {  	_ =	shalt  }
0x62: {  	_ =	shalt  }
0x63: {  	_ =	shalt  }
0x64: {  	_ =	shalt  }
0x65: {  	_ =	shalt  }
0x66: {  	_ =	shalt  }
0x67: {  	_ =	shalt  }
0x68: {  	_ =	shalt  }
0x69: {  	_ =	shalt  }
0x6a: {  	_ =	shalt  }
0x6b: {  	_ =	shalt  }
0x6c: {  	_ =	shalt  }
0x6d: {  	_ =	shalt  }
0x6e: {  	_ =	shalt  }
0x6f: {  	_ =	shalt  }
0x70: {  	_ =	shalt  }
0x71: {  	_ =	shalt  }
0x72: {  	_ =	shalt  }
0x73: {  	_ =	shalt  }
0x74: {  	_ =	shalt  }
0x75: {  	_ =	shalt  }
0x76: {  	_ =	shalt  }
0x77: {  	_ =	shalt  }
0x78: {  	_ =	shalt  }
0x79: {  	_ =	shalt  }
0x7a: {  	_ =	shalt  }
0x7b: {  	_ =	shalt  }
0x7c: {  	_ =	shalt  }
0x7d: {  	_ =	shalt  }
0x7e: {  	_ =	shalt  }
0x7f: {  	_ =	shalt  }
0x80: {  	_ =	shalt  }
0x81: {  	_ =	shalt  }
0x82: {  	_ =	shalt  }
0x83: {  	_ =	shalt  }
0x84: {  	_ =	shalt  }
0x85: {  	_ =	shalt  }
0x86: {  	_ =	shalt  }
0x87: {  	_ =	shalt  }
.Lfunc_end0:
.L_simem_size_0:
called_computation.3_lowered:
.L_overlay_start_0:
0x88: {  	s2 =	sld [smem:$0x3FD9]  }
0x89: {  	s3 =	sld [smem:$0x3FFE];
	_ =	sdelay $0x1  }
0x8a: {  	s1 =	srdreg.scid  }
0x8b: {  	s0 =	sand.u32 $0x1, s1  }
0x8c: {  	s16 =	sshll.u32 s0, $0xA;
	s2 =	sadd.s32 s3, s2  }
0x8d: {  	s2 =	sadd.s32 s2, s16  }
0x8e: {  	[smem:$0x3FA6] =	sst s2  }
0x8f: {  	_ = 	snop  }
0x90: {  	(tm) =	ssettm $0x1  }
0x91: {  	s17 =	sld [smem:$0x3FFB];
	_ =	sdelay $0x3  }
0x92: {  	_ =	strace s17  }
0x93: {  	s2 =	sld [smem:$0x3FFC];
	_ =	sdelay $0x3  }
0x94: {  	_ =	strace s2  }
0x95: {  	s2 =	sld [smem:$0x3FFD];
	_ =	sdelay $0x3  }
0x96: {  	_ =	strace s2  }
0x97: {  	_ =	strace $0x8FFFFFFF  }
0x98: {  	s18 =	sld [smem:$0x3FDB];
	_ =	sdelay $0x1  }
0x99: {  	s19 =	simm.s32 $_scs_section_size  }
0x9a: {  	s4 =	simm.s32 $_size__tile_overlayer_lowered;
	s5 =	simm.s32 $_tile_overlayer_lowered  }
0x9b: {  	s22 =	simm.s32 $0x1BFF;
	s21 =	sshll.u32 s5, $0x1;
	s2 =	sadd.s32 s19, s18  }
0x9c: {  	s6 =	simm.s32 $0x0;
	s20 =	sshll.u32 s4, $0x1;
	s4 =	sadd.s32 s21, s2  }
0x9d: {  	[timem:s6], [sflag:s22] =	dma.local [hbm:s4], s20  }
0x9e: {  	_ =	swait.ge [sflag:s22], s20  }
0x9f: {  	s3 =	ssub.s32 $0x0, s20;
	[sflag:s22] =	ssyncset.done $0x0  }
0xa0: {  	[sflag:s22] =	ssyncadd.s32 s3;
	_ =	sdelay $0x1  }
0xa1: {  	s23 =	simm.s32 $0x1B8B  }
0xa2: {  	_ =	swait.ge [sflag:s23], $0x1  }
0xa3: {  	[sflag:s23] =	ssyncset.done $0x0  }
0xa4: {  	s25 =	simm.s32 $0x1B8E;
	s24 =	sld [smem:$0x3FFE];
	[sflag:s23] =	ssyncadd.s32 $0xFFFFFFFF  }
0xa5: {  	s26 =	simm.s32 $execute0_lowered;
	[smem:$0x3FD2] =	sst s25  }
0xa6: {  	s4 =	sshll.u32 s26, $0x1;
	_ =	strace $0x8000004F;
	[dreg:$0x1] =	wrdreg $0xFFFFFFFF  }
0xa7: {  	s28 =	simm.s32 $_size_execute0_lowered;
	s2 =	sadd.s32 s2, s4;
	[dreg:$0x0] =	wrdreg $0x0  }
0xa8: {  	s4 =	sshll.u32 s28, $0x1;
	[dreg:$0x2] =	wrdreg s2  }
0xa9: {  	[dreg:$0x3] =	wrdreg s4  }
0xaa: {  	[dreg:$0x4] =	wrdreg $0xC0  }
0xab: {  	_ =	task [dreg:s6], $0x5FFFF  }
0xac: {  	[dreg:$0x1] =	wrdreg $0xFFFFFFFF  }
0xad: {  	[dreg:$0x0] =	wrdreg $0x60  }
0xae: {  	[dreg:$0x2] =	wrdreg s24  }
0xaf: {  	[dreg:$0x3] =	wrdreg $0x9  }
0xb0: {  	_ =	task.clear_ibuf [dreg:s6], $0x4FFFF;
	_ =	strace $0x9000004F  }
0xb1: {  	s29 =	simm.s32 $0x9;
	_ =	strace $0x80000051  }
0xb2: {  	_ =	swait.ge [sflag:s29], $0x1  }
0xb3: {  	[sflag:s29] =	ssyncadd.s32 $0xFFFFFFFF  }
0xb4: {  	_ =	strace $0x90000051  }
0xb5: {  	_ =	sfence  }
0xb6: {  	s30 =	sld [smem:$0x0];
	_ =	sdelay $0x2  }
0xb7: {  	s31 =	sshll.u32 s1, $0xD;
	s1 =	sshrl.u32 s1, $0x2  }
0xb8: {  	s3 =	sand.u32 $0x4000, s31;
	s1 =	sadd.s32 s1, s30  }
0xb9: {  	s0 =	sor.u32 s3, s0;
	s1 =	sshll.u32 s1, $0x11  }
0xba: {  	s0 =	sor.u32 s1, s0  }
0xbb: {  	s0 =	sadd.s32 $0x8F2B, s0  }
0xbc: {  	[sflag:s0] =	ssyncadd.remote.s32 $0x1  }
0xbd: {  	_ =	sfence.sel $0xFFFF  }
0xbe: {  	[dreg:$0x0] =	wrdreg $0xFFFFFFFF;
	(pc) =	sbr.abs _section_cstart, $3  }
0xbf: {  	[dreg:$0x1] =	wrdreg $0xFFFFFFFF  }
0xc0: {  	_ =	task.clear_ibuf [dreg:s6], $0x2FFFF;
	_ =	strace $0x9FFFFFFF  }
0xc1: {  	(tm) =	ssettm $0x7FFFFFFF  }
tec
execute0_lowered:
.L_overlay_start_1:
0x0: {  	(tag) =	ssettag $0x1  }
0x1: {  	s1 =	srdreg.scid;
	s0 =	stileid.u32  }
0x2: {  	s16 =	sand.u32 $0x1, s1;
	s29 =	sshll.u32 s0, $0x1  }
0x3: {  	s17 =	sor.u32 s16, s29  }
0x4: {  	s18 =	rddreg [dreg:$0x0];
	s3 =	smul.u32 $0x50, s17  }
0x5: {  	s2 =	simm.s32 $0x0;
	s1 =	rddreg [dreg:$0x1]  }
0x6: {  	[smem:$0x7FF] =	sst s2;
	s3 =	sadd.s32 s3, s18  }
0x7: {  	_ =	strace $0x80000050;
	s4 =	sadd.s32 $0x7C00, s3;
	s3 =	simm.s32 $0x2  }
0x8: {  	[tilespmem:s2], [sflag:$0x2] =	stream.linear.gather [hbm4b:s4+s2], $0x280, $0x38;
	[tilespmem:$0x5280] =	vst v63  }
0x9: {  	_ =	swait.ge [sflag:s3], $0x280  }
0xa: {  	s6 =	simm.s32 $0x80;
	[sflag:s3] =	ssyncset.done $0x0  }
0xb: {  	s7 =	simm.s32 $0x280;
	s5 =	sadd.s32 $0x8600, s18;
	[sflag:s3] =	ssyncadd.s32 $0xFFFFFD80  }
0xc: {  	[tilespmem:s7], [sflag:$0x1] =	stream.indirect.gather [hbm4b:s5+s6], $0x20, s2, s6, $0xb8;
	[tilespmem:$0x5280] =	vst v63  }
0xd: {  	s8 =	simm.s32 $0x1280  }
0xe: {  	[tilespmem:s8], [sflag:$0x1] =	stream.indirect.gather [hbm4b:s5+s6], $0x20, s6, s6, $0xb8;
	[tilespmem:$0x5280] =	vst v63  }
0xf: {  	s9 =	simm.s32 $0x100;
	s10 =	simm.s32 $0x2280  }
0x10: {  	[tilespmem:s10], [sflag:$0x1] =	stream.indirect.gather [hbm4b:s5+s6], $0x20, s9, s6, $0xb8;
	[tilespmem:$0x5280] =	vst v63  }
0x11: {  	s11 =	simm.s32 $0x180;
	s12 =	simm.s32 $0x3280  }
0x12: {  	[tilespmem:s12], [sflag:$0x1] =	stream.indirect.gather [hbm4b:s5+s6], $0x20, s11, s6, $0xb8;
	[tilespmem:$0x5280] =	vst v63  }
0x13: {  	s13 =	simm.s32 $0x200;
	s14 =	simm.s32 $0x4280;
	s15 =	simm.s32 $0x1  }
0x14: {  	[tilespmem:s14], [sflag:$0x1] =	stream.indirect.gather [hbm4b:s5+s6], $0x20, s13, s6, $0xb8;
	[tilespmem:$0x5280] =	vst v63  }
0x15: {  	_ =	swait.ge [sflag:s15], $0x1000  }
0x16: {  	[sflag:s15] =	ssyncset.done $0x0  }
0x17: {  	[sflag:s15] =	ssyncadd.s32 $0xFFFFF000  }
0x18: {  	_ =	swait.ge [sflag:s15], $0x1000  }
0x19: {  	[sflag:s15] =	ssyncset.done $0x0  }
0x1a: {  	[sflag:s15] =	ssyncadd.s32 $0xFFFFF000  }
0x1b: {  	_ =	swait.ge [sflag:s15], $0x1000  }
0x1c: {  	[sflag:s15] =	ssyncset.done $0x0  }
0x1d: {  	s16 =	ssub.s32 $0x2, s16;
	[sflag:s15] =	ssyncadd.s32 $0xFFFFF000  }
0x1e: {  	s19 =	sshrl.u32 s16, $0x1;
	_ =	swait.ge [sflag:s15], $0x1000  }
0x1f: {  	s30 =	ssub.s32 s16, s19;
	[sflag:s15] =	ssyncset.done $0x0  }
0x20: {  	s17 =	smul.u32 $0xA00, s17;
	s31 =	smax.u32 s30, $0x1;
	[sflag:s15] =	ssyncadd.s32 $0xFFFFF000  }
0x21: {  	p0 =	sne.s32 s31, $0x1;
	_ =	swait.ge [sflag:s15], $0x1000  }
.Ltmp0:
0x22: {  	s17 =	sadd.s32 s17, s18;
	[sflag:s15] =	ssyncset.done $0x0;
	(pc) =	sbr.rel @!p0 .LBB2_2-.Ltmp0, $4  }
0x23: {  	s16 =	sadd.s32 $0x12600, s17;
	[sflag:s15] =	ssyncadd.s32 $0xFFFFF000  }
0x24: {  	[hbm4b:s16+s2] =	stream.linear.scatter [tilespmem:s7], [sflag:$0x2], $0x5000, $0x38;
	[tilespmem:$0x5280] =	vst v63  }
0x25: {  	_ =	swait.ge [sflag:s3], $0x5000  }
0x26: {  	s17 =	sadd.s32 $0xFFFFFFFF, s31;
	[sflag:s3] =	ssyncset.done $0x0  }
.LBB2_1:
0x27: {  	p0 =	sne.s32 s17, $0x1;
	s17 =	sadd.s32 $0xFFFFFFFF, s17;
	[sflag:s3] =	ssyncadd.s32 $0xFFFFB000  }
0x28: {  	[tilespmem:s2], [sflag:$0x2] =	stream.linear.gather [hbm4b:s4+s2], $0x280, $0x38;
	[tilespmem:$0x5280] =	vst v63  }
0x29: {  	_ =	swait.ge [sflag:s3], $0x280  }
0x2a: {  	[sflag:s3] =	ssyncset.done $0x0  }
0x2b: {  	[sflag:s3] =	ssyncadd.s32 $0xFFFFFD80  }
0x2c: {  	[tilespmem:s7], [sflag:$0x1] =	stream.indirect.gather [hbm4b:s5+s6], $0x20, s2, s6, $0xb8;
	[tilespmem:$0x5280] =	vst v63  }
0x2d: {  	_ = 	snop  }
0x2e: {  	[tilespmem:s8], [sflag:$0x1] =	stream.indirect.gather [hbm4b:s5+s6], $0x20, s6, s6, $0xb8;
	[tilespmem:$0x5280] =	vst v63  }
0x2f: {  	_ = 	snop  }
0x30: {  	[tilespmem:s10], [sflag:$0x1] =	stream.indirect.gather [hbm4b:s5+s6], $0x20, s9, s6, $0xb8;
	[tilespmem:$0x5280] =	vst v63  }
0x31: {  	_ = 	snop  }
0x32: {  	[tilespmem:s12], [sflag:$0x1] =	stream.indirect.gather [hbm4b:s5+s6], $0x20, s11, s6, $0xb8;
	[tilespmem:$0x5280] =	vst v63  }
0x33: {  	_ = 	snop  }
0x34: {  	[tilespmem:s14], [sflag:$0x1] =	stream.indirect.gather [hbm4b:s5+s6], $0x20, s13, s6, $0xb8;
	[tilespmem:$0x5280] =	vst v63  }
0x35: {  	_ =	swait.ge [sflag:s15], $0x1000  }
0x36: {  	[sflag:s15] =	ssyncset.done $0x0  }
0x37: {  	[sflag:s15] =	ssyncadd.s32 $0xFFFFF000  }
0x38: {  	_ =	swait.ge [sflag:s15], $0x1000  }
0x39: {  	[sflag:s15] =	ssyncset.done $0x0  }
0x3a: {  	[sflag:s15] =	ssyncadd.s32 $0xFFFFF000  }
0x3b: {  	_ =	swait.ge [sflag:s15], $0x1000  }
0x3c: {  	[sflag:s15] =	ssyncset.done $0x0  }
0x3d: {  	[sflag:s15] =	ssyncadd.s32 $0xFFFFF000  }
0x3e: {  	_ =	swait.ge [sflag:s15], $0x1000  }
0x3f: {  	[sflag:s15] =	ssyncset.done $0x0  }
0x40: {  	[sflag:s15] =	ssyncadd.s32 $0xFFFFF000  }
0x41: {  	_ =	swait.ge [sflag:s15], $0x1000  }
.Ltmp1:
0x42: {  	[sflag:s15] =	ssyncset.done $0x0;
	(pc) =	sbr.rel @p0 .LBB2_1-.Ltmp1, $4  }
0x43: {  	[sflag:s15] =	ssyncadd.s32 $0xFFFFF000  }
0x44: {  	[hbm4b:s16+s2] =	stream.linear.scatter [tilespmem:s7], [sflag:$0x2], $0x5000, $0x38;
	[tilespmem:$0x5280] =	vst v63  }
0x45: {  	_ =	swait.ge [sflag:s3], $0x5000  }
0x46: {  	[sflag:s3] =	ssyncset.done $0x0  }
.LBB2_2:
0x47: {  	[sflag:s3] =	ssyncadd.s32 $0xFFFFB000  }
0x48: {  	_ =	sfence.sel $0x180000  }
0x49: {  	[bflag:$0x0] =	sbarrier.arrive $0xFFFF  }
0x4a: {  	p0 =	sne.s32 s0, $0x0;
	_ =	strace $0x90000050  }
0x4b: {  	s0 =	sadd.s32 @!p0 $0x100000, s1;
	[bflag:$0x2] =	sbarrier.arrive $0xFFFF  }
0x4c: {  	[sflag:s0] =	ssyncadd.tile.s32 @!p0 $0x1;
	_ =	shalt  }
.Lfunc_end2:
_tile_overlayer_lowered:
.L_overlay_start_2:
0x4d: {  	(tag) =	ssettag $0x2  }
0x4e: {  	s0 =	rddreg [dreg:$0x0];
	s2 =	stileid.u32  }
0x4f: {  	s1 =	rddreg [dreg:$0x1];
	p0 =	sne.s32 s2, $0x0  }
0x50: {  	s3 =	rddreg [dreg:$0x2];
	[bflag:$0x3] =	sbarrier.arrive $0xFFFF;
	s2 =	simm.s32 @!p0 $0x1C02  }
0x51: {  	[timem:s3], [sflag:s2] =	dma.local @!p0 [hbm:s0], s1  }
0x52: {  	s0 =	simm.s32 @!p0 $0x2  }
0x53: {  	_ =	swait.ge @!p0 [sflag:s0], s1  }
0x54: {  	s1 =	ssub.s32 @!p0 $0x0, s1;
	[sflag:s0] =	ssyncset.done @!p0 $0x0  }
0x55: {  	[sflag:s0] =	ssyncadd.s32 @!p0 s1  }
0x56: {  	[bflag:$0x3] =	sbarrier.arrive $0xFFFF  }
0x57: {  	_ =	shalt  }

// kernel: kernel.28.cloned.1.call-start
scs
__scs_entry_jumppad:
0x0: {  	(pc) =	sbr.rel $0x88, $3  }
0x1: {  	(tag) =	ssettag $0x0;
	lr =	simm.s32 $0x1  }
0x2: {  	[smem:$0x3F7F] =	sst lr;
	_ =	strace $0xD0000000  }
0x3: {  	_ = 	snop  }
0x4: {  	_ = 	snop  }
0x5: {  	_ = 	snop  }
0x6: {  	_ = 	snop  }
0x7: {  	_ = 	snop  }
__scs_overlays_trampoline_lowered:
0x8: {  	[smem:$0x3F8E] =	sst s0  }
0x9: {  	[smem:$0x3F8F] =	sst s1  }
0xa: {  	[smem:$0x3F90] =	sst s2  }
0xb: {  	[smem:$0x3F91] =	sst s3  }
0xc: {  	[smem:$0x3F92] =	sst s4  }
0xd: {  	[smem:$0x3F93] =	sst s5  }
0xe: {  	[smem:$0x3F94] =	sst s6  }
0xf: {  	[smem:$0x3F95] =	sst s7  }
0x10: {  	[smem:$0x3F96] =	sst s8  }
0x11: {  	[smem:$0x3F97] =	sst s9;
	s0 =	simm.s32 @!p0 $0x0  }
0x12: {  	s1 =	sld [smem:$0x3F7D];
	s0 =	simm.s32 @p0 $0x1  }
0x13: {  	[smem:$0x3F98] =	sst s0;
	s0 =	simm.s32 @!p1 $0x0  }
0x14: {  	s2 =	sld [smem:$0x3F7C];
	s0 =	simm.s32 @p1 $0x1  }
0x15: {  	[smem:$0x3F99] =	sst s0;
	s0 =	simm.s32 @!p2 $0x0  }
0x16: {  	s3 =	sld [smem:$0x3FDB];
	s0 =	simm.s32 @p2 $0x1  }
0x17: {  	s4 =	simm.s32 $0x1BF5;
	[smem:$0x3F9B] =	sst s0  }
0x18: {  	s0 =	sld [smem:$0x3F7E];
	_ =	swait.ge [sflag:s4], $0x0  }
0x19: {  	s7 =	sld [smem:$0x3F7F]  }
0x1a: {  	s8 =	sadd.s32 $0xFFFFE003, lr  }
0x1b: {  	s9 =	sadd.s32 $0xFFFFFEF7, lr;
	s5 =	simm.s32 $0xFFFFFFFF;
	p2 =	slt.u32 s8, $0xFFFFF086  }
0x1c: {  	p1 =	slt.u32 s9, $0xF7A;
	s5 =	simm.s32 @!p2 $0x0  }
0x1d: {  	s5 =	simm.s32 @p1 $0x1;
	p0 =	seq.s32 s7, s2  }
0x1e: {  	s7 =	smul.u32 @!p0 $0xF7A, s2;
	p2 =	seq.s32 @!p0 s5, $0x0  }
0x1f: {  	s9 =	smul.u32 $0xF7A, s1;
	s8 =	simm.s32 @!p0 $0x1BF5;
	p2 =	por !p2, p0  }
0x20: {  	[sflag:s8] =	ssyncset.s32 @!p0 $0xFFFFF086;
	s6 =	sadd.s32 @!p0 s3, s7;
	s7 =	simm.s32 @!p0 $0x108  }
0x21: {  	s3 =	sadd.s32 s3, s9;
	s6 =	sadd.s32 @!p0 $0x88, s6;
	s7 =	simm.s32 @p2 $0x1082  }
0x22: {  	[simem:s7], [sflag:s8] =	dma.local @!p0 [hbm:s6], $0xF7A  }
0x23: {  	s9 =	sor.u32 $0xD0000000, s2;
	s6 =	simm.s32 $0x108;
	_ =	swait.ge @!p0 [sflag:s8], $0x0  }
0x24: {  	s3 =	sadd.s32 $0x88, s3;
	s6 =	simm.s32 @!p1 $0x1082;
	[sflag:s4] =	ssyncset.s32 $0xFFFFF086  }
0x25: {  	[simem:s6], [sflag:s4] =	dma.local [hbm:s3], $0xF7A  }
0x26: {  	[smem:$0x3F7F] =	sst s1;
	(tag) =	ssettag s2;
	_ =	strace s9  }
0x27: {  	s1 =	sld [smem:$0x3F8F]  }
0x28: {  	s2 =	sld [smem:$0x3F90]  }
0x29: {  	s4 =	sld [smem:$0x3F92]  }
0x2a: {  	p0 =	seq.s32 s5, $0x0;
	s5 =	sld [smem:$0x3F93]  }
0x2b: {  	s6 =	sld [smem:$0x3F94]  }
0x2c: {  	s7 =	sld [smem:$0x3F95]  }
0x2d: {  	s3 =	simm.s32 $0x108;
	s8 =	sld [smem:$0x3F96]  }
0x2e: {  	s3 =	simm.s32 @!p0 $0x1082;
	s9 =	sld [smem:$0x3F97]  }
0x2f: {  	lr =	sadd.s32 s0, s3;
	s0 =	sld [smem:$0x3F8E]  }
0x30: {  	s3 =	sld [smem:$0x3F91]  }
0x31: {  	[smem:$0x3F9A] =	sst s10  }
0x32: {  	s10 =	sld [smem:$0x3F98];
	_ =	sdelay $0x3  }
0x33: {  	p0 =	seq.s32 s10, $0x1;
	s10 =	sld [smem:$0x3F9A];
	_ =	sdelay $0x3  }
0x34: {  	[smem:$0x3F9A] =	sst s10  }
0x35: {  	s10 =	sld [smem:$0x3F99];
	_ =	sdelay $0x3  }
0x36: {  	p1 =	seq.s32 s10, $0x1;
	s10 =	sld [smem:$0x3F9A];
	_ =	sdelay $0x3  }
0x37: {  	[smem:$0x3F9A] =	sst s10  }
0x38: {  	s10 =	sld [smem:$0x3F9B]  }
0x39: {  	_ = 	snop;
	(pc) =	sbr.ind lr, $3  }
0x3a: {  	_ = 	snop  }
0x3b: {  	_ = 	snop  }
0x3c: {  	p2 =	seq.s32 s10, $0x1;
	s10 =	sld [smem:$0x3F9A]  }
0x3d: {  	_ =	shalt  }
0x3e: {  	_ =	shalt  }
0x3f: {  	_ =	shalt  }
0x40: {  	_ =	shalt  }
0x41: {  	_ =	shalt  }
0x42: {  	_ =	shalt  }
0x43: {  	_ =	shalt  }
0x44: {  	_ =	shalt  }
0x45: {  	_ =	shalt  }
0x46: {  	_ =	shalt  }
0x47: {  	_ =	shalt  }
0x48: {  	_ =	shalt  }
0x49: {  	_ =	shalt  }
0x4a: {  	_ =	shalt  }
0x4b: {  	_ =	shalt  }
0x4c: {  	_ =	shalt  }
0x4d: {  	_ =	shalt  }
0x4e: {  	_ =	shalt  }
0x4f: {  	_ =	shalt  }
0x50: {  	_ =	shalt  }
0x51: {  	_ =	shalt  }
0x52: {  	_ =	shalt  }
0x53: {  	_ =	shalt  }
0x54: {  	_ =	shalt  }
0x55: {  	_ =	shalt  }
0x56: {  	_ =	shalt  }
0x57: {  	_ =	shalt  }
0x58: {  	_ =	shalt  }
0x59: {  	_ =	shalt  }
0x5a: {  	_ =	shalt  }
0x5b: {  	_ =	shalt  }
0x5c: {  	_ =	shalt  }
0x5d: {  	_ =	shalt  }
0x5e: {  	_ =	shalt  }
0x5f: {  	_ =	shalt  }
0x60: {  	_ =	shalt  }
0x61: {  	_ =	shalt  }
0x62: {  	_ =	shalt  }
0x63: {  	_ =	shalt  }
0x64: {  	_ =	shalt  }
0x65: {  	_ =	shalt  }
0x66: {  	_ =	shalt  }
0x67: {  	_ =	shalt  }
0x68: {  	_ =	shalt  }
0x69: {  	_ =	shalt  }
0x6a: {  	_ =	shalt  }
0x6b: {  	_ =	shalt  }
0x6c: {  	_ =	shalt  }
0x6d: {  	_ =	shalt  }
0x6e: {  	_ =	shalt  }
0x6f: {  	_ =	shalt  }
0x70: {  	_ =	shalt  }
0x71: {  	_ =	shalt  }
0x72: {  	_ =	shalt  }
0x73: {  	_ =	shalt  }
0x74: {  	_ =	shalt  }
0x75: {  	_ =	shalt  }
0x76: {  	_ =	shalt  }
0x77: {  	_ =	shalt  }
0x78: {  	_ =	shalt  }
0x79: {  	_ =	shalt  }
0x7a: {  	_ =	shalt  }
0x7b: {  	_ =	shalt  }
0x7c: {  	_ =	shalt  }
0x7d: {  	_ =	shalt  }
0x7e: {  	_ =	shalt  }
0x7f: {  	_ =	shalt  }
0x80: {  	_ =	shalt  }
0x81: {  	_ =	shalt  }
0x82: {  	_ =	shalt  }
0x83: {  	_ =	shalt  }
0x84: {  	_ =	shalt  }
0x85: {  	_ =	shalt  }
0x86: {  	_ =	shalt  }
0x87: {  	_ =	shalt  }
.Lfunc_end0:
.L_simem_size_0:
called_computation.4_lowered:
.L_overlay_start_0:
0x88: {  	s2 =	sld [smem:$0x3FD9]  }
0x89: {  	s3 =	sld [smem:$0x3FFE];
	_ =	sdelay $0x1  }
0x8a: {  	s1 =	srdreg.scid  }
0x8b: {  	s0 =	sand.u32 $0x1, s1  }
0x8c: {  	s16 =	sshll.u32 s0, $0xA;
	s2 =	sadd.s32 s3, s2  }
0x8d: {  	s2 =	sadd.s32 s2, s16  }
0x8e: {  	[smem:$0x3FA6] =	sst s2  }
0x8f: {  	_ = 	snop  }
0x90: {  	(tm) =	ssettm $0x1  }
0x91: {  	s17 =	sld [smem:$0x3FFB];
	_ =	sdelay $0x3  }
0x92: {  	_ =	strace s17  }
0x93: {  	s2 =	sld [smem:$0x3FFC];
	_ =	sdelay $0x3  }
0x94: {  	_ =	strace s2  }
0x95: {  	s2 =	sld [smem:$0x3FFD];
	_ =	sdelay $0x3  }
0x96: {  	_ =	strace s2  }
0x97: {  	_ =	strace $0x8FFFFFFF  }
0x98: {  	s18 =	sld [smem:$0x3FDB];
	_ =	sdelay $0x1  }
0x99: {  	s19 =	simm.s32 $_scs_section_size  }
0x9a: {  	s4 =	simm.s32 $_size__tile_overlayer_lowered;
	s5 =	simm.s32 $_tile_overlayer_lowered  }
0x9b: {  	s22 =	simm.s32 $0x1BFF;
	s21 =	sshll.u32 s5, $0x1;
	s2 =	sadd.s32 s19, s18  }
0x9c: {  	s6 =	simm.s32 $0x0;
	s20 =	sshll.u32 s4, $0x1;
	s4 =	sadd.s32 s21, s2  }
0x9d: {  	[timem:s6], [sflag:s22] =	dma.local [hbm:s4], s20  }
0x9e: {  	_ =	swait.ge [sflag:s22], s20  }
0x9f: {  	s3 =	ssub.s32 $0x0, s20;
	[sflag:s22] =	ssyncset.done $0x0  }
0xa0: {  	[sflag:s22] =	ssyncadd.s32 s3;
	_ =	sdelay $0x1  }
0xa1: {  	s23 =	simm.s32 $0x1B8B  }
0xa2: {  	_ =	swait.ge [sflag:s23], $0x1  }
0xa3: {  	[sflag:s23] =	ssyncset.done $0x0  }
0xa4: {  	s25 =	simm.s32 $0x1B8E;
	s24 =	sld [smem:$0x3FFE];
	[sflag:s23] =	ssyncadd.s32 $0xFFFFFFFF  }
0xa5: {  	s26 =	simm.s32 $execute0_lowered;
	[smem:$0x3FD2] =	sst s25  }
0xa6: {  	s4 =	sshll.u32 s26, $0x1;
	_ =	strace $0x80000052;
	[dreg:$0x1] =	wrdreg $0xFFFFFFFF  }
0xa7: {  	s28 =	simm.s32 $_size_execute0_lowered;
	s2 =	sadd.s32 s2, s4;
	[dreg:$0x0] =	wrdreg $0x0  }
0xa8: {  	s4 =	sshll.u32 s28, $0x1;
	[dreg:$0x2] =	wrdreg s2  }
0xa9: {  	[dreg:$0x3] =	wrdreg s4  }
0xaa: {  	[dreg:$0x4] =	wrdreg $0xC0  }
0xab: {  	_ =	task [dreg:s6], $0x5FFFF  }
0xac: {  	[dreg:$0x1] =	wrdreg $0xFFFFFFFF  }
0xad: {  	[dreg:$0x0] =	wrdreg $0x60  }
0xae: {  	[dreg:$0x2] =	wrdreg s24  }
0xaf: {  	[dreg:$0x3] =	wrdreg $0x42800  }
0xb0: {  	[dreg:$0x4] =	wrdreg $0x9  }
0xb1: {  	_ =	task.clear_ibuf [dreg:s6], $0x5FFFF;
	_ =	strace $0x90000052  }
0xb2: {  	s29 =	simm.s32 $0x9;
	_ =	strace $0x80000054  }
0xb3: {  	_ =	swait.ge [sflag:s29], $0x1  }
0xb4: {  	[sflag:s29] =	ssyncadd.s32 $0xFFFFFFFF  }
0xb5: {  	_ =	strace $0x90000054  }
0xb6: {  	_ =	sfence  }
0xb7: {  	s30 =	sld [smem:$0x0];
	_ =	sdelay $0x2  }
0xb8: {  	s31 =	sshll.u32 s1, $0xD;
	s1 =	sshrl.u32 s1, $0x2  }
0xb9: {  	s3 =	sand.u32 $0x4000, s31;
	s1 =	sadd.s32 s1, s30  }
0xba: {  	s0 =	sor.u32 s3, s0;
	s1 =	sshll.u32 s1, $0x11  }
0xbb: {  	s0 =	sor.u32 s1, s0  }
0xbc: {  	s0 =	sadd.s32 $0x8F2B, s0  }
0xbd: {  	[sflag:s0] =	ssyncadd.remote.s32 $0x1  }
0xbe: {  	_ =	sfence.sel $0xFFFF  }
0xbf: {  	[dreg:$0x0] =	wrdreg $0xFFFFFFFF;
	(pc) =	sbr.abs _section_cstart, $3  }
0xc0: {  	[dreg:$0x1] =	wrdreg $0xFFFFFFFF  }
0xc1: {  	_ =	task.clear_ibuf [dreg:s6], $0x2FFFF;
	_ =	strace $0x9FFFFFFF  }
0xc2: {  	(tm) =	ssettm $0x7FFFFFFF  }
0xc3: {  	_ =	shalt  }
tec
execute0_lowered:
.L_overlay_start_1:
0x0: {  	(tag) =	ssettag $0x1  }
0x1: {  	s1 =	srdreg.scid  }
0x2: {  	s0 =	stileid.u32;
	s24 =	rddreg [dreg:$0x0]  }
0x3: {  	s2 =	rddreg [dreg:$0x1];
	s25 =	sand.u32 $0x1, s1;
	s30 =	sshll.u32 s0, $0x1  }
0x4: {  	s3 =	simm.s32 $0x0;
	s28 =	smul.u32 $0xA000, s0;
	s4 =	sor.u32 s25, s30  }
0x5: {  	s10 =	simm.s32 $0x2280;
	s1 =	rddreg [dreg:$0x2];
	s5 =	smul.u32 $0x50, s4  }
0x6: {  	s12 =	simm.s32 $0x1;
	[smem:$0x7FF] =	sst s3;
	s6 =	smul.u32 $0xA000, s4  }
0x7: {  	s7 =	sadd.s32 $0x9E600, s24;
	s26 =	sshll.u32 s0, $0x6;
	s8 =	smul.u32 $0x1400, s4  }
0x8: {  	_ =	strace $0x80000053;
	s4 =	sadd.s32 $0x8600, s24;
	s11 =	sadd.s32 s28, s2  }
0x9: {  	s9 =	sadd.s32 s5, s24;
	s6 =	sshrl.u32 s6, $0x3;
	s5 =	sadd.s32 s7, s8  }
0xa: {  	s21 =	sadd.s32 s7, s6;
	s8 =	sadd.s32 $0x7200, s9;
	s9 =	simm.s32 $0x280  }
0xb: {  	[tilespmem:s9], [sflag:$0x2] =	stream.linear.gather [hbm4b:s5+s3], $0x2000, $0x38;
	[tilespmem:$0xE280] =	vst v63  }
0xc: {  	s11 =	sshrl.u32 s11, $0x3;
	s7 =	sor.u32 $0x1C01, s26;
	s6 =	sadd.s32 $0x400, s21  }
0xd: {  	[tilespmem:s10], [sflag:$0x3] =	stream.linear.gather [hbm4b:s6+s3], $0x2000, $0x38;
	[tilespmem:$0xE280] =	vst v63  }
0xe: {  	[spmem:s11], [sflag:s7] =	dma.local [hbm:s4], $0x1400  }
0xf: {  	[tilespmem:s3], [sflag:$0x1] =	stream.linear.gather [hbm4b:s8+s3], $0x280, $0x38;
	[tilespmem:$0xE280] =	vst v63  }
0x10: {  	_ =	swait.ge [sflag:s12], $0x1400  }
0x11: {  	[sflag:s12] =	ssyncset.done $0x0  }
0x12: {  	[sflag:s12] =	ssyncadd.s32 $0xFFFFEC00  }
0x13: {  	_ =	swait.ge [sflag:s12], $0x280  }
0x14: {  	[sflag:s12] =	ssyncset.done $0x0  }
0x15: {  	[sflag:s12] =	ssyncadd.s32 $0xFFFFFD80  }
0x16: {  	s13 =	simm.s32 $0x2;
	[bflag:$0x0] =	sbarrier.arrive $0xFFFF  }
0x17: {  	_ =	swait.ge [sflag:s13], $0x2000  }
0x18: {  	[sflag:s13] =	ssyncset.done $0x0  }
0x19: {  	s14 =	simm.s32 $0x80;
	s15 =	simm.s32 $0x4;
	[sflag:s13] =	ssyncadd.s32 $0xFFFFE000  }
0x1a: {  	[spmem:s2] =	stream.indirect.scatter.add.f32 [tilespmem:s9], [sflag:$0x4], $0x40, s3, s14, $0xb8;
	[tilespmem:$0xE280] =	vst v63  }
0x1b: {  	_ =	swait.ge [sflag:s15], $0x2000  }
0x1c: {  	[sflag:s15] =	ssyncset.done $0x0  }
0x1d: {  	s17 =	simm.s32 $0x3;
	s16 =	sadd.s32 $0x800, s21;
	[sflag:s15] =	ssyncadd.s32 $0xFFFFE000  }
0x1e: {  	[tilespmem:s9], [sflag:$0x2] =	stream.linear.gather [hbm4b:s16+s3], $0x2000, $0x38;
	[tilespmem:$0xE280] =	vst v63  }
0x1f: {  	_ =	swait.ge [sflag:s17], $0x2000  }
0x20: {  	[sflag:s17] =	ssyncset.done $0x0  }
0x21: {  	s18 =	simm.s32 $0x5;
	[sflag:s17] =	ssyncadd.s32 $0xFFFFE000  }
0x22: {  	[spmem:s2] =	stream.indirect.scatter.add.f32 [tilespmem:s10], [sflag:$0x5], $0x40, s14, s14, $0xb8;
	[tilespmem:$0xE280] =	vst v63  }
0x23: {  	_ =	swait.ge [sflag:s18], $0x2000  }
0x24: {  	[sflag:s18] =	ssyncset.done $0x0  }
0x25: {  	s19 =	sadd.s32 $0xC00, s21;
	[sflag:s18] =	ssyncadd.s32 $0xFFFFE000  }
0x26: {  	[tilespmem:s10], [sflag:$0x3] =	stream.linear.gather [hbm4b:s19+s3], $0x2000, $0x38;
	[tilespmem:$0xE280] =	vst v63  }
0x27: {  	_ =	swait.ge [sflag:s13], $0x2000  }
0x28: {  	[sflag:s13] =	ssyncset.done $0x0  }
0x29: {  	s20 =	simm.s32 $0x100;
	[sflag:s13] =	ssyncadd.s32 $0xFFFFE000  }
0x2a: {  	[spmem:s2] =	stream.indirect.scatter.add.f32 [tilespmem:s9], [sflag:$0x4], $0x40, s20, s14, $0xb8;
	[tilespmem:$0xE280] =	vst v63  }
0x2b: {  	_ =	swait.ge [sflag:s15], $0x2000  }
0x2c: {  	[sflag:s15] =	ssyncset.done $0x0  }
0x2d: {  	s21 =	sadd.s32 $0x1000, s21;
	[sflag:s15] =	ssyncadd.s32 $0xFFFFE000  }
0x2e: {  	[tilespmem:s9], [sflag:$0x2] =	stream.linear.gather [hbm4b:s21+s3], $0x2000, $0x38;
	[tilespmem:$0xE280] =	vst v63  }
0x2f: {  	_ =	swait.ge [sflag:s17], $0x2000  }
0x30: {  	[sflag:s17] =	ssyncset.done $0x0  }
0x31: {  	s22 =	simm.s32 $0x180;
	[sflag:s17] =	ssyncadd.s32 $0xFFFFE000  }
0x32: {  	[spmem:s2] =	stream.indirect.scatter.add.f32 [tilespmem:s10], [sflag:$0x5], $0x40, s22, s14, $0xb8;
	[tilespmem:$0xE280] =	vst v63  }
0x33: {  	_ =	swait.ge [sflag:s13], $0x2000  }
0x34: {  	[sflag:s13] =	ssyncset.done $0x0  }
0x35: {  	s23 =	simm.s32 $0x200;
	s29 =	smul.u32 $0xA0000, s25;
	[sflag:s13] =	ssyncadd.s32 $0xFFFFE000  }
0x36: {  	[spmem:s2] =	stream.indirect.scatter.add.f32 [tilespmem:s9], [sflag:$0x4], $0x40, s23, s14, $0xb8;
	[tilespmem:$0xE280] =	vst v63  }
0x37: {  	s25 =	ssub.s32 $0x2, s25;
	s28 =	sadd.s32 s28, s29;
	_ =	swait.ge [sflag:s18], $0x2000  }
0x38: {  	s31 =	sshrl.u32 s25, $0x1;
	s28 =	sshrl.u32 s28, $0x3;
	[sflag:s18] =	ssyncset.done $0x0  }
0x39: {  	s24 =	sadd.s32 s28, s24;
	s28 =	ssub.s32 s25, s31;
	[sflag:s18] =	ssyncadd.s32 $0xFFFFE000  }
0x3a: {  	s28 =	smax.u32 s28, $0x1;
	_ =	swait.ge [sflag:s15], $0x2000  }
0x3b: {  	p0 =	sne.s32 s28, $0x1;
	[sflag:s15] =	ssyncset.done $0x0  }
.Ltmp0:
0x3c: {  	s25 =	sor.u32 $0x1C06, s26;
	[sflag:s15] =	ssyncadd.s32 $0xFFFFE000;
	(pc) =	sbr.rel @!p0 .LBB2_2-.Ltmp0, $4  }
0x3d: {  	s26 =	simm.s32 $0x6;
	s24 =	sadd.s32 $0xC6600, s24;
	[bflag:$0x0] =	sbarrier.arrive $0xFFFF  }
0x3e: {  	[hbm:s24], [sflag:s25] =	dma.local [spmem:s11], $0x1400  }
0x3f: {  	_ =	swait.ge [sflag:s26], $0x1400  }
0x40: {  	s28 =	sadd.s32 $0xFFFFFFFF, s28;
	[sflag:s26] =	ssyncset.done $0x0  }
.LBB2_1:
0x41: {  	p0 =	sne.s32 s28, $0x1;
	s28 =	sadd.s32 $0xFFFFFFFF, s28;
	[sflag:s26] =	ssyncadd.s32 $0xFFFFEC00  }
0x42: {  	[tilespmem:s9], [sflag:$0x2] =	stream.linear.gather [hbm4b:s5+s3], $0x2000, $0x38;
	[tilespmem:$0xE280] =	vst v63  }
0x43: {  	_ = 	snop  }
0x44: {  	[tilespmem:s10], [sflag:$0x3] =	stream.linear.gather [hbm4b:s6+s3], $0x2000, $0x38;
	[tilespmem:$0xE280] =	vst v63  }
0x45: {  	[spmem:s11], [sflag:s7] =	dma.local [hbm:s4], $0x1400  }
0x46: {  	[tilespmem:s3], [sflag:$0x1] =	stream.linear.gather [hbm4b:s8+s3], $0x280, $0x38;
	[tilespmem:$0xE280] =	vst v63  }
0x47: {  	_ =	swait.ge [sflag:s12], $0x1400  }
0x48: {  	[sflag:s12] =	ssyncset.done $0x0  }
0x49: {  	[sflag:s12] =	ssyncadd.s32 $0xFFFFEC00  }
0x4a: {  	_ =	swait.ge [sflag:s12], $0x280  }
0x4b: {  	[sflag:s12] =	ssyncset.done $0x0  }
0x4c: {  	[sflag:s12] =	ssyncadd.s32 $0xFFFFFD80  }
0x4d: {  	[bflag:$0x0] =	sbarrier.arrive $0xFFFF  }
0x4e: {  	_ =	swait.ge [sflag:s13], $0x2000  }
0x4f: {  	[sflag:s13] =	ssyncset.done $0x0  }
0x50: {  	[sflag:s13] =	ssyncadd.s32 $0xFFFFE000  }
0x51: {  	[spmem:s2] =	stream.indirect.scatter.add.f32 [tilespmem:s9], [sflag:$0x4], $0x40, s3, s14, $0xb8;
	[tilespmem:$0xE280] =	vst v63  }
0x52: {  	_ =	swait.ge [sflag:s15], $0x2000  }
0x53: {  	[sflag:s15] =	ssyncset.done $0x0  }
0x54: {  	[sflag:s15] =	ssyncadd.s32 $0xFFFFE000  }
0x55: {  	[tilespmem:s9], [sflag:$0x2] =	stream.linear.gather [hbm4b:s16+s3], $0x2000, $0x38;
	[tilespmem:$0xE280] =	vst v63  }
0x56: {  	_ =	swait.ge [sflag:s17], $0x2000  }
0x57: {  	[sflag:s17] =	ssyncset.done $0x0  }
0x58: {  	[sflag:s17] =	ssyncadd.s32 $0xFFFFE000  }
0x59: {  	[spmem:s2] =	stream.indirect.scatter.add.f32 [tilespmem:s10], [sflag:$0x5], $0x40, s14, s14, $0xb8;
	[tilespmem:$0xE280] =	vst v63  }
0x5a: {  	_ =	swait.ge [sflag:s18], $0x2000  }
0x5b: {  	[sflag:s18] =	ssyncset.done $0x0  }
0x5c: {  	[sflag:s18] =	ssyncadd.s32 $0xFFFFE000  }
0x5d: {  	[tilespmem:s10], [sflag:$0x3] =	stream.linear.gather [hbm4b:s19+s3], $0x2000, $0x38;
	[tilespmem:$0xE280] =	vst v63  }
0x5e: {  	_ =	swait.ge [sflag:s13], $0x2000  }
0x5f: {  	[sflag:s13] =	ssyncset.done $0x0  }
0x60: {  	[sflag:s13] =	ssyncadd.s32 $0xFFFFE000  }
0x61: {  	[spmem:s2] =	stream.indirect.scatter.add.f32 [tilespmem:s9], [sflag:$0x4], $0x40, s20, s14, $0xb8;
	[tilespmem:$0xE280] =	vst v63  }
0x62: {  	_ =	swait.ge [sflag:s15], $0x2000  }
0x63: {  	[sflag:s15] =	ssyncset.done $0x0  }
0x64: {  	[sflag:s15] =	ssyncadd.s32 $0xFFFFE000  }
0x65: {  	[tilespmem:s9], [sflag:$0x2] =	stream.linear.gather [hbm4b:s21+s3], $0x2000, $0x38;
	[tilespmem:$0xE280] =	vst v63  }
0x66: {  	_ =	swait.ge [sflag:s17], $0x2000  }
0x67: {  	[sflag:s17] =	ssyncset.done $0x0  }
0x68: {  	[sflag:s17] =	ssyncadd.s32 $0xFFFFE000  }
0x69: {  	[spmem:s2] =	stream.indirect.scatter.add.f32 [tilespmem:s10], [sflag:$0x5], $0x40, s22, s14, $0xb8;
	[tilespmem:$0xE280] =	vst v63  }
0x6a: {  	_ =	swait.ge [sflag:s13], $0x2000  }
0x6b: {  	[sflag:s13] =	ssyncset.done $0x0  }
0x6c: {  	[sflag:s13] =	ssyncadd.s32 $0xFFFFE000  }
0x6d: {  	[spmem:s2] =	stream.indirect.scatter.add.f32 [tilespmem:s9], [sflag:$0x4], $0x40, s23, s14, $0xb8;
	[tilespmem:$0xE280] =	vst v63  }
0x6e: {  	_ =	swait.ge [sflag:s18], $0x2000  }
0x6f: {  	[sflag:s18] =	ssyncset.done $0x0  }
0x70: {  	[sflag:s18] =	ssyncadd.s32 $0xFFFFE000  }
0x71: {  	_ =	swait.ge [sflag:s15], $0x2000  }
0x72: {  	[sflag:s15] =	ssyncset.done $0x0  }
.Ltmp1:
0x73: {  	[sflag:s15] =	ssyncadd.s32 $0xFFFFE000;
	(pc) =	sbr.rel @p0 .LBB2_1-.Ltmp1, $4  }
0x74: {  	[bflag:$0x0] =	sbarrier.arrive $0xFFFF  }
0x75: {  	[hbm:s24], [sflag:s25] =	dma.local [spmem:s11], $0x1400  }
0x76: {  	_ =	swait.ge [sflag:s26], $0x1400  }
0x77: {  	[sflag:s26] =	ssyncset.done $0x0  }
.LBB2_2:
0x78: {  	[sflag:s26] =	ssyncadd.s32 $0xFFFFEC00  }
0x79: {  	_ =	sfence.sel $0x180000  }
0x7a: {  	[bflag:$0x0] =	sbarrier.arrive $0xFFFF  }
0x7b: {  	p0 =	sne.s32 s0, $0x0;
	_ =	strace $0x90000053  }
0x7c: {  	s0 =	sadd.s32 @!p0 $0x100000, s1;
	[bflag:$0x2] =	sbarrier.arrive $0xFFFF  }
0x7d: {  	[sflag:s0] =	ssyncadd.tile.s32 @!p0 $0x1;
	_ =	shalt  }
.Lfunc_end2:
_tile_overlayer_lowered:
.L_overlay_start_2:
0x7e: {  	(tag) =	ssettag $0x2  }
0x7f: {  	s0 =	rddreg [dreg:$0x0];
	s2 =	stileid.u32  }
0x80: {  	s1 =	rddreg [dreg:$0x1];
	p0 =	sne.s32 s2, $0x0  }
0x81: {  	s3 =	rddreg [dreg:$0x2];
	[bflag:$0x3] =	sbarrier.arrive $0xFFFF;
	s2 =	simm.s32 @!p0 $0x1C06  }
0x82: {  	[timem:s3], [sflag:s2] =	dma.local @!p0 [hbm:s0], s1  }
0x83: {  	s0 =	simm.s32 @!p0 $0x6  }
0x84: {  	_ =	swait.ge @!p0 [sflag:s0], s1  }
0x85: {  	s1 =	ssub.s32 @!p0 $0x0, s1;
	[sflag:s0] =	ssyncset.done @!p0 $0x0  }
0x86: {  	[sflag:s0] =	ssyncadd.s32 @!p0 s1  }
0x87: {  	[bflag:$0x3] =	sbarrier.arrive $0xFFFF  }
0x88: {  	_ =	shalt  }

// kernel: kernel.31.cloned.1.call-start
scs
__scs_entry_jumppad:
0x0: {  	(pc) =	sbr.rel $0x88, $3  }
0x1: {  	(tag) =	ssettag $0x0;
	lr =	simm.s32 $0x1  }
0x2: {  	[smem:$0x3F7F] =	sst lr;
	_ =	strace $0xD0000000  }
0x3: {  	_ = 	snop  }
0x4: {  	_ = 	snop  }
0x5: {  	_ = 	snop  }
0x6: {  	_ = 	snop  }
0x7: {  	_ = 	snop  }
__scs_overlays_trampoline_lowered:
0x8: {  	[smem:$0x3F8E] =	sst s0  }
0x9: {  	[smem:$0x3F8F] =	sst s1  }
0xa: {  	[smem:$0x3F90] =	sst s2  }
0xb: {  	[smem:$0x3F91] =	sst s3  }
0xc: {  	[smem:$0x3F92] =	sst s4  }
0xd: {  	[smem:$0x3F93] =	sst s5  }
0xe: {  	[smem:$0x3F94] =	sst s6  }
0xf: {  	[smem:$0x3F95] =	sst s7  }
0x10: {  	[smem:$0x3F96] =	sst s8  }
0x11: {  	[smem:$0x3F97] =	sst s9;
	s0 =	simm.s32 @!p0 $0x0  }
0x12: {  	s1 =	sld [smem:$0x3F7D];
	s0 =	simm.s32 @p0 $0x1  }
0x13: {  	[smem:$0x3F98] =	sst s0;
	s0 =	simm.s32 @!p1 $0x0  }
0x14: {  	s2 =	sld [smem:$0x3F7C];
	s0 =	simm.s32 @p1 $0x1  }
0x15: {  	[smem:$0x3F99] =	sst s0;
	s0 =	simm.s32 @!p2 $0x0  }
0x16: {  	s3 =	sld [smem:$0x3FDB];
	s0 =	simm.s32 @p2 $0x1  }
0x17: {  	s4 =	simm.s32 $0x1BF5;
	[smem:$0x3F9B] =	sst s0  }
0x18: {  	s0 =	sld [smem:$0x3F7E];
	_ =	swait.ge [sflag:s4], $0x0  }
0x19: {  	s7 =	sld [smem:$0x3F7F]  }
0x1a: {  	s8 =	sadd.s32 $0xFFFFE003, lr  }
0x1b: {  	s9 =	sadd.s32 $0xFFFFFEF7, lr;
	s5 =	simm.s32 $0xFFFFFFFF;
	p2 =	slt.u32 s8, $0xFFFFF086  }
0x1c: {  	p1 =	slt.u32 s9, $0xF7A;
	s5 =	simm.s32 @!p2 $0x0  }
0x1d: {  	s5 =	simm.s32 @p1 $0x1;
	p0 =	seq.s32 s7, s2  }
0x1e: {  	s7 =	smul.u32 @!p0 $0xF7A, s2;
	p2 =	seq.s32 @!p0 s5, $0x0  }
0x1f: {  	s9 =	smul.u32 $0xF7A, s1;
	s8 =	simm.s32 @!p0 $0x1BF5;
	p2 =	por !p2, p0  }
0x20: {  	[sflag:s8] =	ssyncset.s32 @!p0 $0xFFFFF086;
	s6 =	sadd.s32 @!p0 s3, s7;
	s7 =	simm.s32 @!p0 $0x108  }
0x21: {  	s3 =	sadd.s32 s3, s9;
	s6 =	sadd.s32 @!p0 $0x88, s6;
	s7 =	simm.s32 @p2 $0x1082  }
0x22: {  	[simem:s7], [sflag:s8] =	dma.local @!p0 [hbm:s6], $0xF7A  }
0x23: {  	s9 =	sor.u32 $0xD0000000, s2;
	s6 =	simm.s32 $0x108;
	_ =	swait.ge @!p0 [sflag:s8], $0x0  }
0x24: {  	s3 =	sadd.s32 $0x88, s3;
	s6 =	simm.s32 @!p1 $0x1082;
	[sflag:s4] =	ssyncset.s32 $0xFFFFF086  }
0x25: {  	[simem:s6], [sflag:s4] =	dma.local [hbm:s3], $0xF7A  }
0x26: {  	[smem:$0x3F7F] =	sst s1;
	(tag) =	ssettag s2;
	_ =	strace s9  }
0x27: {  	s1 =	sld [smem:$0x3F8F]  }
0x28: {  	s2 =	sld [smem:$0x3F90]  }
0x29: {  	s4 =	sld [smem:$0x3F92]  }
0x2a: {  	p0 =	seq.s32 s5, $0x0;
	s5 =	sld [smem:$0x3F93]  }
0x2b: {  	s6 =	sld [smem:$0x3F94]  }
0x2c: {  	s7 =	sld [smem:$0x3F95]  }
0x2d: {  	s3 =	simm.s32 $0x108;
	s8 =	sld [smem:$0x3F96]  }
0x2e: {  	s3 =	simm.s32 @!p0 $0x1082;
	s9 =	sld [smem:$0x3F97]  }
0x2f: {  	lr =	sadd.s32 s0, s3;
	s0 =	sld [smem:$0x3F8E]  }
0x30: {  	s3 =	sld [smem:$0x3F91]  }
0x31: {  	[smem:$0x3F9A] =	sst s10  }
0x32: {  	s10 =	sld [smem:$0x3F98];
	_ =	sdelay $0x3  }
0x33: {  	p0 =	seq.s32 s10, $0x1;
	s10 =	sld [smem:$0x3F9A];
	_ =	sdelay $0x3  }
0x34: {  	[smem:$0x3F9A] =	sst s10  }
0x35: {  	s10 =	sld [smem:$0x3F99];
	_ =	sdelay $0x3  }
0x36: {  	p1 =	seq.s32 s10, $0x1;
	s10 =	sld [smem:$0x3F9A];
	_ =	sdelay $0x3  }
0x37: {  	[smem:$0x3F9A] =	sst s10  }
0x38: {  	s10 =	sld [smem:$0x3F9B]  }
0x39: {  	_ = 	snop;
	(pc) =	sbr.ind lr, $3  }
0x3a: {  	_ = 	snop  }
0x3b: {  	_ = 	snop  }
0x3c: {  	p2 =	seq.s32 s10, $0x1;
	s10 =	sld [smem:$0x3F9A]  }
0x3d: {  	_ =	shalt  }
0x3e: {  	_ =	shalt  }
0x3f: {  	_ =	shalt  }
0x40: {  	_ =	shalt  }
0x41: {  	_ =	shalt  }
0x42: {  	_ =	shalt  }
0x43: {  	_ =	shalt  }
0x44: {  	_ =	shalt  }
0x45: {  	_ =	shalt  }
0x46: {  	_ =	shalt  }
0x47: {  	_ =	shalt  }
0x48: {  	_ =	shalt  }
0x49: {  	_ =	shalt  }
0x4a: {  	_ =	shalt  }
0x4b: {  	_ =	shalt  }
0x4c: {  	_ =	shalt  }
0x4d: {  	_ =	shalt  }
0x4e: {  	_ =	shalt  }
0x4f: {  	_ =	shalt  }
0x50: {  	_ =	shalt  }
0x51: {  	_ =	shalt  }
0x52: {  	_ =	shalt  }
0x53: {  	_ =	shalt  }
0x54: {  	_ =	shalt  }
0x55: {  	_ =	shalt  }
0x56: {  	_ =	shalt  }
0x57: {  	_ =	shalt  }
0x58: {  	_ =	shalt  }
0x59: {  	_ =	shalt  }
0x5a: {  	_ =	shalt  }
0x5b: {  	_ =	shalt  }
0x5c: {  	_ =	shalt  }
0x5d: {  	_ =	shalt  }
0x5e: {  	_ =	shalt  }
0x5f: {  	_ =	shalt  }
0x60: {  	_ =	shalt  }
0x61: {  	_ =	shalt  }
0x62: {  	_ =	shalt  }
0x63: {  	_ =	shalt  }
0x64: {  	_ =	shalt  }
0x65: {  	_ =	shalt  }
0x66: {  	_ =	shalt  }
0x67: {  	_ =	shalt  }
0x68: {  	_ =	shalt  }
0x69: {  	_ =	shalt  }
0x6a: {  	_ =	shalt  }
0x6b: {  	_ =	shalt  }
0x6c: {  	_ =	shalt  }
0x6d: {  	_ =	shalt  }
0x6e: {  	_ =	shalt  }
0x6f: {  	_ =	shalt  }
0x70: {  	_ =	shalt  }
0x71: {  	_ =	shalt  }
0x72: {  	_ =	shalt  }
0x73: {  	_ =	shalt  }
0x74: {  	_ =	shalt  }
0x75: {  	_ =	shalt  }
0x76: {  	_ =	shalt  }
0x77: {  	_ =	shalt  }
0x78: {  	_ =	shalt  }
0x79: {  	_ =	shalt  }
0x7a: {  	_ =	shalt  }
0x7b: {  	_ =	shalt  }
0x7c: {  	_ =	shalt  }
0x7d: {  	_ =	shalt  }
0x7e: {  	_ =	shalt  }
0x7f: {  	_ =	shalt  }
0x80: {  	_ =	shalt  }
0x81: {  	_ =	shalt  }
0x82: {  	_ =	shalt  }
0x83: {  	_ =	shalt  }
0x84: {  	_ =	shalt  }
0x85: {  	_ =	shalt  }
0x86: {  	_ =	shalt  }
0x87: {  	_ =	shalt  }
.Lfunc_end0:
.L_simem_size_0:
called_computation.5_lowered:
.L_overlay_start_0:
0x88: {  	s2 =	sld [smem:$0x3FD9]  }
0x89: {  	s3 =	sld [smem:$0x3FFE];
	_ =	sdelay $0x1  }
0x8a: {  	s1 =	srdreg.scid  }
0x8b: {  	s0 =	sand.u32 $0x1, s1  }
0x8c: {  	s16 =	sshll.u32 s0, $0xA;
	s2 =	sadd.s32 s3, s2  }
0x8d: {  	s2 =	sadd.s32 s2, s16  }
0x8e: {  	[smem:$0x3FA6] =	sst s2  }
0x8f: {  	_ = 	snop  }
0x90: {  	(tm) =	ssettm $0x1  }
0x91: {  	s17 =	sld [smem:$0x3FFB];
	_ =	sdelay $0x3  }
0x92: {  	_ =	strace s17  }
0x93: {  	s2 =	sld [smem:$0x3FFC];
	_ =	sdelay $0x3  }
0x94: {  	_ =	strace s2  }
0x95: {  	s2 =	sld [smem:$0x3FFD];
	_ =	sdelay $0x3  }
0x96: {  	_ =	strace s2  }
0x97: {  	_ =	strace $0x8FFFFFFF  }
0x98: {  	s18 =	sld [smem:$0x3FDB];
	_ =	sdelay $0x1  }
0x99: {  	s19 =	simm.s32 $_scs_section_size  }
0x9a: {  	s4 =	simm.s32 $_size__tile_overlayer_lowered;
	s5 =	simm.s32 $_tile_overlayer_lowered  }
0x9b: {  	s22 =	simm.s32 $0x1BFF;
	s21 =	sshll.u32 s5, $0x1;
	s2 =	sadd.s32 s19, s18  }
0x9c: {  	s6 =	simm.s32 $0x0;
	s20 =	sshll.u32 s4, $0x1;
	s4 =	sadd.s32 s21, s2  }
0x9d: {  	[timem:s6], [sflag:s22] =	dma.local [hbm:s4], s20  }
0x9e: {  	_ =	swait.ge [sflag:s22], s20  }
0x9f: {  	s3 =	ssub.s32 $0x0, s20;
	[sflag:s22] =	ssyncset.done $0x0  }
0xa0: {  	[sflag:s22] =	ssyncadd.s32 s3;
	_ =	sdelay $0x1  }
0xa1: {  	s23 =	simm.s32 $0x1B8B  }
0xa2: {  	_ =	swait.ge [sflag:s23], $0x1  }
0xa3: {  	[sflag:s23] =	ssyncset.done $0x0  }
0xa4: {  	s25 =	simm.s32 $0x1B8E;
	s24 =	sld [smem:$0x3FFE];
	[sflag:s23] =	ssyncadd.s32 $0xFFFFFFFF  }
0xa5: {  	s26 =	simm.s32 $execute0_lowered;
	[smem:$0x3FD2] =	sst s25  }
0xa6: {  	s4 =	sshll.u32 s26, $0x1;
	_ =	strace $0x80000055;
	[dreg:$0x1] =	wrdreg $0xFFFFFFFF  }
0xa7: {  	s28 =	simm.s32 $_size_execute0_lowered;
	s2 =	sadd.s32 s2, s4;
	[dreg:$0x0] =	wrdreg $0x0  }
0xa8: {  	s4 =	sshll.u32 s28, $0x1;
	[dreg:$0x2] =	wrdreg s2  }
0xa9: {  	[dreg:$0x3] =	wrdreg s4  }
0xaa: {  	[dreg:$0x4] =	wrdreg $0xC0  }
0xab: {  	_ =	task [dreg:s6], $0x5FFFF  }
0xac: {  	[dreg:$0x1] =	wrdreg $0xFFFFFFFF  }
0xad: {  	[dreg:$0x0] =	wrdreg $0x60  }
0xae: {  	[dreg:$0x2] =	wrdreg s24  }
0xaf: {  	[dreg:$0x3] =	wrdreg $0x9  }
0xb0: {  	_ =	task.clear_ibuf [dreg:s6], $0x4FFFF;
	_ =	strace $0x90000055  }
0xb1: {  	s29 =	simm.s32 $0x9;
	_ =	strace $0x80000057  }
0xb2: {  	_ =	swait.ge [sflag:s29], $0x1  }
0xb3: {  	[sflag:s29] =	ssyncadd.s32 $0xFFFFFFFF  }
0xb4: {  	_ =	strace $0x90000057  }
0xb5: {  	_ =	sfence  }
0xb6: {  	s30 =	sld [smem:$0x0];
	_ =	sdelay $0x2  }
0xb7: {  	s31 =	sshll.u32 s1, $0xD;
	s1 =	sshrl.u32 s1, $0x2  }
0xb8: {  	s3 =	sand.u32 $0x4000, s31;
	s1 =	sadd.s32 s1, s30  }
0xb9: {  	s0 =	sor.u32 s3, s0;
	s1 =	sshll.u32 s1, $0x11  }
0xba: {  	s0 =	sor.u32 s1, s0  }
0xbb: {  	s0 =	sadd.s32 $0x8F2B, s0  }
0xbc: {  	[sflag:s0] =	ssyncadd.remote.s32 $0x1  }
0xbd: {  	_ =	sfence.sel $0xFFFF  }
0xbe: {  	[dreg:$0x0] =	wrdreg $0xFFFFFFFF;
	(pc) =	sbr.abs _section_cstart, $3  }
0xbf: {  	[dreg:$0x1] =	wrdreg $0xFFFFFFFF  }
0xc0: {  	_ =	task.clear_ibuf [dreg:s6], $0x2FFFF;
	_ =	strace $0x9FFFFFFF  }
0xc1: {  	(tm) =	ssettm $0x7FFFFFFF  }
tec
execute0_lowered:
.L_overlay_start_1:
0x0: {  	(tag) =	ssettag $0x1  }
0x1: {  	s1 =	srdreg.scid;
	s0 =	stileid.u32  }
0x2: {  	s16 =	sand.u32 $0x1, s1;
	s29 =	sshll.u32 s0, $0x1  }
0x3: {  	s17 =	sor.u32 s16, s29  }
0x4: {  	s18 =	rddreg [dreg:$0x0];
	s3 =	smul.u32 $0x50, s17  }
0x5: {  	s2 =	simm.s32 $0x0;
	s1 =	rddreg [dreg:$0x1]  }
0x6: {  	[smem:$0x7FF] =	sst s2;
	s3 =	sadd.s32 s3, s18  }
0x7: {  	_ =	strace $0x80000056;
	s4 =	sadd.s32 $0x7C00, s3;
	s3 =	simm.s32 $0x2  }
0x8: {  	[tilespmem:s2], [sflag:$0x2] =	stream.linear.gather [hbm4b:s4+s2], $0x280, $0x38;
	[tilespmem:$0xA280] =	vst v63  }
0x9: {  	_ =	swait.ge [sflag:s3], $0x280  }
0xa: {  	s6 =	simm.s32 $0x80;
	[sflag:s3] =	ssyncset.done $0x0  }
0xb: {  	s7 =	simm.s32 $0x280;
	s5 =	sadd.s32 $0x8600, s18;
	[sflag:s3] =	ssyncadd.s32 $0xFFFFFD80  }
0xc: {  	[tilespmem:s7], [sflag:$0x1] =	stream.indirect.gather [hbm4b:s5+s6], $0x40, s2, s6, $0xb8;
	[tilespmem:$0xA280] =	vst v63  }
0xd: {  	s8 =	simm.s32 $0x2280  }
0xe: {  	[tilespmem:s8], [sflag:$0x1] =	stream.indirect.gather [hbm4b:s5+s6], $0x40, s6, s6, $0xb8;
	[tilespmem:$0xA280] =	vst v63  }
0xf: {  	s9 =	simm.s32 $0x100;
	s10 =	simm.s32 $0x4280  }
0x10: {  	[tilespmem:s10], [sflag:$0x1] =	stream.indirect.gather [hbm4b:s5+s6], $0x40, s9, s6, $0xb8;
	[tilespmem:$0xA280] =	vst v63  }
0x11: {  	s11 =	simm.s32 $0x180;
	s12 =	simm.s32 $0x6280  }
0x12: {  	[tilespmem:s12], [sflag:$0x1] =	stream.indirect.gather [hbm4b:s5+s6], $0x40, s11, s6, $0xb8;
	[tilespmem:$0xA280] =	vst v63  }
0x13: {  	s13 =	simm.s32 $0x200;
	s14 =	simm.s32 $0x8280;
	s15 =	simm.s32 $0x1  }
0x14: {  	[tilespmem:s14], [sflag:$0x1] =	stream.indirect.gather [hbm4b:s5+s6], $0x40, s13, s6, $0xb8;
	[tilespmem:$0xA280] =	vst v63  }
0x15: {  	_ =	swait.ge [sflag:s15], $0x2000  }
0x16: {  	[sflag:s15] =	ssyncset.done $0x0  }
0x17: {  	[sflag:s15] =	ssyncadd.s32 $0xFFFFE000  }
0x18: {  	_ =	swait.ge [sflag:s15], $0x2000  }
0x19: {  	[sflag:s15] =	ssyncset.done $0x0  }
0x1a: {  	[sflag:s15] =	ssyncadd.s32 $0xFFFFE000  }
0x1b: {  	_ =	swait.ge [sflag:s15], $0x2000  }
0x1c: {  	[sflag:s15] =	ssyncset.done $0x0  }
0x1d: {  	s16 =	ssub.s32 $0x2, s16;
	[sflag:s15] =	ssyncadd.s32 $0xFFFFE000  }
0x1e: {  	s19 =	sshrl.u32 s16, $0x1;
	_ =	swait.ge [sflag:s15], $0x2000  }
0x1f: {  	s30 =	ssub.s32 s16, s19;
	[sflag:s15] =	ssyncset.done $0x0  }
0x20: {  	s17 =	smul.u32 $0x1400, s17;
	s31 =	smax.u32 s30, $0x1;
	[sflag:s15] =	ssyncadd.s32 $0xFFFFE000  }
0x21: {  	p0 =	sne.s32 s31, $0x1;
	_ =	swait.ge [sflag:s15], $0x2000  }
.Ltmp0:
0x22: {  	s17 =	sadd.s32 s17, s18;
	[sflag:s15] =	ssyncset.done $0x0;
	(pc) =	sbr.rel @!p0 .LBB2_2-.Ltmp0, $4  }
0x23: {  	s16 =	sadd.s32 $0x9E600, s17;
	[sflag:s15] =	ssyncadd.s32 $0xFFFFE000  }
0x24: {  	[hbm4b:s16+s2] =	stream.linear.scatter [tilespmem:s7], [sflag:$0x2], $0xA000, $0x38;
	[tilespmem:$0xA280] =	vst v63  }
0x25: {  	_ =	swait.ge [sflag:s3], $0xA000  }
0x26: {  	s17 =	sadd.s32 $0xFFFFFFFF, s31;
	[sflag:s3] =	ssyncset.done $0x0  }
.LBB2_1:
0x27: {  	p0 =	sne.s32 s17, $0x1;
	s17 =	sadd.s32 $0xFFFFFFFF, s17;
	[sflag:s3] =	ssyncadd.s32 $0xFFFF6000  }
0x28: {  	[tilespmem:s2], [sflag:$0x2] =	stream.linear.gather [hbm4b:s4+s2], $0x280, $0x38;
	[tilespmem:$0xA280] =	vst v63  }
0x29: {  	_ =	swait.ge [sflag:s3], $0x280  }
0x2a: {  	[sflag:s3] =	ssyncset.done $0x0  }
0x2b: {  	[sflag:s3] =	ssyncadd.s32 $0xFFFFFD80  }
0x2c: {  	[tilespmem:s7], [sflag:$0x1] =	stream.indirect.gather [hbm4b:s5+s6], $0x40, s2, s6, $0xb8;
	[tilespmem:$0xA280] =	vst v63  }
0x2d: {  	_ = 	snop  }
0x2e: {  	[tilespmem:s8], [sflag:$0x1] =	stream.indirect.gather [hbm4b:s5+s6], $0x40, s6, s6, $0xb8;
	[tilespmem:$0xA280] =	vst v63  }
0x2f: {  	_ = 	snop  }
0x30: {  	[tilespmem:s10], [sflag:$0x1] =	stream.indirect.gather [hbm4b:s5+s6], $0x40, s9, s6, $0xb8;
	[tilespmem:$0xA280] =	vst v63  }
0x31: {  	_ = 	snop  }
0x32: {  	[tilespmem:s12], [sflag:$0x1] =	stream.indirect.gather [hbm4b:s5+s6], $0x40, s11, s6, $0xb8;
	[tilespmem:$0xA280] =	vst v63  }
0x33: {  	_ = 	snop  }
0x34: {  	[tilespmem:s14], [sflag:$0x1] =	stream.indirect.gather [hbm4b:s5+s6], $0x40, s13, s6, $0xb8;
	[tilespmem:$0xA280] =	vst v63  }
0x35: {  	_ =	swait.ge [sflag:s15], $0x2000  }
0x36: {  	[sflag:s15] =	ssyncset.done $0x0  }
0x37: {  	[sflag:s15] =	ssyncadd.s32 $0xFFFFE000  }
0x38: {  	_ =	swait.ge [sflag:s15], $0x2000  }
0x39: {  	[sflag:s15] =	ssyncset.done $0x0  }
0x3a: {  	[sflag:s15] =	ssyncadd.s32 $0xFFFFE000  }
0x3b: {  	_ =	swait.ge [sflag:s15], $0x2000  }
0x3c: {  	[sflag:s15] =	ssyncset.done $0x0  }
0x3d: {  	[sflag:s15] =	ssyncadd.s32 $0xFFFFE000  }
0x3e: {  	_ =	swait.ge [sflag:s15], $0x2000  }
0x3f: {  	[sflag:s15] =	ssyncset.done $0x0  }
0x40: {  	[sflag:s15] =	ssyncadd.s32 $0xFFFFE000  }
0x41: {  	_ =	swait.ge [sflag:s15], $0x2000  }
.Ltmp1:
0x42: {  	[sflag:s15] =	ssyncset.done $0x0;
	(pc) =	sbr.rel @p0 .LBB2_1-.Ltmp1, $4  }
0x43: {  	[sflag:s15] =	ssyncadd.s32 $0xFFFFE000  }
0x44: {  	[hbm4b:s16+s2] =	stream.linear.scatter [tilespmem:s7], [sflag:$0x2], $0xA000, $0x38;
	[tilespmem:$0xA280] =	vst v63  }
0x45: {  	_ =	swait.ge [sflag:s3], $0xA000  }
0x46: {  	[sflag:s3] =	ssyncset.done $0x0  }
.LBB2_2:
0x47: {  	[sflag:s3] =	ssyncadd.s32 $0xFFFF6000  }
0x48: {  	_ =	sfence.sel $0x180000  }
0x49: {  	[bflag:$0x0] =	sbarrier.arrive $0xFFFF  }
0x4a: {  	p0 =	sne.s32 s0, $0x0;
	_ =	strace $0x90000056  }
0x4b: {  	s0 =	sadd.s32 @!p0 $0x100000, s1;
	[bflag:$0x2] =	sbarrier.arrive $0xFFFF  }
0x4c: {  	[sflag:s0] =	ssyncadd.tile.s32 @!p0 $0x1;
	_ =	shalt  }
.Lfunc_end2:
_tile_overlayer_lowered:
.L_overlay_start_2:
0x4d: {  	(tag) =	ssettag $0x2  }
0x4e: {  	s0 =	rddreg [dreg:$0x0];
	s2 =	stileid.u32  }
0x4f: {  	s1 =	rddreg [dreg:$0x1];
	p0 =	sne.s32 s2, $0x0  }
0x50: {  	s3 =	rddreg [dreg:$0x2];
	[bflag:$0x3] =	sbarrier.arrive $0xFFFF;
	s2 =	simm.s32 @!p0 $0x1C02  }
0x51: {  	[timem:s3], [sflag:s2] =	dma.local @!p0 [hbm:s0], s1  }
0x52: {  	s0 =	simm.s32 @!p0 $0x2  }
0x53: {  	_ =	swait.ge @!p0 [sflag:s0], s1  }
0x54: {  	s1 =	ssub.s32 @!p0 $0x0, s1;
	[sflag:s0] =	ssyncset.done @!p0 $0x0  }
0x55: {  	[sflag:s0] =	ssyncadd.s32 @!p0 s1  }
0x56: {  	[bflag:$0x3] =	sbarrier.arrive $0xFFFF  }
0x57: {  	_ =	shalt  }

// kernel: kernel.34.cloned.1.call-start
scs
__scs_entry_jumppad:
0x0: {  	(pc) =	sbr.rel $0x88, $3  }
0x1: {  	(tag) =	ssettag $0x0;
	lr =	simm.s32 $0x1  }
0x2: {  	[smem:$0x3F7F] =	sst lr;
	_ =	strace $0xD0000000  }
0x3: {  	_ = 	snop  }
0x4: {  	_ = 	snop  }
0x5: {  	_ = 	snop  }
0x6: {  	_ = 	snop  }
0x7: {  	_ = 	snop  }
__scs_overlays_trampoline_lowered:
0x8: {  	[smem:$0x3F8E] =	sst s0  }
0x9: {  	[smem:$0x3F8F] =	sst s1  }
0xa: {  	[smem:$0x3F90] =	sst s2  }
0xb: {  	[smem:$0x3F91] =	sst s3  }
0xc: {  	[smem:$0x3F92] =	sst s4  }
0xd: {  	[smem:$0x3F93] =	sst s5  }
0xe: {  	[smem:$0x3F94] =	sst s6  }
0xf: {  	[smem:$0x3F95] =	sst s7  }
0x10: {  	[smem:$0x3F96] =	sst s8  }
0x11: {  	[smem:$0x3F97] =	sst s9;
	s0 =	simm.s32 @!p0 $0x0  }
0x12: {  	s1 =	sld [smem:$0x3F7D];
	s0 =	simm.s32 @p0 $0x1  }
0x13: {  	[smem:$0x3F98] =	sst s0;
	s0 =	simm.s32 @!p1 $0x0  }
0x14: {  	s2 =	sld [smem:$0x3F7C];
	s0 =	simm.s32 @p1 $0x1  }
0x15: {  	[smem:$0x3F99] =	sst s0;
	s0 =	simm.s32 @!p2 $0x0  }
0x16: {  	s3 =	sld [smem:$0x3FDB];
	s0 =	simm.s32 @p2 $0x1  }
0x17: {  	s4 =	simm.s32 $0x1BF5;
	[smem:$0x3F9B] =	sst s0  }
0x18: {  	s0 =	sld [smem:$0x3F7E];
	_ =	swait.ge [sflag:s4], $0x0  }
0x19: {  	s7 =	sld [smem:$0x3F7F]  }
0x1a: {  	s8 =	sadd.s32 $0xFFFFE003, lr  }
0x1b: {  	s9 =	sadd.s32 $0xFFFFFEF7, lr;
	s5 =	simm.s32 $0xFFFFFFFF;
	p2 =	slt.u32 s8, $0xFFFFF086  }
0x1c: {  	p1 =	slt.u32 s9, $0xF7A;
	s5 =	simm.s32 @!p2 $0x0  }
0x1d: {  	s5 =	simm.s32 @p1 $0x1;
	p0 =	seq.s32 s7, s2  }
0x1e: {  	s7 =	smul.u32 @!p0 $0xF7A, s2;
	p2 =	seq.s32 @!p0 s5, $0x0  }
0x1f: {  	s9 =	smul.u32 $0xF7A, s1;
	s8 =	simm.s32 @!p0 $0x1BF5;
	p2 =	por !p2, p0  }
0x20: {  	[sflag:s8] =	ssyncset.s32 @!p0 $0xFFFFF086;
	s6 =	sadd.s32 @!p0 s3, s7;
	s7 =	simm.s32 @!p0 $0x108  }
0x21: {  	s3 =	sadd.s32 s3, s9;
	s6 =	sadd.s32 @!p0 $0x88, s6;
	s7 =	simm.s32 @p2 $0x1082  }
0x22: {  	[simem:s7], [sflag:s8] =	dma.local @!p0 [hbm:s6], $0xF7A  }
0x23: {  	s9 =	sor.u32 $0xD0000000, s2;
	s6 =	simm.s32 $0x108;
	_ =	swait.ge @!p0 [sflag:s8], $0x0  }
0x24: {  	s3 =	sadd.s32 $0x88, s3;
	s6 =	simm.s32 @!p1 $0x1082;
	[sflag:s4] =	ssyncset.s32 $0xFFFFF086  }
0x25: {  	[simem:s6], [sflag:s4] =	dma.local [hbm:s3], $0xF7A  }
0x26: {  	[smem:$0x3F7F] =	sst s1;
	(tag) =	ssettag s2;
	_ =	strace s9  }
0x27: {  	s1 =	sld [smem:$0x3F8F]  }
0x28: {  	s2 =	sld [smem:$0x3F90]  }
0x29: {  	s4 =	sld [smem:$0x3F92]  }
0x2a: {  	p0 =	seq.s32 s5, $0x0;
	s5 =	sld [smem:$0x3F93]  }
0x2b: {  	s6 =	sld [smem:$0x3F94]  }
0x2c: {  	s7 =	sld [smem:$0x3F95]  }
0x2d: {  	s3 =	simm.s32 $0x108;
	s8 =	sld [smem:$0x3F96]  }
0x2e: {  	s3 =	simm.s32 @!p0 $0x1082;
	s9 =	sld [smem:$0x3F97]  }
0x2f: {  	lr =	sadd.s32 s0, s3;
	s0 =	sld [smem:$0x3F8E]  }
0x30: {  	s3 =	sld [smem:$0x3F91]  }
0x31: {  	[smem:$0x3F9A] =	sst s10  }
0x32: {  	s10 =	sld [smem:$0x3F98];
	_ =	sdelay $0x3  }
0x33: {  	p0 =	seq.s32 s10, $0x1;
	s10 =	sld [smem:$0x3F9A];
	_ =	sdelay $0x3  }
0x34: {  	[smem:$0x3F9A] =	sst s10  }
0x35: {  	s10 =	sld [smem:$0x3F99];
	_ =	sdelay $0x3  }
0x36: {  	p1 =	seq.s32 s10, $0x1;
	s10 =	sld [smem:$0x3F9A];
	_ =	sdelay $0x3  }
0x37: {  	[smem:$0x3F9A] =	sst s10  }
0x38: {  	s10 =	sld [smem:$0x3F9B]  }
0x39: {  	_ = 	snop;
	(pc) =	sbr.ind lr, $3  }
0x3a: {  	_ = 	snop  }
0x3b: {  	_ = 	snop  }
0x3c: {  	p2 =	seq.s32 s10, $0x1;
	s10 =	sld [smem:$0x3F9A]  }
0x3d: {  	_ =	shalt  }
0x3e: {  	_ =	shalt  }
0x3f: {  	_ =	shalt  }
0x40: {  	_ =	shalt  }
0x41: {  	_ =	shalt  }
0x42: {  	_ =	shalt  }
0x43: {  	_ =	shalt  }
0x44: {  	_ =	shalt  }
0x45: {  	_ =	shalt  }
0x46: {  	_ =	shalt  }
0x47: {  	_ =	shalt  }
0x48: {  	_ =	shalt  }
0x49: {  	_ =	shalt  }
0x4a: {  	_ =	shalt  }
0x4b: {  	_ =	shalt  }
0x4c: {  	_ =	shalt  }
0x4d: {  	_ =	shalt  }
0x4e: {  	_ =	shalt  }
0x4f: {  	_ =	shalt  }
0x50: {  	_ =	shalt  }
0x51: {  	_ =	shalt  }
0x52: {  	_ =	shalt  }
0x53: {  	_ =	shalt  }
0x54: {  	_ =	shalt  }
0x55: {  	_ =	shalt  }
0x56: {  	_ =	shalt  }
0x57: {  	_ =	shalt  }
0x58: {  	_ =	shalt  }
0x59: {  	_ =	shalt  }
0x5a: {  	_ =	shalt  }
0x5b: {  	_ =	shalt  }
0x5c: {  	_ =	shalt  }
0x5d: {  	_ =	shalt  }
0x5e: {  	_ =	shalt  }
0x5f: {  	_ =	shalt  }
0x60: {  	_ =	shalt  }
0x61: {  	_ =	shalt  }
0x62: {  	_ =	shalt  }
0x63: {  	_ =	shalt  }
0x64: {  	_ =	shalt  }
0x65: {  	_ =	shalt  }
0x66: {  	_ =	shalt  }
0x67: {  	_ =	shalt  }
0x68: {  	_ =	shalt  }
0x69: {  	_ =	shalt  }
0x6a: {  	_ =	shalt  }
0x6b: {  	_ =	shalt  }
0x6c: {  	_ =	shalt  }
0x6d: {  	_ =	shalt  }
0x6e: {  	_ =	shalt  }
0x6f: {  	_ =	shalt  }
0x70: {  	_ =	shalt  }
0x71: {  	_ =	shalt  }
0x72: {  	_ =	shalt  }
0x73: {  	_ =	shalt  }
0x74: {  	_ =	shalt  }
0x75: {  	_ =	shalt  }
0x76: {  	_ =	shalt  }
0x77: {  	_ =	shalt  }
0x78: {  	_ =	shalt  }
0x79: {  	_ =	shalt  }
0x7a: {  	_ =	shalt  }
0x7b: {  	_ =	shalt  }
0x7c: {  	_ =	shalt  }
0x7d: {  	_ =	shalt  }
0x7e: {  	_ =	shalt  }
0x7f: {  	_ =	shalt  }
0x80: {  	_ =	shalt  }
0x81: {  	_ =	shalt  }
0x82: {  	_ =	shalt  }
0x83: {  	_ =	shalt  }
0x84: {  	_ =	shalt  }
0x85: {  	_ =	shalt  }
0x86: {  	_ =	shalt  }
0x87: {  	_ =	shalt  }
.Lfunc_end0:
.L_simem_size_0:
called_computation.6_lowered:
.L_overlay_start_0:
0x88: {  	s2 =	sld [smem:$0x3FD9]  }
0x89: {  	s3 =	sld [smem:$0x3FFE];
	_ =	sdelay $0x1  }
0x8a: {  	s1 =	srdreg.scid  }
0x8b: {  	s0 =	sand.u32 $0x1, s1  }
0x8c: {  	s16 =	sshll.u32 s0, $0xA;
	s2 =	sadd.s32 s3, s2  }
0x8d: {  	s2 =	sadd.s32 s2, s16  }
0x8e: {  	[smem:$0x3FA6] =	sst s2  }
0x8f: {  	_ = 	snop  }
0x90: {  	(tm) =	ssettm $0x1  }
0x91: {  	s17 =	sld [smem:$0x3FFB];
	_ =	sdelay $0x3  }
0x92: {  	_ =	strace s17  }
0x93: {  	s2 =	sld [smem:$0x3FFC];
	_ =	sdelay $0x3  }
0x94: {  	_ =	strace s2  }
0x95: {  	s2 =	sld [smem:$0x3FFD];
	_ =	sdelay $0x3  }
0x96: {  	_ =	strace s2  }
0x97: {  	_ =	strace $0x8FFFFFFF  }
0x98: {  	s18 =	sld [smem:$0x3FDB];
	_ =	sdelay $0x1  }
0x99: {  	s19 =	simm.s32 $_scs_section_size  }
0x9a: {  	s4 =	simm.s32 $_size__tile_overlayer_lowered;
	s5 =	simm.s32 $_tile_overlayer_lowered  }
0x9b: {  	s22 =	simm.s32 $0x1BFF;
	s21 =	sshll.u32 s5, $0x1;
	s2 =	sadd.s32 s19, s18  }
0x9c: {  	s6 =	simm.s32 $0x0;
	s20 =	sshll.u32 s4, $0x1;
	s4 =	sadd.s32 s21, s2  }
0x9d: {  	[timem:s6], [sflag:s22] =	dma.local [hbm:s4], s20  }
0x9e: {  	_ =	swait.ge [sflag:s22], s20  }
0x9f: {  	s3 =	ssub.s32 $0x0, s20;
	[sflag:s22] =	ssyncset.done $0x0  }
0xa0: {  	[sflag:s22] =	ssyncadd.s32 s3;
	_ =	sdelay $0x1  }
0xa1: {  	s23 =	simm.s32 $0x1B8B  }
0xa2: {  	_ =	swait.ge [sflag:s23], $0x1  }
0xa3: {  	[sflag:s23] =	ssyncset.done $0x0  }
0xa4: {  	s25 =	simm.s32 $0x1B8E;
	s24 =	sld [smem:$0x3FFE];
	[sflag:s23] =	ssyncadd.s32 $0xFFFFFFFF  }
0xa5: {  	s26 =	simm.s32 $execute0_lowered;
	[smem:$0x3FD2] =	sst s25  }
0xa6: {  	s4 =	sshll.u32 s26, $0x1;
	_ =	strace $0x80000058;
	[dreg:$0x1] =	wrdreg $0xFFFFFFFF  }
0xa7: {  	s28 =	simm.s32 $_size_execute0_lowered;
	s2 =	sadd.s32 s2, s4;
	[dreg:$0x0] =	wrdreg $0x0  }
0xa8: {  	s4 =	sshll.u32 s28, $0x1;
	[dreg:$0x2] =	wrdreg s2  }
0xa9: {  	[dreg:$0x3] =	wrdreg s4  }
0xaa: {  	[dreg:$0x4] =	wrdreg $0xC0  }
0xab: {  	_ =	task [dreg:s6], $0x5FFFF  }
0xac: {  	[dreg:$0x1] =	wrdreg $0xFFFFFFFF  }
0xad: {  	[dreg:$0x0] =	wrdreg $0x60  }
0xae: {  	[dreg:$0x2] =	wrdreg s24  }
0xaf: {  	[dreg:$0x3] =	wrdreg $0x82800  }
0xb0: {  	[dreg:$0x4] =	wrdreg $0x9  }
0xb1: {  	_ =	task.clear_ibuf [dreg:s6], $0x5FFFF;
	_ =	strace $0x90000058  }
0xb2: {  	s29 =	simm.s32 $0x9;
	_ =	strace $0x8000005A  }
0xb3: {  	_ =	swait.ge [sflag:s29], $0x1  }
0xb4: {  	[sflag:s29] =	ssyncadd.s32 $0xFFFFFFFF  }
0xb5: {  	_ =	strace $0x9000005A  }
0xb6: {  	_ =	sfence  }
0xb7: {  	s30 =	sld [smem:$0x0];
	_ =	sdelay $0x2  }
0xb8: {  	s31 =	sshll.u32 s1, $0xD;
	s1 =	sshrl.u32 s1, $0x2  }
0xb9: {  	s3 =	sand.u32 $0x4000, s31;
	s1 =	sadd.s32 s1, s30  }
0xba: {  	s0 =	sor.u32 s3, s0;
	s1 =	sshll.u32 s1, $0x11  }
0xbb: {  	s0 =	sor.u32 s1, s0  }
0xbc: {  	s0 =	sadd.s32 $0x8F2B, s0  }
0xbd: {  	[sflag:s0] =	ssyncadd.remote.s32 $0x1  }
0xbe: {  	_ =	sfence.sel $0xFFFF  }
0xbf: {  	[dreg:$0x0] =	wrdreg $0xFFFFFFFF;
	(pc) =	sbr.abs _section_cstart, $3  }
0xc0: {  	[dreg:$0x1] =	wrdreg $0xFFFFFFFF  }
0xc1: {  	_ =	task.clear_ibuf [dreg:s6], $0x2FFFF;
	_ =	strace $0x9FFFFFFF  }
0xc2: {  	(tm) =	ssettm $0x7FFFFFFF  }
0xc3: {  	_ =	shalt  }
tec
execute0_lowered:
.L_overlay_start_1:
0x0: {  	(tag) =	ssettag $0x1  }
0x1: {  	s1 =	srdreg.scid  }
0x2: {  	s0 =	stileid.u32;
	s24 =	rddreg [dreg:$0x0]  }
0x3: {  	s2 =	rddreg [dreg:$0x1];
	s25 =	sand.u32 $0x1, s1;
	s30 =	sshll.u32 s0, $0x1  }
0x4: {  	s3 =	simm.s32 $0x0;
	s28 =	smul.u32 $0x14000, s0;
	s4 =	sor.u32 s25, s30  }
0x5: {  	s10 =	simm.s32 $0x4280;
	s1 =	rddreg [dreg:$0x2];
	s5 =	smul.u32 $0x50, s4  }
0x6: {  	s12 =	simm.s32 $0x1;
	[smem:$0x7FF] =	sst s3;
	s6 =	smul.u32 $0x14000, s4  }
0x7: {  	s7 =	sadd.s32 $0x7C00, s24;
	s26 =	sshll.u32 s0, $0x6;
	s8 =	smul.u32 $0x2800, s4  }
0x8: {  	_ =	strace $0x80000059;
	s4 =	sadd.s32 $0x57C00, s24;
	s11 =	sadd.s32 s28, s2  }
0x9: {  	s9 =	sadd.s32 s5, s24;
	s6 =	sshrl.u32 s6, $0x3;
	s5 =	sadd.s32 s7, s8  }
0xa: {  	s21 =	sadd.s32 s7, s6;
	s8 =	sadd.s32 $0x7200, s9;
	s9 =	simm.s32 $0x280  }
0xb: {  	[tilespmem:s9], [sflag:$0x2] =	stream.linear.gather [hbm4b:s5+s3], $0x4000, $0x38;
	[tilespmem:$0x1C280] =	vst v63  }
0xc: {  	s11 =	sshrl.u32 s11, $0x3;
	s7 =	sor.u32 $0x1C01, s26;
	s6 =	sadd.s32 $0x800, s21  }
0xd: {  	[tilespmem:s10], [sflag:$0x3] =	stream.linear.gather [hbm4b:s6+s3], $0x4000, $0x38;
	[tilespmem:$0x1C280] =	vst v63  }
0xe: {  	[spmem:s11], [sflag:s7] =	dma.local [hbm:s4], $0x2800  }
0xf: {  	[tilespmem:s3], [sflag:$0x1] =	stream.linear.gather [hbm4b:s8+s3], $0x280, $0x38;
	[tilespmem:$0x1C280] =	vst v63  }
0x10: {  	_ =	swait.ge [sflag:s12], $0x2800  }
0x11: {  	[sflag:s12] =	ssyncset.done $0x0  }
0x12: {  	[sflag:s12] =	ssyncadd.s32 $0xFFFFD800  }
0x13: {  	_ =	swait.ge [sflag:s12], $0x280  }
0x14: {  	[sflag:s12] =	ssyncset.done $0x0  }
0x15: {  	[sflag:s12] =	ssyncadd.s32 $0xFFFFFD80  }
0x16: {  	s13 =	simm.s32 $0x2;
	[bflag:$0x0] =	sbarrier.arrive $0xFFFF  }
0x17: {  	_ =	swait.ge [sflag:s13], $0x4000  }
0x18: {  	[sflag:s13] =	ssyncset.done $0x0  }
0x19: {  	s14 =	simm.s32 $0x80;
	s15 =	simm.s32 $0x4;
	[sflag:s13] =	ssyncadd.s32 $0xFFFFC000  }
0x1a: {  	[spmem:s2] =	stream.indirect.scatter.add.f32 [tilespmem:s9], [sflag:$0x4], $0x80, s3, s14, $0xb8;
	[tilespmem:$0x1C280] =	vst v63  }
0x1b: {  	_ =	swait.ge [sflag:s15], $0x4000  }
0x1c: {  	[sflag:s15] =	ssyncset.done $0x0  }
0x1d: {  	s17 =	simm.s32 $0x3;
	s16 =	sadd.s32 $0x1000, s21;
	[sflag:s15] =	ssyncadd.s32 $0xFFFFC000  }
0x1e: {  	[tilespmem:s9], [sflag:$0x2] =	stream.linear.gather [hbm4b:s16+s3], $0x4000, $0x38;
	[tilespmem:$0x1C280] =	vst v63  }
0x1f: {  	_ =	swait.ge [sflag:s17], $0x4000  }
0x20: {  	[sflag:s17] =	ssyncset.done $0x0  }
0x21: {  	s18 =	simm.s32 $0x5;
	[sflag:s17] =	ssyncadd.s32 $0xFFFFC000  }
0x22: {  	[spmem:s2] =	stream.indirect.scatter.add.f32 [tilespmem:s10], [sflag:$0x5], $0x80, s14, s14, $0xb8;
	[tilespmem:$0x1C280] =	vst v63  }
0x23: {  	_ =	swait.ge [sflag:s18], $0x4000  }
0x24: {  	[sflag:s18] =	ssyncset.done $0x0  }
0x25: {  	s19 =	sadd.s32 $0x1800, s21;
	[sflag:s18] =	ssyncadd.s32 $0xFFFFC000  }
0x26: {  	[tilespmem:s10], [sflag:$0x3] =	stream.linear.gather [hbm4b:s19+s3], $0x4000, $0x38;
	[tilespmem:$0x1C280] =	vst v63  }
0x27: {  	_ =	swait.ge [sflag:s13], $0x4000  }
0x28: {  	[sflag:s13] =	ssyncset.done $0x0  }
0x29: {  	s20 =	simm.s32 $0x100;
	[sflag:s13] =	ssyncadd.s32 $0xFFFFC000  }
0x2a: {  	[spmem:s2] =	stream.indirect.scatter.add.f32 [tilespmem:s9], [sflag:$0x4], $0x80, s20, s14, $0xb8;
	[tilespmem:$0x1C280] =	vst v63  }
0x2b: {  	_ =	swait.ge [sflag:s15], $0x4000  }
0x2c: {  	[sflag:s15] =	ssyncset.done $0x0  }
0x2d: {  	s21 =	sadd.s32 $0x2000, s21;
	[sflag:s15] =	ssyncadd.s32 $0xFFFFC000  }
0x2e: {  	[tilespmem:s9], [sflag:$0x2] =	stream.linear.gather [hbm4b:s21+s3], $0x4000, $0x38;
	[tilespmem:$0x1C280] =	vst v63  }
0x2f: {  	_ =	swait.ge [sflag:s17], $0x4000  }
0x30: {  	[sflag:s17] =	ssyncset.done $0x0  }
0x31: {  	s22 =	simm.s32 $0x180;
	[sflag:s17] =	ssyncadd.s32 $0xFFFFC000  }
0x32: {  	[spmem:s2] =	stream.indirect.scatter.add.f32 [tilespmem:s10], [sflag:$0x5], $0x80, s22, s14, $0xb8;
	[tilespmem:$0x1C280] =	vst v63  }
0x33: {  	_ =	swait.ge [sflag:s13], $0x4000  }
0x34: {  	[sflag:s13] =	ssyncset.done $0x0  }
0x35: {  	s23 =	simm.s32 $0x200;
	s29 =	smul.u32 $0x140000, s25;
	[sflag:s13] =	ssyncadd.s32 $0xFFFFC000  }
0x36: {  	[spmem:s2] =	stream.indirect.scatter.add.f32 [tilespmem:s9], [sflag:$0x4], $0x80, s23, s14, $0xb8;
	[tilespmem:$0x1C280] =	vst v63  }
0x37: {  	s25 =	ssub.s32 $0x2, s25;
	s28 =	sadd.s32 s28, s29;
	_ =	swait.ge [sflag:s18], $0x4000  }
0x38: {  	s31 =	sshrl.u32 s25, $0x1;
	s28 =	sshrl.u32 s28, $0x3;
	[sflag:s18] =	ssyncset.done $0x0  }
0x39: {  	s24 =	sadd.s32 s28, s24;
	s28 =	ssub.s32 s25, s31;
	[sflag:s18] =	ssyncadd.s32 $0xFFFFC000  }
0x3a: {  	s28 =	smax.u32 s28, $0x1;
	_ =	swait.ge [sflag:s15], $0x4000  }
0x3b: {  	p0 =	sne.s32 s28, $0x1;
	[sflag:s15] =	ssyncset.done $0x0  }
.Ltmp0:
0x3c: {  	s25 =	sor.u32 $0x1C06, s26;
	[sflag:s15] =	ssyncadd.s32 $0xFFFFC000;
	(pc) =	sbr.rel @!p0 .LBB2_2-.Ltmp0, $4  }
0x3d: {  	s26 =	simm.s32 $0x6;
	s24 =	sadd.s32 $0x9E600, s24;
	[bflag:$0x0] =	sbarrier.arrive $0xFFFF  }
0x3e: {  	[hbm:s24], [sflag:s25] =	dma.local [spmem:s11], $0x2800  }
0x3f: {  	_ =	swait.ge [sflag:s26], $0x2800  }
0x40: {  	s28 =	sadd.s32 $0xFFFFFFFF, s28;
	[sflag:s26] =	ssyncset.done $0x0  }
.LBB2_1:
0x41: {  	p0 =	sne.s32 s28, $0x1;
	s28 =	sadd.s32 $0xFFFFFFFF, s28;
	[sflag:s26] =	ssyncadd.s32 $0xFFFFD800  }
0x42: {  	[tilespmem:s9], [sflag:$0x2] =	stream.linear.gather [hbm4b:s5+s3], $0x4000, $0x38;
	[tilespmem:$0x1C280] =	vst v63  }
0x43: {  	_ = 	snop  }
0x44: {  	[tilespmem:s10], [sflag:$0x3] =	stream.linear.gather [hbm4b:s6+s3], $0x4000, $0x38;
	[tilespmem:$0x1C280] =	vst v63  }
0x45: {  	[spmem:s11], [sflag:s7] =	dma.local [hbm:s4], $0x2800  }
0x46: {  	[tilespmem:s3], [sflag:$0x1] =	stream.linear.gather [hbm4b:s8+s3], $0x280, $0x38;
	[tilespmem:$0x1C280] =	vst v63  }
0x47: {  	_ =	swait.ge [sflag:s12], $0x2800  }
0x48: {  	[sflag:s12] =	ssyncset.done $0x0  }
0x49: {  	[sflag:s12] =	ssyncadd.s32 $0xFFFFD800  }
0x4a: {  	_ =	swait.ge [sflag:s12], $0x280  }
0x4b: {  	[sflag:s12] =	ssyncset.done $0x0  }
0x4c: {  	[sflag:s12] =	ssyncadd.s32 $0xFFFFFD80  }
0x4d: {  	[bflag:$0x0] =	sbarrier.arrive $0xFFFF  }
0x4e: {  	_ =	swait.ge [sflag:s13], $0x4000  }
0x4f: {  	[sflag:s13] =	ssyncset.done $0x0  }
0x50: {  	[sflag:s13] =	ssyncadd.s32 $0xFFFFC000  }
0x51: {  	[spmem:s2] =	stream.indirect.scatter.add.f32 [tilespmem:s9], [sflag:$0x4], $0x80, s3, s14, $0xb8;
	[tilespmem:$0x1C280] =	vst v63  }
0x52: {  	_ =	swait.ge [sflag:s15], $0x4000  }
0x53: {  	[sflag:s15] =	ssyncset.done $0x0  }
0x54: {  	[sflag:s15] =	ssyncadd.s32 $0xFFFFC000  }
0x55: {  	[tilespmem:s9], [sflag:$0x2] =	stream.linear.gather [hbm4b:s16+s3], $0x4000, $0x38;
	[tilespmem:$0x1C280] =	vst v63  }
0x56: {  	_ =	swait.ge [sflag:s17], $0x4000  }
0x57: {  	[sflag:s17] =	ssyncset.done $0x0  }
0x58: {  	[sflag:s17] =	ssyncadd.s32 $0xFFFFC000  }
0x59: {  	[spmem:s2] =	stream.indirect.scatter.add.f32 [tilespmem:s10], [sflag:$0x5], $0x80, s14, s14, $0xb8;
	[tilespmem:$0x1C280] =	vst v63  }
0x5a: {  	_ =	swait.ge [sflag:s18], $0x4000  }
0x5b: {  	[sflag:s18] =	ssyncset.done $0x0  }
0x5c: {  	[sflag:s18] =	ssyncadd.s32 $0xFFFFC000  }
0x5d: {  	[tilespmem:s10], [sflag:$0x3] =	stream.linear.gather [hbm4b:s19+s3], $0x4000, $0x38;
	[tilespmem:$0x1C280] =	vst v63  }
0x5e: {  	_ =	swait.ge [sflag:s13], $0x4000  }
0x5f: {  	[sflag:s13] =	ssyncset.done $0x0  }
0x60: {  	[sflag:s13] =	ssyncadd.s32 $0xFFFFC000  }
0x61: {  	[spmem:s2] =	stream.indirect.scatter.add.f32 [tilespmem:s9], [sflag:$0x4], $0x80, s20, s14, $0xb8;
	[tilespmem:$0x1C280] =	vst v63  }
0x62: {  	_ =	swait.ge [sflag:s15], $0x4000  }
0x63: {  	[sflag:s15] =	ssyncset.done $0x0  }
0x64: {  	[sflag:s15] =	ssyncadd.s32 $0xFFFFC000  }
0x65: {  	[tilespmem:s9], [sflag:$0x2] =	stream.linear.gather [hbm4b:s21+s3], $0x4000, $0x38;
	[tilespmem:$0x1C280] =	vst v63  }
0x66: {  	_ =	swait.ge [sflag:s17], $0x4000  }
0x67: {  	[sflag:s17] =	ssyncset.done $0x0  }
0x68: {  	[sflag:s17] =	ssyncadd.s32 $0xFFFFC000  }
0x69: {  	[spmem:s2] =	stream.indirect.scatter.add.f32 [tilespmem:s10], [sflag:$0x5], $0x80, s22, s14, $0xb8;
	[tilespmem:$0x1C280] =	vst v63  }
0x6a: {  	_ =	swait.ge [sflag:s13], $0x4000  }
0x6b: {  	[sflag:s13] =	ssyncset.done $0x0  }
0x6c: {  	[sflag:s13] =	ssyncadd.s32 $0xFFFFC000  }
0x6d: {  	[spmem:s2] =	stream.indirect.scatter.add.f32 [tilespmem:s9], [sflag:$0x4], $0x80, s23, s14, $0xb8;
	[tilespmem:$0x1C280] =	vst v63  }
0x6e: {  	_ =	swait.ge [sflag:s18], $0x4000  }
0x6f: {  	[sflag:s18] =	ssyncset.done $0x0  }
0x70: {  	[sflag:s18] =	ssyncadd.s32 $0xFFFFC000  }
0x71: {  	_ =	swait.ge [sflag:s15], $0x4000  }
0x72: {  	[sflag:s15] =	ssyncset.done $0x0  }
.Ltmp1:
0x73: {  	[sflag:s15] =	ssyncadd.s32 $0xFFFFC000;
	(pc) =	sbr.rel @p0 .LBB2_1-.Ltmp1, $4  }
0x74: {  	[bflag:$0x0] =	sbarrier.arrive $0xFFFF  }
0x75: {  	[hbm:s24], [sflag:s25] =	dma.local [spmem:s11], $0x2800  }
0x76: {  	_ =	swait.ge [sflag:s26], $0x2800  }
0x77: {  	[sflag:s26] =	ssyncset.done $0x0  }
.LBB2_2:
0x78: {  	[sflag:s26] =	ssyncadd.s32 $0xFFFFD800  }
0x79: {  	_ =	sfence.sel $0x180000  }
0x7a: {  	[bflag:$0x0] =	sbarrier.arrive $0xFFFF  }
0x7b: {  	p0 =	sne.s32 s0, $0x0;
	_ =	strace $0x90000059  }
0x7c: {  	s0 =	sadd.s32 @!p0 $0x100000, s1;
	[bflag:$0x2] =	sbarrier.arrive $0xFFFF  }
0x7d: {  	[sflag:s0] =	ssyncadd.tile.s32 @!p0 $0x1;
	_ =	shalt  }
.Lfunc_end2:
_tile_overlayer_lowered:
.L_overlay_start_2:
0x7e: {  	(tag) =	ssettag $0x2  }
0x7f: {  	s0 =	rddreg [dreg:$0x0];
	s2 =	stileid.u32  }
0x80: {  	s1 =	rddreg [dreg:$0x1];
	p0 =	sne.s32 s2, $0x0  }
0x81: {  	s3 =	rddreg [dreg:$0x2];
	[bflag:$0x3] =	sbarrier.arrive $0xFFFF;
	s2 =	simm.s32 @!p0 $0x1C06  }
0x82: {  	[timem:s3], [sflag:s2] =	dma.local @!p0 [hbm:s0], s1  }
0x83: {  	s0 =	simm.s32 @!p0 $0x6  }
0x84: {  	_ =	swait.ge @!p0 [sflag:s0], s1  }
0x85: {  	s1 =	ssub.s32 @!p0 $0x0, s1;
	[sflag:s0] =	ssyncset.done @!p0 $0x0  }
0x86: {  	[sflag:s0] =	ssyncadd.s32 @!p0 s1  }
0x87: {  	[bflag:$0x3] =	sbarrier.arrive $0xFFFF  }
0x88: {  	_ =	shalt  }

</sc_bundles>
